<compile_context>
chip_gen: v7x
topology: tpu7x:2x2x1
jax: 0.10.2.dev20260603
libtpu: 0.0.44.dev20260713+nightly
codegen_flags: <defaults>
</compile_context>

<pallas_src>
import functools

import numpy as np

import jax
import jax.numpy as jnp
from jax import lax
from jax.experimental import pallas as pl
from jax.experimental.pallas import tpu as pltpu
from jax.experimental.pallas import tpu_sc as plsc

N = 10000
D = 128
H = 128
E = 320000

NC = 2
NS = 16
NW = NC * NS
B = 128
DGR = 16
HH = H // 2
WB = 640
WR = WB // B
CWIN = 32
EPT = CWIN * WB
EPAD = NS * EPT
NPAD = 10240
ROWS_PT = NPAD // NS
DPT = NPAD // NS

_mesh = plsc.VectorSubcoreMesh(core_axis_name="c", subcore_axis_name="s")


@functools.partial(
    pl.kernel,
    mesh=_mesh,
    compiler_params=pltpu.CompilerParams(use_tc_tiling_on_sc=False),
    out_type=jax.ShapeDtypeStruct((NC * NPAD,), jnp.float32),
    scratch_types=[
        pltpu.VMEM_SHARED((NPAD,), jnp.float32),
        pltpu.VMEM((DGR, WR, B), jnp.int32),
        pltpu.VMEM((B,), jnp.float32),
        pltpu.VMEM((DPT,), jnp.float32),
        pltpu.SemaphoreType.DMA,
    ],
)
def _deg_kernel(dst_hbm, out_hbm, acc, didx, ones, zbuf, sem):
    c = lax.axis_index("c")
    s = lax.axis_index("s")
    w = c * NS + s

    @pl.loop(0, B, step=16)
    def _(i):
        ones[pl.ds(i, 16)] = jnp.ones((16,), jnp.float32)

    @pl.loop(0, DPT, step=16)
    def _(i):
        zbuf[pl.ds(i, 16)] = jnp.zeros((16,), jnp.float32)

    pltpu.sync_copy(zbuf, acc.at[pl.ds(s * DPT, DPT)])
    pltpu.sync_copy(dst_hbm.at[pl.ds(w * DGR, DGR)], didx)
    plsc.subcore_barrier()

    @pl.loop(0, DGR)
    def _(g):
        for r in range(WR):
            pltpu.async_copy(ones, acc.at[didx.at[g, r]], sem, add=True)
        for r in range(WR):
            pltpu.make_async_copy(ones, acc.at[didx.at[g, r]], sem).wait()

    plsc.subcore_barrier()
    pltpu.sync_copy(acc.at[pl.ds(s * DPT, DPT)],
                    out_hbm.at[pl.ds(c * NPAD + s * DPT, DPT)])


def _scatter_win(rows, acc, didx, buf):
    for r in range(WR):
        pltpu.sync_copy(rows.at[pl.ds(r * B, B)], acc.at[didx.at[buf, r]],
                        add=True)


def _conv_core(y_hbm, s, srcf_hbm, dst3_hbm, zeros_hbm, acc,
               sidx0, sidx1, didx, rows0, rows1, sem0, sem1, si0, si1):
    sbase = s * EPT
    dbase = s * CWIN

    pltpu.sync_copy(srcf_hbm.at[pl.ds(sbase, WB)], sidx0)
    pltpu.sync_copy(dst3_hbm.at[dbase], didx.at[0])
    pltpu.async_copy(srcf_hbm.at[pl.ds(sbase + WB, WB)], sidx1, si1)
    pltpu.async_copy(dst3_hbm.at[dbase + 1], didx.at[1], si1)
    pltpu.async_copy(y_hbm.at[sidx0], rows0, sem0)

    pltpu.sync_copy(zeros_hbm.at[pl.ds(s * ROWS_PT, ROWS_PT)],
                    acc.at[pl.ds(s * ROWS_PT, ROWS_PT)])
    plsc.subcore_barrier()

    @pl.loop(0, CWIN, step=2)
    def _(w):
        pltpu.make_async_copy(srcf_hbm.at[pl.ds(sbase + (w + 1) * WB, WB)],
                              sidx1, si1).wait()
        pltpu.make_async_copy(dst3_hbm.at[dbase + w + 1], didx.at[1], si1).wait()
        pltpu.async_copy(y_hbm.at[sidx1], rows1, sem1)
        pltpu.make_async_copy(y_hbm.at[sidx0], rows0, sem0).wait()

        @pl.when(w + 2 < CWIN)
        def _():
            pltpu.async_copy(srcf_hbm.at[pl.ds(sbase + (w + 2) * WB, WB)],
                             sidx0, si0)

        _scatter_win(rows0, acc, didx, 0)

        @pl.when(w + 2 < CWIN)
        def _():
            pltpu.async_copy(dst3_hbm.at[dbase + w + 2], didx.at[0], si0)
            pltpu.make_async_copy(srcf_hbm.at[pl.ds(sbase + (w + 2) * WB, WB)],
                                  sidx0, si0).wait()
            pltpu.make_async_copy(dst3_hbm.at[dbase + w + 2], didx.at[0],
                                  si0).wait()
            pltpu.async_copy(y_hbm.at[sidx0], rows0, sem0)

        pltpu.make_async_copy(y_hbm.at[sidx1], rows1, sem1).wait()
        _scatter_win(rows1, acc, didx, 1)

        @pl.when(w + 3 < CWIN)
        def _():
            pltpu.async_copy(srcf_hbm.at[pl.ds(sbase + (w + 3) * WB, WB)],
                             sidx1, si1)
            pltpu.async_copy(dst3_hbm.at[dbase + w + 3], didx.at[1], si1)


@functools.partial(
    pl.kernel,
    mesh=_mesh,
    compiler_params=pltpu.CompilerParams(use_tc_tiling_on_sc=False),
    out_type=jax.ShapeDtypeStruct((NC, NPAD, HH), jnp.float32),
    scratch_types=[
        pltpu.VMEM_SHARED((NPAD, HH), jnp.float32),
        pltpu.VMEM((WB,), jnp.int32),
        pltpu.VMEM((WB,), jnp.int32),
        pltpu.VMEM((2, WR, B), jnp.int32),
        pltpu.VMEM((WB, HH), jnp.float32),
        pltpu.VMEM((WB, HH), jnp.float32),
        pltpu.SemaphoreType.DMA,
        pltpu.SemaphoreType.DMA,
        pltpu.SemaphoreType.DMA,
        pltpu.SemaphoreType.DMA,
    ],
)
def _conv_kernel(y0_hbm, y1_hbm, srcf_hbm, dst3_hbm, zeros_hbm, out_hbm, acc,
                 sidx0, sidx1, didx, rows0, rows1, sem0, sem1, si0, si1):
    c = lax.axis_index("c")
    s = lax.axis_index("s")

    @pl.when(c == 0)
    def _():
        _conv_core(y0_hbm, s, srcf_hbm, dst3_hbm, zeros_hbm, acc,
                   sidx0, sidx1, didx, rows0, rows1, sem0, sem1, si0, si1)

    @pl.when(c == 1)
    def _():
        _conv_core(y1_hbm, s, srcf_hbm, dst3_hbm, zeros_hbm, acc,
                   sidx0, sidx1, didx, rows0, rows1, sem0, sem1, si0, si1)

    plsc.subcore_barrier()
    pltpu.sync_copy(acc.at[pl.ds(s * ROWS_PT, ROWS_PT)],
                    out_hbm.at[c, pl.ds(s * ROWS_PT, ROWS_PT)])


def _lrelu(v):
    return jnp.where(v >= 0, v, 0.01 * v)


def _dinv_of(degt_ref):
    deg = degt_ref[:, 0] + degt_ref[:, 1] + 1.0
    return lax.rsqrt(deg)[:, None]


R = 2000


def _tc1_body(degt_ref, x_ref, w1_ref, y1a_ref, y1b_ref):
    xw = jnp.dot(x_ref[...], w1_ref[...], preferred_element_type=jnp.float32)
    y1 = xw * _dinv_of(degt_ref)
    y1a_ref[...] = y1[:, :HH]
    y1b_ref[...] = y1[:, HH:]


def _tc2_body(degt_ref, acc_ref, y1a_ref, y1b_ref, b1_ref, w2_ref,
              h1_ref, y2a_ref, y2b_ref):
    dinv = _dinv_of(degt_ref)
    accf = jnp.concatenate([acc_ref[0] + y1a_ref[...],
                            acc_ref[1] + y1b_ref[...]], axis=1)
    pre = dinv * accf + b1_ref[...]
    h1 = _lrelu(pre)
    h1_ref[...] = h1
    y2 = jnp.dot(h1, w2_ref[...], preferred_element_type=jnp.float32) * dinv
    y2a_ref[...] = y2[:, :HH]
    y2b_ref[...] = y2[:, HH:]


def _tc3_body(degt_ref, acc_ref, y2a_ref, y2b_ref, h1_ref, b2_ref,
              wm1_ref, bm1_ref, wm2_ref, bm2_ref,
              wp1_ref, bp1_ref, wp2_ref, bp2_ref, out_ref):
    dinv = _dinv_of(degt_ref)
    accf = jnp.concatenate([acc_ref[0] + y2a_ref[...],
                            acc_ref[1] + y2b_ref[...]], axis=1)
    g = dinv * accf + b2_ref[...]
    h2 = _lrelu(g + h1_ref[...])
    m = jnp.dot(_lrelu(jnp.dot(h2, wm1_ref[...], preferred_element_type=jnp.float32)
                       + bm1_ref[...]),
                wm2_ref[...], preferred_element_type=jnp.float32) + bm2_ref[...]
    h3 = _lrelu(m + h2)
    p = _lrelu(jnp.dot(h3, wp1_ref[...], preferred_element_type=jnp.float32) + bp1_ref[...])
    out_ref[...] = _lrelu(jnp.dot(p, wp2_ref[...], preferred_element_type=jnp.float32)
                          + bp2_ref[...])


def _row_spec(shape):
    nd = len(shape)
    if nd == 2:
        return pl.BlockSpec((R, shape[1]), lambda r: (r, 0))
    return pl.BlockSpec((shape[0], R, shape[2]), lambda r: (0, r, 0))


def _full_spec(shape):
    zeros = (0,) * len(shape)
    return pl.BlockSpec(shape, lambda r, _z=zeros: _z)


def _tc_call(body, in_arrays, row_flags, out_widths):
    in_specs = [
        _row_spec(a.shape) if rf else _full_spec(a.shape)
        for a, rf in zip(in_arrays, row_flags)
    ]
    out_shape = tuple(jax.ShapeDtypeStruct((N, wd), jnp.float32)
                      for wd in out_widths)
    out_specs = tuple(pl.BlockSpec((R, wd), lambda r, _w=wd: (r, 0))
                      for wd in out_widths)
    if len(out_widths) == 1:
        out_shape, out_specs = out_shape[0], out_specs[0]
    return pl.pallas_call(
        body,
        grid=(N // R,),
        in_specs=in_specs,
        out_specs=out_specs,
        out_shape=out_shape,
    )(*in_arrays)


def kernel(x, edge_index, W1, b1, W2, b2, Wm1, bm1, Wm2, bm2, Wp1, bp1, Wp2, bp2):
    npad_e = EPAD - E
    pad_src = jnp.asarray((np.arange(npad_e, dtype=np.int32) * 131) % N)
    pad_dst = jnp.asarray(N + (np.arange(npad_e, dtype=np.int32) % (NPAD - N)))
    src_flat = jnp.concatenate([edge_index[0], pad_src])
    dst_flat = jnp.concatenate([edge_index[1], pad_dst])
    dst3 = dst_flat.reshape(NS * CWIN, WR, B)
    zeros = jnp.zeros((NPAD, HH), jnp.float32)

    degp = _deg_kernel(dst3)
    degt = degp.reshape(NC, NPAD).T

    y1a, y1b = _tc_call(_tc1_body, (degt, x, W1), (True, True, False), (HH, HH))
    a1 = _conv_kernel(y1a, y1b, src_flat, dst3, zeros)
    h1, y2a, y2b = _tc_call(_tc2_body, (degt, a1, y1a, y1b, b1[None], W2),
                            (True, True, True, True, False, False), (H, HH, HH))
    a2 = _conv_kernel(y2a, y2b, src_flat, dst3, zeros)
    p = _tc_call(_tc3_body,
                 (degt, a2, y2a, y2b, h1, b2[None], Wm1, bm1[None], Wm2,
                  bm2[None], Wp1, bp1[None], Wp2, bp2[None]),
                 (True, True, True, True, True) + (False,) * 9, (H,))
    return p

# --- scband reference (transcript-rebuilt; emitter-appended) ---
"""Pipeline reference for scband-link-generator-68771016343680 (READ-ONLY COPY).

The authoritative reference and input builder live on the scoring server;
editing this copy changes nothing except your own understanding.
"""

import jax, jax.numpy as jnp
import numpy as np

N = 10000
D = 128
H = 128
E = 320000


def _gcn_conv(x, edge_index, W, b):
    # PyG GCNConv with add_self_loops=True, normalize=True
    src = edge_index[0]
    dst = edge_index[1]
    loop = jnp.arange(N, dtype=edge_index.dtype)
    src = jnp.concatenate([src, loop])
    dst = jnp.concatenate([dst, loop])
    deg = jnp.zeros((N,), jnp.float32).at[dst].add(1.0)
    dinv = jnp.where(deg > 0, 1.0 / jnp.sqrt(deg), 0.0)
    norm = dinv[src] * dinv[dst]
    xw = x @ W
    msg = xw[src] * norm[:, None]
    out = jnp.zeros((N, W.shape[1]), jnp.float32).at[dst].add(msg)
    return out + b


def setup_inputs(seed: int = 0) -> dict:
    key = jax.random.key(seed)
    ks = jax.random.split(key, 16)

    def kaiming(k, shape):
        fan_in = shape[0]
        return (jax.random.normal(k, shape, jnp.float32) * np.sqrt(2.0 / fan_in)).astype(jnp.float32)

    return {
        "x": jax.random.normal(ks[0], (N, D), jnp.float32),
        "edge_index": jax.random.randint(ks[1], (2, E), 0, N, dtype=jnp.int32),
        # GCNConv 1 and 2
        "W1": kaiming(ks[2], (D, H)), "b1": jnp.zeros((H,), jnp.float32),
        "W2": kaiming(ks[3], (H, H)), "b2": jnp.zeros((H,), jnp.float32),
        # encoder mlp
        "Wm1": kaiming(ks[4], (H, H)), "bm1": jnp.zeros((H,), jnp.float32),
        "Wm2": kaiming(ks[5], (H, H)), "bm2": jnp.zeros((H,), jnp.float32),
        # proj
        "Wp1": kaiming(ks[6], (H, H)), "bp1": jnp.zeros((H,), jnp.float32),
        "Wp2": kaiming(ks[7], (H, H)), "bp2": jnp.zeros((H,), jnp.float32),
    }


def reference(x, edge_index, W1, b1, W2, b2, Wm1, bm1, Wm2, bm2, Wp1, bp1, Wp2, bp2):
    lrelu = lambda v: jnp.where(v >= 0, v, 0.01 * v)  # nn.LeakyReLU default slope 0.01
    # GraphEncoder4Link
    h = lrelu(_gcn_conv(x, edge_index, W1, b1))
    h = lrelu(_gcn_conv(h, edge_index, W2, b2) + h)
    m = lrelu(h @ Wm1 + bm1) @ Wm2 + bm2
    h = lrelu(m + h)
    # gen_data is None -> out = embed
    # proj: Linear -> LeakyReLU -> Linear -> LeakyReLU
    p = lrelu(h @ Wp1 + bp1)
    p = lrelu(p @ Wp2 + bp2)
    return p

if __name__ == "__main__":
    import jax
    _d = setup_inputs()
    print(jax.jit(kernel)(*tuple(_d.values())))

</pallas_src>

<mosaic_0001>
#map = affine_map<(d0, d1) -> (0, 0, 0)>
#map1 = affine_map<(d0, d1) -> (0)>
module attributes {stable_mosaic.version = 14 : i64} {
  func.func @_deg_kernel(%arg0: i32, %arg1: i32, %arg2: memref<512x5x128xi32, #tpu.memory_space<hbm>>, %arg3: memref<20480xf32, #tpu.memory_space<hbm>>, %arg4: memref<10240xf32, #tpu.memory_space<vmem_shared>>, %arg5: memref<16x5x128xi32, #tpu.memory_space<vmem>>, %arg6: memref<128xf32, #tpu.memory_space<vmem>>, %arg7: memref<640xf32, #tpu.memory_space<vmem>>, %arg8: memref<!tpu.dma_semaphore, #tpu.memory_space<semaphore_mem>>) attributes {dimension_semantics = [#tpu.dimension_semantics<core_parallel>, #tpu.dimension_semantics<subcore_parallel>], iteration_bounds = array<i64: 2, 16>, scalar_prefetch = 0 : i64, scratch_operands = 5 : i64, tpu.core_type = #tpu.core_type<sc_vector_subcore>, window_params = [{transform_indices = #map}, {transform_indices = #map1}]} {
    %mul3A = arith.constant 16 : i32
    %mul3A_0 = arith.muli %arg0, %mul3A : i32
    %add3A = arith.addi %mul3A_0, %arg1 : i32
    %scan3A = arith.constant 0 : i32
    %scan3A_1 = arith.constant 8 : i32
    %scan3A_2 = arith.addi %scan3A, %scan3A_1 : i32
    %scan3A_3 = arith.constant 1 : i32
    scf.for %scan3A_27 = %scan3A to %scan3A_2 step %scan3A_3  : i32 {
      %mul3A_28 = arith.constant 16 : i32
      %mul3A_29 = arith.muli %scan3A_27, %mul3A_28 : i32
      %add3A_30 = arith.constant 0 : i32
      %add3A_31 = arith.addi %add3A_30, %mul3A_29 : i32
      %broadcast_in_dim3A = arith.constant 1.000000e+00 : f32
      %broadcast_in_dim3A_32 = vector.broadcast %broadcast_in_dim3A : f32 to vector<16xf32>
      %swap3A = arith.index_cast %add3A_31 : i32 to index
      %swap3A_33 = tpu.vector_load %arg6[%swap3A] {strides = array<i32>} : memref<128xf32, #tpu.memory_space<vmem>>, vector<16xf32>,
      %swap3A_34 = vector.shape_cast %swap3A_33 : vector<16xf32> to vector<16xf32>
      %swap3A_35 = vector.shape_cast %broadcast_in_dim3A_32 : vector<16xf32> to vector<16xf32>
      tpu.vector_store %arg6[%swap3A], %swap3A_35 {strides = array<i32>} : memref<128xf32, #tpu.memory_space<vmem>>, vector<16xf32>,
    }
    %scan3A_4 = arith.constant 8 : i32
    %scan3A_5 = arith.constant 0 : i32
    %scan3A_6 = arith.constant 40 : i32
    %scan3A_7 = arith.addi %scan3A_5, %scan3A_6 : i32
    %scan3A_8 = arith.constant 1 : i32
    scf.for %scan3A_27 = %scan3A_5 to %scan3A_7 step %scan3A_8  : i32 {
      %mul3A_28 = arith.constant 16 : i32
      %mul3A_29 = arith.muli %scan3A_27, %mul3A_28 : i32
      %add3A_30 = arith.constant 0 : i32
      %add3A_31 = arith.addi %add3A_30, %mul3A_29 : i32
      %broadcast_in_dim3A = arith.constant 0.000000e+00 : f32
      %broadcast_in_dim3A_32 = vector.broadcast %broadcast_in_dim3A : f32 to vector<16xf32>
      %swap3A = arith.index_cast %add3A_31 : i32 to index
      %swap3A_33 = tpu.vector_load %arg7[%swap3A] {strides = array<i32>} : memref<640xf32, #tpu.memory_space<vmem>>, vector<16xf32>,
      %swap3A_34 = vector.shape_cast %swap3A_33 : vector<16xf32> to vector<16xf32>
      %swap3A_35 = vector.shape_cast %broadcast_in_dim3A_32 : vector<16xf32> to vector<16xf32>
      tpu.vector_store %arg7[%swap3A], %swap3A_35 {strides = array<i32>} : memref<640xf32, #tpu.memory_space<vmem>>, vector<16xf32>,
    }
    %scan3A_9 = arith.constant 40 : i32
    %mul3A_10 = arith.constant 640 : i32
    %mul3A_11 = arith.muli %arg1, %mul3A_10 : i32
    "tpu.region"() ({
      %run_scoped3A = tpu.sem_alloc : memref<!tpu.dma_semaphore, #tpu.memory_space<semaphore_mem>>
      %dma_start3A = tpu.memref_slice %arg4[%mul3A_11] : memref<10240xf32, #tpu.memory_space<vmem_shared>> -> memref<640xf32, #tpu.memory_space<vmem_shared>>
      %dma_start3A_27 = tpu.memref_slice %arg4[%mul3A_11] : memref<10240xf32, #tpu.memory_space<vmem_shared>> -> memref<640xf32, #tpu.memory_space<vmem_shared>>
      tpu.enqueue_dma source(%arg7 : memref<640xf32, #tpu.memory_space<vmem>>) target(%dma_start3A_27 : memref<640xf32, #tpu.memory_space<vmem_shared>>) target_semaphore(%run_scoped3A : memref<!tpu.dma_semaphore, #tpu.memory_space<semaphore_mem>>)
      %dma_wait3A = tpu.memref_slice %arg4[%mul3A_11] : memref<10240xf32, #tpu.memory_space<vmem_shared>> -> memref<640xf32, #tpu.memory_space<vmem_shared>>
      %dma_wait3A_28 = tpu.memref_slice %arg4[%mul3A_11] : memref<10240xf32, #tpu.memory_space<vmem_shared>> -> memref<640xf32, #tpu.memory_space<vmem_shared>>
      tpu.wait_dma2 semaphore(%run_scoped3A : memref<!tpu.dma_semaphore, #tpu.memory_space<semaphore_mem>>) src(%arg7 : memref<640xf32, #tpu.memory_space<vmem>>) dst(%dma_wait3A_28 : memref<640xf32, #tpu.memory_space<vmem_shared>>)
      tpu.yield
    }) : () -> ()
    %mul3A_12 = arith.constant 16 : i32
    %mul3A_13 = arith.muli %add3A, %mul3A_12 : i32
    "tpu.region"() ({
      %run_scoped3A = tpu.sem_alloc : memref<!tpu.dma_semaphore, #tpu.memory_space<semaphore_mem>>
      %dma_start3A = arith.constant 0 : i32
      %dma_start3A_27 = arith.constant 0 : i32
      %dma_start3A_28 = tpu.memref_slice %arg2[%mul3A_13, %dma_start3A, %dma_start3A_27] : memref<512x5x128xi32, #tpu.memory_space<hbm>> -> memref<16x5x128xi32, #tpu.memory_space<hbm>>
      %dma_start3A_29 = arith.constant 0 : i32
      %dma_start3A_30 = arith.constant 0 : i32
      %dma_start3A_31 = tpu.memref_slice %arg2[%mul3A_13, %dma_start3A_29, %dma_start3A_30] : memref<512x5x128xi32, #tpu.memory_space<hbm>> -> memref<16x5x128xi32, #tpu.memory_space<hbm>>
      tpu.enqueue_dma source(%dma_start3A_31 : memref<16x5x128xi32, #tpu.memory_space<hbm>>) target(%arg5 : memref<16x5x128xi32, #tpu.memory_space<vmem>>) target_semaphore(%run_scoped3A : memref<!tpu.dma_semaphore, #tpu.memory_space<semaphore_mem>>)
      %dma_wait3A = arith.constant 0 : i32
      %dma_wait3A_32 = arith.constant 0 : i32
      %dma_wait3A_33 = tpu.memref_slice %arg2[%mul3A_13, %dma_wait3A, %dma_wait3A_32] : memref<512x5x128xi32, #tpu.memory_space<hbm>> -> memref<16x5x128xi32, #tpu.memory_space<hbm>>
      %dma_wait3A_34 = arith.constant 0 : i32
      %dma_wait3A_35 = arith.constant 0 : i32
      %dma_wait3A_36 = tpu.memref_slice %arg2[%mul3A_13, %dma_wait3A_34, %dma_wait3A_35] : memref<512x5x128xi32, #tpu.memory_space<hbm>> -> memref<16x5x128xi32, #tpu.memory_space<hbm>>
      tpu.wait_dma2 semaphore(%run_scoped3A : memref<!tpu.dma_semaphore, #tpu.memory_space<semaphore_mem>>) src(%dma_wait3A_36 : memref<16x5x128xi32, #tpu.memory_space<hbm>>) dst(%arg5 : memref<16x5x128xi32, #tpu.memory_space<vmem>>)
      tpu.yield
    }) : () -> ()
    %barrier3A = arith.constant 0 : index
    tpu.barrier barrier_id(%barrier3A)
    %scan3A_14 = arith.constant 0 : i32
    %scan3A_15 = arith.constant 16 : i32
    %scan3A_16 = arith.addi %scan3A_14, %scan3A_15 : i32
    %scan3A_17 = arith.constant 1 : i32
    scf.for %scan3A_27 = %scan3A_14 to %scan3A_16 step %scan3A_17  : i32 {
      %mul3A_28 = arith.constant 1 : i32
      %mul3A_29 = arith.muli %scan3A_27, %mul3A_28 : i32
      %add3A_30 = arith.constant 0 : i32
      %add3A_31 = arith.addi %add3A_30, %mul3A_29 : i32
      %dma_start3A = arith.constant 0 : i32
      %dma_start3A_32 = arith.constant 0 : i32
      %dma_start3A_33 = tpu.memref_slice %arg5[%add3A_31, %dma_start3A, %dma_start3A_32] : memref<16x5x128xi32, #tpu.memory_space<vmem>> -> memref<1x1x128xi32, #tpu.memory_space<vmem>>
      %dma_start3A_34 = tpu.memref_squeeze %dma_start3A_33 : memref<1x1x128xi32, #tpu.memory_space<vmem>> -> memref<128xi32, #tpu.memory_space<vmem>>
      %dma_start3A_35 = arith.constant 0 : i32
      %dma_start3A_36 = tpu.memref_slice %arg4[%dma_start3A_35] : memref<10240xf32, #tpu.memory_space<vmem_shared>> -> memref<10240xf32, #tpu.memory_space<vmem_shared>>
      tpu.enqueue_indirect_dma source(%arg6 : memref<128xf32, #tpu.memory_space<vmem>>) target(%dma_start3A_36 : memref<10240xf32, #tpu.memory_space<vmem_shared>>) offsets(%dma_start3A_34 : memref<128xi32, #tpu.memory_space<vmem>>) semaphore(%arg8 : memref<!tpu.dma_semaphore, #tpu.memory_space<semaphore_mem>>) {add = true}
      %dma_start3A_37 = arith.constant 1 : i32
      %dma_start3A_38 = arith.constant 0 : i32
      %dma_start3A_39 = tpu.memref_slice %arg5[%add3A_31, %dma_start3A_37, %dma_start3A_38] : memref<16x5x128xi32, #tpu.memory_space<vmem>> -> memref<1x1x128xi32, #tpu.memory_space<vmem>>
      %dma_start3A_40 = tpu.memref_squeeze %dma_start3A_39 : memref<1x1x128xi32, #tpu.memory_space<vmem>> -> memref<128xi32, #tpu.memory_space<vmem>>
      %dma_start3A_41 = arith.constant 0 : i32
      %dma_start3A_42 = tpu.memref_slice %arg4[%dma_start3A_41] : memref<10240xf32, #tpu.memory_space<vmem_shared>> -> memref<10240xf32, #tpu.memory_space<vmem_shared>>
      tpu.enqueue_indirect_dma source(%arg6 : memref<128xf32, #tpu.memory_space<vmem>>) target(%dma_start3A_42 : memref<10240xf32, #tpu.memory_space<vmem_shared>>) offsets(%dma_start3A_40 : memref<128xi32, #tpu.memory_space<vmem>>) semaphore(%arg8 : memref<!tpu.dma_semaphore, #tpu.memory_space<semaphore_mem>>) {add = true}
      %dma_start3A_43 = arith.constant 2 : i32
      %dma_start3A_44 = arith.constant 0 : i32
      %dma_start3A_45 = tpu.memref_slice %arg5[%add3A_31, %dma_start3A_43, %dma_start3A_44] : memref<16x5x128xi32, #tpu.memory_space<vmem>> -> memref<1x1x128xi32, #tpu.memory_space<vmem>>
      %dma_start3A_46 = tpu.memref_squeeze %dma_start3A_45 : memref<1x1x128xi32, #tpu.memory_space<vmem>> -> memref<128xi32, #tpu.memory_space<vmem>>
      %dma_start3A_47 = arith.constant 0 : i32
      %dma_start3A_48 = tpu.memref_slice %arg4[%dma_start3A_47] : memref<10240xf32, #tpu.memory_space<vmem_shared>> -> memref<10240xf32, #tpu.memory_space<vmem_shared>>
      tpu.enqueue_indirect_dma source(%arg6 : memref<128xf32, #tpu.memory_space<vmem>>) target(%dma_start3A_48 : memref<10240xf32, #tpu.memory_space<vmem_shared>>) offsets(%dma_start3A_46 : memref<128xi32, #tpu.memory_space<vmem>>) semaphore(%arg8 : memref<!tpu.dma_semaphore, #tpu.memory_space<semaphore_mem>>) {add = true}
      %dma_start3A_49 = arith.constant 3 : i32
      %dma_start3A_50 = arith.constant 0 : i32
      %dma_start3A_51 = tpu.memref_slice %arg5[%add3A_31, %dma_start3A_49, %dma_start3A_50] : memref<16x5x128xi32, #tpu.memory_space<vmem>> -> memref<1x1x128xi32, #tpu.memory_space<vmem>>
      %dma_start3A_52 = tpu.memref_squeeze %dma_start3A_51 : memref<1x1x128xi32, #tpu.memory_space<vmem>> -> memref<128xi32, #tpu.memory_space<vmem>>
      %dma_start3A_53 = arith.constant 0 : i32
      %dma_start3A_54 = tpu.memref_slice %arg4[%dma_start3A_53] : memref<10240xf32, #tpu.memory_space<vmem_shared>> -> memref<10240xf32, #tpu.memory_space<vmem_shared>>
      tpu.enqueue_indirect_dma source(%arg6 : memref<128xf32, #tpu.memory_space<vmem>>) target(%dma_start3A_54 : memref<10240xf32, #tpu.memory_space<vmem_shared>>) offsets(%dma_start3A_52 : memref<128xi32, #tpu.memory_space<vmem>>) semaphore(%arg8 : memref<!tpu.dma_semaphore, #tpu.memory_space<semaphore_mem>>) {add = true}
      %dma_start3A_55 = arith.constant 4 : i32
      %dma_start3A_56 = arith.constant 0 : i32
      %dma_start3A_57 = tpu.memref_slice %arg5[%add3A_31, %dma_start3A_55, %dma_start3A_56] : memref<16x5x128xi32, #tpu.memory_space<vmem>> -> memref<1x1x128xi32, #tpu.memory_space<vmem>>
      %dma_start3A_58 = tpu.memref_squeeze %dma_start3A_57 : memref<1x1x128xi32, #tpu.memory_space<vmem>> -> memref<128xi32, #tpu.memory_space<vmem>>
      %dma_start3A_59 = arith.constant 0 : i32
      %dma_start3A_60 = tpu.memref_slice %arg4[%dma_start3A_59] : memref<10240xf32, #tpu.memory_space<vmem_shared>> -> memref<10240xf32, #tpu.memory_space<vmem_shared>>
      tpu.enqueue_indirect_dma source(%arg6 : memref<128xf32, #tpu.memory_space<vmem>>) target(%dma_start3A_60 : memref<10240xf32, #tpu.memory_space<vmem_shared>>) offsets(%dma_start3A_58 : memref<128xi32, #tpu.memory_space<vmem>>) semaphore(%arg8 : memref<!tpu.dma_semaphore, #tpu.memory_space<semaphore_mem>>) {add = true}
      %dma_wait3A = arith.constant 0 : i32
      %dma_wait3A_61 = arith.constant 0 : i32
      %dma_wait3A_62 = tpu.memref_slice %arg5[%add3A_31, %dma_wait3A, %dma_wait3A_61] : memref<16x5x128xi32, #tpu.memory_space<vmem>> -> memref<1x1x128xi32, #tpu.memory_space<vmem>>
      %dma_wait3A_63 = tpu.memref_squeeze %dma_wait3A_62 : memref<1x1x128xi32, #tpu.memory_space<vmem>> -> memref<128xi32, #tpu.memory_space<vmem>>
      %dma_wait3A_64 = arith.constant 0 : i32
      %dma_wait3A_65 = tpu.memref_slice %arg4[%dma_wait3A_64] : memref<10240xf32, #tpu.memory_space<vmem_shared>> -> memref<10240xf32, #tpu.memory_space<vmem_shared>>
      tpu.wait_indirect_dma semaphore(%arg8 : memref<!tpu.dma_semaphore, #tpu.memory_space<semaphore_mem>>) src(%arg6 : memref<128xf32, #tpu.memory_space<vmem>>) dst(%dma_wait3A_65 : memref<10240xf32, #tpu.memory_space<vmem_shared>>)
      %dma_wait3A_66 = arith.constant 1 : i32
      %dma_wait3A_67 = arith.constant 0 : i32
      %dma_wait3A_68 = tpu.memref_slice %arg5[%add3A_31, %dma_wait3A_66, %dma_wait3A_67] : memref<16x5x128xi32, #tpu.memory_space<vmem>> -> memref<1x1x128xi32, #tpu.memory_space<vmem>>
      %dma_wait3A_69 = tpu.memref_squeeze %dma_wait3A_68 : memref<1x1x128xi32, #tpu.memory_space<vmem>> -> memref<128xi32, #tpu.memory_space<vmem>>
      %dma_wait3A_70 = arith.constant 0 : i32
      %dma_wait3A_71 = tpu.memref_slice %arg4[%dma_wait3A_70] : memref<10240xf32, #tpu.memory_space<vmem_shared>> -> memref<10240xf32, #tpu.memory_space<vmem_shared>>
      tpu.wait_indirect_dma semaphore(%arg8 : memref<!tpu.dma_semaphore, #tpu.memory_space<semaphore_mem>>) src(%arg6 : memref<128xf32, #tpu.memory_space<vmem>>) dst(%dma_wait3A_71 : memref<10240xf32, #tpu.memory_space<vmem_shared>>)
      %dma_wait3A_72 = arith.constant 2 : i32
      %dma_wait3A_73 = arith.constant 0 : i32
      %dma_wait3A_74 = tpu.memref_slice %arg5[%add3A_31, %dma_wait3A_72, %dma_wait3A_73] : memref<16x5x128xi32, #tpu.memory_space<vmem>> -> memref<1x1x128xi32, #tpu.memory_space<vmem>>
      %dma_wait3A_75 = tpu.memref_squeeze %dma_wait3A_74 : memref<1x1x128xi32, #tpu.memory_space<vmem>> -> memref<128xi32, #tpu.memory_space<vmem>>
      %dma_wait3A_76 = arith.constant 0 : i32
      %dma_wait3A_77 = tpu.memref_slice %arg4[%dma_wait3A_76] : memref<10240xf32, #tpu.memory_space<vmem_shared>> -> memref<10240xf32, #tpu.memory_space<vmem_shared>>
      tpu.wait_indirect_dma semaphore(%arg8 : memref<!tpu.dma_semaphore, #tpu.memory_space<semaphore_mem>>) src(%arg6 : memref<128xf32, #tpu.memory_space<vmem>>) dst(%dma_wait3A_77 : memref<10240xf32, #tpu.memory_space<vmem_shared>>)
      %dma_wait3A_78 = arith.constant 3 : i32
      %dma_wait3A_79 = arith.constant 0 : i32
      %dma_wait3A_80 = tpu.memref_slice %arg5[%add3A_31, %dma_wait3A_78, %dma_wait3A_79] : memref<16x5x128xi32, #tpu.memory_space<vmem>> -> memref<1x1x128xi32, #tpu.memory_space<vmem>>
      %dma_wait3A_81 = tpu.memref_squeeze %dma_wait3A_80 : memref<1x1x128xi32, #tpu.memory_space<vmem>> -> memref<128xi32, #tpu.memory_space<vmem>>
      %dma_wait3A_82 = arith.constant 0 : i32
      %dma_wait3A_83 = tpu.memref_slice %arg4[%dma_wait3A_82] : memref<10240xf32, #tpu.memory_space<vmem_shared>> -> memref<10240xf32, #tpu.memory_space<vmem_shared>>
      tpu.wait_indirect_dma semaphore(%arg8 : memref<!tpu.dma_semaphore, #tpu.memory_space<semaphore_mem>>) src(%arg6 : memref<128xf32, #tpu.memory_space<vmem>>) dst(%dma_wait3A_83 : memref<10240xf32, #tpu.memory_space<vmem_shared>>)
      %dma_wait3A_84 = arith.constant 4 : i32
      %dma_wait3A_85 = arith.constant 0 : i32
      %dma_wait3A_86 = tpu.memref_slice %arg5[%add3A_31, %dma_wait3A_84, %dma_wait3A_85] : memref<16x5x128xi32, #tpu.memory_space<vmem>> -> memref<1x1x128xi32, #tpu.memory_space<vmem>>
      %dma_wait3A_87 = tpu.memref_squeeze %dma_wait3A_86 : memref<1x1x128xi32, #tpu.memory_space<vmem>> -> memref<128xi32, #tpu.memory_space<vmem>>
      %dma_wait3A_88 = arith.constant 0 : i32
      %dma_wait3A_89 = tpu.memref_slice %arg4[%dma_wait3A_88] : memref<10240xf32, #tpu.memory_space<vmem_shared>> -> memref<10240xf32, #tpu.memory_space<vmem_shared>>
      tpu.wait_indirect_dma semaphore(%arg8 : memref<!tpu.dma_semaphore, #tpu.memory_space<semaphore_mem>>) src(%arg6 : memref<128xf32, #tpu.memory_space<vmem>>) dst(%dma_wait3A_89 : memref<10240xf32, #tpu.memory_space<vmem_shared>>)
    }
    %scan3A_18 = arith.constant 16 : i32
    %barrier3A_19 = arith.constant 0 : index
    tpu.barrier barrier_id(%barrier3A_19)
    %mul3A_20 = arith.constant 640 : i32
    %mul3A_21 = arith.muli %arg1, %mul3A_20 : i32
    %mul3A_22 = arith.constant 10240 : i32
    %mul3A_23 = arith.muli %arg0, %mul3A_22 : i32
    %mul3A_24 = arith.constant 640 : i32
    %mul3A_25 = arith.muli %arg1, %mul3A_24 : i32
    %add3A_26 = arith.addi %mul3A_23, %mul3A_25 : i32
    "tpu.region"() ({
      %run_scoped3A = tpu.sem_alloc : memref<!tpu.dma_semaphore, #tpu.memory_space<semaphore_mem>>
      %dma_start3A = tpu.memref_slice %arg3[%add3A_26] : memref<20480xf32, #tpu.memory_space<hbm>> -> memref<640xf32, #tpu.memory_space<hbm>>
      %dma_start3A_27 = tpu.memref_slice %arg4[%mul3A_21] : memref<10240xf32, #tpu.memory_space<vmem_shared>> -> memref<640xf32, #tpu.memory_space<vmem_shared>>
      tpu.enqueue_dma source(%dma_start3A_27 : memref<640xf32, #tpu.memory_space<vmem_shared>>) target(%dma_start3A : memref<640xf32, #tpu.memory_space<hbm>>) target_semaphore(%run_scoped3A : memref<!tpu.dma_semaphore, #tpu.memory_space<semaphore_mem>>)
      %dma_wait3A = tpu.memref_slice %arg3[%add3A_26] : memref<20480xf32, #tpu.memory_space<hbm>> -> memref<640xf32, #tpu.memory_space<hbm>>
      %dma_wait3A_28 = tpu.memref_slice %arg4[%mul3A_21] : memref<10240xf32, #tpu.memory_space<vmem_shared>> -> memref<640xf32, #tpu.memory_space<vmem_shared>>
      tpu.wait_dma2 semaphore(%run_scoped3A : memref<!tpu.dma_semaphore, #tpu.memory_space<semaphore_mem>>) src(%dma_wait3A_28 : memref<640xf32, #tpu.memory_space<vmem_shared>>) dst(%dma_wait3A : memref<640xf32, #tpu.memory_space<hbm>>)
      tpu.yield
    }) : () -> ()
    return
  }
}

#map = affine_map<(d0, d1) -> (0, 0)>
#map1 = affine_map<(d0, d1) -> (0)>
#map2 = affine_map<(d0, d1) -> (0, 0, 0)>
module attributes {stable_mosaic.version = 14 : i64} {
  func.func @_conv_kernel(%arg0: i32, %arg1: i32, %arg2: memref<10000x64xf32, #tpu.memory_space<hbm>>, %arg3: memref<10000x64xf32, #tpu.memory_space<hbm>>, %arg4: memref<327680xi32, #tpu.memory_space<hbm>>, %arg5: memref<512x5x128xi32, #tpu.memory_space<hbm>>, %arg6: memref<10240x64xf32, #tpu.memory_space<hbm>>, %arg7: memref<2x10240x64xf32, #tpu.memory_space<hbm>>, %arg8: memref<10240x64xf32, #tpu.memory_space<vmem_shared>>, %arg9: memref<640xi32, #tpu.memory_space<vmem>>, %arg10: memref<640xi32, #tpu.memory_space<vmem>>, %arg11: memref<2x5x128xi32, #tpu.memory_space<vmem>>, %arg12: memref<640x64xf32, #tpu.memory_space<vmem>>, %arg13: memref<640x64xf32, #tpu.memory_space<vmem>>, %arg14: memref<!tpu.dma_semaphore, #tpu.memory_space<semaphore_mem>>, %arg15: memref<!tpu.dma_semaphore, #tpu.memory_space<semaphore_mem>>, %arg16: memref<!tpu.dma_semaphore, #tpu.memory_space<semaphore_mem>>, %arg17: memref<!tpu.dma_semaphore, #tpu.memory_space<semaphore_mem>>) attributes {dimension_semantics = [#tpu.dimension_semantics<core_parallel>, #tpu.dimension_semantics<subcore_parallel>], iteration_bounds = array<i64: 2, 16>, scalar_prefetch = 0 : i64, scratch_operands = 10 : i64, tpu.core_type = #tpu.core_type<sc_vector_subcore>, window_params = [{transform_indices = #map}, {transform_indices = #map}, {transform_indices = #map1}, {transform_indices = #map2}, {transform_indices = #map}, {transform_indices = #map2}]} {
    %eq3A = arith.constant 0 : i32
    %eq3A_0 = arith.cmpi eq, %arg0, %eq3A : i32
    %convert_element_type3A = arith.extui %eq3A_0 : i1 to i32
    %cond3A = arith.constant 0 : i32
    %cond3A_1 = arith.cmpi ne, %convert_element_type3A, %cond3A : i32
    scf.if %cond3A_1 {
      %mul3A_10 = arith.constant 20480 : i32
      %mul3A_11 = arith.muli %arg1, %mul3A_10 : i32
      %mul3A_12 = arith.constant 32 : i32
      %mul3A_13 = arith.muli %arg1, %mul3A_12 : i32
      "tpu.region"() ({
        %run_scoped3A_47 = tpu.sem_alloc : memref<!tpu.dma_semaphore, #tpu.memory_space<semaphore_mem>>
        %dma_start3A_48 = tpu.memref_slice %arg4[%mul3A_11] : memref<327680xi32, #tpu.memory_space<hbm>> -> memref<640xi32, #tpu.memory_space<hbm>>
        %dma_start3A_49 = tpu.memref_slice %arg4[%mul3A_11] : memref<327680xi32, #tpu.memory_space<hbm>> -> memref<640xi32, #tpu.memory_space<hbm>>
        tpu.enqueue_dma source(%dma_start3A_49 : memref<640xi32, #tpu.memory_space<hbm>>) target(%arg9 : memref<640xi32, #tpu.memory_space<vmem>>) target_semaphore(%run_scoped3A_47 : memref<!tpu.dma_semaphore, #tpu.memory_space<semaphore_mem>>)
        %dma_wait3A = tpu.memref_slice %arg4[%mul3A_11] : memref<327680xi32, #tpu.memory_space<hbm>> -> memref<640xi32, #tpu.memory_space<hbm>>
        %dma_wait3A_50 = tpu.memref_slice %arg4[%mul3A_11] : memref<327680xi32, #tpu.memory_space<hbm>> -> memref<640xi32, #tpu.memory_space<hbm>>
        tpu.wait_dma2 semaphore(%run_scoped3A_47 : memref<!tpu.dma_semaphore, #tpu.memory_space<semaphore_mem>>) src(%dma_wait3A_50 : memref<640xi32, #tpu.memory_space<hbm>>) dst(%arg9 : memref<640xi32, #tpu.memory_space<vmem>>)
        tpu.yield
      }) : () -> ()
      %run_scoped3A = arith.constant 0 : i32
      "tpu.region"() ({
        %run_scoped3A_47 = tpu.sem_alloc : memref<!tpu.dma_semaphore, #tpu.memory_space<semaphore_mem>>
        %dma_start3A_48 = arith.constant 0 : i32
        %dma_start3A_49 = arith.constant 0 : i32
        %dma_start3A_50 = tpu.memref_slice %arg11[%run_scoped3A, %dma_start3A_48, %dma_start3A_49] : memref<2x5x128xi32, #tpu.memory_space<vmem>> -> memref<1x5x128xi32, #tpu.memory_space<vmem>>
        %dma_start3A_51 = tpu.memref_squeeze %dma_start3A_50 : memref<1x5x128xi32, #tpu.memory_space<vmem>> -> memref<5x128xi32, #tpu.memory_space<vmem>>
        %dma_start3A_52 = arith.constant 0 : i32
        %dma_start3A_53 = arith.constant 0 : i32
        %dma_start3A_54 = tpu.memref_slice %arg5[%mul3A_13, %dma_start3A_52, %dma_start3A_53] : memref<512x5x128xi32, #tpu.memory_space<hbm>> -> memref<1x5x128xi32, #tpu.memory_space<hbm>>
        %dma_start3A_55 = tpu.memref_squeeze %dma_start3A_54 : memref<1x5x128xi32, #tpu.memory_space<hbm>> -> memref<5x128xi32, #tpu.memory_space<hbm>>
        %dma_start3A_56 = arith.constant 0 : i32
        %dma_start3A_57 = arith.constant 0 : i32
        %dma_start3A_58 = tpu.memref_slice %arg11[%run_scoped3A, %dma_start3A_56, %dma_start3A_57] : memref<2x5x128xi32, #tpu.memory_space<vmem>> -> memref<1x5x128xi32, #tpu.memory_space<vmem>>
        %dma_start3A_59 = tpu.memref_squeeze %dma_start3A_58 : memref<1x5x128xi32, #tpu.memory_space<vmem>> -> memref<5x128xi32, #tpu.memory_space<vmem>>
        %dma_start3A_60 = arith.constant 0 : i32
        %dma_start3A_61 = arith.constant 0 : i32
        %dma_start3A_62 = tpu.memref_slice %arg5[%mul3A_13, %dma_start3A_60, %dma_start3A_61] : memref<512x5x128xi32, #tpu.memory_space<hbm>> -> memref<1x5x128xi32, #tpu.memory_space<hbm>>
        %dma_start3A_63 = tpu.memref_squeeze %dma_start3A_62 : memref<1x5x128xi32, #tpu.memory_space<hbm>> -> memref<5x128xi32, #tpu.memory_space<hbm>>
        tpu.enqueue_dma source(%dma_start3A_63 : memref<5x128xi32, #tpu.memory_space<hbm>>) target(%dma_start3A_59 : memref<5x128xi32, #tpu.memory_space<vmem>>) target_semaphore(%run_scoped3A_47 : memref<!tpu.dma_semaphore, #tpu.memory_space<semaphore_mem>>)
        %dma_wait3A = arith.constant 0 : i32
        %dma_wait3A_64 = arith.constant 0 : i32
        %dma_wait3A_65 = tpu.memref_slice %arg11[%run_scoped3A, %dma_wait3A, %dma_wait3A_64] : memref<2x5x128xi32, #tpu.memory_space<vmem>> -> memref<1x5x128xi32, #tpu.memory_space<vmem>>
        %dma_wait3A_66 = tpu.memref_squeeze %dma_wait3A_65 : memref<1x5x128xi32, #tpu.memory_space<vmem>> -> memref<5x128xi32, #tpu.memory_space<vmem>>
        %dma_wait3A_67 = arith.constant 0 : i32
        %dma_wait3A_68 = arith.constant 0 : i32
        %dma_wait3A_69 = tpu.memref_slice %arg5[%mul3A_13, %dma_wait3A_67, %dma_wait3A_68] : memref<512x5x128xi32, #tpu.memory_space<hbm>> -> memref<1x5x128xi32, #tpu.memory_space<hbm>>
        %dma_wait3A_70 = tpu.memref_squeeze %dma_wait3A_69 : memref<1x5x128xi32, #tpu.memory_space<hbm>> -> memref<5x128xi32, #tpu.memory_space<hbm>>
        %dma_wait3A_71 = arith.constant 0 : i32
        %dma_wait3A_72 = arith.constant 0 : i32
        %dma_wait3A_73 = tpu.memref_slice %arg11[%run_scoped3A, %dma_wait3A_71, %dma_wait3A_72] : memref<2x5x128xi32, #tpu.memory_space<vmem>> -> memref<1x5x128xi32, #tpu.memory_space<vmem>>
        %dma_wait3A_74 = tpu.memref_squeeze %dma_wait3A_73 : memref<1x5x128xi32, #tpu.memory_space<vmem>> -> memref<5x128xi32, #tpu.memory_space<vmem>>
        %dma_wait3A_75 = arith.constant 0 : i32
        %dma_wait3A_76 = arith.constant 0 : i32
        %dma_wait3A_77 = tpu.memref_slice %arg5[%mul3A_13, %dma_wait3A_75, %dma_wait3A_76] : memref<512x5x128xi32, #tpu.memory_space<hbm>> -> memref<1x5x128xi32, #tpu.memory_space<hbm>>
        %dma_wait3A_78 = tpu.memref_squeeze %dma_wait3A_77 : memref<1x5x128xi32, #tpu.memory_space<hbm>> -> memref<5x128xi32, #tpu.memory_space<hbm>>
        tpu.wait_dma2 semaphore(%run_scoped3A_47 : memref<!tpu.dma_semaphore, #tpu.memory_space<semaphore_mem>>) src(%dma_wait3A_78 : memref<5x128xi32, #tpu.memory_space<hbm>>) dst(%dma_wait3A_74 : memref<5x128xi32, #tpu.memory_space<vmem>>)
        tpu.yield
      }) : () -> ()
      %add3A = arith.constant 640 : i32
      %add3A_14 = arith.addi %mul3A_11, %add3A : i32
      %dma_start3A = tpu.memref_slice %arg4[%add3A_14] : memref<327680xi32, #tpu.memory_space<hbm>> -> memref<640xi32, #tpu.memory_space<hbm>>
      %dma_start3A_15 = tpu.memref_slice %arg4[%add3A_14] : memref<327680xi32, #tpu.memory_space<hbm>> -> memref<640xi32, #tpu.memory_space<hbm>>
      tpu.enqueue_dma source(%dma_start3A_15 : memref<640xi32, #tpu.memory_space<hbm>>) target(%arg10 : memref<640xi32, #tpu.memory_space<vmem>>) target_semaphore(%arg17 : memref<!tpu.dma_semaphore, #tpu.memory_space<semaphore_mem>>)
      %add3A_16 = arith.constant 1 : i32
      %add3A_17 = arith.addi %mul3A_13, %add3A_16 : i32
      %dma_start3A_18 = arith.constant 1 : i32
      %dma_start3A_19 = arith.constant 0 : i32
      %dma_start3A_20 = arith.constant 0 : i32
      %dma_start3A_21 = tpu.memref_slice %arg11[%dma_start3A_18, %dma_start3A_19, %dma_start3A_20] : memref<2x5x128xi32, #tpu.memory_space<vmem>> -> memref<1x5x128xi32, #tpu.memory_space<vmem>>
      %dma_start3A_22 = tpu.memref_squeeze %dma_start3A_21 : memref<1x5x128xi32, #tpu.memory_space<vmem>> -> memref<5x128xi32, #tpu.memory_space<vmem>>
      %dma_start3A_23 = arith.constant 0 : i32
      %dma_start3A_24 = arith.constant 0 : i32
      %dma_start3A_25 = tpu.memref_slice %arg5[%add3A_17, %dma_start3A_23, %dma_start3A_24] : memref<512x5x128xi32, #tpu.memory_space<hbm>> -> memref<1x5x128xi32, #tpu.memory_space<hbm>>
      %dma_start3A_26 = tpu.memref_squeeze %dma_start3A_25 : memref<1x5x128xi32, #tpu.memory_space<hbm>> -> memref<5x128xi32, #tpu.memory_space<hbm>>
      %dma_start3A_27 = arith.constant 0 : i32
      %dma_start3A_28 = arith.constant 0 : i32
      %dma_start3A_29 = tpu.memref_slice %arg11[%dma_start3A_18, %dma_start3A_27, %dma_start3A_28] : memref<2x5x128xi32, #tpu.memory_space<vmem>> -> memref<1x5x128xi32, #tpu.memory_space<vmem>>
      %dma_start3A_30 = tpu.memref_squeeze %dma_start3A_29 : memref<1x5x128xi32, #tpu.memory_space<vmem>> -> memref<5x128xi32, #tpu.memory_space<vmem>>
      %dma_start3A_31 = arith.constant 0 : i32
      %dma_start3A_32 = arith.constant 0 : i32
      %dma_start3A_33 = tpu.memref_slice %arg5[%add3A_17, %dma_start3A_31, %dma_start3A_32] : memref<512x5x128xi32, #tpu.memory_space<hbm>> -> memref<1x5x128xi32, #tpu.memory_space<hbm>>
      %dma_start3A_34 = tpu.memref_squeeze %dma_start3A_33 : memref<1x5x128xi32, #tpu.memory_space<hbm>> -> memref<5x128xi32, #tpu.memory_space<hbm>>
      tpu.enqueue_dma source(%dma_start3A_34 : memref<5x128xi32, #tpu.memory_space<hbm>>) target(%dma_start3A_30 : memref<5x128xi32, #tpu.memory_space<vmem>>) target_semaphore(%arg17 : memref<!tpu.dma_semaphore, #tpu.memory_space<semaphore_mem>>)
      %dma_start3A_35 = arith.constant 0 : i32
      %dma_start3A_36 = arith.constant 0 : i32
      %dma_start3A_37 = tpu.memref_slice %arg2[%dma_start3A_35, %dma_start3A_36] : memref<10000x64xf32, #tpu.memory_space<hbm>> -> memref<10000x64xf32, #tpu.memory_space<hbm>>
      tpu.enqueue_indirect_dma source(%dma_start3A_37 : memref<10000x64xf32, #tpu.memory_space<hbm>>) target(%arg12 : memref<640x64xf32, #tpu.memory_space<vmem>>) offsets(%arg9 : memref<640xi32, #tpu.memory_space<vmem>>) semaphore(%arg14 : memref<!tpu.dma_semaphore, #tpu.memory_space<semaphore_mem>>)
      %mul3A_38 = arith.constant 640 : i32
      %mul3A_39 = arith.muli %arg1, %mul3A_38 : i32
      %mul3A_40 = arith.constant 640 : i32
      %mul3A_41 = arith.muli %arg1, %mul3A_40 : i32
      "tpu.region"() ({
        %run_scoped3A_47 = tpu.sem_alloc : memref<!tpu.dma_semaphore, #tpu.memory_space<semaphore_mem>>
        %dma_start3A_48 = arith.constant 0 : i32
        %dma_start3A_49 = tpu.memref_slice %arg8[%mul3A_41, %dma_start3A_48] : memref<10240x64xf32, #tpu.memory_space<vmem_shared>> -> memref<640x64xf32, #tpu.memory_space<vmem_shared>>
        %dma_start3A_50 = arith.constant 0 : i32
        %dma_start3A_51 = tpu.memref_slice %arg6[%mul3A_39, %dma_start3A_50] : memref<10240x64xf32, #tpu.memory_space<hbm>> -> memref<640x64xf32, #tpu.memory_space<hbm>>
        tpu.enqueue_dma source(%dma_start3A_51 : memref<640x64xf32, #tpu.memory_space<hbm>>) target(%dma_start3A_49 : memref<640x64xf32, #tpu.memory_space<vmem_shared>>) target_semaphore(%run_scoped3A_47 : memref<!tpu.dma_semaphore, #tpu.memory_space<semaphore_mem>>)
        %dma_wait3A = arith.constant 0 : i32
        %dma_wait3A_52 = tpu.memref_slice %arg8[%mul3A_41, %dma_wait3A] : memref<10240x64xf32, #tpu.memory_space<vmem_shared>> -> memref<640x64xf32, #tpu.memory_space<vmem_shared>>
        %dma_wait3A_53 = arith.constant 0 : i32
        %dma_wait3A_54 = tpu.memref_slice %arg6[%mul3A_39, %dma_wait3A_53] : memref<10240x64xf32, #tpu.memory_space<hbm>> -> memref<640x64xf32, #tpu.memory_space<hbm>>
        tpu.wait_dma2 semaphore(%run_scoped3A_47 : memref<!tpu.dma_semaphore, #tpu.memory_space<semaphore_mem>>) src(%dma_wait3A_54 : memref<640x64xf32, #tpu.memory_space<hbm>>) dst(%dma_wait3A_52 : memref<640x64xf32, #tpu.memory_space<vmem_shared>>)
        tpu.yield
      }) : () -> ()
      %barrier3A_42 = arith.constant 0 : index
      tpu.barrier barrier_id(%barrier3A_42)
      %scan3A = arith.constant 0 : i32
      %scan3A_43 = arith.constant 16 : i32
      %scan3A_44 = arith.addi %scan3A, %scan3A_43 : i32
      %scan3A_45 = arith.constant 1 : i32
      scf.for %scan3A_47 = %scan3A to %scan3A_44 step %scan3A_45  : i32 {
        %mul3A_48 = arith.constant 2 : i32
        %mul3A_49 = arith.muli %scan3A_47, %mul3A_48 : i32
        %add3A_50 = arith.constant 0 : i32
        %add3A_51 = arith.addi %add3A_50, %mul3A_49 : i32
        %add3A_52 = arith.constant 1 : i32
        %add3A_53 = arith.addi %add3A_51, %add3A_52 : i32
        %mul3A_54 = arith.constant 640 : i32
        %mul3A_55 = arith.muli %add3A_53, %mul3A_54 : i32
        %add3A_56 = arith.addi %mul3A_11, %mul3A_55 : i32
        %dma_wait3A = tpu.memref_slice %arg4[%add3A_56] : memref<327680xi32, #tpu.memory_space<hbm>> -> memref<640xi32, #tpu.memory_space<hbm>>
        %dma_wait3A_57 = tpu.memref_slice %arg4[%add3A_56] : memref<327680xi32, #tpu.memory_space<hbm>> -> memref<640xi32, #tpu.memory_space<hbm>>
        tpu.wait_dma2 semaphore(%arg17 : memref<!tpu.dma_semaphore, #tpu.memory_space<semaphore_mem>>) src(%dma_wait3A_57 : memref<640xi32, #tpu.memory_space<hbm>>) dst(%arg10 : memref<640xi32, #tpu.memory_space<vmem>>)
        %add3A_58 = arith.addi %mul3A_13, %add3A_51 : i32
        %add3A_59 = arith.constant 1 : i32
        %add3A_60 = arith.addi %add3A_58, %add3A_59 : i32
        %dma_wait3A_61 = arith.constant 1 : i32
        %dma_wait3A_62 = arith.constant 0 : i32
        %dma_wait3A_63 = arith.constant 0 : i32
        %dma_wait3A_64 = tpu.memref_slice %arg11[%dma_wait3A_61, %dma_wait3A_62, %dma_wait3A_63] : memref<2x5x128xi32, #tpu.memory_space<vmem>> -> memref<1x5x128xi32, #tpu.memory_space<vmem>>
        %dma_wait3A_65 = tpu.memref_squeeze %dma_wait3A_64 : memref<1x5x128xi32, #tpu.memory_space<vmem>> -> memref<5x128xi32, #tpu.memory_space<vmem>>
        %dma_wait3A_66 = arith.constant 0 : i32
        %dma_wait3A_67 = arith.constant 0 : i32
        %dma_wait3A_68 = tpu.memref_slice %arg5[%add3A_60, %dma_wait3A_66, %dma_wait3A_67] : memref<512x5x128xi32, #tpu.memory_space<hbm>> -> memref<1x5x128xi32, #tpu.memory_space<hbm>>
        %dma_wait3A_69 = tpu.memref_squeeze %dma_wait3A_68 : memref<1x5x128xi32, #tpu.memory_space<hbm>> -> memref<5x128xi32, #tpu.memory_space<hbm>>
        %dma_wait3A_70 = arith.constant 0 : i32
        %dma_wait3A_71 = arith.constant 0 : i32
        %dma_wait3A_72 = tpu.memref_slice %arg11[%dma_wait3A_61, %dma_wait3A_70, %dma_wait3A_71] : memref<2x5x128xi32, #tpu.memory_space<vmem>> -> memref<1x5x128xi32, #tpu.memory_space<vmem>>
        %dma_wait3A_73 = tpu.memref_squeeze %dma_wait3A_72 : memref<1x5x128xi32, #tpu.memory_space<vmem>> -> memref<5x128xi32, #tpu.memory_space<vmem>>
        %dma_wait3A_74 = arith.constant 0 : i32
        %dma_wait3A_75 = arith.constant 0 : i32
        %dma_wait3A_76 = tpu.memref_slice %arg5[%add3A_60, %dma_wait3A_74, %dma_wait3A_75] : memref<512x5x128xi32, #tpu.memory_space<hbm>> -> memref<1x5x128xi32, #tpu.memory_space<hbm>>
        %dma_wait3A_77 = tpu.memref_squeeze %dma_wait3A_76 : memref<1x5x128xi32, #tpu.memory_space<hbm>> -> memref<5x128xi32, #tpu.memory_space<hbm>>
        tpu.wait_dma2 semaphore(%arg17 : memref<!tpu.dma_semaphore, #tpu.memory_space<semaphore_mem>>) src(%dma_wait3A_77 : memref<5x128xi32, #tpu.memory_space<hbm>>) dst(%dma_wait3A_73 : memref<5x128xi32, #tpu.memory_space<vmem>>)
        %dma_start3A_78 = arith.constant 0 : i32
        %dma_start3A_79 = arith.constant 0 : i32
        %dma_start3A_80 = tpu.memref_slice %arg2[%dma_start3A_78, %dma_start3A_79] : memref<10000x64xf32, #tpu.memory_space<hbm>> -> memref<10000x64xf32, #tpu.memory_space<hbm>>
        tpu.enqueue_indirect_dma source(%dma_start3A_80 : memref<10000x64xf32, #tpu.memory_space<hbm>>) target(%arg13 : memref<640x64xf32, #tpu.memory_space<vmem>>) offsets(%arg10 : memref<640xi32, #tpu.memory_space<vmem>>) semaphore(%arg15 : memref<!tpu.dma_semaphore, #tpu.memory_space<semaphore_mem>>)
        %dma_wait3A_81 = arith.constant 0 : i32
        %dma_wait3A_82 = arith.constant 0 : i32
        %dma_wait3A_83 = tpu.memref_slice %arg2[%dma_wait3A_81, %dma_wait3A_82] : memref<10000x64xf32, #tpu.memory_space<hbm>> -> memref<10000x64xf32, #tpu.memory_space<hbm>>
        tpu.wait_indirect_dma semaphore(%arg14 : memref<!tpu.dma_semaphore, #tpu.memory_space<semaphore_mem>>) src(%dma_wait3A_83 : memref<10000x64xf32, #tpu.memory_space<hbm>>) dst(%arg12 : memref<640x64xf32, #tpu.memory_space<vmem>>)
        %add3A_84 = arith.constant 2 : i32
        %add3A_85 = arith.addi %add3A_51, %add3A_84 : i32
        %lt3A = arith.constant 32 : i32
        %lt3A_86 = arith.cmpi slt, %add3A_85, %lt3A : i32
        %convert_element_type3A_87 = arith.extui %lt3A_86 : i1 to i32
        %cond3A_88 = arith.constant 0 : i32
        %cond3A_89 = arith.cmpi ne, %convert_element_type3A_87, %cond3A_88 : i32
        scf.if %cond3A_89 {
          %add3A_127 = arith.constant 2 : i32
          %add3A_128 = arith.addi %add3A_51, %add3A_127 : i32
          %mul3A_129 = arith.constant 640 : i32
          %mul3A_130 = arith.muli %add3A_128, %mul3A_129 : i32
          %add3A_131 = arith.addi %mul3A_11, %mul3A_130 : i32
          %dma_start3A_132 = tpu.memref_slice %arg4[%add3A_131] : memref<327680xi32, #tpu.memory_space<hbm>> -> memref<640xi32, #tpu.memory_space<hbm>>
          %dma_start3A_133 = tpu.memref_slice %arg4[%add3A_131] : memref<327680xi32, #tpu.memory_space<hbm>> -> memref<640xi32, #tpu.memory_space<hbm>>
          tpu.enqueue_dma source(%dma_start3A_133 : memref<640xi32, #tpu.memory_space<hbm>>) target(%arg9 : memref<640xi32, #tpu.memory_space<vmem>>) target_semaphore(%arg16 : memref<!tpu.dma_semaphore, #tpu.memory_space<semaphore_mem>>)
        } else {
        }
        %run_scoped3A_90 = arith.constant 0 : i32
        %run_scoped3A_91 = arith.constant 0 : i32
        "tpu.region"() ({
          %run_scoped3A_127 = tpu.sem_alloc : memref<!tpu.dma_semaphore, #tpu.memory_space<semaphore_mem>>
          %dma_start3A_128 = arith.constant 0 : i32
          %dma_start3A_129 = arith.constant 0 : i32
          %dma_start3A_130 = tpu.memref_slice %arg12[%dma_start3A_128, %dma_start3A_129] : memref<640x64xf32, #tpu.memory_space<vmem>> -> memref<128x64xf32, #tpu.memory_space<vmem>>
          %dma_start3A_131 = arith.constant 0 : i32
          %dma_start3A_132 = tpu.memref_slice %arg11[%run_scoped3A_90, %run_scoped3A_91, %dma_start3A_131] : memref<2x5x128xi32, #tpu.memory_space<vmem>> -> memref<1x1x128xi32, #tpu.memory_space<vmem>>
          %dma_start3A_133 = tpu.memref_squeeze %dma_start3A_132 : memref<1x1x128xi32, #tpu.memory_space<vmem>> -> memref<128xi32, #tpu.memory_space<vmem>>
          %dma_start3A_134 = arith.constant 0 : i32
          %dma_start3A_135 = arith.constant 0 : i32
          %dma_start3A_136 = tpu.memref_slice %arg8[%dma_start3A_134, %dma_start3A_135] : memref<10240x64xf32, #tpu.memory_space<vmem_shared>> -> memref<10240x64xf32, #tpu.memory_space<vmem_shared>>
          tpu.enqueue_indirect_dma source(%dma_start3A_130 : memref<128x64xf32, #tpu.memory_space<vmem>>) target(%dma_start3A_136 : memref<10240x64xf32, #tpu.memory_space<vmem_shared>>) offsets(%dma_start3A_133 : memref<128xi32, #tpu.memory_space<vmem>>) semaphore(%run_scoped3A_127 : memref<!tpu.dma_semaphore, #tpu.memory_space<semaphore_mem>>) {add = true}
          %dma_wait3A_137 = arith.constant 0 : i32
          %dma_wait3A_138 = arith.constant 0 : i32
          %dma_wait3A_139 = tpu.memref_slice %arg12[%dma_wait3A_137, %dma_wait3A_138] : memref<640x64xf32, #tpu.memory_space<vmem>> -> memref<128x64xf32, #tpu.memory_space<vmem>>
          %dma_wait3A_140 = arith.constant 0 : i32
          %dma_wait3A_141 = tpu.memref_slice %arg11[%run_scoped3A_90, %run_scoped3A_91, %dma_wait3A_140] : memref<2x5x128xi32, #tpu.memory_space<vmem>> -> memref<1x1x128xi32, #tpu.memory_space<vmem>>
          %dma_wait3A_142 = tpu.memref_squeeze %dma_wait3A_141 : memref<1x1x128xi32, #tpu.memory_space<vmem>> -> memref<128xi32, #tpu.memory_space<vmem>>
          %dma_wait3A_143 = arith.constant 0 : i32
          %dma_wait3A_144 = arith.constant 0 : i32
          %dma_wait3A_145 = tpu.memref_slice %arg8[%dma_wait3A_143, %dma_wait3A_144] : memref<10240x64xf32, #tpu.memory_space<vmem_shared>> -> memref<10240x64xf32, #tpu.memory_space<vmem_shared>>
          tpu.wait_indirect_dma semaphore(%run_scoped3A_127 : memref<!tpu.dma_semaphore, #tpu.memory_space<semaphore_mem>>) src(%dma_wait3A_139 : memref<128x64xf32, #tpu.memory_space<vmem>>) dst(%dma_wait3A_145 : memref<10240x64xf32, #tpu.memory_space<vmem_shared>>)
          tpu.yield
        }) : () -> ()
        %run_scoped3A_92 = arith.constant 0 : i32
        %run_scoped3A_93 = arith.constant 1 : i32
        "tpu.region"() ({
          %run_scoped3A_127 = tpu.sem_alloc : memref<!tpu.dma_semaphore, #tpu.memory_space<semaphore_mem>>
          %dma_start3A_128 = arith.constant 128 : i32
          %dma_start3A_129 = arith.constant 0 : i32
          %dma_start3A_130 = tpu.memref_slice %arg12[%dma_start3A_128, %dma_start3A_129] : memref<640x64xf32, #tpu.memory_space<vmem>> -> memref<128x64xf32, #tpu.memory_space<vmem>>
          %dma_start3A_131 = arith.constant 0 : i32
          %dma_start3A_132 = tpu.memref_slice %arg11[%run_scoped3A_92, %run_scoped3A_93, %dma_start3A_131] : memref<2x5x128xi32, #tpu.memory_space<vmem>> -> memref<1x1x128xi32, #tpu.memory_space<vmem>>
          %dma_start3A_133 = tpu.memref_squeeze %dma_start3A_132 : memref<1x1x128xi32, #tpu.memory_space<vmem>> -> memref<128xi32, #tpu.memory_space<vmem>>
          %dma_start3A_134 = arith.constant 0 : i32
          %dma_start3A_135 = arith.constant 0 : i32
          %dma_start3A_136 = tpu.memref_slice %arg8[%dma_start3A_134, %dma_start3A_135] : memref<10240x64xf32, #tpu.memory_space<vmem_shared>> -> memref<10240x64xf32, #tpu.memory_space<vmem_shared>>
          tpu.enqueue_indirect_dma source(%dma_start3A_130 : memref<128x64xf32, #tpu.memory_space<vmem>>) target(%dma_start3A_136 : memref<10240x64xf32, #tpu.memory_space<vmem_shared>>) offsets(%dma_start3A_133 : memref<128xi32, #tpu.memory_space<vmem>>) semaphore(%run_scoped3A_127 : memref<!tpu.dma_semaphore, #tpu.memory_space<semaphore_mem>>) {add = true}
          %dma_wait3A_137 = arith.constant 128 : i32
          %dma_wait3A_138 = arith.constant 0 : i32
          %dma_wait3A_139 = tpu.memref_slice %arg12[%dma_wait3A_137, %dma_wait3A_138] : memref<640x64xf32, #tpu.memory_space<vmem>> -> memref<128x64xf32, #tpu.memory_space<vmem>>
          %dma_wait3A_140 = arith.constant 0 : i32
          %dma_wait3A_141 = tpu.memref_slice %arg11[%run_scoped3A_92, %run_scoped3A_93, %dma_wait3A_140] : memref<2x5x128xi32, #tpu.memory_space<vmem>> -> memref<1x1x128xi32, #tpu.memory_space<vmem>>
          %dma_wait3A_142 = tpu.memref_squeeze %dma_wait3A_141 : memref<1x1x128xi32, #tpu.memory_space<vmem>> -> memref<128xi32, #tpu.memory_space<vmem>>
          %dma_wait3A_143 = arith.constant 0 : i32
          %dma_wait3A_144 = arith.constant 0 : i32
          %dma_wait3A_145 = tpu.memref_slice %arg8[%dma_wait3A_143, %dma_wait3A_144] : memref<10240x64xf32, #tpu.memory_space<vmem_shared>> -> memref<10240x64xf32, #tpu.memory_space<vmem_shared>>
          tpu.wait_indirect_dma semaphore(%run_scoped3A_127 : memref<!tpu.dma_semaphore, #tpu.memory_space<semaphore_mem>>) src(%dma_wait3A_139 : memref<128x64xf32, #tpu.memory_space<vmem>>) dst(%dma_wait3A_145 : memref<10240x64xf32, #tpu.memory_space<vmem_shared>>)
          tpu.yield
        }) : () -> ()
        %run_scoped3A_94 = arith.constant 0 : i32
        %run_scoped3A_95 = arith.constant 2 : i32
        "tpu.region"() ({
          %run_scoped3A_127 = tpu.sem_alloc : memref<!tpu.dma_semaphore, #tpu.memory_space<semaphore_mem>>
          %dma_start3A_128 = arith.constant 256 : i32
          %dma_start3A_129 = arith.constant 0 : i32
          %dma_start3A_130 = tpu.memref_slice %arg12[%dma_start3A_128, %dma_start3A_129] : memref<640x64xf32, #tpu.memory_space<vmem>> -> memref<128x64xf32, #tpu.memory_space<vmem>>
          %dma_start3A_131 = arith.constant 0 : i32
          %dma_start3A_132 = tpu.memref_slice %arg11[%run_scoped3A_94, %run_scoped3A_95, %dma_start3A_131] : memref<2x5x128xi32, #tpu.memory_space<vmem>> -> memref<1x1x128xi32, #tpu.memory_space<vmem>>
          %dma_start3A_133 = tpu.memref_squeeze %dma_start3A_132 : memref<1x1x128xi32, #tpu.memory_space<vmem>> -> memref<128xi32, #tpu.memory_space<vmem>>
          %dma_start3A_134 = arith.constant 0 : i32
          %dma_start3A_135 = arith.constant 0 : i32
          %dma_start3A_136 = tpu.memref_slice %arg8[%dma_start3A_134, %dma_start3A_135] : memref<10240x64xf32, #tpu.memory_space<vmem_shared>> -> memref<10240x64xf32, #tpu.memory_space<vmem_shared>>
          tpu.enqueue_indirect_dma source(%dma_start3A_130 : memref<128x64xf32, #tpu.memory_space<vmem>>) target(%dma_start3A_136 : memref<10240x64xf32, #tpu.memory_space<vmem_shared>>) offsets(%dma_start3A_133 : memref<128xi32, #tpu.memory_space<vmem>>) semaphore(%run_scoped3A_127 : memref<!tpu.dma_semaphore, #tpu.memory_space<semaphore_mem>>) {add = true}
          %dma_wait3A_137 = arith.constant 256 : i32
          %dma_wait3A_138 = arith.constant 0 : i32
          %dma_wait3A_139 = tpu.memref_slice %arg12[%dma_wait3A_137, %dma_wait3A_138] : memref<640x64xf32, #tpu.memory_space<vmem>> -> memref<128x64xf32, #tpu.memory_space<vmem>>
          %dma_wait3A_140 = arith.constant 0 : i32
          %dma_wait3A_141 = tpu.memref_slice %arg11[%run_scoped3A_94, %run_scoped3A_95, %dma_wait3A_140] : memref<2x5x128xi32, #tpu.memory_space<vmem>> -> memref<1x1x128xi32, #tpu.memory_space<vmem>>
          %dma_wait3A_142 = tpu.memref_squeeze %dma_wait3A_141 : memref<1x1x128xi32, #tpu.memory_space<vmem>> -> memref<128xi32, #tpu.memory_space<vmem>>
          %dma_wait3A_143 = arith.constant 0 : i32
          %dma_wait3A_144 = arith.constant 0 : i32
          %dma_wait3A_145 = tpu.memref_slice %arg8[%dma_wait3A_143, %dma_wait3A_144] : memref<10240x64xf32, #tpu.memory_space<vmem_shared>> -> memref<10240x64xf32, #tpu.memory_space<vmem_shared>>
          tpu.wait_indirect_dma semaphore(%run_scoped3A_127 : memref<!tpu.dma_semaphore, #tpu.memory_space<semaphore_mem>>) src(%dma_wait3A_139 : memref<128x64xf32, #tpu.memory_space<vmem>>) dst(%dma_wait3A_145 : memref<10240x64xf32, #tpu.memory_space<vmem_shared>>)
          tpu.yield
        }) : () -> ()
        %run_scoped3A_96 = arith.constant 0 : i32
        %run_scoped3A_97 = arith.constant 3 : i32
        "tpu.region"() ({
          %run_scoped3A_127 = tpu.sem_alloc : memref<!tpu.dma_semaphore, #tpu.memory_space<semaphore_mem>>
          %dma_start3A_128 = arith.constant 384 : i32
          %dma_start3A_129 = arith.constant 0 : i32
          %dma_start3A_130 = tpu.memref_slice %arg12[%dma_start3A_128, %dma_start3A_129] : memref<640x64xf32, #tpu.memory_space<vmem>> -> memref<128x64xf32, #tpu.memory_space<vmem>>
          %dma_start3A_131 = arith.constant 0 : i32
          %dma_start3A_132 = tpu.memref_slice %arg11[%run_scoped3A_96, %run_scoped3A_97, %dma_start3A_131] : memref<2x5x128xi32, #tpu.memory_space<vmem>> -> memref<1x1x128xi32, #tpu.memory_space<vmem>>
          %dma_start3A_133 = tpu.memref_squeeze %dma_start3A_132 : memref<1x1x128xi32, #tpu.memory_space<vmem>> -> memref<128xi32, #tpu.memory_space<vmem>>
          %dma_start3A_134 = arith.constant 0 : i32
          %dma_start3A_135 = arith.constant 0 : i32
          %dma_start3A_136 = tpu.memref_slice %arg8[%dma_start3A_134, %dma_start3A_135] : memref<10240x64xf32, #tpu.memory_space<vmem_shared>> -> memref<10240x64xf32, #tpu.memory_space<vmem_shared>>
          tpu.enqueue_indirect_dma source(%dma_start3A_130 : memref<128x64xf32, #tpu.memory_space<vmem>>) target(%dma_start3A_136 : memref<10240x64xf32, #tpu.memory_space<vmem_shared>>) offsets(%dma_start3A_133 : memref<128xi32, #tpu.memory_space<vmem>>) semaphore(%run_scoped3A_127 : memref<!tpu.dma_semaphore, #tpu.memory_space<semaphore_mem>>) {add = true}
          %dma_wait3A_137 = arith.constant 384 : i32
          %dma_wait3A_138 = arith.constant 0 : i32
          %dma_wait3A_139 = tpu.memref_slice %arg12[%dma_wait3A_137, %dma_wait3A_138] : memref<640x64xf32, #tpu.memory_space<vmem>> -> memref<128x64xf32, #tpu.memory_space<vmem>>
          %dma_wait3A_140 = arith.constant 0 : i32
          %dma_wait3A_141 = tpu.memref_slice %arg11[%run_scoped3A_96, %run_scoped3A_97, %dma_wait3A_140] : memref<2x5x128xi32, #tpu.memory_space<vmem>> -> memref<1x1x128xi32, #tpu.memory_space<vmem>>
          %dma_wait3A_142 = tpu.memref_squeeze %dma_wait3A_141 : memref<1x1x128xi32, #tpu.memory_space<vmem>> -> memref<128xi32, #tpu.memory_space<vmem>>
          %dma_wait3A_143 = arith.constant 0 : i32
          %dma_wait3A_144 = arith.constant 0 : i32
          %dma_wait3A_145 = tpu.memref_slice %arg8[%dma_wait3A_143, %dma_wait3A_144] : memref<10240x64xf32, #tpu.memory_space<vmem_shared>> -> memref<10240x64xf32, #tpu.memory_space<vmem_shared>>
          tpu.wait_indirect_dma semaphore(%run_scoped3A_127 : memref<!tpu.dma_semaphore, #tpu.memory_space<semaphore_mem>>) src(%dma_wait3A_139 : memref<128x64xf32, #tpu.memory_space<vmem>>) dst(%dma_wait3A_145 : memref<10240x64xf32, #tpu.memory_space<vmem_shared>>)
          tpu.yield
        }) : () -> ()
        %run_scoped3A_98 = arith.constant 0 : i32
        %run_scoped3A_99 = arith.constant 4 : i32
        "tpu.region"() ({
          %run_scoped3A_127 = tpu.sem_alloc : memref<!tpu.dma_semaphore, #tpu.memory_space<semaphore_mem>>
          %dma_start3A_128 = arith.constant 512 : i32
          %dma_start3A_129 = arith.constant 0 : i32
          %dma_start3A_130 = tpu.memref_slice %arg12[%dma_start3A_128, %dma_start3A_129] : memref<640x64xf32, #tpu.memory_space<vmem>> -> memref<128x64xf32, #tpu.memory_space<vmem>>
          %dma_start3A_131 = arith.constant 0 : i32
          %dma_start3A_132 = tpu.memref_slice %arg11[%run_scoped3A_98, %run_scoped3A_99, %dma_start3A_131] : memref<2x5x128xi32, #tpu.memory_space<vmem>> -> memref<1x1x128xi32, #tpu.memory_space<vmem>>
          %dma_start3A_133 = tpu.memref_squeeze %dma_start3A_132 : memref<1x1x128xi32, #tpu.memory_space<vmem>> -> memref<128xi32, #tpu.memory_space<vmem>>
          %dma_start3A_134 = arith.constant 0 : i32
          %dma_start3A_135 = arith.constant 0 : i32
          %dma_start3A_136 = tpu.memref_slice %arg8[%dma_start3A_134, %dma_start3A_135] : memref<10240x64xf32, #tpu.memory_space<vmem_shared>> -> memref<10240x64xf32, #tpu.memory_space<vmem_shared>>
          tpu.enqueue_indirect_dma source(%dma_start3A_130 : memref<128x64xf32, #tpu.memory_space<vmem>>) target(%dma_start3A_136 : memref<10240x64xf32, #tpu.memory_space<vmem_shared>>) offsets(%dma_start3A_133 : memref<128xi32, #tpu.memory_space<vmem>>) semaphore(%run_scoped3A_127 : memref<!tpu.dma_semaphore, #tpu.memory_space<semaphore_mem>>) {add = true}
          %dma_wait3A_137 = arith.constant 512 : i32
          %dma_wait3A_138 = arith.constant 0 : i32
          %dma_wait3A_139 = tpu.memref_slice %arg12[%dma_wait3A_137, %dma_wait3A_138] : memref<640x64xf32, #tpu.memory_space<vmem>> -> memref<128x64xf32, #tpu.memory_space<vmem>>
          %dma_wait3A_140 = arith.constant 0 : i32
          %dma_wait3A_141 = tpu.memref_slice %arg11[%run_scoped3A_98, %run_scoped3A_99, %dma_wait3A_140] : memref<2x5x128xi32, #tpu.memory_space<vmem>> -> memref<1x1x128xi32, #tpu.memory_space<vmem>>
          %dma_wait3A_142 = tpu.memref_squeeze %dma_wait3A_141 : memref<1x1x128xi32, #tpu.memory_space<vmem>> -> memref<128xi32, #tpu.memory_space<vmem>>
          %dma_wait3A_143 = arith.constant 0 : i32
          %dma_wait3A_144 = arith.constant 0 : i32
          %dma_wait3A_145 = tpu.memref_slice %arg8[%dma_wait3A_143, %dma_wait3A_144] : memref<10240x64xf32, #tpu.memory_space<vmem_shared>> -> memref<10240x64xf32, #tpu.memory_space<vmem_shared>>
          tpu.wait_indirect_dma semaphore(%run_scoped3A_127 : memref<!tpu.dma_semaphore, #tpu.memory_space<semaphore_mem>>) src(%dma_wait3A_139 : memref<128x64xf32, #tpu.memory_space<vmem>>) dst(%dma_wait3A_145 : memref<10240x64xf32, #tpu.memory_space<vmem_shared>>)
          tpu.yield
        }) : () -> ()
        %add3A_100 = arith.constant 2 : i32
        %add3A_101 = arith.addi %add3A_51, %add3A_100 : i32
        %lt3A_102 = arith.constant 32 : i32
        %lt3A_103 = arith.cmpi slt, %add3A_101, %lt3A_102 : i32
        %convert_element_type3A_104 = arith.extui %lt3A_103 : i1 to i32
        %cond3A_105 = arith.constant 0 : i32
        %cond3A_106 = arith.cmpi ne, %convert_element_type3A_104, %cond3A_105 : i32
        scf.if %cond3A_106 {
          %add3A_127 = arith.addi %mul3A_13, %add3A_51 : i32
          %add3A_128 = arith.constant 2 : i32
          %add3A_129 = arith.addi %add3A_127, %add3A_128 : i32
          %dma_start3A_130 = arith.constant 0 : i32
          %dma_start3A_131 = arith.constant 0 : i32
          %dma_start3A_132 = arith.constant 0 : i32
          %dma_start3A_133 = tpu.memref_slice %arg11[%dma_start3A_130, %dma_start3A_131, %dma_start3A_132] : memref<2x5x128xi32, #tpu.memory_space<vmem>> -> memref<1x5x128xi32, #tpu.memory_space<vmem>>
          %dma_start3A_134 = tpu.memref_squeeze %dma_start3A_133 : memref<1x5x128xi32, #tpu.memory_space<vmem>> -> memref<5x128xi32, #tpu.memory_space<vmem>>
          %dma_start3A_135 = arith.constant 0 : i32
          %dma_start3A_136 = arith.constant 0 : i32
          %dma_start3A_137 = tpu.memref_slice %arg5[%add3A_129, %dma_start3A_135, %dma_start3A_136] : memref<512x5x128xi32, #tpu.memory_space<hbm>> -> memref<1x5x128xi32, #tpu.memory_space<hbm>>
          %dma_start3A_138 = tpu.memref_squeeze %dma_start3A_137 : memref<1x5x128xi32, #tpu.memory_space<hbm>> -> memref<5x128xi32, #tpu.memory_space<hbm>>
          %dma_start3A_139 = arith.constant 0 : i32
          %dma_start3A_140 = arith.constant 0 : i32
          %dma_start3A_141 = tpu.memref_slice %arg11[%dma_start3A_130, %dma_start3A_139, %dma_start3A_140] : memref<2x5x128xi32, #tpu.memory_space<vmem>> -> memref<1x5x128xi32, #tpu.memory_space<vmem>>
          %dma_start3A_142 = tpu.memref_squeeze %dma_start3A_141 : memref<1x5x128xi32, #tpu.memory_space<vmem>> -> memref<5x128xi32, #tpu.memory_space<vmem>>
          %dma_start3A_143 = arith.constant 0 : i32
          %dma_start3A_144 = arith.constant 0 : i32
          %dma_start3A_145 = tpu.memref_slice %arg5[%add3A_129, %dma_start3A_143, %dma_start3A_144] : memref<512x5x128xi32, #tpu.memory_space<hbm>> -> memref<1x5x128xi32, #tpu.memory_space<hbm>>
          %dma_start3A_146 = tpu.memref_squeeze %dma_start3A_145 : memref<1x5x128xi32, #tpu.memory_space<hbm>> -> memref<5x128xi32, #tpu.memory_space<hbm>>
          tpu.enqueue_dma source(%dma_start3A_146 : memref<5x128xi32, #tpu.memory_space<hbm>>) target(%dma_start3A_142 : memref<5x128xi32, #tpu.memory_space<vmem>>) target_semaphore(%arg16 : memref<!tpu.dma_semaphore, #tpu.memory_space<semaphore_mem>>)
          %add3A_147 = arith.constant 2 : i32
          %add3A_148 = arith.addi %add3A_51, %add3A_147 : i32
          %mul3A_149 = arith.constant 640 : i32
          %mul3A_150 = arith.muli %add3A_148, %mul3A_149 : i32
          %add3A_151 = arith.addi %mul3A_11, %mul3A_150 : i32
          %dma_wait3A_152 = tpu.memref_slice %arg4[%add3A_151] : memref<327680xi32, #tpu.memory_space<hbm>> -> memref<640xi32, #tpu.memory_space<hbm>>
          %dma_wait3A_153 = tpu.memref_slice %arg4[%add3A_151] : memref<327680xi32, #tpu.memory_space<hbm>> -> memref<640xi32, #tpu.memory_space<hbm>>
          tpu.wait_dma2 semaphore(%arg16 : memref<!tpu.dma_semaphore, #tpu.memory_space<semaphore_mem>>) src(%dma_wait3A_153 : memref<640xi32, #tpu.memory_space<hbm>>) dst(%arg9 : memref<640xi32, #tpu.memory_space<vmem>>)
          %add3A_154 = arith.addi %mul3A_13, %add3A_51 : i32
          %add3A_155 = arith.constant 2 : i32
          %add3A_156 = arith.addi %add3A_154, %add3A_155 : i32
          %dma_wait3A_157 = arith.constant 0 : i32
          %dma_wait3A_158 = arith.constant 0 : i32
          %dma_wait3A_159 = arith.constant 0 : i32
          %dma_wait3A_160 = tpu.memref_slice %arg11[%dma_wait3A_157, %dma_wait3A_158, %dma_wait3A_159] : memref<2x5x128xi32, #tpu.memory_space<vmem>> -> memref<1x5x128xi32, #tpu.memory_space<vmem>>
          %dma_wait3A_161 = tpu.memref_squeeze %dma_wait3A_160 : memref<1x5x128xi32, #tpu.memory_space<vmem>> -> memref<5x128xi32, #tpu.memory_space<vmem>>
          %dma_wait3A_162 = arith.constant 0 : i32
          %dma_wait3A_163 = arith.constant 0 : i32
          %dma_wait3A_164 = tpu.memref_slice %arg5[%add3A_156, %dma_wait3A_162, %dma_wait3A_163] : memref<512x5x128xi32, #tpu.memory_space<hbm>> -> memref<1x5x128xi32, #tpu.memory_space<hbm>>
          %dma_wait3A_165 = tpu.memref_squeeze %dma_wait3A_164 : memref<1x5x128xi32, #tpu.memory_space<hbm>> -> memref<5x128xi32, #tpu.memory_space<hbm>>
          %dma_wait3A_166 = arith.constant 0 : i32
          %dma_wait3A_167 = arith.constant 0 : i32
          %dma_wait3A_168 = tpu.memref_slice %arg11[%dma_wait3A_157, %dma_wait3A_166, %dma_wait3A_167] : memref<2x5x128xi32, #tpu.memory_space<vmem>> -> memref<1x5x128xi32, #tpu.memory_space<vmem>>
          %dma_wait3A_169 = tpu.memref_squeeze %dma_wait3A_168 : memref<1x5x128xi32, #tpu.memory_space<vmem>> -> memref<5x128xi32, #tpu.memory_space<vmem>>
          %dma_wait3A_170 = arith.constant 0 : i32
          %dma_wait3A_171 = arith.constant 0 : i32
          %dma_wait3A_172 = tpu.memref_slice %arg5[%add3A_156, %dma_wait3A_170, %dma_wait3A_171] : memref<512x5x128xi32, #tpu.memory_space<hbm>> -> memref<1x5x128xi32, #tpu.memory_space<hbm>>
          %dma_wait3A_173 = tpu.memref_squeeze %dma_wait3A_172 : memref<1x5x128xi32, #tpu.memory_space<hbm>> -> memref<5x128xi32, #tpu.memory_space<hbm>>
          tpu.wait_dma2 semaphore(%arg16 : memref<!tpu.dma_semaphore, #tpu.memory_space<semaphore_mem>>) src(%dma_wait3A_173 : memref<5x128xi32, #tpu.memory_space<hbm>>) dst(%dma_wait3A_169 : memref<5x128xi32, #tpu.memory_space<vmem>>)
          %dma_start3A_174 = arith.constant 0 : i32
          %dma_start3A_175 = arith.constant 0 : i32
          %dma_start3A_176 = tpu.memref_slice %arg2[%dma_start3A_174, %dma_start3A_175] : memref<10000x64xf32, #tpu.memory_space<hbm>> -> memref<10000x64xf32, #tpu.memory_space<hbm>>
          tpu.enqueue_indirect_dma source(%dma_start3A_176 : memref<10000x64xf32, #tpu.memory_space<hbm>>) target(%arg12 : memref<640x64xf32, #tpu.memory_space<vmem>>) offsets(%arg9 : memref<640xi32, #tpu.memory_space<vmem>>) semaphore(%arg14 : memref<!tpu.dma_semaphore, #tpu.memory_space<semaphore_mem>>)
        } else {
        }
        %dma_wait3A_107 = arith.constant 0 : i32
        %dma_wait3A_108 = arith.constant 0 : i32
        %dma_wait3A_109 = tpu.memref_slice %arg2[%dma_wait3A_107, %dma_wait3A_108] : memref<10000x64xf32, #tpu.memory_space<hbm>> -> memref<10000x64xf32, #tpu.memory_space<hbm>>
        tpu.wait_indirect_dma semaphore(%arg15 : memref<!tpu.dma_semaphore, #tpu.memory_space<semaphore_mem>>) src(%dma_wait3A_109 : memref<10000x64xf32, #tpu.memory_space<hbm>>) dst(%arg13 : memref<640x64xf32, #tpu.memory_space<vmem>>)
        %run_scoped3A_110 = arith.constant 1 : i32
        %run_scoped3A_111 = arith.constant 0 : i32
        "tpu.region"() ({
          %run_scoped3A_127 = tpu.sem_alloc : memref<!tpu.dma_semaphore, #tpu.memory_space<semaphore_mem>>
          %dma_start3A_128 = arith.constant 0 : i32
          %dma_start3A_129 = arith.constant 0 : i32
          %dma_start3A_130 = tpu.memref_slice %arg13[%dma_start3A_128, %dma_start3A_129] : memref<640x64xf32, #tpu.memory_space<vmem>> -> memref<128x64xf32, #tpu.memory_space<vmem>>
          %dma_start3A_131 = arith.constant 0 : i32
          %dma_start3A_132 = tpu.memref_slice %arg11[%run_scoped3A_110, %run_scoped3A_111, %dma_start3A_131] : memref<2x5x128xi32, #tpu.memory_space<vmem>> -> memref<1x1x128xi32, #tpu.memory_space<vmem>>
          %dma_start3A_133 = tpu.memref_squeeze %dma_start3A_132 : memref<1x1x128xi32, #tpu.memory_space<vmem>> -> memref<128xi32, #tpu.memory_space<vmem>>
          %dma_start3A_134 = arith.constant 0 : i32
          %dma_start3A_135 = arith.constant 0 : i32
          %dma_start3A_136 = tpu.memref_slice %arg8[%dma_start3A_134, %dma_start3A_135] : memref<10240x64xf32, #tpu.memory_space<vmem_shared>> -> memref<10240x64xf32, #tpu.memory_space<vmem_shared>>
          tpu.enqueue_indirect_dma source(%dma_start3A_130 : memref<128x64xf32, #tpu.memory_space<vmem>>) target(%dma_start3A_136 : memref<10240x64xf32, #tpu.memory_space<vmem_shared>>) offsets(%dma_start3A_133 : memref<128xi32, #tpu.memory_space<vmem>>) semaphore(%run_scoped3A_127 : memref<!tpu.dma_semaphore, #tpu.memory_space<semaphore_mem>>) {add = true}
          %dma_wait3A_137 = arith.constant 0 : i32
          %dma_wait3A_138 = arith.constant 0 : i32
          %dma_wait3A_139 = tpu.memref_slice %arg13[%dma_wait3A_137, %dma_wait3A_138] : memref<640x64xf32, #tpu.memory_space<vmem>> -> memref<128x64xf32, #tpu.memory_space<vmem>>
          %dma_wait3A_140 = arith.constant 0 : i32
          %dma_wait3A_141 = tpu.memref_slice %arg11[%run_scoped3A_110, %run_scoped3A_111, %dma_wait3A_140] : memref<2x5x128xi32, #tpu.memory_space<vmem>> -> memref<1x1x128xi32, #tpu.memory_space<vmem>>
          %dma_wait3A_142 = tpu.memref_squeeze %dma_wait3A_141 : memref<1x1x128xi32, #tpu.memory_space<vmem>> -> memref<128xi32, #tpu.memory_space<vmem>>
          %dma_wait3A_143 = arith.constant 0 : i32
          %dma_wait3A_144 = arith.constant 0 : i32
          %dma_wait3A_145 = tpu.memref_slice %arg8[%dma_wait3A_143, %dma_wait3A_144] : memref<10240x64xf32, #tpu.memory_space<vmem_shared>> -> memref<10240x64xf32, #tpu.memory_space<vmem_shared>>
          tpu.wait_indirect_dma semaphore(%run_scoped3A_127 : memref<!tpu.dma_semaphore, #tpu.memory_space<semaphore_mem>>) src(%dma_wait3A_139 : memref<128x64xf32, #tpu.memory_space<vmem>>) dst(%dma_wait3A_145 : memref<10240x64xf32, #tpu.memory_space<vmem_shared>>)
          tpu.yield
        }) : () -> ()
        %run_scoped3A_112 = arith.constant 1 : i32
        %run_scoped3A_113 = arith.constant 1 : i32
        "tpu.region"() ({
          %run_scoped3A_127 = tpu.sem_alloc : memref<!tpu.dma_semaphore, #tpu.memory_space<semaphore_mem>>
          %dma_start3A_128 = arith.constant 128 : i32
          %dma_start3A_129 = arith.constant 0 : i32
          %dma_start3A_130 = tpu.memref_slice %arg13[%dma_start3A_128, %dma_start3A_129] : memref<640x64xf32, #tpu.memory_space<vmem>> -> memref<128x64xf32, #tpu.memory_space<vmem>>
          %dma_start3A_131 = arith.constant 0 : i32
          %dma_start3A_132 = tpu.memref_slice %arg11[%run_scoped3A_112, %run_scoped3A_113, %dma_start3A_131] : memref<2x5x128xi32, #tpu.memory_space<vmem>> -> memref<1x1x128xi32, #tpu.memory_space<vmem>>
          %dma_start3A_133 = tpu.memref_squeeze %dma_start3A_132 : memref<1x1x128xi32, #tpu.memory_space<vmem>> -> memref<128xi32, #tpu.memory_space<vmem>>
          %dma_start3A_134 = arith.constant 0 : i32
          %dma_start3A_135 = arith.constant 0 : i32
          %dma_start3A_136 = tpu.memref_slice %arg8[%dma_start3A_134, %dma_start3A_135] : memref<10240x64xf32, #tpu.memory_space<vmem_shared>> -> memref<10240x64xf32, #tpu.memory_space<vmem_shared>>
          tpu.enqueue_indirect_dma source(%dma_start3A_130 : memref<128x64xf32, #tpu.memory_space<vmem>>) target(%dma_start3A_136 : memref<10240x64xf32, #tpu.memory_space<vmem_shared>>) offsets(%dma_start3A_133 : memref<128xi32, #tpu.memory_space<vmem>>) semaphore(%run_scoped3A_127 : memref<!tpu.dma_semaphore, #tpu.memory_space<semaphore_mem>>) {add = true}
          %dma_wait3A_137 = arith.constant 128 : i32
          %dma_wait3A_138 = arith.constant 0 : i32
          %dma_wait3A_139 = tpu.memref_slice %arg13[%dma_wait3A_137, %dma_wait3A_138] : memref<640x64xf32, #tpu.memory_space<vmem>> -> memref<128x64xf32, #tpu.memory_space<vmem>>
          %dma_wait3A_140 = arith.constant 0 : i32
          %dma_wait3A_141 = tpu.memref_slice %arg11[%run_scoped3A_112, %run_scoped3A_113, %dma_wait3A_140] : memref<2x5x128xi32, #tpu.memory_space<vmem>> -> memref<1x1x128xi32, #tpu.memory_space<vmem>>
          %dma_wait3A_142 = tpu.memref_squeeze %dma_wait3A_141 : memref<1x1x128xi32, #tpu.memory_space<vmem>> -> memref<128xi32, #tpu.memory_space<vmem>>
          %dma_wait3A_143 = arith.constant 0 : i32
          %dma_wait3A_144 = arith.constant 0 : i32
          %dma_wait3A_145 = tpu.memref_slice %arg8[%dma_wait3A_143, %dma_wait3A_144] : memref<10240x64xf32, #tpu.memory_space<vmem_shared>> -> memref<10240x64xf32, #tpu.memory_space<vmem_shared>>
          tpu.wait_indirect_dma semaphore(%run_scoped3A_127 : memref<!tpu.dma_semaphore, #tpu.memory_space<semaphore_mem>>) src(%dma_wait3A_139 : memref<128x64xf32, #tpu.memory_space<vmem>>) dst(%dma_wait3A_145 : memref<10240x64xf32, #tpu.memory_space<vmem_shared>>)
          tpu.yield
        }) : () -> ()
        %run_scoped3A_114 = arith.constant 1 : i32
        %run_scoped3A_115 = arith.constant 2 : i32
        "tpu.region"() ({
          %run_scoped3A_127 = tpu.sem_alloc : memref<!tpu.dma_semaphore, #tpu.memory_space<semaphore_mem>>
          %dma_start3A_128 = arith.constant 256 : i32
          %dma_start3A_129 = arith.constant 0 : i32
          %dma_start3A_130 = tpu.memref_slice %arg13[%dma_start3A_128, %dma_start3A_129] : memref<640x64xf32, #tpu.memory_space<vmem>> -> memref<128x64xf32, #tpu.memory_space<vmem>>
          %dma_start3A_131 = arith.constant 0 : i32
          %dma_start3A_132 = tpu.memref_slice %arg11[%run_scoped3A_114, %run_scoped3A_115, %dma_start3A_131] : memref<2x5x128xi32, #tpu.memory_space<vmem>> -> memref<1x1x128xi32, #tpu.memory_space<vmem>>
          %dma_start3A_133 = tpu.memref_squeeze %dma_start3A_132 : memref<1x1x128xi32, #tpu.memory_space<vmem>> -> memref<128xi32, #tpu.memory_space<vmem>>
          %dma_start3A_134 = arith.constant 0 : i32
          %dma_start3A_135 = arith.constant 0 : i32
          %dma_start3A_136 = tpu.memref_slice %arg8[%dma_start3A_134, %dma_start3A_135] : memref<10240x64xf32, #tpu.memory_space<vmem_shared>> -> memref<10240x64xf32, #tpu.memory_space<vmem_shared>>
          tpu.enqueue_indirect_dma source(%dma_start3A_130 : memref<128x64xf32, #tpu.memory_space<vmem>>) target(%dma_start3A_136 : memref<10240x64xf32, #tpu.memory_space<vmem_shared>>) offsets(%dma_start3A_133 : memref<128xi32, #tpu.memory_space<vmem>>) semaphore(%run_scoped3A_127 : memref<!tpu.dma_semaphore, #tpu.memory_space<semaphore_mem>>) {add = true}
          %dma_wait3A_137 = arith.constant 256 : i32
          %dma_wait3A_138 = arith.constant 0 : i32
          %dma_wait3A_139 = tpu.memref_slice %arg13[%dma_wait3A_137, %dma_wait3A_138] : memref<640x64xf32, #tpu.memory_space<vmem>> -> memref<128x64xf32, #tpu.memory_space<vmem>>
          %dma_wait3A_140 = arith.constant 0 : i32
          %dma_wait3A_141 = tpu.memref_slice %arg11[%run_scoped3A_114, %run_scoped3A_115, %dma_wait3A_140] : memref<2x5x128xi32, #tpu.memory_space<vmem>> -> memref<1x1x128xi32, #tpu.memory_space<vmem>>
          %dma_wait3A_142 = tpu.memref_squeeze %dma_wait3A_141 : memref<1x1x128xi32, #tpu.memory_space<vmem>> -> memref<128xi32, #tpu.memory_space<vmem>>
          %dma_wait3A_143 = arith.constant 0 : i32
          %dma_wait3A_144 = arith.constant 0 : i32
          %dma_wait3A_145 = tpu.memref_slice %arg8[%dma_wait3A_143, %dma_wait3A_144] : memref<10240x64xf32, #tpu.memory_space<vmem_shared>> -> memref<10240x64xf32, #tpu.memory_space<vmem_shared>>
          tpu.wait_indirect_dma semaphore(%run_scoped3A_127 : memref<!tpu.dma_semaphore, #tpu.memory_space<semaphore_mem>>) src(%dma_wait3A_139 : memref<128x64xf32, #tpu.memory_space<vmem>>) dst(%dma_wait3A_145 : memref<10240x64xf32, #tpu.memory_space<vmem_shared>>)
          tpu.yield
        }) : () -> ()
        %run_scoped3A_116 = arith.constant 1 : i32
        %run_scoped3A_117 = arith.constant 3 : i32
        "tpu.region"() ({
          %run_scoped3A_127 = tpu.sem_alloc : memref<!tpu.dma_semaphore, #tpu.memory_space<semaphore_mem>>
          %dma_start3A_128 = arith.constant 384 : i32
          %dma_start3A_129 = arith.constant 0 : i32
          %dma_start3A_130 = tpu.memref_slice %arg13[%dma_start3A_128, %dma_start3A_129] : memref<640x64xf32, #tpu.memory_space<vmem>> -> memref<128x64xf32, #tpu.memory_space<vmem>>
          %dma_start3A_131 = arith.constant 0 : i32
          %dma_start3A_132 = tpu.memref_slice %arg11[%run_scoped3A_116, %run_scoped3A_117, %dma_start3A_131] : memref<2x5x128xi32, #tpu.memory_space<vmem>> -> memref<1x1x128xi32, #tpu.memory_space<vmem>>
          %dma_start3A_133 = tpu.memref_squeeze %dma_start3A_132 : memref<1x1x128xi32, #tpu.memory_space<vmem>> -> memref<128xi32, #tpu.memory_space<vmem>>
          %dma_start3A_134 = arith.constant 0 : i32
          %dma_start3A_135 = arith.constant 0 : i32
          %dma_start3A_136 = tpu.memref_slice %arg8[%dma_start3A_134, %dma_start3A_135] : memref<10240x64xf32, #tpu.memory_space<vmem_shared>> -> memref<10240x64xf32, #tpu.memory_space<vmem_shared>>
          tpu.enqueue_indirect_dma source(%dma_start3A_130 : memref<128x64xf32, #tpu.memory_space<vmem>>) target(%dma_start3A_136 : memref<10240x64xf32, #tpu.memory_space<vmem_shared>>) offsets(%dma_start3A_133 : memref<128xi32, #tpu.memory_space<vmem>>) semaphore(%run_scoped3A_127 : memref<!tpu.dma_semaphore, #tpu.memory_space<semaphore_mem>>) {add = true}
          %dma_wait3A_137 = arith.constant 384 : i32
          %dma_wait3A_138 = arith.constant 0 : i32
          %dma_wait3A_139 = tpu.memref_slice %arg13[%dma_wait3A_137, %dma_wait3A_138] : memref<640x64xf32, #tpu.memory_space<vmem>> -> memref<128x64xf32, #tpu.memory_space<vmem>>
          %dma_wait3A_140 = arith.constant 0 : i32
          %dma_wait3A_141 = tpu.memref_slice %arg11[%run_scoped3A_116, %run_scoped3A_117, %dma_wait3A_140] : memref<2x5x128xi32, #tpu.memory_space<vmem>> -> memref<1x1x128xi32, #tpu.memory_space<vmem>>
          %dma_wait3A_142 = tpu.memref_squeeze %dma_wait3A_141 : memref<1x1x128xi32, #tpu.memory_space<vmem>> -> memref<128xi32, #tpu.memory_space<vmem>>
          %dma_wait3A_143 = arith.constant 0 : i32
          %dma_wait3A_144 = arith.constant 0 : i32
          %dma_wait3A_145 = tpu.memref_slice %arg8[%dma_wait3A_143, %dma_wait3A_144] : memref<10240x64xf32, #tpu.memory_space<vmem_shared>> -> memref<10240x64xf32, #tpu.memory_space<vmem_shared>>
          tpu.wait_indirect_dma semaphore(%run_scoped3A_127 : memref<!tpu.dma_semaphore, #tpu.memory_space<semaphore_mem>>) src(%dma_wait3A_139 : memref<128x64xf32, #tpu.memory_space<vmem>>) dst(%dma_wait3A_145 : memref<10240x64xf32, #tpu.memory_space<vmem_shared>>)
          tpu.yield
        }) : () -> ()
        %run_scoped3A_118 = arith.constant 1 : i32
        %run_scoped3A_119 = arith.constant 4 : i32
        "tpu.region"() ({
          %run_scoped3A_127 = tpu.sem_alloc : memref<!tpu.dma_semaphore, #tpu.memory_space<semaphore_mem>>
          %dma_start3A_128 = arith.constant 512 : i32
          %dma_start3A_129 = arith.constant 0 : i32
          %dma_start3A_130 = tpu.memref_slice %arg13[%dma_start3A_128, %dma_start3A_129] : memref<640x64xf32, #tpu.memory_space<vmem>> -> memref<128x64xf32, #tpu.memory_space<vmem>>
          %dma_start3A_131 = arith.constant 0 : i32
          %dma_start3A_132 = tpu.memref_slice %arg11[%run_scoped3A_118, %run_scoped3A_119, %dma_start3A_131] : memref<2x5x128xi32, #tpu.memory_space<vmem>> -> memref<1x1x128xi32, #tpu.memory_space<vmem>>
          %dma_start3A_133 = tpu.memref_squeeze %dma_start3A_132 : memref<1x1x128xi32, #tpu.memory_space<vmem>> -> memref<128xi32, #tpu.memory_space<vmem>>
          %dma_start3A_134 = arith.constant 0 : i32
          %dma_start3A_135 = arith.constant 0 : i32
          %dma_start3A_136 = tpu.memref_slice %arg8[%dma_start3A_134, %dma_start3A_135] : memref<10240x64xf32, #tpu.memory_space<vmem_shared>> -> memref<10240x64xf32, #tpu.memory_space<vmem_shared>>
          tpu.enqueue_indirect_dma source(%dma_start3A_130 : memref<128x64xf32, #tpu.memory_space<vmem>>) target(%dma_start3A_136 : memref<10240x64xf32, #tpu.memory_space<vmem_shared>>) offsets(%dma_start3A_133 : memref<128xi32, #tpu.memory_space<vmem>>) semaphore(%run_scoped3A_127 : memref<!tpu.dma_semaphore, #tpu.memory_space<semaphore_mem>>) {add = true}
          %dma_wait3A_137 = arith.constant 512 : i32
          %dma_wait3A_138 = arith.constant 0 : i32
          %dma_wait3A_139 = tpu.memref_slice %arg13[%dma_wait3A_137, %dma_wait3A_138] : memref<640x64xf32, #tpu.memory_space<vmem>> -> memref<128x64xf32, #tpu.memory_space<vmem>>
          %dma_wait3A_140 = arith.constant 0 : i32
          %dma_wait3A_141 = tpu.memref_slice %arg11[%run_scoped3A_118, %run_scoped3A_119, %dma_wait3A_140] : memref<2x5x128xi32, #tpu.memory_space<vmem>> -> memref<1x1x128xi32, #tpu.memory_space<vmem>>
          %dma_wait3A_142 = tpu.memref_squeeze %dma_wait3A_141 : memref<1x1x128xi32, #tpu.memory_space<vmem>> -> memref<128xi32, #tpu.memory_space<vmem>>
          %dma_wait3A_143 = arith.constant 0 : i32
          %dma_wait3A_144 = arith.constant 0 : i32
          %dma_wait3A_145 = tpu.memref_slice %arg8[%dma_wait3A_143, %dma_wait3A_144] : memref<10240x64xf32, #tpu.memory_space<vmem_shared>> -> memref<10240x64xf32, #tpu.memory_space<vmem_shared>>
          tpu.wait_indirect_dma semaphore(%run_scoped3A_127 : memref<!tpu.dma_semaphore, #tpu.memory_space<semaphore_mem>>) src(%dma_wait3A_139 : memref<128x64xf32, #tpu.memory_space<vmem>>) dst(%dma_wait3A_145 : memref<10240x64xf32, #tpu.memory_space<vmem_shared>>)
          tpu.yield
        }) : () -> ()
        %add3A_120 = arith.constant 3 : i32
        %add3A_121 = arith.addi %add3A_51, %add3A_120 : i32
        %lt3A_122 = arith.constant 32 : i32
        %lt3A_123 = arith.cmpi slt, %add3A_121, %lt3A_122 : i32
        %convert_element_type3A_124 = arith.extui %lt3A_123 : i1 to i32
        %cond3A_125 = arith.constant 0 : i32
        %cond3A_126 = arith.cmpi ne, %convert_element_type3A_124, %cond3A_125 : i32
        scf.if %cond3A_126 {
          %add3A_127 = arith.constant 3 : i32
          %add3A_128 = arith.addi %add3A_51, %add3A_127 : i32
          %mul3A_129 = arith.constant 640 : i32
          %mul3A_130 = arith.muli %add3A_128, %mul3A_129 : i32
          %add3A_131 = arith.addi %mul3A_11, %mul3A_130 : i32
          %dma_start3A_132 = tpu.memref_slice %arg4[%add3A_131] : memref<327680xi32, #tpu.memory_space<hbm>> -> memref<640xi32, #tpu.memory_space<hbm>>
          %dma_start3A_133 = tpu.memref_slice %arg4[%add3A_131] : memref<327680xi32, #tpu.memory_space<hbm>> -> memref<640xi32, #tpu.memory_space<hbm>>
          tpu.enqueue_dma source(%dma_start3A_133 : memref<640xi32, #tpu.memory_space<hbm>>) target(%arg10 : memref<640xi32, #tpu.memory_space<vmem>>) target_semaphore(%arg17 : memref<!tpu.dma_semaphore, #tpu.memory_space<semaphore_mem>>)
          %add3A_134 = arith.addi %mul3A_13, %add3A_51 : i32
          %add3A_135 = arith.constant 3 : i32
          %add3A_136 = arith.addi %add3A_134, %add3A_135 : i32
          %dma_start3A_137 = arith.constant 1 : i32
          %dma_start3A_138 = arith.constant 0 : i32
          %dma_start3A_139 = arith.constant 0 : i32
          %dma_start3A_140 = tpu.memref_slice %arg11[%dma_start3A_137, %dma_start3A_138, %dma_start3A_139] : memref<2x5x128xi32, #tpu.memory_space<vmem>> -> memref<1x5x128xi32, #tpu.memory_space<vmem>>
          %dma_start3A_141 = tpu.memref_squeeze %dma_start3A_140 : memref<1x5x128xi32, #tpu.memory_space<vmem>> -> memref<5x128xi32, #tpu.memory_space<vmem>>
          %dma_start3A_142 = arith.constant 0 : i32
          %dma_start3A_143 = arith.constant 0 : i32
          %dma_start3A_144 = tpu.memref_slice %arg5[%add3A_136, %dma_start3A_142, %dma_start3A_143] : memref<512x5x128xi32, #tpu.memory_space<hbm>> -> memref<1x5x128xi32, #tpu.memory_space<hbm>>
          %dma_start3A_145 = tpu.memref_squeeze %dma_start3A_144 : memref<1x5x128xi32, #tpu.memory_space<hbm>> -> memref<5x128xi32, #tpu.memory_space<hbm>>
          %dma_start3A_146 = arith.constant 0 : i32
          %dma_start3A_147 = arith.constant 0 : i32
          %dma_start3A_148 = tpu.memref_slice %arg11[%dma_start3A_137, %dma_start3A_146, %dma_start3A_147] : memref<2x5x128xi32, #tpu.memory_space<vmem>> -> memref<1x5x128xi32, #tpu.memory_space<vmem>>
          %dma_start3A_149 = tpu.memref_squeeze %dma_start3A_148 : memref<1x5x128xi32, #tpu.memory_space<vmem>> -> memref<5x128xi32, #tpu.memory_space<vmem>>
          %dma_start3A_150 = arith.constant 0 : i32
          %dma_start3A_151 = arith.constant 0 : i32
          %dma_start3A_152 = tpu.memref_slice %arg5[%add3A_136, %dma_start3A_150, %dma_start3A_151] : memref<512x5x128xi32, #tpu.memory_space<hbm>> -> memref<1x5x128xi32, #tpu.memory_space<hbm>>
          %dma_start3A_153 = tpu.memref_squeeze %dma_start3A_152 : memref<1x5x128xi32, #tpu.memory_space<hbm>> -> memref<5x128xi32, #tpu.memory_space<hbm>>
          tpu.enqueue_dma source(%dma_start3A_153 : memref<5x128xi32, #tpu.memory_space<hbm>>) target(%dma_start3A_149 : memref<5x128xi32, #tpu.memory_space<vmem>>) target_semaphore(%arg17 : memref<!tpu.dma_semaphore, #tpu.memory_space<semaphore_mem>>)
        } else {
        }
      }
      %scan3A_46 = arith.constant 16 : i32
    } else {
    }
    %eq3A_2 = arith.constant 1 : i32
    %eq3A_3 = arith.cmpi eq, %arg0, %eq3A_2 : i32
    %convert_element_type3A_4 = arith.extui %eq3A_3 : i1 to i32
    %cond3A_5 = arith.constant 0 : i32
    %cond3A_6 = arith.cmpi ne, %convert_element_type3A_4, %cond3A_5 : i32
    scf.if %cond3A_6 {
      %mul3A_10 = arith.constant 20480 : i32
      %mul3A_11 = arith.muli %arg1, %mul3A_10 : i32
      %mul3A_12 = arith.constant 32 : i32
      %mul3A_13 = arith.muli %arg1, %mul3A_12 : i32
      "tpu.region"() ({
        %run_scoped3A_47 = tpu.sem_alloc : memref<!tpu.dma_semaphore, #tpu.memory_space<semaphore_mem>>
        %dma_start3A_48 = tpu.memref_slice %arg4[%mul3A_11] : memref<327680xi32, #tpu.memory_space<hbm>> -> memref<640xi32, #tpu.memory_space<hbm>>
        %dma_start3A_49 = tpu.memref_slice %arg4[%mul3A_11] : memref<327680xi32, #tpu.memory_space<hbm>> -> memref<640xi32, #tpu.memory_space<hbm>>
        tpu.enqueue_dma source(%dma_start3A_49 : memref<640xi32, #tpu.memory_space<hbm>>) target(%arg9 : memref<640xi32, #tpu.memory_space<vmem>>) target_semaphore(%run_scoped3A_47 : memref<!tpu.dma_semaphore, #tpu.memory_space<semaphore_mem>>)
        %dma_wait3A = tpu.memref_slice %arg4[%mul3A_11] : memref<327680xi32, #tpu.memory_space<hbm>> -> memref<640xi32, #tpu.memory_space<hbm>>
        %dma_wait3A_50 = tpu.memref_slice %arg4[%mul3A_11] : memref<327680xi32, #tpu.memory_space<hbm>> -> memref<640xi32, #tpu.memory_space<hbm>>
        tpu.wait_dma2 semaphore(%run_scoped3A_47 : memref<!tpu.dma_semaphore, #tpu.memory_space<semaphore_mem>>) src(%dma_wait3A_50 : memref<640xi32, #tpu.memory_space<hbm>>) dst(%arg9 : memref<640xi32, #tpu.memory_space<vmem>>)
        tpu.yield
      }) : () -> ()
      %run_scoped3A = arith.constant 0 : i32
      "tpu.region"() ({
        %run_scoped3A_47 = tpu.sem_alloc : memref<!tpu.dma_semaphore, #tpu.memory_space<semaphore_mem>>
        %dma_start3A_48 = arith.constant 0 : i32
        %dma_start3A_49 = arith.constant 0 : i32
        %dma_start3A_50 = tpu.memref_slice %arg11[%run_scoped3A, %dma_start3A_48, %dma_start3A_49] : memref<2x5x128xi32, #tpu.memory_space<vmem>> -> memref<1x5x128xi32, #tpu.memory_space<vmem>>
        %dma_start3A_51 = tpu.memref_squeeze %dma_start3A_50 : memref<1x5x128xi32, #tpu.memory_space<vmem>> -> memref<5x128xi32, #tpu.memory_space<vmem>>
        %dma_start3A_52 = arith.constant 0 : i32
        %dma_start3A_53 = arith.constant 0 : i32
        %dma_start3A_54 = tpu.memref_slice %arg5[%mul3A_13, %dma_start3A_52, %dma_start3A_53] : memref<512x5x128xi32, #tpu.memory_space<hbm>> -> memref<1x5x128xi32, #tpu.memory_space<hbm>>
        %dma_start3A_55 = tpu.memref_squeeze %dma_start3A_54 : memref<1x5x128xi32, #tpu.memory_space<hbm>> -> memref<5x128xi32, #tpu.memory_space<hbm>>
        %dma_start3A_56 = arith.constant 0 : i32
        %dma_start3A_57 = arith.constant 0 : i32
        %dma_start3A_58 = tpu.memref_slice %arg11[%run_scoped3A, %dma_start3A_56, %dma_start3A_57] : memref<2x5x128xi32, #tpu.memory_space<vmem>> -> memref<1x5x128xi32, #tpu.memory_space<vmem>>
        %dma_start3A_59 = tpu.memref_squeeze %dma_start3A_58 : memref<1x5x128xi32, #tpu.memory_space<vmem>> -> memref<5x128xi32, #tpu.memory_space<vmem>>
        %dma_start3A_60 = arith.constant 0 : i32
        %dma_start3A_61 = arith.constant 0 : i32
        %dma_start3A_62 = tpu.memref_slice %arg5[%mul3A_13, %dma_start3A_60, %dma_start3A_61] : memref<512x5x128xi32, #tpu.memory_space<hbm>> -> memref<1x5x128xi32, #tpu.memory_space<hbm>>
        %dma_start3A_63 = tpu.memref_squeeze %dma_start3A_62 : memref<1x5x128xi32, #tpu.memory_space<hbm>> -> memref<5x128xi32, #tpu.memory_space<hbm>>
        tpu.enqueue_dma source(%dma_start3A_63 : memref<5x128xi32, #tpu.memory_space<hbm>>) target(%dma_start3A_59 : memref<5x128xi32, #tpu.memory_space<vmem>>) target_semaphore(%run_scoped3A_47 : memref<!tpu.dma_semaphore, #tpu.memory_space<semaphore_mem>>)
        %dma_wait3A = arith.constant 0 : i32
        %dma_wait3A_64 = arith.constant 0 : i32
        %dma_wait3A_65 = tpu.memref_slice %arg11[%run_scoped3A, %dma_wait3A, %dma_wait3A_64] : memref<2x5x128xi32, #tpu.memory_space<vmem>> -> memref<1x5x128xi32, #tpu.memory_space<vmem>>
        %dma_wait3A_66 = tpu.memref_squeeze %dma_wait3A_65 : memref<1x5x128xi32, #tpu.memory_space<vmem>> -> memref<5x128xi32, #tpu.memory_space<vmem>>
        %dma_wait3A_67 = arith.constant 0 : i32
        %dma_wait3A_68 = arith.constant 0 : i32
        %dma_wait3A_69 = tpu.memref_slice %arg5[%mul3A_13, %dma_wait3A_67, %dma_wait3A_68] : memref<512x5x128xi32, #tpu.memory_space<hbm>> -> memref<1x5x128xi32, #tpu.memory_space<hbm>>
        %dma_wait3A_70 = tpu.memref_squeeze %dma_wait3A_69 : memref<1x5x128xi32, #tpu.memory_space<hbm>> -> memref<5x128xi32, #tpu.memory_space<hbm>>
        %dma_wait3A_71 = arith.constant 0 : i32
        %dma_wait3A_72 = arith.constant 0 : i32
        %dma_wait3A_73 = tpu.memref_slice %arg11[%run_scoped3A, %dma_wait3A_71, %dma_wait3A_72] : memref<2x5x128xi32, #tpu.memory_space<vmem>> -> memref<1x5x128xi32, #tpu.memory_space<vmem>>
        %dma_wait3A_74 = tpu.memref_squeeze %dma_wait3A_73 : memref<1x5x128xi32, #tpu.memory_space<vmem>> -> memref<5x128xi32, #tpu.memory_space<vmem>>
        %dma_wait3A_75 = arith.constant 0 : i32
        %dma_wait3A_76 = arith.constant 0 : i32
        %dma_wait3A_77 = tpu.memref_slice %arg5[%mul3A_13, %dma_wait3A_75, %dma_wait3A_76] : memref<512x5x128xi32, #tpu.memory_space<hbm>> -> memref<1x5x128xi32, #tpu.memory_space<hbm>>
        %dma_wait3A_78 = tpu.memref_squeeze %dma_wait3A_77 : memref<1x5x128xi32, #tpu.memory_space<hbm>> -> memref<5x128xi32, #tpu.memory_space<hbm>>
        tpu.wait_dma2 semaphore(%run_scoped3A_47 : memref<!tpu.dma_semaphore, #tpu.memory_space<semaphore_mem>>) src(%dma_wait3A_78 : memref<5x128xi32, #tpu.memory_space<hbm>>) dst(%dma_wait3A_74 : memref<5x128xi32, #tpu.memory_space<vmem>>)
        tpu.yield
      }) : () -> ()
      %add3A = arith.constant 640 : i32
      %add3A_14 = arith.addi %mul3A_11, %add3A : i32
      %dma_start3A = tpu.memref_slice %arg4[%add3A_14] : memref<327680xi32, #tpu.memory_space<hbm>> -> memref<640xi32, #tpu.memory_space<hbm>>
      %dma_start3A_15 = tpu.memref_slice %arg4[%add3A_14] : memref<327680xi32, #tpu.memory_space<hbm>> -> memref<640xi32, #tpu.memory_space<hbm>>
      tpu.enqueue_dma source(%dma_start3A_15 : memref<640xi32, #tpu.memory_space<hbm>>) target(%arg10 : memref<640xi32, #tpu.memory_space<vmem>>) target_semaphore(%arg17 : memref<!tpu.dma_semaphore, #tpu.memory_space<semaphore_mem>>)
      %add3A_16 = arith.constant 1 : i32
      %add3A_17 = arith.addi %mul3A_13, %add3A_16 : i32
      %dma_start3A_18 = arith.constant 1 : i32
      %dma_start3A_19 = arith.constant 0 : i32
      %dma_start3A_20 = arith.constant 0 : i32
      %dma_start3A_21 = tpu.memref_slice %arg11[%dma_start3A_18, %dma_start3A_19, %dma_start3A_20] : memref<2x5x128xi32, #tpu.memory_space<vmem>> -> memref<1x5x128xi32, #tpu.memory_space<vmem>>
      %dma_start3A_22 = tpu.memref_squeeze %dma_start3A_21 : memref<1x5x128xi32, #tpu.memory_space<vmem>> -> memref<5x128xi32, #tpu.memory_space<vmem>>
      %dma_start3A_23 = arith.constant 0 : i32
      %dma_start3A_24 = arith.constant 0 : i32
      %dma_start3A_25 = tpu.memref_slice %arg5[%add3A_17, %dma_start3A_23, %dma_start3A_24] : memref<512x5x128xi32, #tpu.memory_space<hbm>> -> memref<1x5x128xi32, #tpu.memory_space<hbm>>
      %dma_start3A_26 = tpu.memref_squeeze %dma_start3A_25 : memref<1x5x128xi32, #tpu.memory_space<hbm>> -> memref<5x128xi32, #tpu.memory_space<hbm>>
      %dma_start3A_27 = arith.constant 0 : i32
      %dma_start3A_28 = arith.constant 0 : i32
      %dma_start3A_29 = tpu.memref_slice %arg11[%dma_start3A_18, %dma_start3A_27, %dma_start3A_28] : memref<2x5x128xi32, #tpu.memory_space<vmem>> -> memref<1x5x128xi32, #tpu.memory_space<vmem>>
      %dma_start3A_30 = tpu.memref_squeeze %dma_start3A_29 : memref<1x5x128xi32, #tpu.memory_space<vmem>> -> memref<5x128xi32, #tpu.memory_space<vmem>>
      %dma_start3A_31 = arith.constant 0 : i32
      %dma_start3A_32 = arith.constant 0 : i32
      %dma_start3A_33 = tpu.memref_slice %arg5[%add3A_17, %dma_start3A_31, %dma_start3A_32] : memref<512x5x128xi32, #tpu.memory_space<hbm>> -> memref<1x5x128xi32, #tpu.memory_space<hbm>>
      %dma_start3A_34 = tpu.memref_squeeze %dma_start3A_33 : memref<1x5x128xi32, #tpu.memory_space<hbm>> -> memref<5x128xi32, #tpu.memory_space<hbm>>
      tpu.enqueue_dma source(%dma_start3A_34 : memref<5x128xi32, #tpu.memory_space<hbm>>) target(%dma_start3A_30 : memref<5x128xi32, #tpu.memory_space<vmem>>) target_semaphore(%arg17 : memref<!tpu.dma_semaphore, #tpu.memory_space<semaphore_mem>>)
      %dma_start3A_35 = arith.constant 0 : i32
      %dma_start3A_36 = arith.constant 0 : i32
      %dma_start3A_37 = tpu.memref_slice %arg3[%dma_start3A_35, %dma_start3A_36] : memref<10000x64xf32, #tpu.memory_space<hbm>> -> memref<10000x64xf32, #tpu.memory_space<hbm>>
      tpu.enqueue_indirect_dma source(%dma_start3A_37 : memref<10000x64xf32, #tpu.memory_space<hbm>>) target(%arg12 : memref<640x64xf32, #tpu.memory_space<vmem>>) offsets(%arg9 : memref<640xi32, #tpu.memory_space<vmem>>) semaphore(%arg14 : memref<!tpu.dma_semaphore, #tpu.memory_space<semaphore_mem>>)
      %mul3A_38 = arith.constant 640 : i32
      %mul3A_39 = arith.muli %arg1, %mul3A_38 : i32
      %mul3A_40 = arith.constant 640 : i32
      %mul3A_41 = arith.muli %arg1, %mul3A_40 : i32
      "tpu.region"() ({
        %run_scoped3A_47 = tpu.sem_alloc : memref<!tpu.dma_semaphore, #tpu.memory_space<semaphore_mem>>
        %dma_start3A_48 = arith.constant 0 : i32
        %dma_start3A_49 = tpu.memref_slice %arg8[%mul3A_41, %dma_start3A_48] : memref<10240x64xf32, #tpu.memory_space<vmem_shared>> -> memref<640x64xf32, #tpu.memory_space<vmem_shared>>
        %dma_start3A_50 = arith.constant 0 : i32
        %dma_start3A_51 = tpu.memref_slice %arg6[%mul3A_39, %dma_start3A_50] : memref<10240x64xf32, #tpu.memory_space<hbm>> -> memref<640x64xf32, #tpu.memory_space<hbm>>
        tpu.enqueue_dma source(%dma_start3A_51 : memref<640x64xf32, #tpu.memory_space<hbm>>) target(%dma_start3A_49 : memref<640x64xf32, #tpu.memory_space<vmem_shared>>) target_semaphore(%run_scoped3A_47 : memref<!tpu.dma_semaphore, #tpu.memory_space<semaphore_mem>>)
        %dma_wait3A = arith.constant 0 : i32
        %dma_wait3A_52 = tpu.memref_slice %arg8[%mul3A_41, %dma_wait3A] : memref<10240x64xf32, #tpu.memory_space<vmem_shared>> -> memref<640x64xf32, #tpu.memory_space<vmem_shared>>
        %dma_wait3A_53 = arith.constant 0 : i32
        %dma_wait3A_54 = tpu.memref_slice %arg6[%mul3A_39, %dma_wait3A_53] : memref<10240x64xf32, #tpu.memory_space<hbm>> -> memref<640x64xf32, #tpu.memory_space<hbm>>
        tpu.wait_dma2 semaphore(%run_scoped3A_47 : memref<!tpu.dma_semaphore, #tpu.memory_space<semaphore_mem>>) src(%dma_wait3A_54 : memref<640x64xf32, #tpu.memory_space<hbm>>) dst(%dma_wait3A_52 : memref<640x64xf32, #tpu.memory_space<vmem_shared>>)
        tpu.yield
      }) : () -> ()
      %barrier3A_42 = arith.constant 0 : index
      tpu.barrier barrier_id(%barrier3A_42)
      %scan3A = arith.constant 0 : i32
      %scan3A_43 = arith.constant 16 : i32
      %scan3A_44 = arith.addi %scan3A, %scan3A_43 : i32
      %scan3A_45 = arith.constant 1 : i32
      scf.for %scan3A_47 = %scan3A to %scan3A_44 step %scan3A_45  : i32 {
        %mul3A_48 = arith.constant 2 : i32
        %mul3A_49 = arith.muli %scan3A_47, %mul3A_48 : i32
        %add3A_50 = arith.constant 0 : i32
        %add3A_51 = arith.addi %add3A_50, %mul3A_49 : i32
        %add3A_52 = arith.constant 1 : i32
        %add3A_53 = arith.addi %add3A_51, %add3A_52 : i32
        %mul3A_54 = arith.constant 640 : i32
        %mul3A_55 = arith.muli %add3A_53, %mul3A_54 : i32
        %add3A_56 = arith.addi %mul3A_11, %mul3A_55 : i32
        %dma_wait3A = tpu.memref_slice %arg4[%add3A_56] : memref<327680xi32, #tpu.memory_space<hbm>> -> memref<640xi32, #tpu.memory_space<hbm>>
        %dma_wait3A_57 = tpu.memref_slice %arg4[%add3A_56] : memref<327680xi32, #tpu.memory_space<hbm>> -> memref<640xi32, #tpu.memory_space<hbm>>
        tpu.wait_dma2 semaphore(%arg17 : memref<!tpu.dma_semaphore, #tpu.memory_space<semaphore_mem>>) src(%dma_wait3A_57 : memref<640xi32, #tpu.memory_space<hbm>>) dst(%arg10 : memref<640xi32, #tpu.memory_space<vmem>>)
        %add3A_58 = arith.addi %mul3A_13, %add3A_51 : i32
        %add3A_59 = arith.constant 1 : i32
        %add3A_60 = arith.addi %add3A_58, %add3A_59 : i32
        %dma_wait3A_61 = arith.constant 1 : i32
        %dma_wait3A_62 = arith.constant 0 : i32
        %dma_wait3A_63 = arith.constant 0 : i32
        %dma_wait3A_64 = tpu.memref_slice %arg11[%dma_wait3A_61, %dma_wait3A_62, %dma_wait3A_63] : memref<2x5x128xi32, #tpu.memory_space<vmem>> -> memref<1x5x128xi32, #tpu.memory_space<vmem>>
        %dma_wait3A_65 = tpu.memref_squeeze %dma_wait3A_64 : memref<1x5x128xi32, #tpu.memory_space<vmem>> -> memref<5x128xi32, #tpu.memory_space<vmem>>
        %dma_wait3A_66 = arith.constant 0 : i32
        %dma_wait3A_67 = arith.constant 0 : i32
        %dma_wait3A_68 = tpu.memref_slice %arg5[%add3A_60, %dma_wait3A_66, %dma_wait3A_67] : memref<512x5x128xi32, #tpu.memory_space<hbm>> -> memref<1x5x128xi32, #tpu.memory_space<hbm>>
        %dma_wait3A_69 = tpu.memref_squeeze %dma_wait3A_68 : memref<1x5x128xi32, #tpu.memory_space<hbm>> -> memref<5x128xi32, #tpu.memory_space<hbm>>
        %dma_wait3A_70 = arith.constant 0 : i32
        %dma_wait3A_71 = arith.constant 0 : i32
        %dma_wait3A_72 = tpu.memref_slice %arg11[%dma_wait3A_61, %dma_wait3A_70, %dma_wait3A_71] : memref<2x5x128xi32, #tpu.memory_space<vmem>> -> memref<1x5x128xi32, #tpu.memory_space<vmem>>
        %dma_wait3A_73 = tpu.memref_squeeze %dma_wait3A_72 : memref<1x5x128xi32, #tpu.memory_space<vmem>> -> memref<5x128xi32, #tpu.memory_space<vmem>>
        %dma_wait3A_74 = arith.constant 0 : i32
        %dma_wait3A_75 = arith.constant 0 : i32
        %dma_wait3A_76 = tpu.memref_slice %arg5[%add3A_60, %dma_wait3A_74, %dma_wait3A_75] : memref<512x5x128xi32, #tpu.memory_space<hbm>> -> memref<1x5x128xi32, #tpu.memory_space<hbm>>
        %dma_wait3A_77 = tpu.memref_squeeze %dma_wait3A_76 : memref<1x5x128xi32, #tpu.memory_space<hbm>> -> memref<5x128xi32, #tpu.memory_space<hbm>>
        tpu.wait_dma2 semaphore(%arg17 : memref<!tpu.dma_semaphore, #tpu.memory_space<semaphore_mem>>) src(%dma_wait3A_77 : memref<5x128xi32, #tpu.memory_space<hbm>>) dst(%dma_wait3A_73 : memref<5x128xi32, #tpu.memory_space<vmem>>)
        %dma_start3A_78 = arith.constant 0 : i32
        %dma_start3A_79 = arith.constant 0 : i32
        %dma_start3A_80 = tpu.memref_slice %arg3[%dma_start3A_78, %dma_start3A_79] : memref<10000x64xf32, #tpu.memory_space<hbm>> -> memref<10000x64xf32, #tpu.memory_space<hbm>>
        tpu.enqueue_indirect_dma source(%dma_start3A_80 : memref<10000x64xf32, #tpu.memory_space<hbm>>) target(%arg13 : memref<640x64xf32, #tpu.memory_space<vmem>>) offsets(%arg10 : memref<640xi32, #tpu.memory_space<vmem>>) semaphore(%arg15 : memref<!tpu.dma_semaphore, #tpu.memory_space<semaphore_mem>>)
        %dma_wait3A_81 = arith.constant 0 : i32
        %dma_wait3A_82 = arith.constant 0 : i32
        %dma_wait3A_83 = tpu.memref_slice %arg3[%dma_wait3A_81, %dma_wait3A_82] : memref<10000x64xf32, #tpu.memory_space<hbm>> -> memref<10000x64xf32, #tpu.memory_space<hbm>>
        tpu.wait_indirect_dma semaphore(%arg14 : memref<!tpu.dma_semaphore, #tpu.memory_space<semaphore_mem>>) src(%dma_wait3A_83 : memref<10000x64xf32, #tpu.memory_space<hbm>>) dst(%arg12 : memref<640x64xf32, #tpu.memory_space<vmem>>)
        %add3A_84 = arith.constant 2 : i32
        %add3A_85 = arith.addi %add3A_51, %add3A_84 : i32
        %lt3A = arith.constant 32 : i32
        %lt3A_86 = arith.cmpi slt, %add3A_85, %lt3A : i32
        %convert_element_type3A_87 = arith.extui %lt3A_86 : i1 to i32
        %cond3A_88 = arith.constant 0 : i32
        %cond3A_89 = arith.cmpi ne, %convert_element_type3A_87, %cond3A_88 : i32
        scf.if %cond3A_89 {
          %add3A_127 = arith.constant 2 : i32
          %add3A_128 = arith.addi %add3A_51, %add3A_127 : i32
          %mul3A_129 = arith.constant 640 : i32
          %mul3A_130 = arith.muli %add3A_128, %mul3A_129 : i32
          %add3A_131 = arith.addi %mul3A_11, %mul3A_130 : i32
          %dma_start3A_132 = tpu.memref_slice %arg4[%add3A_131] : memref<327680xi32, #tpu.memory_space<hbm>> -> memref<640xi32, #tpu.memory_space<hbm>>
          %dma_start3A_133 = tpu.memref_slice %arg4[%add3A_131] : memref<327680xi32, #tpu.memory_space<hbm>> -> memref<640xi32, #tpu.memory_space<hbm>>
          tpu.enqueue_dma source(%dma_start3A_133 : memref<640xi32, #tpu.memory_space<hbm>>) target(%arg9 : memref<640xi32, #tpu.memory_space<vmem>>) target_semaphore(%arg16 : memref<!tpu.dma_semaphore, #tpu.memory_space<semaphore_mem>>)
        } else {
        }
        %run_scoped3A_90 = arith.constant 0 : i32
        %run_scoped3A_91 = arith.constant 0 : i32
        "tpu.region"() ({
          %run_scoped3A_127 = tpu.sem_alloc : memref<!tpu.dma_semaphore, #tpu.memory_space<semaphore_mem>>
          %dma_start3A_128 = arith.constant 0 : i32
          %dma_start3A_129 = arith.constant 0 : i32
          %dma_start3A_130 = tpu.memref_slice %arg12[%dma_start3A_128, %dma_start3A_129] : memref<640x64xf32, #tpu.memory_space<vmem>> -> memref<128x64xf32, #tpu.memory_space<vmem>>
          %dma_start3A_131 = arith.constant 0 : i32
          %dma_start3A_132 = tpu.memref_slice %arg11[%run_scoped3A_90, %run_scoped3A_91, %dma_start3A_131] : memref<2x5x128xi32, #tpu.memory_space<vmem>> -> memref<1x1x128xi32, #tpu.memory_space<vmem>>
          %dma_start3A_133 = tpu.memref_squeeze %dma_start3A_132 : memref<1x1x128xi32, #tpu.memory_space<vmem>> -> memref<128xi32, #tpu.memory_space<vmem>>
          %dma_start3A_134 = arith.constant 0 : i32
          %dma_start3A_135 = arith.constant 0 : i32
          %dma_start3A_136 = tpu.memref_slice %arg8[%dma_start3A_134, %dma_start3A_135] : memref<10240x64xf32, #tpu.memory_space<vmem_shared>> -> memref<10240x64xf32, #tpu.memory_space<vmem_shared>>
          tpu.enqueue_indirect_dma source(%dma_start3A_130 : memref<128x64xf32, #tpu.memory_space<vmem>>) target(%dma_start3A_136 : memref<10240x64xf32, #tpu.memory_space<vmem_shared>>) offsets(%dma_start3A_133 : memref<128xi32, #tpu.memory_space<vmem>>) semaphore(%run_scoped3A_127 : memref<!tpu.dma_semaphore, #tpu.memory_space<semaphore_mem>>) {add = true}
          %dma_wait3A_137 = arith.constant 0 : i32
          %dma_wait3A_138 = arith.constant 0 : i32
          %dma_wait3A_139 = tpu.memref_slice %arg12[%dma_wait3A_137, %dma_wait3A_138] : memref<640x64xf32, #tpu.memory_space<vmem>> -> memref<128x64xf32, #tpu.memory_space<vmem>>
          %dma_wait3A_140 = arith.constant 0 : i32
          %dma_wait3A_141 = tpu.memref_slice %arg11[%run_scoped3A_90, %run_scoped3A_91, %dma_wait3A_140] : memref<2x5x128xi32, #tpu.memory_space<vmem>> -> memref<1x1x128xi32, #tpu.memory_space<vmem>>
          %dma_wait3A_142 = tpu.memref_squeeze %dma_wait3A_141 : memref<1x1x128xi32, #tpu.memory_space<vmem>> -> memref<128xi32, #tpu.memory_space<vmem>>
          %dma_wait3A_143 = arith.constant 0 : i32
          %dma_wait3A_144 = arith.constant 0 : i32
          %dma_wait3A_145 = tpu.memref_slice %arg8[%dma_wait3A_143, %dma_wait3A_144] : memref<10240x64xf32, #tpu.memory_space<vmem_shared>> -> memref<10240x64xf32, #tpu.memory_space<vmem_shared>>
          tpu.wait_indirect_dma semaphore(%run_scoped3A_127 : memref<!tpu.dma_semaphore, #tpu.memory_space<semaphore_mem>>) src(%dma_wait3A_139 : memref<128x64xf32, #tpu.memory_space<vmem>>) dst(%dma_wait3A_145 : memref<10240x64xf32, #tpu.memory_space<vmem_shared>>)
          tpu.yield
        }) : () -> ()
        %run_scoped3A_92 = arith.constant 0 : i32
        %run_scoped3A_93 = arith.constant 1 : i32
        "tpu.region"() ({
          %run_scoped3A_127 = tpu.sem_alloc : memref<!tpu.dma_semaphore, #tpu.memory_space<semaphore_mem>>
          %dma_start3A_128 = arith.constant 128 : i32
          %dma_start3A_129 = arith.constant 0 : i32
          %dma_start3A_130 = tpu.memref_slice %arg12[%dma_start3A_128, %dma_start3A_129] : memref<640x64xf32, #tpu.memory_space<vmem>> -> memref<128x64xf32, #tpu.memory_space<vmem>>
          %dma_start3A_131 = arith.constant 0 : i32
          %dma_start3A_132 = tpu.memref_slice %arg11[%run_scoped3A_92, %run_scoped3A_93, %dma_start3A_131] : memref<2x5x128xi32, #tpu.memory_space<vmem>> -> memref<1x1x128xi32, #tpu.memory_space<vmem>>
          %dma_start3A_133 = tpu.memref_squeeze %dma_start3A_132 : memref<1x1x128xi32, #tpu.memory_space<vmem>> -> memref<128xi32, #tpu.memory_space<vmem>>
          %dma_start3A_134 = arith.constant 0 : i32
          %dma_start3A_135 = arith.constant 0 : i32
          %dma_start3A_136 = tpu.memref_slice %arg8[%dma_start3A_134, %dma_start3A_135] : memref<10240x64xf32, #tpu.memory_space<vmem_shared>> -> memref<10240x64xf32, #tpu.memory_space<vmem_shared>>
          tpu.enqueue_indirect_dma source(%dma_start3A_130 : memref<128x64xf32, #tpu.memory_space<vmem>>) target(%dma_start3A_136 : memref<10240x64xf32, #tpu.memory_space<vmem_shared>>) offsets(%dma_start3A_133 : memref<128xi32, #tpu.memory_space<vmem>>) semaphore(%run_scoped3A_127 : memref<!tpu.dma_semaphore, #tpu.memory_space<semaphore_mem>>) {add = true}
          %dma_wait3A_137 = arith.constant 128 : i32
          %dma_wait3A_138 = arith.constant 0 : i32
          %dma_wait3A_139 = tpu.memref_slice %arg12[%dma_wait3A_137, %dma_wait3A_138] : memref<640x64xf32, #tpu.memory_space<vmem>> -> memref<128x64xf32, #tpu.memory_space<vmem>>
          %dma_wait3A_140 = arith.constant 0 : i32
          %dma_wait3A_141 = tpu.memref_slice %arg11[%run_scoped3A_92, %run_scoped3A_93, %dma_wait3A_140] : memref<2x5x128xi32, #tpu.memory_space<vmem>> -> memref<1x1x128xi32, #tpu.memory_space<vmem>>
          %dma_wait3A_142 = tpu.memref_squeeze %dma_wait3A_141 : memref<1x1x128xi32, #tpu.memory_space<vmem>> -> memref<128xi32, #tpu.memory_space<vmem>>
          %dma_wait3A_143 = arith.constant 0 : i32
          %dma_wait3A_144 = arith.constant 0 : i32
          %dma_wait3A_145 = tpu.memref_slice %arg8[%dma_wait3A_143, %dma_wait3A_144] : memref<10240x64xf32, #tpu.memory_space<vmem_shared>> -> memref<10240x64xf32, #tpu.memory_space<vmem_shared>>
          tpu.wait_indirect_dma semaphore(%run_scoped3A_127 : memref<!tpu.dma_semaphore, #tpu.memory_space<semaphore_mem>>) src(%dma_wait3A_139 : memref<128x64xf32, #tpu.memory_space<vmem>>) dst(%dma_wait3A_145 : memref<10240x64xf32, #tpu.memory_space<vmem_shared>>)
          tpu.yield
        }) : () -> ()
        %run_scoped3A_94 = arith.constant 0 : i32
        %run_scoped3A_95 = arith.constant 2 : i32
        "tpu.region"() ({
          %run_scoped3A_127 = tpu.sem_alloc : memref<!tpu.dma_semaphore, #tpu.memory_space<semaphore_mem>>
          %dma_start3A_128 = arith.constant 256 : i32
          %dma_start3A_129 = arith.constant 0 : i32
          %dma_start3A_130 = tpu.memref_slice %arg12[%dma_start3A_128, %dma_start3A_129] : memref<640x64xf32, #tpu.memory_space<vmem>> -> memref<128x64xf32, #tpu.memory_space<vmem>>
          %dma_start3A_131 = arith.constant 0 : i32
          %dma_start3A_132 = tpu.memref_slice %arg11[%run_scoped3A_94, %run_scoped3A_95, %dma_start3A_131] : memref<2x5x128xi32, #tpu.memory_space<vmem>> -> memref<1x1x128xi32, #tpu.memory_space<vmem>>
          %dma_start3A_133 = tpu.memref_squeeze %dma_start3A_132 : memref<1x1x128xi32, #tpu.memory_space<vmem>> -> memref<128xi32, #tpu.memory_space<vmem>>
          %dma_start3A_134 = arith.constant 0 : i32
          %dma_start3A_135 = arith.constant 0 : i32
          %dma_start3A_136 = tpu.memref_slice %arg8[%dma_start3A_134, %dma_start3A_135] : memref<10240x64xf32, #tpu.memory_space<vmem_shared>> -> memref<10240x64xf32, #tpu.memory_space<vmem_shared>>
          tpu.enqueue_indirect_dma source(%dma_start3A_130 : memref<128x64xf32, #tpu.memory_space<vmem>>) target(%dma_start3A_136 : memref<10240x64xf32, #tpu.memory_space<vmem_shared>>) offsets(%dma_start3A_133 : memref<128xi32, #tpu.memory_space<vmem>>) semaphore(%run_scoped3A_127 : memref<!tpu.dma_semaphore, #tpu.memory_space<semaphore_mem>>) {add = true}
          %dma_wait3A_137 = arith.constant 256 : i32
          %dma_wait3A_138 = arith.constant 0 : i32
          %dma_wait3A_139 = tpu.memref_slice %arg12[%dma_wait3A_137, %dma_wait3A_138] : memref<640x64xf32, #tpu.memory_space<vmem>> -> memref<128x64xf32, #tpu.memory_space<vmem>>
          %dma_wait3A_140 = arith.constant 0 : i32
          %dma_wait3A_141 = tpu.memref_slice %arg11[%run_scoped3A_94, %run_scoped3A_95, %dma_wait3A_140] : memref<2x5x128xi32, #tpu.memory_space<vmem>> -> memref<1x1x128xi32, #tpu.memory_space<vmem>>
          %dma_wait3A_142 = tpu.memref_squeeze %dma_wait3A_141 : memref<1x1x128xi32, #tpu.memory_space<vmem>> -> memref<128xi32, #tpu.memory_space<vmem>>
          %dma_wait3A_143 = arith.constant 0 : i32
          %dma_wait3A_144 = arith.constant 0 : i32
          %dma_wait3A_145 = tpu.memref_slice %arg8[%dma_wait3A_143, %dma_wait3A_144] : memref<10240x64xf32, #tpu.memory_space<vmem_shared>> -> memref<10240x64xf32, #tpu.memory_space<vmem_shared>>
          tpu.wait_indirect_dma semaphore(%run_scoped3A_127 : memref<!tpu.dma_semaphore, #tpu.memory_space<semaphore_mem>>) src(%dma_wait3A_139 : memref<128x64xf32, #tpu.memory_space<vmem>>) dst(%dma_wait3A_145 : memref<10240x64xf32, #tpu.memory_space<vmem_shared>>)
          tpu.yield
        }) : () -> ()
        %run_scoped3A_96 = arith.constant 0 : i32
        %run_scoped3A_97 = arith.constant 3 : i32
        "tpu.region"() ({
          %run_scoped3A_127 = tpu.sem_alloc : memref<!tpu.dma_semaphore, #tpu.memory_space<semaphore_mem>>
          %dma_start3A_128 = arith.constant 384 : i32
          %dma_start3A_129 = arith.constant 0 : i32
          %dma_start3A_130 = tpu.memref_slice %arg12[%dma_start3A_128, %dma_start3A_129] : memref<640x64xf32, #tpu.memory_space<vmem>> -> memref<128x64xf32, #tpu.memory_space<vmem>>
          %dma_start3A_131 = arith.constant 0 : i32
          %dma_start3A_132 = tpu.memref_slice %arg11[%run_scoped3A_96, %run_scoped3A_97, %dma_start3A_131] : memref<2x5x128xi32, #tpu.memory_space<vmem>> -> memref<1x1x128xi32, #tpu.memory_space<vmem>>
          %dma_start3A_133 = tpu.memref_squeeze %dma_start3A_132 : memref<1x1x128xi32, #tpu.memory_space<vmem>> -> memref<128xi32, #tpu.memory_space<vmem>>
          %dma_start3A_134 = arith.constant 0 : i32
          %dma_start3A_135 = arith.constant 0 : i32
          %dma_start3A_136 = tpu.memref_slice %arg8[%dma_start3A_134, %dma_start3A_135] : memref<10240x64xf32, #tpu.memory_space<vmem_shared>> -> memref<10240x64xf32, #tpu.memory_space<vmem_shared>>
          tpu.enqueue_indirect_dma source(%dma_start3A_130 : memref<128x64xf32, #tpu.memory_space<vmem>>) target(%dma_start3A_136 : memref<10240x64xf32, #tpu.memory_space<vmem_shared>>) offsets(%dma_start3A_133 : memref<128xi32, #tpu.memory_space<vmem>>) semaphore(%run_scoped3A_127 : memref<!tpu.dma_semaphore, #tpu.memory_space<semaphore_mem>>) {add = true}
          %dma_wait3A_137 = arith.constant 384 : i32
          %dma_wait3A_138 = arith.constant 0 : i32
          %dma_wait3A_139 = tpu.memref_slice %arg12[%dma_wait3A_137, %dma_wait3A_138] : memref<640x64xf32, #tpu.memory_space<vmem>> -> memref<128x64xf32, #tpu.memory_space<vmem>>
          %dma_wait3A_140 = arith.constant 0 : i32
          %dma_wait3A_141 = tpu.memref_slice %arg11[%run_scoped3A_96, %run_scoped3A_97, %dma_wait3A_140] : memref<2x5x128xi32, #tpu.memory_space<vmem>> -> memref<1x1x128xi32, #tpu.memory_space<vmem>>
          %dma_wait3A_142 = tpu.memref_squeeze %dma_wait3A_141 : memref<1x1x128xi32, #tpu.memory_space<vmem>> -> memref<128xi32, #tpu.memory_space<vmem>>
          %dma_wait3A_143 = arith.constant 0 : i32
          %dma_wait3A_144 = arith.constant 0 : i32
          %dma_wait3A_145 = tpu.memref_slice %arg8[%dma_wait3A_143, %dma_wait3A_144] : memref<10240x64xf32, #tpu.memory_space<vmem_shared>> -> memref<10240x64xf32, #tpu.memory_space<vmem_shared>>
          tpu.wait_indirect_dma semaphore(%run_scoped3A_127 : memref<!tpu.dma_semaphore, #tpu.memory_space<semaphore_mem>>) src(%dma_wait3A_139 : memref<128x64xf32, #tpu.memory_space<vmem>>) dst(%dma_wait3A_145 : memref<10240x64xf32, #tpu.memory_space<vmem_shared>>)
          tpu.yield
        }) : () -> ()
        %run_scoped3A_98 = arith.constant 0 : i32
        %run_scoped3A_99 = arith.constant 4 : i32
        "tpu.region"() ({
          %run_scoped3A_127 = tpu.sem_alloc : memref<!tpu.dma_semaphore, #tpu.memory_space<semaphore_mem>>
          %dma_start3A_128 = arith.constant 512 : i32
          %dma_start3A_129 = arith.constant 0 : i32
          %dma_start3A_130 = tpu.memref_slice %arg12[%dma_start3A_128, %dma_start3A_129] : memref<640x64xf32, #tpu.memory_space<vmem>> -> memref<128x64xf32, #tpu.memory_space<vmem>>
          %dma_start3A_131 = arith.constant 0 : i32
          %dma_start3A_132 = tpu.memref_slice %arg11[%run_scoped3A_98, %run_scoped3A_99, %dma_start3A_131] : memref<2x5x128xi32, #tpu.memory_space<vmem>> -> memref<1x1x128xi32, #tpu.memory_space<vmem>>
          %dma_start3A_133 = tpu.memref_squeeze %dma_start3A_132 : memref<1x1x128xi32, #tpu.memory_space<vmem>> -> memref<128xi32, #tpu.memory_space<vmem>>
          %dma_start3A_134 = arith.constant 0 : i32
          %dma_start3A_135 = arith.constant 0 : i32
          %dma_start3A_136 = tpu.memref_slice %arg8[%dma_start3A_134, %dma_start3A_135] : memref<10240x64xf32, #tpu.memory_space<vmem_shared>> -> memref<10240x64xf32, #tpu.memory_space<vmem_shared>>
          tpu.enqueue_indirect_dma source(%dma_start3A_130 : memref<128x64xf32, #tpu.memory_space<vmem>>) target(%dma_start3A_136 : memref<10240x64xf32, #tpu.memory_space<vmem_shared>>) offsets(%dma_start3A_133 : memref<128xi32, #tpu.memory_space<vmem>>) semaphore(%run_scoped3A_127 : memref<!tpu.dma_semaphore, #tpu.memory_space<semaphore_mem>>) {add = true}
          %dma_wait3A_137 = arith.constant 512 : i32
          %dma_wait3A_138 = arith.constant 0 : i32
          %dma_wait3A_139 = tpu.memref_slice %arg12[%dma_wait3A_137, %dma_wait3A_138] : memref<640x64xf32, #tpu.memory_space<vmem>> -> memref<128x64xf32, #tpu.memory_space<vmem>>
          %dma_wait3A_140 = arith.constant 0 : i32
          %dma_wait3A_141 = tpu.memref_slice %arg11[%run_scoped3A_98, %run_scoped3A_99, %dma_wait3A_140] : memref<2x5x128xi32, #tpu.memory_space<vmem>> -> memref<1x1x128xi32, #tpu.memory_space<vmem>>
          %dma_wait3A_142 = tpu.memref_squeeze %dma_wait3A_141 : memref<1x1x128xi32, #tpu.memory_space<vmem>> -> memref<128xi32, #tpu.memory_space<vmem>>
          %dma_wait3A_143 = arith.constant 0 : i32
          %dma_wait3A_144 = arith.constant 0 : i32
          %dma_wait3A_145 = tpu.memref_slice %arg8[%dma_wait3A_143, %dma_wait3A_144] : memref<10240x64xf32, #tpu.memory_space<vmem_shared>> -> memref<10240x64xf32, #tpu.memory_space<vmem_shared>>
          tpu.wait_indirect_dma semaphore(%run_scoped3A_127 : memref<!tpu.dma_semaphore, #tpu.memory_space<semaphore_mem>>) src(%dma_wait3A_139 : memref<128x64xf32, #tpu.memory_space<vmem>>) dst(%dma_wait3A_145 : memref<10240x64xf32, #tpu.memory_space<vmem_shared>>)
          tpu.yield
        }) : () -> ()
        %add3A_100 = arith.constant 2 : i32
        %add3A_101 = arith.addi %add3A_51, %add3A_100 : i32
        %lt3A_102 = arith.constant 32 : i32
        %lt3A_103 = arith.cmpi slt, %add3A_101, %lt3A_102 : i32
        %convert_element_type3A_104 = arith.extui %lt3A_103 : i1 to i32
        %cond3A_105 = arith.constant 0 : i32
        %cond3A_106 = arith.cmpi ne, %convert_element_type3A_104, %cond3A_105 : i32
        scf.if %cond3A_106 {
          %add3A_127 = arith.addi %mul3A_13, %add3A_51 : i32
          %add3A_128 = arith.constant 2 : i32
          %add3A_129 = arith.addi %add3A_127, %add3A_128 : i32
          %dma_start3A_130 = arith.constant 0 : i32
          %dma_start3A_131 = arith.constant 0 : i32
          %dma_start3A_132 = arith.constant 0 : i32
          %dma_start3A_133 = tpu.memref_slice %arg11[%dma_start3A_130, %dma_start3A_131, %dma_start3A_132] : memref<2x5x128xi32, #tpu.memory_space<vmem>> -> memref<1x5x128xi32, #tpu.memory_space<vmem>>
          %dma_start3A_134 = tpu.memref_squeeze %dma_start3A_133 : memref<1x5x128xi32, #tpu.memory_space<vmem>> -> memref<5x128xi32, #tpu.memory_space<vmem>>
          %dma_start3A_135 = arith.constant 0 : i32
          %dma_start3A_136 = arith.constant 0 : i32
          %dma_start3A_137 = tpu.memref_slice %arg5[%add3A_129, %dma_start3A_135, %dma_start3A_136] : memref<512x5x128xi32, #tpu.memory_space<hbm>> -> memref<1x5x128xi32, #tpu.memory_space<hbm>>
          %dma_start3A_138 = tpu.memref_squeeze %dma_start3A_137 : memref<1x5x128xi32, #tpu.memory_space<hbm>> -> memref<5x128xi32, #tpu.memory_space<hbm>>
          %dma_start3A_139 = arith.constant 0 : i32
          %dma_start3A_140 = arith.constant 0 : i32
          %dma_start3A_141 = tpu.memref_slice %arg11[%dma_start3A_130, %dma_start3A_139, %dma_start3A_140] : memref<2x5x128xi32, #tpu.memory_space<vmem>> -> memref<1x5x128xi32, #tpu.memory_space<vmem>>
          %dma_start3A_142 = tpu.memref_squeeze %dma_start3A_141 : memref<1x5x128xi32, #tpu.memory_space<vmem>> -> memref<5x128xi32, #tpu.memory_space<vmem>>
          %dma_start3A_143 = arith.constant 0 : i32
          %dma_start3A_144 = arith.constant 0 : i32
          %dma_start3A_145 = tpu.memref_slice %arg5[%add3A_129, %dma_start3A_143, %dma_start3A_144] : memref<512x5x128xi32, #tpu.memory_space<hbm>> -> memref<1x5x128xi32, #tpu.memory_space<hbm>>
          %dma_start3A_146 = tpu.memref_squeeze %dma_start3A_145 : memref<1x5x128xi32, #tpu.memory_space<hbm>> -> memref<5x128xi32, #tpu.memory_space<hbm>>
          tpu.enqueue_dma source(%dma_start3A_146 : memref<5x128xi32, #tpu.memory_space<hbm>>) target(%dma_start3A_142 : memref<5x128xi32, #tpu.memory_space<vmem>>) target_semaphore(%arg16 : memref<!tpu.dma_semaphore, #tpu.memory_space<semaphore_mem>>)
          %add3A_147 = arith.constant 2 : i32
          %add3A_148 = arith.addi %add3A_51, %add3A_147 : i32
          %mul3A_149 = arith.constant 640 : i32
          %mul3A_150 = arith.muli %add3A_148, %mul3A_149 : i32
          %add3A_151 = arith.addi %mul3A_11, %mul3A_150 : i32
          %dma_wait3A_152 = tpu.memref_slice %arg4[%add3A_151] : memref<327680xi32, #tpu.memory_space<hbm>> -> memref<640xi32, #tpu.memory_space<hbm>>
          %dma_wait3A_153 = tpu.memref_slice %arg4[%add3A_151] : memref<327680xi32, #tpu.memory_space<hbm>> -> memref<640xi32, #tpu.memory_space<hbm>>
          tpu.wait_dma2 semaphore(%arg16 : memref<!tpu.dma_semaphore, #tpu.memory_space<semaphore_mem>>) src(%dma_wait3A_153 : memref<640xi32, #tpu.memory_space<hbm>>) dst(%arg9 : memref<640xi32, #tpu.memory_space<vmem>>)
          %add3A_154 = arith.addi %mul3A_13, %add3A_51 : i32
          %add3A_155 = arith.constant 2 : i32
          %add3A_156 = arith.addi %add3A_154, %add3A_155 : i32
          %dma_wait3A_157 = arith.constant 0 : i32
          %dma_wait3A_158 = arith.constant 0 : i32
          %dma_wait3A_159 = arith.constant 0 : i32
          %dma_wait3A_160 = tpu.memref_slice %arg11[%dma_wait3A_157, %dma_wait3A_158, %dma_wait3A_159] : memref<2x5x128xi32, #tpu.memory_space<vmem>> -> memref<1x5x128xi32, #tpu.memory_space<vmem>>
          %dma_wait3A_161 = tpu.memref_squeeze %dma_wait3A_160 : memref<1x5x128xi32, #tpu.memory_space<vmem>> -> memref<5x128xi32, #tpu.memory_space<vmem>>
          %dma_wait3A_162 = arith.constant 0 : i32
          %dma_wait3A_163 = arith.constant 0 : i32
          %dma_wait3A_164 = tpu.memref_slice %arg5[%add3A_156, %dma_wait3A_162, %dma_wait3A_163] : memref<512x5x128xi32, #tpu.memory_space<hbm>> -> memref<1x5x128xi32, #tpu.memory_space<hbm>>
          %dma_wait3A_165 = tpu.memref_squeeze %dma_wait3A_164 : memref<1x5x128xi32, #tpu.memory_space<hbm>> -> memref<5x128xi32, #tpu.memory_space<hbm>>
          %dma_wait3A_166 = arith.constant 0 : i32
          %dma_wait3A_167 = arith.constant 0 : i32
          %dma_wait3A_168 = tpu.memref_slice %arg11[%dma_wait3A_157, %dma_wait3A_166, %dma_wait3A_167] : memref<2x5x128xi32, #tpu.memory_space<vmem>> -> memref<1x5x128xi32, #tpu.memory_space<vmem>>
          %dma_wait3A_169 = tpu.memref_squeeze %dma_wait3A_168 : memref<1x5x128xi32, #tpu.memory_space<vmem>> -> memref<5x128xi32, #tpu.memory_space<vmem>>
          %dma_wait3A_170 = arith.constant 0 : i32
          %dma_wait3A_171 = arith.constant 0 : i32
          %dma_wait3A_172 = tpu.memref_slice %arg5[%add3A_156, %dma_wait3A_170, %dma_wait3A_171] : memref<512x5x128xi32, #tpu.memory_space<hbm>> -> memref<1x5x128xi32, #tpu.memory_space<hbm>>
          %dma_wait3A_173 = tpu.memref_squeeze %dma_wait3A_172 : memref<1x5x128xi32, #tpu.memory_space<hbm>> -> memref<5x128xi32, #tpu.memory_space<hbm>>
          tpu.wait_dma2 semaphore(%arg16 : memref<!tpu.dma_semaphore, #tpu.memory_space<semaphore_mem>>) src(%dma_wait3A_173 : memref<5x128xi32, #tpu.memory_space<hbm>>) dst(%dma_wait3A_169 : memref<5x128xi32, #tpu.memory_space<vmem>>)
          %dma_start3A_174 = arith.constant 0 : i32
          %dma_start3A_175 = arith.constant 0 : i32
          %dma_start3A_176 = tpu.memref_slice %arg3[%dma_start3A_174, %dma_start3A_175] : memref<10000x64xf32, #tpu.memory_space<hbm>> -> memref<10000x64xf32, #tpu.memory_space<hbm>>
          tpu.enqueue_indirect_dma source(%dma_start3A_176 : memref<10000x64xf32, #tpu.memory_space<hbm>>) target(%arg12 : memref<640x64xf32, #tpu.memory_space<vmem>>) offsets(%arg9 : memref<640xi32, #tpu.memory_space<vmem>>) semaphore(%arg14 : memref<!tpu.dma_semaphore, #tpu.memory_space<semaphore_mem>>)
        } else {
        }
        %dma_wait3A_107 = arith.constant 0 : i32
        %dma_wait3A_108 = arith.constant 0 : i32
        %dma_wait3A_109 = tpu.memref_slice %arg3[%dma_wait3A_107, %dma_wait3A_108] : memref<10000x64xf32, #tpu.memory_space<hbm>> -> memref<10000x64xf32, #tpu.memory_space<hbm>>
        tpu.wait_indirect_dma semaphore(%arg15 : memref<!tpu.dma_semaphore, #tpu.memory_space<semaphore_mem>>) src(%dma_wait3A_109 : memref<10000x64xf32, #tpu.memory_space<hbm>>) dst(%arg13 : memref<640x64xf32, #tpu.memory_space<vmem>>)
        %run_scoped3A_110 = arith.constant 1 : i32
        %run_scoped3A_111 = arith.constant 0 : i32
        "tpu.region"() ({
          %run_scoped3A_127 = tpu.sem_alloc : memref<!tpu.dma_semaphore, #tpu.memory_space<semaphore_mem>>
          %dma_start3A_128 = arith.constant 0 : i32
          %dma_start3A_129 = arith.constant 0 : i32
          %dma_start3A_130 = tpu.memref_slice %arg13[%dma_start3A_128, %dma_start3A_129] : memref<640x64xf32, #tpu.memory_space<vmem>> -> memref<128x64xf32, #tpu.memory_space<vmem>>
          %dma_start3A_131 = arith.constant 0 : i32
          %dma_start3A_132 = tpu.memref_slice %arg11[%run_scoped3A_110, %run_scoped3A_111, %dma_start3A_131] : memref<2x5x128xi32, #tpu.memory_space<vmem>> -> memref<1x1x128xi32, #tpu.memory_space<vmem>>
          %dma_start3A_133 = tpu.memref_squeeze %dma_start3A_132 : memref<1x1x128xi32, #tpu.memory_space<vmem>> -> memref<128xi32, #tpu.memory_space<vmem>>
          %dma_start3A_134 = arith.constant 0 : i32
          %dma_start3A_135 = arith.constant 0 : i32
          %dma_start3A_136 = tpu.memref_slice %arg8[%dma_start3A_134, %dma_start3A_135] : memref<10240x64xf32, #tpu.memory_space<vmem_shared>> -> memref<10240x64xf32, #tpu.memory_space<vmem_shared>>
          tpu.enqueue_indirect_dma source(%dma_start3A_130 : memref<128x64xf32, #tpu.memory_space<vmem>>) target(%dma_start3A_136 : memref<10240x64xf32, #tpu.memory_space<vmem_shared>>) offsets(%dma_start3A_133 : memref<128xi32, #tpu.memory_space<vmem>>) semaphore(%run_scoped3A_127 : memref<!tpu.dma_semaphore, #tpu.memory_space<semaphore_mem>>) {add = true}
          %dma_wait3A_137 = arith.constant 0 : i32
          %dma_wait3A_138 = arith.constant 0 : i32
          %dma_wait3A_139 = tpu.memref_slice %arg13[%dma_wait3A_137, %dma_wait3A_138] : memref<640x64xf32, #tpu.memory_space<vmem>> -> memref<128x64xf32, #tpu.memory_space<vmem>>
          %dma_wait3A_140 = arith.constant 0 : i32
          %dma_wait3A_141 = tpu.memref_slice %arg11[%run_scoped3A_110, %run_scoped3A_111, %dma_wait3A_140] : memref<2x5x128xi32, #tpu.memory_space<vmem>> -> memref<1x1x128xi32, #tpu.memory_space<vmem>>
          %dma_wait3A_142 = tpu.memref_squeeze %dma_wait3A_141 : memref<1x1x128xi32, #tpu.memory_space<vmem>> -> memref<128xi32, #tpu.memory_space<vmem>>
          %dma_wait3A_143 = arith.constant 0 : i32
          %dma_wait3A_144 = arith.constant 0 : i32
          %dma_wait3A_145 = tpu.memref_slice %arg8[%dma_wait3A_143, %dma_wait3A_144] : memref<10240x64xf32, #tpu.memory_space<vmem_shared>> -> memref<10240x64xf32, #tpu.memory_space<vmem_shared>>
          tpu.wait_indirect_dma semaphore(%run_scoped3A_127 : memref<!tpu.dma_semaphore, #tpu.memory_space<semaphore_mem>>) src(%dma_wait3A_139 : memref<128x64xf32, #tpu.memory_space<vmem>>) dst(%dma_wait3A_145 : memref<10240x64xf32, #tpu.memory_space<vmem_shared>>)
          tpu.yield
        }) : () -> ()
        %run_scoped3A_112 = arith.constant 1 : i32
        %run_scoped3A_113 = arith.constant 1 : i32
        "tpu.region"() ({
          %run_scoped3A_127 = tpu.sem_alloc : memref<!tpu.dma_semaphore, #tpu.memory_space<semaphore_mem>>
          %dma_start3A_128 = arith.constant 128 : i32
          %dma_start3A_129 = arith.constant 0 : i32
          %dma_start3A_130 = tpu.memref_slice %arg13[%dma_start3A_128, %dma_start3A_129] : memref<640x64xf32, #tpu.memory_space<vmem>> -> memref<128x64xf32, #tpu.memory_space<vmem>>
          %dma_start3A_131 = arith.constant 0 : i32
          %dma_start3A_132 = tpu.memref_slice %arg11[%run_scoped3A_112, %run_scoped3A_113, %dma_start3A_131] : memref<2x5x128xi32, #tpu.memory_space<vmem>> -> memref<1x1x128xi32, #tpu.memory_space<vmem>>
          %dma_start3A_133 = tpu.memref_squeeze %dma_start3A_132 : memref<1x1x128xi32, #tpu.memory_space<vmem>> -> memref<128xi32, #tpu.memory_space<vmem>>
          %dma_start3A_134 = arith.constant 0 : i32
          %dma_start3A_135 = arith.constant 0 : i32
          %dma_start3A_136 = tpu.memref_slice %arg8[%dma_start3A_134, %dma_start3A_135] : memref<10240x64xf32, #tpu.memory_space<vmem_shared>> -> memref<10240x64xf32, #tpu.memory_space<vmem_shared>>
          tpu.enqueue_indirect_dma source(%dma_start3A_130 : memref<128x64xf32, #tpu.memory_space<vmem>>) target(%dma_start3A_136 : memref<10240x64xf32, #tpu.memory_space<vmem_shared>>) offsets(%dma_start3A_133 : memref<128xi32, #tpu.memory_space<vmem>>) semaphore(%run_scoped3A_127 : memref<!tpu.dma_semaphore, #tpu.memory_space<semaphore_mem>>) {add = true}
          %dma_wait3A_137 = arith.constant 128 : i32
          %dma_wait3A_138 = arith.constant 0 : i32
          %dma_wait3A_139 = tpu.memref_slice %arg13[%dma_wait3A_137, %dma_wait3A_138] : memref<640x64xf32, #tpu.memory_space<vmem>> -> memref<128x64xf32, #tpu.memory_space<vmem>>
          %dma_wait3A_140 = arith.constant 0 : i32
          %dma_wait3A_141 = tpu.memref_slice %arg11[%run_scoped3A_112, %run_scoped3A_113, %dma_wait3A_140] : memref<2x5x128xi32, #tpu.memory_space<vmem>> -> memref<1x1x128xi32, #tpu.memory_space<vmem>>
          %dma_wait3A_142 = tpu.memref_squeeze %dma_wait3A_141 : memref<1x1x128xi32, #tpu.memory_space<vmem>> -> memref<128xi32, #tpu.memory_space<vmem>>
          %dma_wait3A_143 = arith.constant 0 : i32
          %dma_wait3A_144 = arith.constant 0 : i32
          %dma_wait3A_145 = tpu.memref_slice %arg8[%dma_wait3A_143, %dma_wait3A_144] : memref<10240x64xf32, #tpu.memory_space<vmem_shared>> -> memref<10240x64xf32, #tpu.memory_space<vmem_shared>>
          tpu.wait_indirect_dma semaphore(%run_scoped3A_127 : memref<!tpu.dma_semaphore, #tpu.memory_space<semaphore_mem>>) src(%dma_wait3A_139 : memref<128x64xf32, #tpu.memory_space<vmem>>) dst(%dma_wait3A_145 : memref<10240x64xf32, #tpu.memory_space<vmem_shared>>)
          tpu.yield
        }) : () -> ()
        %run_scoped3A_114 = arith.constant 1 : i32
        %run_scoped3A_115 = arith.constant 2 : i32
        "tpu.region"() ({
          %run_scoped3A_127 = tpu.sem_alloc : memref<!tpu.dma_semaphore, #tpu.memory_space<semaphore_mem>>
          %dma_start3A_128 = arith.constant 256 : i32
          %dma_start3A_129 = arith.constant 0 : i32
          %dma_start3A_130 = tpu.memref_slice %arg13[%dma_start3A_128, %dma_start3A_129] : memref<640x64xf32, #tpu.memory_space<vmem>> -> memref<128x64xf32, #tpu.memory_space<vmem>>
          %dma_start3A_131 = arith.constant 0 : i32
          %dma_start3A_132 = tpu.memref_slice %arg11[%run_scoped3A_114, %run_scoped3A_115, %dma_start3A_131] : memref<2x5x128xi32, #tpu.memory_space<vmem>> -> memref<1x1x128xi32, #tpu.memory_space<vmem>>
          %dma_start3A_133 = tpu.memref_squeeze %dma_start3A_132 : memref<1x1x128xi32, #tpu.memory_space<vmem>> -> memref<128xi32, #tpu.memory_space<vmem>>
          %dma_start3A_134 = arith.constant 0 : i32
          %dma_start3A_135 = arith.constant 0 : i32
          %dma_start3A_136 = tpu.memref_slice %arg8[%dma_start3A_134, %dma_start3A_135] : memref<10240x64xf32, #tpu.memory_space<vmem_shared>> -> memref<10240x64xf32, #tpu.memory_space<vmem_shared>>
          tpu.enqueue_indirect_dma source(%dma_start3A_130 : memref<128x64xf32, #tpu.memory_space<vmem>>) target(%dma_start3A_136 : memref<10240x64xf32, #tpu.memory_space<vmem_shared>>) offsets(%dma_start3A_133 : memref<128xi32, #tpu.memory_space<vmem>>) semaphore(%run_scoped3A_127 : memref<!tpu.dma_semaphore, #tpu.memory_space<semaphore_mem>>) {add = true}
          %dma_wait3A_137 = arith.constant 256 : i32
          %dma_wait3A_138 = arith.constant 0 : i32
          %dma_wait3A_139 = tpu.memref_slice %arg13[%dma_wait3A_137, %dma_wait3A_138] : memref<640x64xf32, #tpu.memory_space<vmem>> -> memref<128x64xf32, #tpu.memory_space<vmem>>
          %dma_wait3A_140 = arith.constant 0 : i32
          %dma_wait3A_141 = tpu.memref_slice %arg11[%run_scoped3A_114, %run_scoped3A_115, %dma_wait3A_140] : memref<2x5x128xi32, #tpu.memory_space<vmem>> -> memref<1x1x128xi32, #tpu.memory_space<vmem>>
          %dma_wait3A_142 = tpu.memref_squeeze %dma_wait3A_141 : memref<1x1x128xi32, #tpu.memory_space<vmem>> -> memref<128xi32, #tpu.memory_space<vmem>>
          %dma_wait3A_143 = arith.constant 0 : i32
          %dma_wait3A_144 = arith.constant 0 : i32
          %dma_wait3A_145 = tpu.memref_slice %arg8[%dma_wait3A_143, %dma_wait3A_144] : memref<10240x64xf32, #tpu.memory_space<vmem_shared>> -> memref<10240x64xf32, #tpu.memory_space<vmem_shared>>
          tpu.wait_indirect_dma semaphore(%run_scoped3A_127 : memref<!tpu.dma_semaphore, #tpu.memory_space<semaphore_mem>>) src(%dma_wait3A_139 : memref<128x64xf32, #tpu.memory_space<vmem>>) dst(%dma_wait3A_145 : memref<10240x64xf32, #tpu.memory_space<vmem_shared>>)
          tpu.yield
        }) : () -> ()
        %run_scoped3A_116 = arith.constant 1 : i32
        %run_scoped3A_117 = arith.constant 3 : i32
        "tpu.region"() ({
          %run_scoped3A_127 = tpu.sem_alloc : memref<!tpu.dma_semaphore, #tpu.memory_space<semaphore_mem>>
          %dma_start3A_128 = arith.constant 384 : i32
          %dma_start3A_129 = arith.constant 0 : i32
          %dma_start3A_130 = tpu.memref_slice %arg13[%dma_start3A_128, %dma_start3A_129] : memref<640x64xf32, #tpu.memory_space<vmem>> -> memref<128x64xf32, #tpu.memory_space<vmem>>
          %dma_start3A_131 = arith.constant 0 : i32
          %dma_start3A_132 = tpu.memref_slice %arg11[%run_scoped3A_116, %run_scoped3A_117, %dma_start3A_131] : memref<2x5x128xi32, #tpu.memory_space<vmem>> -> memref<1x1x128xi32, #tpu.memory_space<vmem>>
          %dma_start3A_133 = tpu.memref_squeeze %dma_start3A_132 : memref<1x1x128xi32, #tpu.memory_space<vmem>> -> memref<128xi32, #tpu.memory_space<vmem>>
          %dma_start3A_134 = arith.constant 0 : i32
          %dma_start3A_135 = arith.constant 0 : i32
          %dma_start3A_136 = tpu.memref_slice %arg8[%dma_start3A_134, %dma_start3A_135] : memref<10240x64xf32, #tpu.memory_space<vmem_shared>> -> memref<10240x64xf32, #tpu.memory_space<vmem_shared>>
          tpu.enqueue_indirect_dma source(%dma_start3A_130 : memref<128x64xf32, #tpu.memory_space<vmem>>) target(%dma_start3A_136 : memref<10240x64xf32, #tpu.memory_space<vmem_shared>>) offsets(%dma_start3A_133 : memref<128xi32, #tpu.memory_space<vmem>>) semaphore(%run_scoped3A_127 : memref<!tpu.dma_semaphore, #tpu.memory_space<semaphore_mem>>) {add = true}
          %dma_wait3A_137 = arith.constant 384 : i32
          %dma_wait3A_138 = arith.constant 0 : i32
          %dma_wait3A_139 = tpu.memref_slice %arg13[%dma_wait3A_137, %dma_wait3A_138] : memref<640x64xf32, #tpu.memory_space<vmem>> -> memref<128x64xf32, #tpu.memory_space<vmem>>
          %dma_wait3A_140 = arith.constant 0 : i32
          %dma_wait3A_141 = tpu.memref_slice %arg11[%run_scoped3A_116, %run_scoped3A_117, %dma_wait3A_140] : memref<2x5x128xi32, #tpu.memory_space<vmem>> -> memref<1x1x128xi32, #tpu.memory_space<vmem>>
          %dma_wait3A_142 = tpu.memref_squeeze %dma_wait3A_141 : memref<1x1x128xi32, #tpu.memory_space<vmem>> -> memref<128xi32, #tpu.memory_space<vmem>>
          %dma_wait3A_143 = arith.constant 0 : i32
          %dma_wait3A_144 = arith.constant 0 : i32
          %dma_wait3A_145 = tpu.memref_slice %arg8[%dma_wait3A_143, %dma_wait3A_144] : memref<10240x64xf32, #tpu.memory_space<vmem_shared>> -> memref<10240x64xf32, #tpu.memory_space<vmem_shared>>
          tpu.wait_indirect_dma semaphore(%run_scoped3A_127 : memref<!tpu.dma_semaphore, #tpu.memory_space<semaphore_mem>>) src(%dma_wait3A_139 : memref<128x64xf32, #tpu.memory_space<vmem>>) dst(%dma_wait3A_145 : memref<10240x64xf32, #tpu.memory_space<vmem_shared>>)
          tpu.yield
        }) : () -> ()
        %run_scoped3A_118 = arith.constant 1 : i32
        %run_scoped3A_119 = arith.constant 4 : i32
        "tpu.region"() ({
          %run_scoped3A_127 = tpu.sem_alloc : memref<!tpu.dma_semaphore, #tpu.memory_space<semaphore_mem>>
          %dma_start3A_128 = arith.constant 512 : i32
          %dma_start3A_129 = arith.constant 0 : i32
          %dma_start3A_130 = tpu.memref_slice %arg13[%dma_start3A_128, %dma_start3A_129] : memref<640x64xf32, #tpu.memory_space<vmem>> -> memref<128x64xf32, #tpu.memory_space<vmem>>
          %dma_start3A_131 = arith.constant 0 : i32
          %dma_start3A_132 = tpu.memref_slice %arg11[%run_scoped3A_118, %run_scoped3A_119, %dma_start3A_131] : memref<2x5x128xi32, #tpu.memory_space<vmem>> -> memref<1x1x128xi32, #tpu.memory_space<vmem>>
          %dma_start3A_133 = tpu.memref_squeeze %dma_start3A_132 : memref<1x1x128xi32, #tpu.memory_space<vmem>> -> memref<128xi32, #tpu.memory_space<vmem>>
          %dma_start3A_134 = arith.constant 0 : i32
          %dma_start3A_135 = arith.constant 0 : i32
          %dma_start3A_136 = tpu.memref_slice %arg8[%dma_start3A_134, %dma_start3A_135] : memref<10240x64xf32, #tpu.memory_space<vmem_shared>> -> memref<10240x64xf32, #tpu.memory_space<vmem_shared>>
          tpu.enqueue_indirect_dma source(%dma_start3A_130 : memref<128x64xf32, #tpu.memory_space<vmem>>) target(%dma_start3A_136 : memref<10240x64xf32, #tpu.memory_space<vmem_shared>>) offsets(%dma_start3A_133 : memref<128xi32, #tpu.memory_space<vmem>>) semaphore(%run_scoped3A_127 : memref<!tpu.dma_semaphore, #tpu.memory_space<semaphore_mem>>) {add = true}
          %dma_wait3A_137 = arith.constant 512 : i32
          %dma_wait3A_138 = arith.constant 0 : i32
          %dma_wait3A_139 = tpu.memref_slice %arg13[%dma_wait3A_137, %dma_wait3A_138] : memref<640x64xf32, #tpu.memory_space<vmem>> -> memref<128x64xf32, #tpu.memory_space<vmem>>
          %dma_wait3A_140 = arith.constant 0 : i32
          %dma_wait3A_141 = tpu.memref_slice %arg11[%run_scoped3A_118, %run_scoped3A_119, %dma_wait3A_140] : memref<2x5x128xi32, #tpu.memory_space<vmem>> -> memref<1x1x128xi32, #tpu.memory_space<vmem>>
          %dma_wait3A_142 = tpu.memref_squeeze %dma_wait3A_141 : memref<1x1x128xi32, #tpu.memory_space<vmem>> -> memref<128xi32, #tpu.memory_space<vmem>>
          %dma_wait3A_143 = arith.constant 0 : i32
          %dma_wait3A_144 = arith.constant 0 : i32
          %dma_wait3A_145 = tpu.memref_slice %arg8[%dma_wait3A_143, %dma_wait3A_144] : memref<10240x64xf32, #tpu.memory_space<vmem_shared>> -> memref<10240x64xf32, #tpu.memory_space<vmem_shared>>
          tpu.wait_indirect_dma semaphore(%run_scoped3A_127 : memref<!tpu.dma_semaphore, #tpu.memory_space<semaphore_mem>>) src(%dma_wait3A_139 : memref<128x64xf32, #tpu.memory_space<vmem>>) dst(%dma_wait3A_145 : memref<10240x64xf32, #tpu.memory_space<vmem_shared>>)
          tpu.yield
        }) : () -> ()
        %add3A_120 = arith.constant 3 : i32
        %add3A_121 = arith.addi %add3A_51, %add3A_120 : i32
        %lt3A_122 = arith.constant 32 : i32
        %lt3A_123 = arith.cmpi slt, %add3A_121, %lt3A_122 : i32
        %convert_element_type3A_124 = arith.extui %lt3A_123 : i1 to i32
        %cond3A_125 = arith.constant 0 : i32
        %cond3A_126 = arith.cmpi ne, %convert_element_type3A_124, %cond3A_125 : i32
        scf.if %cond3A_126 {
          %add3A_127 = arith.constant 3 : i32
          %add3A_128 = arith.addi %add3A_51, %add3A_127 : i32
          %mul3A_129 = arith.constant 640 : i32
          %mul3A_130 = arith.muli %add3A_128, %mul3A_129 : i32
          %add3A_131 = arith.addi %mul3A_11, %mul3A_130 : i32
          %dma_start3A_132 = tpu.memref_slice %arg4[%add3A_131] : memref<327680xi32, #tpu.memory_space<hbm>> -> memref<640xi32, #tpu.memory_space<hbm>>
          %dma_start3A_133 = tpu.memref_slice %arg4[%add3A_131] : memref<327680xi32, #tpu.memory_space<hbm>> -> memref<640xi32, #tpu.memory_space<hbm>>
          tpu.enqueue_dma source(%dma_start3A_133 : memref<640xi32, #tpu.memory_space<hbm>>) target(%arg10 : memref<640xi32, #tpu.memory_space<vmem>>) target_semaphore(%arg17 : memref<!tpu.dma_semaphore, #tpu.memory_space<semaphore_mem>>)
          %add3A_134 = arith.addi %mul3A_13, %add3A_51 : i32
          %add3A_135 = arith.constant 3 : i32
          %add3A_136 = arith.addi %add3A_134, %add3A_135 : i32
          %dma_start3A_137 = arith.constant 1 : i32
          %dma_start3A_138 = arith.constant 0 : i32
          %dma_start3A_139 = arith.constant 0 : i32
          %dma_start3A_140 = tpu.memref_slice %arg11[%dma_start3A_137, %dma_start3A_138, %dma_start3A_139] : memref<2x5x128xi32, #tpu.memory_space<vmem>> -> memref<1x5x128xi32, #tpu.memory_space<vmem>>
          %dma_start3A_141 = tpu.memref_squeeze %dma_start3A_140 : memref<1x5x128xi32, #tpu.memory_space<vmem>> -> memref<5x128xi32, #tpu.memory_space<vmem>>
          %dma_start3A_142 = arith.constant 0 : i32
          %dma_start3A_143 = arith.constant 0 : i32
          %dma_start3A_144 = tpu.memref_slice %arg5[%add3A_136, %dma_start3A_142, %dma_start3A_143] : memref<512x5x128xi32, #tpu.memory_space<hbm>> -> memref<1x5x128xi32, #tpu.memory_space<hbm>>
          %dma_start3A_145 = tpu.memref_squeeze %dma_start3A_144 : memref<1x5x128xi32, #tpu.memory_space<hbm>> -> memref<5x128xi32, #tpu.memory_space<hbm>>
          %dma_start3A_146 = arith.constant 0 : i32
          %dma_start3A_147 = arith.constant 0 : i32
          %dma_start3A_148 = tpu.memref_slice %arg11[%dma_start3A_137, %dma_start3A_146, %dma_start3A_147] : memref<2x5x128xi32, #tpu.memory_space<vmem>> -> memref<1x5x128xi32, #tpu.memory_space<vmem>>
          %dma_start3A_149 = tpu.memref_squeeze %dma_start3A_148 : memref<1x5x128xi32, #tpu.memory_space<vmem>> -> memref<5x128xi32, #tpu.memory_space<vmem>>
          %dma_start3A_150 = arith.constant 0 : i32
          %dma_start3A_151 = arith.constant 0 : i32
          %dma_start3A_152 = tpu.memref_slice %arg5[%add3A_136, %dma_start3A_150, %dma_start3A_151] : memref<512x5x128xi32, #tpu.memory_space<hbm>> -> memref<1x5x128xi32, #tpu.memory_space<hbm>>
          %dma_start3A_153 = tpu.memref_squeeze %dma_start3A_152 : memref<1x5x128xi32, #tpu.memory_space<hbm>> -> memref<5x128xi32, #tpu.memory_space<hbm>>
          tpu.enqueue_dma source(%dma_start3A_153 : memref<5x128xi32, #tpu.memory_space<hbm>>) target(%dma_start3A_149 : memref<5x128xi32, #tpu.memory_space<vmem>>) target_semaphore(%arg17 : memref<!tpu.dma_semaphore, #tpu.memory_space<semaphore_mem>>)
        } else {
        }
      }
      %scan3A_46 = arith.constant 16 : i32
    } else {
    }
    %barrier3A = arith.constant 0 : index
    tpu.barrier barrier_id(%barrier3A)
    %mul3A = arith.constant 640 : i32
    %mul3A_7 = arith.muli %arg1, %mul3A : i32
    %mul3A_8 = arith.constant 640 : i32
    %mul3A_9 = arith.muli %arg1, %mul3A_8 : i32
    "tpu.region"() ({
      %run_scoped3A = tpu.sem_alloc : memref<!tpu.dma_semaphore, #tpu.memory_space<semaphore_mem>>
      %dma_start3A = arith.constant 0 : i32
      %dma_start3A_10 = tpu.memref_slice %arg7[%arg0, %mul3A_9, %dma_start3A] : memref<2x10240x64xf32, #tpu.memory_space<hbm>> -> memref<1x640x64xf32, #tpu.memory_space<hbm>>
      %dma_start3A_11 = tpu.memref_squeeze %dma_start3A_10 : memref<1x640x64xf32, #tpu.memory_space<hbm>> -> memref<640x64xf32, #tpu.memory_space<hbm>>
      %dma_start3A_12 = arith.constant 0 : i32
      %dma_start3A_13 = tpu.memref_slice %arg8[%mul3A_7, %dma_start3A_12] : memref<10240x64xf32, #tpu.memory_space<vmem_shared>> -> memref<640x64xf32, #tpu.memory_space<vmem_shared>>
      tpu.enqueue_dma source(%dma_start3A_13 : memref<640x64xf32, #tpu.memory_space<vmem_shared>>) target(%dma_start3A_11 : memref<640x64xf32, #tpu.memory_space<hbm>>) target_semaphore(%run_scoped3A : memref<!tpu.dma_semaphore, #tpu.memory_space<semaphore_mem>>)
      %dma_wait3A = arith.constant 0 : i32
      %dma_wait3A_14 = tpu.memref_slice %arg7[%arg0, %mul3A_9, %dma_wait3A] : memref<2x10240x64xf32, #tpu.memory_space<hbm>> -> memref<1x640x64xf32, #tpu.memory_space<hbm>>
      %dma_wait3A_15 = tpu.memref_squeeze %dma_wait3A_14 : memref<1x640x64xf32, #tpu.memory_space<hbm>> -> memref<640x64xf32, #tpu.memory_space<hbm>>
      %dma_wait3A_16 = arith.constant 0 : i32
      %dma_wait3A_17 = tpu.memref_slice %arg8[%mul3A_7, %dma_wait3A_16] : memref<10240x64xf32, #tpu.memory_space<vmem_shared>> -> memref<640x64xf32, #tpu.memory_space<vmem_shared>>
      tpu.wait_dma2 semaphore(%run_scoped3A : memref<!tpu.dma_semaphore, #tpu.memory_space<semaphore_mem>>) src(%dma_wait3A_17 : memref<640x64xf32, #tpu.memory_space<vmem_shared>>) dst(%dma_wait3A_15 : memref<640x64xf32, #tpu.memory_space<hbm>>)
      tpu.yield
    }) : () -> ()
    return
  }
}

#map = affine_map<(d0, d1) -> (0, 0)>
#map1 = affine_map<(d0, d1) -> (0)>
#map2 = affine_map<(d0, d1) -> (0, 0, 0)>
module attributes {stable_mosaic.version = 14 : i64} {
  func.func @_conv_kernel(%arg0: i32, %arg1: i32, %arg2: memref<10000x64xf32, #tpu.memory_space<hbm>>, %arg3: memref<10000x64xf32, #tpu.memory_space<hbm>>, %arg4: memref<327680xi32, #tpu.memory_space<hbm>>, %arg5: memref<512x5x128xi32, #tpu.memory_space<hbm>>, %arg6: memref<10240x64xf32, #tpu.memory_space<hbm>>, %arg7: memref<2x10240x64xf32, #tpu.memory_space<hbm>>, %arg8: memref<10240x64xf32, #tpu.memory_space<vmem_shared>>, %arg9: memref<640xi32, #tpu.memory_space<vmem>>, %arg10: memref<640xi32, #tpu.memory_space<vmem>>, %arg11: memref<2x5x128xi32, #tpu.memory_space<vmem>>, %arg12: memref<640x64xf32, #tpu.memory_space<vmem>>, %arg13: memref<640x64xf32, #tpu.memory_space<vmem>>, %arg14: memref<!tpu.dma_semaphore, #tpu.memory_space<semaphore_mem>>, %arg15: memref<!tpu.dma_semaphore, #tpu.memory_space<semaphore_mem>>, %arg16: memref<!tpu.dma_semaphore, #tpu.memory_space<semaphore_mem>>, %arg17: memref<!tpu.dma_semaphore, #tpu.memory_space<semaphore_mem>>) attributes {dimension_semantics = [#tpu.dimension_semantics<core_parallel>, #tpu.dimension_semantics<subcore_parallel>], iteration_bounds = array<i64: 2, 16>, scalar_prefetch = 0 : i64, scratch_operands = 10 : i64, tpu.core_type = #tpu.core_type<sc_vector_subcore>, window_params = [{transform_indices = #map}, {transform_indices = #map}, {transform_indices = #map1}, {transform_indices = #map2}, {transform_indices = #map}, {transform_indices = #map2}]} {
    %eq3A = arith.constant 0 : i32
    %eq3A_0 = arith.cmpi eq, %arg0, %eq3A : i32
    %convert_element_type3A = arith.extui %eq3A_0 : i1 to i32
    %cond3A = arith.constant 0 : i32
    %cond3A_1 = arith.cmpi ne, %convert_element_type3A, %cond3A : i32
    scf.if %cond3A_1 {
      %mul3A_10 = arith.constant 20480 : i32
      %mul3A_11 = arith.muli %arg1, %mul3A_10 : i32
      %mul3A_12 = arith.constant 32 : i32
      %mul3A_13 = arith.muli %arg1, %mul3A_12 : i32
      "tpu.region"() ({
        %run_scoped3A_47 = tpu.sem_alloc : memref<!tpu.dma_semaphore, #tpu.memory_space<semaphore_mem>>
        %dma_start3A_48 = tpu.memref_slice %arg4[%mul3A_11] : memref<327680xi32, #tpu.memory_space<hbm>> -> memref<640xi32, #tpu.memory_space<hbm>>
        %dma_start3A_49 = tpu.memref_slice %arg4[%mul3A_11] : memref<327680xi32, #tpu.memory_space<hbm>> -> memref<640xi32, #tpu.memory_space<hbm>>
        tpu.enqueue_dma source(%dma_start3A_49 : memref<640xi32, #tpu.memory_space<hbm>>) target(%arg9 : memref<640xi32, #tpu.memory_space<vmem>>) target_semaphore(%run_scoped3A_47 : memref<!tpu.dma_semaphore, #tpu.memory_space<semaphore_mem>>)
        %dma_wait3A = tpu.memref_slice %arg4[%mul3A_11] : memref<327680xi32, #tpu.memory_space<hbm>> -> memref<640xi32, #tpu.memory_space<hbm>>
        %dma_wait3A_50 = tpu.memref_slice %arg4[%mul3A_11] : memref<327680xi32, #tpu.memory_space<hbm>> -> memref<640xi32, #tpu.memory_space<hbm>>
        tpu.wait_dma2 semaphore(%run_scoped3A_47 : memref<!tpu.dma_semaphore, #tpu.memory_space<semaphore_mem>>) src(%dma_wait3A_50 : memref<640xi32, #tpu.memory_space<hbm>>) dst(%arg9 : memref<640xi32, #tpu.memory_space<vmem>>)
        tpu.yield
      }) : () -> ()
      %run_scoped3A = arith.constant 0 : i32
      "tpu.region"() ({
        %run_scoped3A_47 = tpu.sem_alloc : memref<!tpu.dma_semaphore, #tpu.memory_space<semaphore_mem>>
        %dma_start3A_48 = arith.constant 0 : i32
        %dma_start3A_49 = arith.constant 0 : i32
        %dma_start3A_50 = tpu.memref_slice %arg11[%run_scoped3A, %dma_start3A_48, %dma_start3A_49] : memref<2x5x128xi32, #tpu.memory_space<vmem>> -> memref<1x5x128xi32, #tpu.memory_space<vmem>>
        %dma_start3A_51 = tpu.memref_squeeze %dma_start3A_50 : memref<1x5x128xi32, #tpu.memory_space<vmem>> -> memref<5x128xi32, #tpu.memory_space<vmem>>
        %dma_start3A_52 = arith.constant 0 : i32
        %dma_start3A_53 = arith.constant 0 : i32
        %dma_start3A_54 = tpu.memref_slice %arg5[%mul3A_13, %dma_start3A_52, %dma_start3A_53] : memref<512x5x128xi32, #tpu.memory_space<hbm>> -> memref<1x5x128xi32, #tpu.memory_space<hbm>>
        %dma_start3A_55 = tpu.memref_squeeze %dma_start3A_54 : memref<1x5x128xi32, #tpu.memory_space<hbm>> -> memref<5x128xi32, #tpu.memory_space<hbm>>
        %dma_start3A_56 = arith.constant 0 : i32
        %dma_start3A_57 = arith.constant 0 : i32
        %dma_start3A_58 = tpu.memref_slice %arg11[%run_scoped3A, %dma_start3A_56, %dma_start3A_57] : memref<2x5x128xi32, #tpu.memory_space<vmem>> -> memref<1x5x128xi32, #tpu.memory_space<vmem>>
        %dma_start3A_59 = tpu.memref_squeeze %dma_start3A_58 : memref<1x5x128xi32, #tpu.memory_space<vmem>> -> memref<5x128xi32, #tpu.memory_space<vmem>>
        %dma_start3A_60 = arith.constant 0 : i32
        %dma_start3A_61 = arith.constant 0 : i32
        %dma_start3A_62 = tpu.memref_slice %arg5[%mul3A_13, %dma_start3A_60, %dma_start3A_61] : memref<512x5x128xi32, #tpu.memory_space<hbm>> -> memref<1x5x128xi32, #tpu.memory_space<hbm>>
        %dma_start3A_63 = tpu.memref_squeeze %dma_start3A_62 : memref<1x5x128xi32, #tpu.memory_space<hbm>> -> memref<5x128xi32, #tpu.memory_space<hbm>>
        tpu.enqueue_dma source(%dma_start3A_63 : memref<5x128xi32, #tpu.memory_space<hbm>>) target(%dma_start3A_59 : memref<5x128xi32, #tpu.memory_space<vmem>>) target_semaphore(%run_scoped3A_47 : memref<!tpu.dma_semaphore, #tpu.memory_space<semaphore_mem>>)
        %dma_wait3A = arith.constant 0 : i32
        %dma_wait3A_64 = arith.constant 0 : i32
        %dma_wait3A_65 = tpu.memref_slice %arg11[%run_scoped3A, %dma_wait3A, %dma_wait3A_64] : memref<2x5x128xi32, #tpu.memory_space<vmem>> -> memref<1x5x128xi32, #tpu.memory_space<vmem>>
        %dma_wait3A_66 = tpu.memref_squeeze %dma_wait3A_65 : memref<1x5x128xi32, #tpu.memory_space<vmem>> -> memref<5x128xi32, #tpu.memory_space<vmem>>
        %dma_wait3A_67 = arith.constant 0 : i32
        %dma_wait3A_68 = arith.constant 0 : i32
        %dma_wait3A_69 = tpu.memref_slice %arg5[%mul3A_13, %dma_wait3A_67, %dma_wait3A_68] : memref<512x5x128xi32, #tpu.memory_space<hbm>> -> memref<1x5x128xi32, #tpu.memory_space<hbm>>
        %dma_wait3A_70 = tpu.memref_squeeze %dma_wait3A_69 : memref<1x5x128xi32, #tpu.memory_space<hbm>> -> memref<5x128xi32, #tpu.memory_space<hbm>>
        %dma_wait3A_71 = arith.constant 0 : i32
        %dma_wait3A_72 = arith.constant 0 : i32
        %dma_wait3A_73 = tpu.memref_slice %arg11[%run_scoped3A, %dma_wait3A_71, %dma_wait3A_72] : memref<2x5x128xi32, #tpu.memory_space<vmem>> -> memref<1x5x128xi32, #tpu.memory_space<vmem>>
        %dma_wait3A_74 = tpu.memref_squeeze %dma_wait3A_73 : memref<1x5x128xi32, #tpu.memory_space<vmem>> -> memref<5x128xi32, #tpu.memory_space<vmem>>
        %dma_wait3A_75 = arith.constant 0 : i32
        %dma_wait3A_76 = arith.constant 0 : i32
        %dma_wait3A_77 = tpu.memref_slice %arg5[%mul3A_13, %dma_wait3A_75, %dma_wait3A_76] : memref<512x5x128xi32, #tpu.memory_space<hbm>> -> memref<1x5x128xi32, #tpu.memory_space<hbm>>
        %dma_wait3A_78 = tpu.memref_squeeze %dma_wait3A_77 : memref<1x5x128xi32, #tpu.memory_space<hbm>> -> memref<5x128xi32, #tpu.memory_space<hbm>>
        tpu.wait_dma2 semaphore(%run_scoped3A_47 : memref<!tpu.dma_semaphore, #tpu.memory_space<semaphore_mem>>) src(%dma_wait3A_78 : memref<5x128xi32, #tpu.memory_space<hbm>>) dst(%dma_wait3A_74 : memref<5x128xi32, #tpu.memory_space<vmem>>)
        tpu.yield
      }) : () -> ()
      %add3A = arith.constant 640 : i32
      %add3A_14 = arith.addi %mul3A_11, %add3A : i32
      %dma_start3A = tpu.memref_slice %arg4[%add3A_14] : memref<327680xi32, #tpu.memory_space<hbm>> -> memref<640xi32, #tpu.memory_space<hbm>>
      %dma_start3A_15 = tpu.memref_slice %arg4[%add3A_14] : memref<327680xi32, #tpu.memory_space<hbm>> -> memref<640xi32, #tpu.memory_space<hbm>>
      tpu.enqueue_dma source(%dma_start3A_15 : memref<640xi32, #tpu.memory_space<hbm>>) target(%arg10 : memref<640xi32, #tpu.memory_space<vmem>>) target_semaphore(%arg17 : memref<!tpu.dma_semaphore, #tpu.memory_space<semaphore_mem>>)
      %add3A_16 = arith.constant 1 : i32
      %add3A_17 = arith.addi %mul3A_13, %add3A_16 : i32
      %dma_start3A_18 = arith.constant 1 : i32
      %dma_start3A_19 = arith.constant 0 : i32
      %dma_start3A_20 = arith.constant 0 : i32
      %dma_start3A_21 = tpu.memref_slice %arg11[%dma_start3A_18, %dma_start3A_19, %dma_start3A_20] : memref<2x5x128xi32, #tpu.memory_space<vmem>> -> memref<1x5x128xi32, #tpu.memory_space<vmem>>
      %dma_start3A_22 = tpu.memref_squeeze %dma_start3A_21 : memref<1x5x128xi32, #tpu.memory_space<vmem>> -> memref<5x128xi32, #tpu.memory_space<vmem>>
      %dma_start3A_23 = arith.constant 0 : i32
      %dma_start3A_24 = arith.constant 0 : i32
      %dma_start3A_25 = tpu.memref_slice %arg5[%add3A_17, %dma_start3A_23, %dma_start3A_24] : memref<512x5x128xi32, #tpu.memory_space<hbm>> -> memref<1x5x128xi32, #tpu.memory_space<hbm>>
      %dma_start3A_26 = tpu.memref_squeeze %dma_start3A_25 : memref<1x5x128xi32, #tpu.memory_space<hbm>> -> memref<5x128xi32, #tpu.memory_space<hbm>>
      %dma_start3A_27 = arith.constant 0 : i32
      %dma_start3A_28 = arith.constant 0 : i32
      %dma_start3A_29 = tpu.memref_slice %arg11[%dma_start3A_18, %dma_start3A_27, %dma_start3A_28] : memref<2x5x128xi32, #tpu.memory_space<vmem>> -> memref<1x5x128xi32, #tpu.memory_space<vmem>>
      %dma_start3A_30 = tpu.memref_squeeze %dma_start3A_29 : memref<1x5x128xi32, #tpu.memory_space<vmem>> -> memref<5x128xi32, #tpu.memory_space<vmem>>
      %dma_start3A_31 = arith.constant 0 : i32
      %dma_start3A_32 = arith.constant 0 : i32
      %dma_start3A_33 = tpu.memref_slice %arg5[%add3A_17, %dma_start3A_31, %dma_start3A_32] : memref<512x5x128xi32, #tpu.memory_space<hbm>> -> memref<1x5x128xi32, #tpu.memory_space<hbm>>
      %dma_start3A_34 = tpu.memref_squeeze %dma_start3A_33 : memref<1x5x128xi32, #tpu.memory_space<hbm>> -> memref<5x128xi32, #tpu.memory_space<hbm>>
      tpu.enqueue_dma source(%dma_start3A_34 : memref<5x128xi32, #tpu.memory_space<hbm>>) target(%dma_start3A_30 : memref<5x128xi32, #tpu.memory_space<vmem>>) target_semaphore(%arg17 : memref<!tpu.dma_semaphore, #tpu.memory_space<semaphore_mem>>)
      %dma_start3A_35 = arith.constant 0 : i32
      %dma_start3A_36 = arith.constant 0 : i32
      %dma_start3A_37 = tpu.memref_slice %arg2[%dma_start3A_35, %dma_start3A_36] : memref<10000x64xf32, #tpu.memory_space<hbm>> -> memref<10000x64xf32, #tpu.memory_space<hbm>>
      tpu.enqueue_indirect_dma source(%dma_start3A_37 : memref<10000x64xf32, #tpu.memory_space<hbm>>) target(%arg12 : memref<640x64xf32, #tpu.memory_space<vmem>>) offsets(%arg9 : memref<640xi32, #tpu.memory_space<vmem>>) semaphore(%arg14 : memref<!tpu.dma_semaphore, #tpu.memory_space<semaphore_mem>>)
      %mul3A_38 = arith.constant 640 : i32
      %mul3A_39 = arith.muli %arg1, %mul3A_38 : i32
      %mul3A_40 = arith.constant 640 : i32
      %mul3A_41 = arith.muli %arg1, %mul3A_40 : i32
      "tpu.region"() ({
        %run_scoped3A_47 = tpu.sem_alloc : memref<!tpu.dma_semaphore, #tpu.memory_space<semaphore_mem>>
        %dma_start3A_48 = arith.constant 0 : i32
        %dma_start3A_49 = tpu.memref_slice %arg8[%mul3A_41, %dma_start3A_48] : memref<10240x64xf32, #tpu.memory_space<vmem_shared>> -> memref<640x64xf32, #tpu.memory_space<vmem_shared>>
        %dma_start3A_50 = arith.constant 0 : i32
        %dma_start3A_51 = tpu.memref_slice %arg6[%mul3A_39, %dma_start3A_50] : memref<10240x64xf32, #tpu.memory_space<hbm>> -> memref<640x64xf32, #tpu.memory_space<hbm>>
        tpu.enqueue_dma source(%dma_start3A_51 : memref<640x64xf32, #tpu.memory_space<hbm>>) target(%dma_start3A_49 : memref<640x64xf32, #tpu.memory_space<vmem_shared>>) target_semaphore(%run_scoped3A_47 : memref<!tpu.dma_semaphore, #tpu.memory_space<semaphore_mem>>)
        %dma_wait3A = arith.constant 0 : i32
        %dma_wait3A_52 = tpu.memref_slice %arg8[%mul3A_41, %dma_wait3A] : memref<10240x64xf32, #tpu.memory_space<vmem_shared>> -> memref<640x64xf32, #tpu.memory_space<vmem_shared>>
        %dma_wait3A_53 = arith.constant 0 : i32
        %dma_wait3A_54 = tpu.memref_slice %arg6[%mul3A_39, %dma_wait3A_53] : memref<10240x64xf32, #tpu.memory_space<hbm>> -> memref<640x64xf32, #tpu.memory_space<hbm>>
        tpu.wait_dma2 semaphore(%run_scoped3A_47 : memref<!tpu.dma_semaphore, #tpu.memory_space<semaphore_mem>>) src(%dma_wait3A_54 : memref<640x64xf32, #tpu.memory_space<hbm>>) dst(%dma_wait3A_52 : memref<640x64xf32, #tpu.memory_space<vmem_shared>>)
        tpu.yield
      }) : () -> ()
      %barrier3A_42 = arith.constant 0 : index
      tpu.barrier barrier_id(%barrier3A_42)
      %scan3A = arith.constant 0 : i32
      %scan3A_43 = arith.constant 16 : i32
      %scan3A_44 = arith.addi %scan3A, %scan3A_43 : i32
      %scan3A_45 = arith.constant 1 : i32
      scf.for %scan3A_47 = %scan3A to %scan3A_44 step %scan3A_45  : i32 {
        %mul3A_48 = arith.constant 2 : i32
        %mul3A_49 = arith.muli %scan3A_47, %mul3A_48 : i32
        %add3A_50 = arith.constant 0 : i32
        %add3A_51 = arith.addi %add3A_50, %mul3A_49 : i32
        %add3A_52 = arith.constant 1 : i32
        %add3A_53 = arith.addi %add3A_51, %add3A_52 : i32
        %mul3A_54 = arith.constant 640 : i32
        %mul3A_55 = arith.muli %add3A_53, %mul3A_54 : i32
        %add3A_56 = arith.addi %mul3A_11, %mul3A_55 : i32
        %dma_wait3A = tpu.memref_slice %arg4[%add3A_56] : memref<327680xi32, #tpu.memory_space<hbm>> -> memref<640xi32, #tpu.memory_space<hbm>>
        %dma_wait3A_57 = tpu.memref_slice %arg4[%add3A_56] : memref<327680xi32, #tpu.memory_space<hbm>> -> memref<640xi32, #tpu.memory_space<hbm>>
        tpu.wait_dma2 semaphore(%arg17 : memref<!tpu.dma_semaphore, #tpu.memory_space<semaphore_mem>>) src(%dma_wait3A_57 : memref<640xi32, #tpu.memory_space<hbm>>) dst(%arg10 : memref<640xi32, #tpu.memory_space<vmem>>)
        %add3A_58 = arith.addi %mul3A_13, %add3A_51 : i32
        %add3A_59 = arith.constant 1 : i32
        %add3A_60 = arith.addi %add3A_58, %add3A_59 : i32
        %dma_wait3A_61 = arith.constant 1 : i32
        %dma_wait3A_62 = arith.constant 0 : i32
        %dma_wait3A_63 = arith.constant 0 : i32
        %dma_wait3A_64 = tpu.memref_slice %arg11[%dma_wait3A_61, %dma_wait3A_62, %dma_wait3A_63] : memref<2x5x128xi32, #tpu.memory_space<vmem>> -> memref<1x5x128xi32, #tpu.memory_space<vmem>>
        %dma_wait3A_65 = tpu.memref_squeeze %dma_wait3A_64 : memref<1x5x128xi32, #tpu.memory_space<vmem>> -> memref<5x128xi32, #tpu.memory_space<vmem>>
        %dma_wait3A_66 = arith.constant 0 : i32
        %dma_wait3A_67 = arith.constant 0 : i32
        %dma_wait3A_68 = tpu.memref_slice %arg5[%add3A_60, %dma_wait3A_66, %dma_wait3A_67] : memref<512x5x128xi32, #tpu.memory_space<hbm>> -> memref<1x5x128xi32, #tpu.memory_space<hbm>>
        %dma_wait3A_69 = tpu.memref_squeeze %dma_wait3A_68 : memref<1x5x128xi32, #tpu.memory_space<hbm>> -> memref<5x128xi32, #tpu.memory_space<hbm>>
        %dma_wait3A_70 = arith.constant 0 : i32
        %dma_wait3A_71 = arith.constant 0 : i32
        %dma_wait3A_72 = tpu.memref_slice %arg11[%dma_wait3A_61, %dma_wait3A_70, %dma_wait3A_71] : memref<2x5x128xi32, #tpu.memory_space<vmem>> -> memref<1x5x128xi32, #tpu.memory_space<vmem>>
        %dma_wait3A_73 = tpu.memref_squeeze %dma_wait3A_72 : memref<1x5x128xi32, #tpu.memory_space<vmem>> -> memref<5x128xi32, #tpu.memory_space<vmem>>
        %dma_wait3A_74 = arith.constant 0 : i32
        %dma_wait3A_75 = arith.constant 0 : i32
        %dma_wait3A_76 = tpu.memref_slice %arg5[%add3A_60, %dma_wait3A_74, %dma_wait3A_75] : memref<512x5x128xi32, #tpu.memory_space<hbm>> -> memref<1x5x128xi32, #tpu.memory_space<hbm>>
        %dma_wait3A_77 = tpu.memref_squeeze %dma_wait3A_76 : memref<1x5x128xi32, #tpu.memory_space<hbm>> -> memref<5x128xi32, #tpu.memory_space<hbm>>
        tpu.wait_dma2 semaphore(%arg17 : memref<!tpu.dma_semaphore, #tpu.memory_space<semaphore_mem>>) src(%dma_wait3A_77 : memref<5x128xi32, #tpu.memory_space<hbm>>) dst(%dma_wait3A_73 : memref<5x128xi32, #tpu.memory_space<vmem>>)
        %dma_start3A_78 = arith.constant 0 : i32
        %dma_start3A_79 = arith.constant 0 : i32
        %dma_start3A_80 = tpu.memref_slice %arg2[%dma_start3A_78, %dma_start3A_79] : memref<10000x64xf32, #tpu.memory_space<hbm>> -> memref<10000x64xf32, #tpu.memory_space<hbm>>
        tpu.enqueue_indirect_dma source(%dma_start3A_80 : memref<10000x64xf32, #tpu.memory_space<hbm>>) target(%arg13 : memref<640x64xf32, #tpu.memory_space<vmem>>) offsets(%arg10 : memref<640xi32, #tpu.memory_space<vmem>>) semaphore(%arg15 : memref<!tpu.dma_semaphore, #tpu.memory_space<semaphore_mem>>)
        %dma_wait3A_81 = arith.constant 0 : i32
        %dma_wait3A_82 = arith.constant 0 : i32
        %dma_wait3A_83 = tpu.memref_slice %arg2[%dma_wait3A_81, %dma_wait3A_82] : memref<10000x64xf32, #tpu.memory_space<hbm>> -> memref<10000x64xf32, #tpu.memory_space<hbm>>
        tpu.wait_indirect_dma semaphore(%arg14 : memref<!tpu.dma_semaphore, #tpu.memory_space<semaphore_mem>>) src(%dma_wait3A_83 : memref<10000x64xf32, #tpu.memory_space<hbm>>) dst(%arg12 : memref<640x64xf32, #tpu.memory_space<vmem>>)
        %add3A_84 = arith.constant 2 : i32
        %add3A_85 = arith.addi %add3A_51, %add3A_84 : i32
        %lt3A = arith.constant 32 : i32
        %lt3A_86 = arith.cmpi slt, %add3A_85, %lt3A : i32
        %convert_element_type3A_87 = arith.extui %lt3A_86 : i1 to i32
        %cond3A_88 = arith.constant 0 : i32
        %cond3A_89 = arith.cmpi ne, %convert_element_type3A_87, %cond3A_88 : i32
        scf.if %cond3A_89 {
          %add3A_127 = arith.constant 2 : i32
          %add3A_128 = arith.addi %add3A_51, %add3A_127 : i32
          %mul3A_129 = arith.constant 640 : i32
          %mul3A_130 = arith.muli %add3A_128, %mul3A_129 : i32
          %add3A_131 = arith.addi %mul3A_11, %mul3A_130 : i32
          %dma_start3A_132 = tpu.memref_slice %arg4[%add3A_131] : memref<327680xi32, #tpu.memory_space<hbm>> -> memref<640xi32, #tpu.memory_space<hbm>>
          %dma_start3A_133 = tpu.memref_slice %arg4[%add3A_131] : memref<327680xi32, #tpu.memory_space<hbm>> -> memref<640xi32, #tpu.memory_space<hbm>>
          tpu.enqueue_dma source(%dma_start3A_133 : memref<640xi32, #tpu.memory_space<hbm>>) target(%arg9 : memref<640xi32, #tpu.memory_space<vmem>>) target_semaphore(%arg16 : memref<!tpu.dma_semaphore, #tpu.memory_space<semaphore_mem>>)
        } else {
        }
        %run_scoped3A_90 = arith.constant 0 : i32
        %run_scoped3A_91 = arith.constant 0 : i32
        "tpu.region"() ({
          %run_scoped3A_127 = tpu.sem_alloc : memref<!tpu.dma_semaphore, #tpu.memory_space<semaphore_mem>>
          %dma_start3A_128 = arith.constant 0 : i32
          %dma_start3A_129 = arith.constant 0 : i32
          %dma_start3A_130 = tpu.memref_slice %arg12[%dma_start3A_128, %dma_start3A_129] : memref<640x64xf32, #tpu.memory_space<vmem>> -> memref<128x64xf32, #tpu.memory_space<vmem>>
          %dma_start3A_131 = arith.constant 0 : i32
          %dma_start3A_132 = tpu.memref_slice %arg11[%run_scoped3A_90, %run_scoped3A_91, %dma_start3A_131] : memref<2x5x128xi32, #tpu.memory_space<vmem>> -> memref<1x1x128xi32, #tpu.memory_space<vmem>>
          %dma_start3A_133 = tpu.memref_squeeze %dma_start3A_132 : memref<1x1x128xi32, #tpu.memory_space<vmem>> -> memref<128xi32, #tpu.memory_space<vmem>>
          %dma_start3A_134 = arith.constant 0 : i32
          %dma_start3A_135 = arith.constant 0 : i32
          %dma_start3A_136 = tpu.memref_slice %arg8[%dma_start3A_134, %dma_start3A_135] : memref<10240x64xf32, #tpu.memory_space<vmem_shared>> -> memref<10240x64xf32, #tpu.memory_space<vmem_shared>>
          tpu.enqueue_indirect_dma source(%dma_start3A_130 : memref<128x64xf32, #tpu.memory_space<vmem>>) target(%dma_start3A_136 : memref<10240x64xf32, #tpu.memory_space<vmem_shared>>) offsets(%dma_start3A_133 : memref<128xi32, #tpu.memory_space<vmem>>) semaphore(%run_scoped3A_127 : memref<!tpu.dma_semaphore, #tpu.memory_space<semaphore_mem>>) {add = true}
          %dma_wait3A_137 = arith.constant 0 : i32
          %dma_wait3A_138 = arith.constant 0 : i32
          %dma_wait3A_139 = tpu.memref_slice %arg12[%dma_wait3A_137, %dma_wait3A_138] : memref<640x64xf32, #tpu.memory_space<vmem>> -> memref<128x64xf32, #tpu.memory_space<vmem>>
          %dma_wait3A_140 = arith.constant 0 : i32
          %dma_wait3A_141 = tpu.memref_slice %arg11[%run_scoped3A_90, %run_scoped3A_91, %dma_wait3A_140] : memref<2x5x128xi32, #tpu.memory_space<vmem>> -> memref<1x1x128xi32, #tpu.memory_space<vmem>>
          %dma_wait3A_142 = tpu.memref_squeeze %dma_wait3A_141 : memref<1x1x128xi32, #tpu.memory_space<vmem>> -> memref<128xi32, #tpu.memory_space<vmem>>
          %dma_wait3A_143 = arith.constant 0 : i32
          %dma_wait3A_144 = arith.constant 0 : i32
          %dma_wait3A_145 = tpu.memref_slice %arg8[%dma_wait3A_143, %dma_wait3A_144] : memref<10240x64xf32, #tpu.memory_space<vmem_shared>> -> memref<10240x64xf32, #tpu.memory_space<vmem_shared>>
          tpu.wait_indirect_dma semaphore(%run_scoped3A_127 : memref<!tpu.dma_semaphore, #tpu.memory_space<semaphore_mem>>) src(%dma_wait3A_139 : memref<128x64xf32, #tpu.memory_space<vmem>>) dst(%dma_wait3A_145 : memref<10240x64xf32, #tpu.memory_space<vmem_shared>>)
          tpu.yield
        }) : () -> ()
        %run_scoped3A_92 = arith.constant 0 : i32
        %run_scoped3A_93 = arith.constant 1 : i32
        "tpu.region"() ({
          %run_scoped3A_127 = tpu.sem_alloc : memref<!tpu.dma_semaphore, #tpu.memory_space<semaphore_mem>>
          %dma_start3A_128 = arith.constant 128 : i32
          %dma_start3A_129 = arith.constant 0 : i32
          %dma_start3A_130 = tpu.memref_slice %arg12[%dma_start3A_128, %dma_start3A_129] : memref<640x64xf32, #tpu.memory_space<vmem>> -> memref<128x64xf32, #tpu.memory_space<vmem>>
          %dma_start3A_131 = arith.constant 0 : i32
          %dma_start3A_132 = tpu.memref_slice %arg11[%run_scoped3A_92, %run_scoped3A_93, %dma_start3A_131] : memref<2x5x128xi32, #tpu.memory_space<vmem>> -> memref<1x1x128xi32, #tpu.memory_space<vmem>>
          %dma_start3A_133 = tpu.memref_squeeze %dma_start3A_132 : memref<1x1x128xi32, #tpu.memory_space<vmem>> -> memref<128xi32, #tpu.memory_space<vmem>>
          %dma_start3A_134 = arith.constant 0 : i32
          %dma_start3A_135 = arith.constant 0 : i32
          %dma_start3A_136 = tpu.memref_slice %arg8[%dma_start3A_134, %dma_start3A_135] : memref<10240x64xf32, #tpu.memory_space<vmem_shared>> -> memref<10240x64xf32, #tpu.memory_space<vmem_shared>>
          tpu.enqueue_indirect_dma source(%dma_start3A_130 : memref<128x64xf32, #tpu.memory_space<vmem>>) target(%dma_start3A_136 : memref<10240x64xf32, #tpu.memory_space<vmem_shared>>) offsets(%dma_start3A_133 : memref<128xi32, #tpu.memory_space<vmem>>) semaphore(%run_scoped3A_127 : memref<!tpu.dma_semaphore, #tpu.memory_space<semaphore_mem>>) {add = true}
          %dma_wait3A_137 = arith.constant 128 : i32
          %dma_wait3A_138 = arith.constant 0 : i32
          %dma_wait3A_139 = tpu.memref_slice %arg12[%dma_wait3A_137, %dma_wait3A_138] : memref<640x64xf32, #tpu.memory_space<vmem>> -> memref<128x64xf32, #tpu.memory_space<vmem>>
          %dma_wait3A_140 = arith.constant 0 : i32
          %dma_wait3A_141 = tpu.memref_slice %arg11[%run_scoped3A_92, %run_scoped3A_93, %dma_wait3A_140] : memref<2x5x128xi32, #tpu.memory_space<vmem>> -> memref<1x1x128xi32, #tpu.memory_space<vmem>>
          %dma_wait3A_142 = tpu.memref_squeeze %dma_wait3A_141 : memref<1x1x128xi32, #tpu.memory_space<vmem>> -> memref<128xi32, #tpu.memory_space<vmem>>
          %dma_wait3A_143 = arith.constant 0 : i32
          %dma_wait3A_144 = arith.constant 0 : i32
          %dma_wait3A_145 = tpu.memref_slice %arg8[%dma_wait3A_143, %dma_wait3A_144] : memref<10240x64xf32, #tpu.memory_space<vmem_shared>> -> memref<10240x64xf32, #tpu.memory_space<vmem_shared>>
          tpu.wait_indirect_dma semaphore(%run_scoped3A_127 : memref<!tpu.dma_semaphore, #tpu.memory_space<semaphore_mem>>) src(%dma_wait3A_139 : memref<128x64xf32, #tpu.memory_space<vmem>>) dst(%dma_wait3A_145 : memref<10240x64xf32, #tpu.memory_space<vmem_shared>>)
          tpu.yield
        }) : () -> ()
        %run_scoped3A_94 = arith.constant 0 : i32
        %run_scoped3A_95 = arith.constant 2 : i32
        "tpu.region"() ({
          %run_scoped3A_127 = tpu.sem_alloc : memref<!tpu.dma_semaphore, #tpu.memory_space<semaphore_mem>>
          %dma_start3A_128 = arith.constant 256 : i32
          %dma_start3A_129 = arith.constant 0 : i32
          %dma_start3A_130 = tpu.memref_slice %arg12[%dma_start3A_128, %dma_start3A_129] : memref<640x64xf32, #tpu.memory_space<vmem>> -> memref<128x64xf32, #tpu.memory_space<vmem>>
          %dma_start3A_131 = arith.constant 0 : i32
          %dma_start3A_132 = tpu.memref_slice %arg11[%run_scoped3A_94, %run_scoped3A_95, %dma_start3A_131] : memref<2x5x128xi32, #tpu.memory_space<vmem>> -> memref<1x1x128xi32, #tpu.memory_space<vmem>>
          %dma_start3A_133 = tpu.memref_squeeze %dma_start3A_132 : memref<1x1x128xi32, #tpu.memory_space<vmem>> -> memref<128xi32, #tpu.memory_space<vmem>>
          %dma_start3A_134 = arith.constant 0 : i32
          %dma_start3A_135 = arith.constant 0 : i32
          %dma_start3A_136 = tpu.memref_slice %arg8[%dma_start3A_134, %dma_start3A_135] : memref<10240x64xf32, #tpu.memory_space<vmem_shared>> -> memref<10240x64xf32, #tpu.memory_space<vmem_shared>>
          tpu.enqueue_indirect_dma source(%dma_start3A_130 : memref<128x64xf32, #tpu.memory_space<vmem>>) target(%dma_start3A_136 : memref<10240x64xf32, #tpu.memory_space<vmem_shared>>) offsets(%dma_start3A_133 : memref<128xi32, #tpu.memory_space<vmem>>) semaphore(%run_scoped3A_127 : memref<!tpu.dma_semaphore, #tpu.memory_space<semaphore_mem>>) {add = true}
          %dma_wait3A_137 = arith.constant 256 : i32
          %dma_wait3A_138 = arith.constant 0 : i32
          %dma_wait3A_139 = tpu.memref_slice %arg12[%dma_wait3A_137, %dma_wait3A_138] : memref<640x64xf32, #tpu.memory_space<vmem>> -> memref<128x64xf32, #tpu.memory_space<vmem>>
          %dma_wait3A_140 = arith.constant 0 : i32
          %dma_wait3A_141 = tpu.memref_slice %arg11[%run_scoped3A_94, %run_scoped3A_95, %dma_wait3A_140] : memref<2x5x128xi32, #tpu.memory_space<vmem>> -> memref<1x1x128xi32, #tpu.memory_space<vmem>>
          %dma_wait3A_142 = tpu.memref_squeeze %dma_wait3A_141 : memref<1x1x128xi32, #tpu.memory_space<vmem>> -> memref<128xi32, #tpu.memory_space<vmem>>
          %dma_wait3A_143 = arith.constant 0 : i32
          %dma_wait3A_144 = arith.constant 0 : i32
          %dma_wait3A_145 = tpu.memref_slice %arg8[%dma_wait3A_143, %dma_wait3A_144] : memref<10240x64xf32, #tpu.memory_space<vmem_shared>> -> memref<10240x64xf32, #tpu.memory_space<vmem_shared>>
          tpu.wait_indirect_dma semaphore(%run_scoped3A_127 : memref<!tpu.dma_semaphore, #tpu.memory_space<semaphore_mem>>) src(%dma_wait3A_139 : memref<128x64xf32, #tpu.memory_space<vmem>>) dst(%dma_wait3A_145 : memref<10240x64xf32, #tpu.memory_space<vmem_shared>>)
          tpu.yield
        }) : () -> ()
        %run_scoped3A_96 = arith.constant 0 : i32
        %run_scoped3A_97 = arith.constant 3 : i32
        "tpu.region"() ({
          %run_scoped3A_127 = tpu.sem_alloc : memref<!tpu.dma_semaphore, #tpu.memory_space<semaphore_mem>>
          %dma_start3A_128 = arith.constant 384 : i32
          %dma_start3A_129 = arith.constant 0 : i32
          %dma_start3A_130 = tpu.memref_slice %arg12[%dma_start3A_128, %dma_start3A_129] : memref<640x64xf32, #tpu.memory_space<vmem>> -> memref<128x64xf32, #tpu.memory_space<vmem>>
          %dma_start3A_131 = arith.constant 0 : i32
          %dma_start3A_132 = tpu.memref_slice %arg11[%run_scoped3A_96, %run_scoped3A_97, %dma_start3A_131] : memref<2x5x128xi32, #tpu.memory_space<vmem>> -> memref<1x1x128xi32, #tpu.memory_space<vmem>>
          %dma_start3A_133 = tpu.memref_squeeze %dma_start3A_132 : memref<1x1x128xi32, #tpu.memory_space<vmem>> -> memref<128xi32, #tpu.memory_space<vmem>>
          %dma_start3A_134 = arith.constant 0 : i32
          %dma_start3A_135 = arith.constant 0 : i32
          %dma_start3A_136 = tpu.memref_slice %arg8[%dma_start3A_134, %dma_start3A_135] : memref<10240x64xf32, #tpu.memory_space<vmem_shared>> -> memref<10240x64xf32, #tpu.memory_space<vmem_shared>>
          tpu.enqueue_indirect_dma source(%dma_start3A_130 : memref<128x64xf32, #tpu.memory_space<vmem>>) target(%dma_start3A_136 : memref<10240x64xf32, #tpu.memory_space<vmem_shared>>) offsets(%dma_start3A_133 : memref<128xi32, #tpu.memory_space<vmem>>) semaphore(%run_scoped3A_127 : memref<!tpu.dma_semaphore, #tpu.memory_space<semaphore_mem>>) {add = true}
          %dma_wait3A_137 = arith.constant 384 : i32
          %dma_wait3A_138 = arith.constant 0 : i32
          %dma_wait3A_139 = tpu.memref_slice %arg12[%dma_wait3A_137, %dma_wait3A_138] : memref<640x64xf32, #tpu.memory_space<vmem>> -> memref<128x64xf32, #tpu.memory_space<vmem>>
          %dma_wait3A_140 = arith.constant 0 : i32
          %dma_wait3A_141 = tpu.memref_slice %arg11[%run_scoped3A_96, %run_scoped3A_97, %dma_wait3A_140] : memref<2x5x128xi32, #tpu.memory_space<vmem>> -> memref<1x1x128xi32, #tpu.memory_space<vmem>>
          %dma_wait3A_142 = tpu.memref_squeeze %dma_wait3A_141 : memref<1x1x128xi32, #tpu.memory_space<vmem>> -> memref<128xi32, #tpu.memory_space<vmem>>
          %dma_wait3A_143 = arith.constant 0 : i32
          %dma_wait3A_144 = arith.constant 0 : i32
          %dma_wait3A_145 = tpu.memref_slice %arg8[%dma_wait3A_143, %dma_wait3A_144] : memref<10240x64xf32, #tpu.memory_space<vmem_shared>> -> memref<10240x64xf32, #tpu.memory_space<vmem_shared>>
          tpu.wait_indirect_dma semaphore(%run_scoped3A_127 : memref<!tpu.dma_semaphore, #tpu.memory_space<semaphore_mem>>) src(%dma_wait3A_139 : memref<128x64xf32, #tpu.memory_space<vmem>>) dst(%dma_wait3A_145 : memref<10240x64xf32, #tpu.memory_space<vmem_shared>>)
          tpu.yield
        }) : () -> ()
        %run_scoped3A_98 = arith.constant 0 : i32
        %run_scoped3A_99 = arith.constant 4 : i32
        "tpu.region"() ({
          %run_scoped3A_127 = tpu.sem_alloc : memref<!tpu.dma_semaphore, #tpu.memory_space<semaphore_mem>>
          %dma_start3A_128 = arith.constant 512 : i32
          %dma_start3A_129 = arith.constant 0 : i32
          %dma_start3A_130 = tpu.memref_slice %arg12[%dma_start3A_128, %dma_start3A_129] : memref<640x64xf32, #tpu.memory_space<vmem>> -> memref<128x64xf32, #tpu.memory_space<vmem>>
          %dma_start3A_131 = arith.constant 0 : i32
          %dma_start3A_132 = tpu.memref_slice %arg11[%run_scoped3A_98, %run_scoped3A_99, %dma_start3A_131] : memref<2x5x128xi32, #tpu.memory_space<vmem>> -> memref<1x1x128xi32, #tpu.memory_space<vmem>>
          %dma_start3A_133 = tpu.memref_squeeze %dma_start3A_132 : memref<1x1x128xi32, #tpu.memory_space<vmem>> -> memref<128xi32, #tpu.memory_space<vmem>>
          %dma_start3A_134 = arith.constant 0 : i32
          %dma_start3A_135 = arith.constant 0 : i32
          %dma_start3A_136 = tpu.memref_slice %arg8[%dma_start3A_134, %dma_start3A_135] : memref<10240x64xf32, #tpu.memory_space<vmem_shared>> -> memref<10240x64xf32, #tpu.memory_space<vmem_shared>>
          tpu.enqueue_indirect_dma source(%dma_start3A_130 : memref<128x64xf32, #tpu.memory_space<vmem>>) target(%dma_start3A_136 : memref<10240x64xf32, #tpu.memory_space<vmem_shared>>) offsets(%dma_start3A_133 : memref<128xi32, #tpu.memory_space<vmem>>) semaphore(%run_scoped3A_127 : memref<!tpu.dma_semaphore, #tpu.memory_space<semaphore_mem>>) {add = true}
          %dma_wait3A_137 = arith.constant 512 : i32
          %dma_wait3A_138 = arith.constant 0 : i32
          %dma_wait3A_139 = tpu.memref_slice %arg12[%dma_wait3A_137, %dma_wait3A_138] : memref<640x64xf32, #tpu.memory_space<vmem>> -> memref<128x64xf32, #tpu.memory_space<vmem>>
          %dma_wait3A_140 = arith.constant 0 : i32
          %dma_wait3A_141 = tpu.memref_slice %arg11[%run_scoped3A_98, %run_scoped3A_99, %dma_wait3A_140] : memref<2x5x128xi32, #tpu.memory_space<vmem>> -> memref<1x1x128xi32, #tpu.memory_space<vmem>>
          %dma_wait3A_142 = tpu.memref_squeeze %dma_wait3A_141 : memref<1x1x128xi32, #tpu.memory_space<vmem>> -> memref<128xi32, #tpu.memory_space<vmem>>
          %dma_wait3A_143 = arith.constant 0 : i32
          %dma_wait3A_144 = arith.constant 0 : i32
          %dma_wait3A_145 = tpu.memref_slice %arg8[%dma_wait3A_143, %dma_wait3A_144] : memref<10240x64xf32, #tpu.memory_space<vmem_shared>> -> memref<10240x64xf32, #tpu.memory_space<vmem_shared>>
          tpu.wait_indirect_dma semaphore(%run_scoped3A_127 : memref<!tpu.dma_semaphore, #tpu.memory_space<semaphore_mem>>) src(%dma_wait3A_139 : memref<128x64xf32, #tpu.memory_space<vmem>>) dst(%dma_wait3A_145 : memref<10240x64xf32, #tpu.memory_space<vmem_shared>>)
          tpu.yield
        }) : () -> ()
        %add3A_100 = arith.constant 2 : i32
        %add3A_101 = arith.addi %add3A_51, %add3A_100 : i32
        %lt3A_102 = arith.constant 32 : i32
        %lt3A_103 = arith.cmpi slt, %add3A_101, %lt3A_102 : i32
        %convert_element_type3A_104 = arith.extui %lt3A_103 : i1 to i32
        %cond3A_105 = arith.constant 0 : i32
        %cond3A_106 = arith.cmpi ne, %convert_element_type3A_104, %cond3A_105 : i32
        scf.if %cond3A_106 {
          %add3A_127 = arith.addi %mul3A_13, %add3A_51 : i32
          %add3A_128 = arith.constant 2 : i32
          %add3A_129 = arith.addi %add3A_127, %add3A_128 : i32
          %dma_start3A_130 = arith.constant 0 : i32
          %dma_start3A_131 = arith.constant 0 : i32
          %dma_start3A_132 = arith.constant 0 : i32
          %dma_start3A_133 = tpu.memref_slice %arg11[%dma_start3A_130, %dma_start3A_131, %dma_start3A_132] : memref<2x5x128xi32, #tpu.memory_space<vmem>> -> memref<1x5x128xi32, #tpu.memory_space<vmem>>
          %dma_start3A_134 = tpu.memref_squeeze %dma_start3A_133 : memref<1x5x128xi32, #tpu.memory_space<vmem>> -> memref<5x128xi32, #tpu.memory_space<vmem>>
          %dma_start3A_135 = arith.constant 0 : i32
          %dma_start3A_136 = arith.constant 0 : i32
          %dma_start3A_137 = tpu.memref_slice %arg5[%add3A_129, %dma_start3A_135, %dma_start3A_136] : memref<512x5x128xi32, #tpu.memory_space<hbm>> -> memref<1x5x128xi32, #tpu.memory_space<hbm>>
          %dma_start3A_138 = tpu.memref_squeeze %dma_start3A_137 : memref<1x5x128xi32, #tpu.memory_space<hbm>> -> memref<5x128xi32, #tpu.memory_space<hbm>>
          %dma_start3A_139 = arith.constant 0 : i32
          %dma_start3A_140 = arith.constant 0 : i32
          %dma_start3A_141 = tpu.memref_slice %arg11[%dma_start3A_130, %dma_start3A_139, %dma_start3A_140] : memref<2x5x128xi32, #tpu.memory_space<vmem>> -> memref<1x5x128xi32, #tpu.memory_space<vmem>>
          %dma_start3A_142 = tpu.memref_squeeze %dma_start3A_141 : memref<1x5x128xi32, #tpu.memory_space<vmem>> -> memref<5x128xi32, #tpu.memory_space<vmem>>
          %dma_start3A_143 = arith.constant 0 : i32
          %dma_start3A_144 = arith.constant 0 : i32
          %dma_start3A_145 = tpu.memref_slice %arg5[%add3A_129, %dma_start3A_143, %dma_start3A_144] : memref<512x5x128xi32, #tpu.memory_space<hbm>> -> memref<1x5x128xi32, #tpu.memory_space<hbm>>
          %dma_start3A_146 = tpu.memref_squeeze %dma_start3A_145 : memref<1x5x128xi32, #tpu.memory_space<hbm>> -> memref<5x128xi32, #tpu.memory_space<hbm>>
          tpu.enqueue_dma source(%dma_start3A_146 : memref<5x128xi32, #tpu.memory_space<hbm>>) target(%dma_start3A_142 : memref<5x128xi32, #tpu.memory_space<vmem>>) target_semaphore(%arg16 : memref<!tpu.dma_semaphore, #tpu.memory_space<semaphore_mem>>)
          %add3A_147 = arith.constant 2 : i32
          %add3A_148 = arith.addi %add3A_51, %add3A_147 : i32
          %mul3A_149 = arith.constant 640 : i32
          %mul3A_150 = arith.muli %add3A_148, %mul3A_149 : i32
          %add3A_151 = arith.addi %mul3A_11, %mul3A_150 : i32
          %dma_wait3A_152 = tpu.memref_slice %arg4[%add3A_151] : memref<327680xi32, #tpu.memory_space<hbm>> -> memref<640xi32, #tpu.memory_space<hbm>>
          %dma_wait3A_153 = tpu.memref_slice %arg4[%add3A_151] : memref<327680xi32, #tpu.memory_space<hbm>> -> memref<640xi32, #tpu.memory_space<hbm>>
          tpu.wait_dma2 semaphore(%arg16 : memref<!tpu.dma_semaphore, #tpu.memory_space<semaphore_mem>>) src(%dma_wait3A_153 : memref<640xi32, #tpu.memory_space<hbm>>) dst(%arg9 : memref<640xi32, #tpu.memory_space<vmem>>)
          %add3A_154 = arith.addi %mul3A_13, %add3A_51 : i32
          %add3A_155 = arith.constant 2 : i32
          %add3A_156 = arith.addi %add3A_154, %add3A_155 : i32
          %dma_wait3A_157 = arith.constant 0 : i32
          %dma_wait3A_158 = arith.constant 0 : i32
          %dma_wait3A_159 = arith.constant 0 : i32
          %dma_wait3A_160 = tpu.memref_slice %arg11[%dma_wait3A_157, %dma_wait3A_158, %dma_wait3A_159] : memref<2x5x128xi32, #tpu.memory_space<vmem>> -> memref<1x5x128xi32, #tpu.memory_space<vmem>>
          %dma_wait3A_161 = tpu.memref_squeeze %dma_wait3A_160 : memref<1x5x128xi32, #tpu.memory_space<vmem>> -> memref<5x128xi32, #tpu.memory_space<vmem>>
          %dma_wait3A_162 = arith.constant 0 : i32
          %dma_wait3A_163 = arith.constant 0 : i32
          %dma_wait3A_164 = tpu.memref_slice %arg5[%add3A_156, %dma_wait3A_162, %dma_wait3A_163] : memref<512x5x128xi32, #tpu.memory_space<hbm>> -> memref<1x5x128xi32, #tpu.memory_space<hbm>>
          %dma_wait3A_165 = tpu.memref_squeeze %dma_wait3A_164 : memref<1x5x128xi32, #tpu.memory_space<hbm>> -> memref<5x128xi32, #tpu.memory_space<hbm>>
          %dma_wait3A_166 = arith.constant 0 : i32
          %dma_wait3A_167 = arith.constant 0 : i32
          %dma_wait3A_168 = tpu.memref_slice %arg11[%dma_wait3A_157, %dma_wait3A_166, %dma_wait3A_167] : memref<2x5x128xi32, #tpu.memory_space<vmem>> -> memref<1x5x128xi32, #tpu.memory_space<vmem>>
          %dma_wait3A_169 = tpu.memref_squeeze %dma_wait3A_168 : memref<1x5x128xi32, #tpu.memory_space<vmem>> -> memref<5x128xi32, #tpu.memory_space<vmem>>
          %dma_wait3A_170 = arith.constant 0 : i32
          %dma_wait3A_171 = arith.constant 0 : i32
          %dma_wait3A_172 = tpu.memref_slice %arg5[%add3A_156, %dma_wait3A_170, %dma_wait3A_171] : memref<512x5x128xi32, #tpu.memory_space<hbm>> -> memref<1x5x128xi32, #tpu.memory_space<hbm>>
          %dma_wait3A_173 = tpu.memref_squeeze %dma_wait3A_172 : memref<1x5x128xi32, #tpu.memory_space<hbm>> -> memref<5x128xi32, #tpu.memory_space<hbm>>
          tpu.wait_dma2 semaphore(%arg16 : memref<!tpu.dma_semaphore, #tpu.memory_space<semaphore_mem>>) src(%dma_wait3A_173 : memref<5x128xi32, #tpu.memory_space<hbm>>) dst(%dma_wait3A_169 : memref<5x128xi32, #tpu.memory_space<vmem>>)
          %dma_start3A_174 = arith.constant 0 : i32
          %dma_start3A_175 = arith.constant 0 : i32
          %dma_start3A_176 = tpu.memref_slice %arg2[%dma_start3A_174, %dma_start3A_175] : memref<10000x64xf32, #tpu.memory_space<hbm>> -> memref<10000x64xf32, #tpu.memory_space<hbm>>
          tpu.enqueue_indirect_dma source(%dma_start3A_176 : memref<10000x64xf32, #tpu.memory_space<hbm>>) target(%arg12 : memref<640x64xf32, #tpu.memory_space<vmem>>) offsets(%arg9 : memref<640xi32, #tpu.memory_space<vmem>>) semaphore(%arg14 : memref<!tpu.dma_semaphore, #tpu.memory_space<semaphore_mem>>)
        } else {
        }
        %dma_wait3A_107 = arith.constant 0 : i32
        %dma_wait3A_108 = arith.constant 0 : i32
        %dma_wait3A_109 = tpu.memref_slice %arg2[%dma_wait3A_107, %dma_wait3A_108] : memref<10000x64xf32, #tpu.memory_space<hbm>> -> memref<10000x64xf32, #tpu.memory_space<hbm>>
        tpu.wait_indirect_dma semaphore(%arg15 : memref<!tpu.dma_semaphore, #tpu.memory_space<semaphore_mem>>) src(%dma_wait3A_109 : memref<10000x64xf32, #tpu.memory_space<hbm>>) dst(%arg13 : memref<640x64xf32, #tpu.memory_space<vmem>>)
        %run_scoped3A_110 = arith.constant 1 : i32
        %run_scoped3A_111 = arith.constant 0 : i32
        "tpu.region"() ({
          %run_scoped3A_127 = tpu.sem_alloc : memref<!tpu.dma_semaphore, #tpu.memory_space<semaphore_mem>>
          %dma_start3A_128 = arith.constant 0 : i32
          %dma_start3A_129 = arith.constant 0 : i32
          %dma_start3A_130 = tpu.memref_slice %arg13[%dma_start3A_128, %dma_start3A_129] : memref<640x64xf32, #tpu.memory_space<vmem>> -> memref<128x64xf32, #tpu.memory_space<vmem>>
          %dma_start3A_131 = arith.constant 0 : i32
          %dma_start3A_132 = tpu.memref_slice %arg11[%run_scoped3A_110, %run_scoped3A_111, %dma_start3A_131] : memref<2x5x128xi32, #tpu.memory_space<vmem>> -> memref<1x1x128xi32, #tpu.memory_space<vmem>>
          %dma_start3A_133 = tpu.memref_squeeze %dma_start3A_132 : memref<1x1x128xi32, #tpu.memory_space<vmem>> -> memref<128xi32, #tpu.memory_space<vmem>>
          %dma_start3A_134 = arith.constant 0 : i32
          %dma_start3A_135 = arith.constant 0 : i32
          %dma_start3A_136 = tpu.memref_slice %arg8[%dma_start3A_134, %dma_start3A_135] : memref<10240x64xf32, #tpu.memory_space<vmem_shared>> -> memref<10240x64xf32, #tpu.memory_space<vmem_shared>>
          tpu.enqueue_indirect_dma source(%dma_start3A_130 : memref<128x64xf32, #tpu.memory_space<vmem>>) target(%dma_start3A_136 : memref<10240x64xf32, #tpu.memory_space<vmem_shared>>) offsets(%dma_start3A_133 : memref<128xi32, #tpu.memory_space<vmem>>) semaphore(%run_scoped3A_127 : memref<!tpu.dma_semaphore, #tpu.memory_space<semaphore_mem>>) {add = true}
          %dma_wait3A_137 = arith.constant 0 : i32
          %dma_wait3A_138 = arith.constant 0 : i32
          %dma_wait3A_139 = tpu.memref_slice %arg13[%dma_wait3A_137, %dma_wait3A_138] : memref<640x64xf32, #tpu.memory_space<vmem>> -> memref<128x64xf32, #tpu.memory_space<vmem>>
          %dma_wait3A_140 = arith.constant 0 : i32
          %dma_wait3A_141 = tpu.memref_slice %arg11[%run_scoped3A_110, %run_scoped3A_111, %dma_wait3A_140] : memref<2x5x128xi32, #tpu.memory_space<vmem>> -> memref<1x1x128xi32, #tpu.memory_space<vmem>>
          %dma_wait3A_142 = tpu.memref_squeeze %dma_wait3A_141 : memref<1x1x128xi32, #tpu.memory_space<vmem>> -> memref<128xi32, #tpu.memory_space<vmem>>
          %dma_wait3A_143 = arith.constant 0 : i32
          %dma_wait3A_144 = arith.constant 0 : i32
          %dma_wait3A_145 = tpu.memref_slice %arg8[%dma_wait3A_143, %dma_wait3A_144] : memref<10240x64xf32, #tpu.memory_space<vmem_shared>> -> memref<10240x64xf32, #tpu.memory_space<vmem_shared>>
          tpu.wait_indirect_dma semaphore(%run_scoped3A_127 : memref<!tpu.dma_semaphore, #tpu.memory_space<semaphore_mem>>) src(%dma_wait3A_139 : memref<128x64xf32, #tpu.memory_space<vmem>>) dst(%dma_wait3A_145 : memref<10240x64xf32, #tpu.memory_space<vmem_shared>>)
          tpu.yield
        }) : () -> ()
        %run_scoped3A_112 = arith.constant 1 : i32
        %run_scoped3A_113 = arith.constant 1 : i32
        "tpu.region"() ({
          %run_scoped3A_127 = tpu.sem_alloc : memref<!tpu.dma_semaphore, #tpu.memory_space<semaphore_mem>>
          %dma_start3A_128 = arith.constant 128 : i32
          %dma_start3A_129 = arith.constant 0 : i32
          %dma_start3A_130 = tpu.memref_slice %arg13[%dma_start3A_128, %dma_start3A_129] : memref<640x64xf32, #tpu.memory_space<vmem>> -> memref<128x64xf32, #tpu.memory_space<vmem>>
          %dma_start3A_131 = arith.constant 0 : i32
          %dma_start3A_132 = tpu.memref_slice %arg11[%run_scoped3A_112, %run_scoped3A_113, %dma_start3A_131] : memref<2x5x128xi32, #tpu.memory_space<vmem>> -> memref<1x1x128xi32, #tpu.memory_space<vmem>>
          %dma_start3A_133 = tpu.memref_squeeze %dma_start3A_132 : memref<1x1x128xi32, #tpu.memory_space<vmem>> -> memref<128xi32, #tpu.memory_space<vmem>>
          %dma_start3A_134 = arith.constant 0 : i32
          %dma_start3A_135 = arith.constant 0 : i32
          %dma_start3A_136 = tpu.memref_slice %arg8[%dma_start3A_134, %dma_start3A_135] : memref<10240x64xf32, #tpu.memory_space<vmem_shared>> -> memref<10240x64xf32, #tpu.memory_space<vmem_shared>>
          tpu.enqueue_indirect_dma source(%dma_start3A_130 : memref<128x64xf32, #tpu.memory_space<vmem>>) target(%dma_start3A_136 : memref<10240x64xf32, #tpu.memory_space<vmem_shared>>) offsets(%dma_start3A_133 : memref<128xi32, #tpu.memory_space<vmem>>) semaphore(%run_scoped3A_127 : memref<!tpu.dma_semaphore, #tpu.memory_space<semaphore_mem>>) {add = true}
          %dma_wait3A_137 = arith.constant 128 : i32
          %dma_wait3A_138 = arith.constant 0 : i32
          %dma_wait3A_139 = tpu.memref_slice %arg13[%dma_wait3A_137, %dma_wait3A_138] : memref<640x64xf32, #tpu.memory_space<vmem>> -> memref<128x64xf32, #tpu.memory_space<vmem>>
          %dma_wait3A_140 = arith.constant 0 : i32
          %dma_wait3A_141 = tpu.memref_slice %arg11[%run_scoped3A_112, %run_scoped3A_113, %dma_wait3A_140] : memref<2x5x128xi32, #tpu.memory_space<vmem>> -> memref<1x1x128xi32, #tpu.memory_space<vmem>>
          %dma_wait3A_142 = tpu.memref_squeeze %dma_wait3A_141 : memref<1x1x128xi32, #tpu.memory_space<vmem>> -> memref<128xi32, #tpu.memory_space<vmem>>
          %dma_wait3A_143 = arith.constant 0 : i32
          %dma_wait3A_144 = arith.constant 0 : i32
          %dma_wait3A_145 = tpu.memref_slice %arg8[%dma_wait3A_143, %dma_wait3A_144] : memref<10240x64xf32, #tpu.memory_space<vmem_shared>> -> memref<10240x64xf32, #tpu.memory_space<vmem_shared>>
          tpu.wait_indirect_dma semaphore(%run_scoped3A_127 : memref<!tpu.dma_semaphore, #tpu.memory_space<semaphore_mem>>) src(%dma_wait3A_139 : memref<128x64xf32, #tpu.memory_space<vmem>>) dst(%dma_wait3A_145 : memref<10240x64xf32, #tpu.memory_space<vmem_shared>>)
          tpu.yield
        }) : () -> ()
        %run_scoped3A_114 = arith.constant 1 : i32
        %run_scoped3A_115 = arith.constant 2 : i32
        "tpu.region"() ({
          %run_scoped3A_127 = tpu.sem_alloc : memref<!tpu.dma_semaphore, #tpu.memory_space<semaphore_mem>>
          %dma_start3A_128 = arith.constant 256 : i32
          %dma_start3A_129 = arith.constant 0 : i32
          %dma_start3A_130 = tpu.memref_slice %arg13[%dma_start3A_128, %dma_start3A_129] : memref<640x64xf32, #tpu.memory_space<vmem>> -> memref<128x64xf32, #tpu.memory_space<vmem>>
          %dma_start3A_131 = arith.constant 0 : i32
          %dma_start3A_132 = tpu.memref_slice %arg11[%run_scoped3A_114, %run_scoped3A_115, %dma_start3A_131] : memref<2x5x128xi32, #tpu.memory_space<vmem>> -> memref<1x1x128xi32, #tpu.memory_space<vmem>>
          %dma_start3A_133 = tpu.memref_squeeze %dma_start3A_132 : memref<1x1x128xi32, #tpu.memory_space<vmem>> -> memref<128xi32, #tpu.memory_space<vmem>>
          %dma_start3A_134 = arith.constant 0 : i32
          %dma_start3A_135 = arith.constant 0 : i32
          %dma_start3A_136 = tpu.memref_slice %arg8[%dma_start3A_134, %dma_start3A_135] : memref<10240x64xf32, #tpu.memory_space<vmem_shared>> -> memref<10240x64xf32, #tpu.memory_space<vmem_shared>>
          tpu.enqueue_indirect_dma source(%dma_start3A_130 : memref<128x64xf32, #tpu.memory_space<vmem>>) target(%dma_start3A_136 : memref<10240x64xf32, #tpu.memory_space<vmem_shared>>) offsets(%dma_start3A_133 : memref<128xi32, #tpu.memory_space<vmem>>) semaphore(%run_scoped3A_127 : memref<!tpu.dma_semaphore, #tpu.memory_space<semaphore_mem>>) {add = true}
          %dma_wait3A_137 = arith.constant 256 : i32
          %dma_wait3A_138 = arith.constant 0 : i32
          %dma_wait3A_139 = tpu.memref_slice %arg13[%dma_wait3A_137, %dma_wait3A_138] : memref<640x64xf32, #tpu.memory_space<vmem>> -> memref<128x64xf32, #tpu.memory_space<vmem>>
          %dma_wait3A_140 = arith.constant 0 : i32
          %dma_wait3A_141 = tpu.memref_slice %arg11[%run_scoped3A_114, %run_scoped3A_115, %dma_wait3A_140] : memref<2x5x128xi32, #tpu.memory_space<vmem>> -> memref<1x1x128xi32, #tpu.memory_space<vmem>>
          %dma_wait3A_142 = tpu.memref_squeeze %dma_wait3A_141 : memref<1x1x128xi32, #tpu.memory_space<vmem>> -> memref<128xi32, #tpu.memory_space<vmem>>
          %dma_wait3A_143 = arith.constant 0 : i32
          %dma_wait3A_144 = arith.constant 0 : i32
          %dma_wait3A_145 = tpu.memref_slice %arg8[%dma_wait3A_143, %dma_wait3A_144] : memref<10240x64xf32, #tpu.memory_space<vmem_shared>> -> memref<10240x64xf32, #tpu.memory_space<vmem_shared>>
          tpu.wait_indirect_dma semaphore(%run_scoped3A_127 : memref<!tpu.dma_semaphore, #tpu.memory_space<semaphore_mem>>) src(%dma_wait3A_139 : memref<128x64xf32, #tpu.memory_space<vmem>>) dst(%dma_wait3A_145 : memref<10240x64xf32, #tpu.memory_space<vmem_shared>>)
          tpu.yield
        }) : () -> ()
        %run_scoped3A_116 = arith.constant 1 : i32
        %run_scoped3A_117 = arith.constant 3 : i32
        "tpu.region"() ({
          %run_scoped3A_127 = tpu.sem_alloc : memref<!tpu.dma_semaphore, #tpu.memory_space<semaphore_mem>>
          %dma_start3A_128 = arith.constant 384 : i32
          %dma_start3A_129 = arith.constant 0 : i32
          %dma_start3A_130 = tpu.memref_slice %arg13[%dma_start3A_128, %dma_start3A_129] : memref<640x64xf32, #tpu.memory_space<vmem>> -> memref<128x64xf32, #tpu.memory_space<vmem>>
          %dma_start3A_131 = arith.constant 0 : i32
          %dma_start3A_132 = tpu.memref_slice %arg11[%run_scoped3A_116, %run_scoped3A_117, %dma_start3A_131] : memref<2x5x128xi32, #tpu.memory_space<vmem>> -> memref<1x1x128xi32, #tpu.memory_space<vmem>>
          %dma_start3A_133 = tpu.memref_squeeze %dma_start3A_132 : memref<1x1x128xi32, #tpu.memory_space<vmem>> -> memref<128xi32, #tpu.memory_space<vmem>>
          %dma_start3A_134 = arith.constant 0 : i32
          %dma_start3A_135 = arith.constant 0 : i32
          %dma_start3A_136 = tpu.memref_slice %arg8[%dma_start3A_134, %dma_start3A_135] : memref<10240x64xf32, #tpu.memory_space<vmem_shared>> -> memref<10240x64xf32, #tpu.memory_space<vmem_shared>>
          tpu.enqueue_indirect_dma source(%dma_start3A_130 : memref<128x64xf32, #tpu.memory_space<vmem>>) target(%dma_start3A_136 : memref<10240x64xf32, #tpu.memory_space<vmem_shared>>) offsets(%dma_start3A_133 : memref<128xi32, #tpu.memory_space<vmem>>) semaphore(%run_scoped3A_127 : memref<!tpu.dma_semaphore, #tpu.memory_space<semaphore_mem>>) {add = true}
          %dma_wait3A_137 = arith.constant 384 : i32
          %dma_wait3A_138 = arith.constant 0 : i32
          %dma_wait3A_139 = tpu.memref_slice %arg13[%dma_wait3A_137, %dma_wait3A_138] : memref<640x64xf32, #tpu.memory_space<vmem>> -> memref<128x64xf32, #tpu.memory_space<vmem>>
          %dma_wait3A_140 = arith.constant 0 : i32
          %dma_wait3A_141 = tpu.memref_slice %arg11[%run_scoped3A_116, %run_scoped3A_117, %dma_wait3A_140] : memref<2x5x128xi32, #tpu.memory_space<vmem>> -> memref<1x1x128xi32, #tpu.memory_space<vmem>>
          %dma_wait3A_142 = tpu.memref_squeeze %dma_wait3A_141 : memref<1x1x128xi32, #tpu.memory_space<vmem>> -> memref<128xi32, #tpu.memory_space<vmem>>
          %dma_wait3A_143 = arith.constant 0 : i32
          %dma_wait3A_144 = arith.constant 0 : i32
          %dma_wait3A_145 = tpu.memref_slice %arg8[%dma_wait3A_143, %dma_wait3A_144] : memref<10240x64xf32, #tpu.memory_space<vmem_shared>> -> memref<10240x64xf32, #tpu.memory_space<vmem_shared>>
          tpu.wait_indirect_dma semaphore(%run_scoped3A_127 : memref<!tpu.dma_semaphore, #tpu.memory_space<semaphore_mem>>) src(%dma_wait3A_139 : memref<128x64xf32, #tpu.memory_space<vmem>>) dst(%dma_wait3A_145 : memref<10240x64xf32, #tpu.memory_space<vmem_shared>>)
          tpu.yield
        }) : () -> ()
        %run_scoped3A_118 = arith.constant 1 : i32
        %run_scoped3A_119 = arith.constant 4 : i32
        "tpu.region"() ({
          %run_scoped3A_127 = tpu.sem_alloc : memref<!tpu.dma_semaphore, #tpu.memory_space<semaphore_mem>>
          %dma_start3A_128 = arith.constant 512 : i32
          %dma_start3A_129 = arith.constant 0 : i32
          %dma_start3A_130 = tpu.memref_slice %arg13[%dma_start3A_128, %dma_start3A_129] : memref<640x64xf32, #tpu.memory_space<vmem>> -> memref<128x64xf32, #tpu.memory_space<vmem>>
          %dma_start3A_131 = arith.constant 0 : i32
          %dma_start3A_132 = tpu.memref_slice %arg11[%run_scoped3A_118, %run_scoped3A_119, %dma_start3A_131] : memref<2x5x128xi32, #tpu.memory_space<vmem>> -> memref<1x1x128xi32, #tpu.memory_space<vmem>>
          %dma_start3A_133 = tpu.memref_squeeze %dma_start3A_132 : memref<1x1x128xi32, #tpu.memory_space<vmem>> -> memref<128xi32, #tpu.memory_space<vmem>>
          %dma_start3A_134 = arith.constant 0 : i32
          %dma_start3A_135 = arith.constant 0 : i32
          %dma_start3A_136 = tpu.memref_slice %arg8[%dma_start3A_134, %dma_start3A_135] : memref<10240x64xf32, #tpu.memory_space<vmem_shared>> -> memref<10240x64xf32, #tpu.memory_space<vmem_shared>>
          tpu.enqueue_indirect_dma source(%dma_start3A_130 : memref<128x64xf32, #tpu.memory_space<vmem>>) target(%dma_start3A_136 : memref<10240x64xf32, #tpu.memory_space<vmem_shared>>) offsets(%dma_start3A_133 : memref<128xi32, #tpu.memory_space<vmem>>) semaphore(%run_scoped3A_127 : memref<!tpu.dma_semaphore, #tpu.memory_space<semaphore_mem>>) {add = true}
          %dma_wait3A_137 = arith.constant 512 : i32
          %dma_wait3A_138 = arith.constant 0 : i32
          %dma_wait3A_139 = tpu.memref_slice %arg13[%dma_wait3A_137, %dma_wait3A_138] : memref<640x64xf32, #tpu.memory_space<vmem>> -> memref<128x64xf32, #tpu.memory_space<vmem>>
          %dma_wait3A_140 = arith.constant 0 : i32
          %dma_wait3A_141 = tpu.memref_slice %arg11[%run_scoped3A_118, %run_scoped3A_119, %dma_wait3A_140] : memref<2x5x128xi32, #tpu.memory_space<vmem>> -> memref<1x1x128xi32, #tpu.memory_space<vmem>>
          %dma_wait3A_142 = tpu.memref_squeeze %dma_wait3A_141 : memref<1x1x128xi32, #tpu.memory_space<vmem>> -> memref<128xi32, #tpu.memory_space<vmem>>
          %dma_wait3A_143 = arith.constant 0 : i32
          %dma_wait3A_144 = arith.constant 0 : i32
          %dma_wait3A_145 = tpu.memref_slice %arg8[%dma_wait3A_143, %dma_wait3A_144] : memref<10240x64xf32, #tpu.memory_space<vmem_shared>> -> memref<10240x64xf32, #tpu.memory_space<vmem_shared>>
          tpu.wait_indirect_dma semaphore(%run_scoped3A_127 : memref<!tpu.dma_semaphore, #tpu.memory_space<semaphore_mem>>) src(%dma_wait3A_139 : memref<128x64xf32, #tpu.memory_space<vmem>>) dst(%dma_wait3A_145 : memref<10240x64xf32, #tpu.memory_space<vmem_shared>>)
          tpu.yield
        }) : () -> ()
        %add3A_120 = arith.constant 3 : i32
        %add3A_121 = arith.addi %add3A_51, %add3A_120 : i32
        %lt3A_122 = arith.constant 32 : i32
        %lt3A_123 = arith.cmpi slt, %add3A_121, %lt3A_122 : i32
        %convert_element_type3A_124 = arith.extui %lt3A_123 : i1 to i32
        %cond3A_125 = arith.constant 0 : i32
        %cond3A_126 = arith.cmpi ne, %convert_element_type3A_124, %cond3A_125 : i32
        scf.if %cond3A_126 {
          %add3A_127 = arith.constant 3 : i32
          %add3A_128 = arith.addi %add3A_51, %add3A_127 : i32
          %mul3A_129 = arith.constant 640 : i32
          %mul3A_130 = arith.muli %add3A_128, %mul3A_129 : i32
          %add3A_131 = arith.addi %mul3A_11, %mul3A_130 : i32
          %dma_start3A_132 = tpu.memref_slice %arg4[%add3A_131] : memref<327680xi32, #tpu.memory_space<hbm>> -> memref<640xi32, #tpu.memory_space<hbm>>
          %dma_start3A_133 = tpu.memref_slice %arg4[%add3A_131] : memref<327680xi32, #tpu.memory_space<hbm>> -> memref<640xi32, #tpu.memory_space<hbm>>
          tpu.enqueue_dma source(%dma_start3A_133 : memref<640xi32, #tpu.memory_space<hbm>>) target(%arg10 : memref<640xi32, #tpu.memory_space<vmem>>) target_semaphore(%arg17 : memref<!tpu.dma_semaphore, #tpu.memory_space<semaphore_mem>>)
          %add3A_134 = arith.addi %mul3A_13, %add3A_51 : i32
          %add3A_135 = arith.constant 3 : i32
          %add3A_136 = arith.addi %add3A_134, %add3A_135 : i32
          %dma_start3A_137 = arith.constant 1 : i32
          %dma_start3A_138 = arith.constant 0 : i32
          %dma_start3A_139 = arith.constant 0 : i32
          %dma_start3A_140 = tpu.memref_slice %arg11[%dma_start3A_137, %dma_start3A_138, %dma_start3A_139] : memref<2x5x128xi32, #tpu.memory_space<vmem>> -> memref<1x5x128xi32, #tpu.memory_space<vmem>>
          %dma_start3A_141 = tpu.memref_squeeze %dma_start3A_140 : memref<1x5x128xi32, #tpu.memory_space<vmem>> -> memref<5x128xi32, #tpu.memory_space<vmem>>
          %dma_start3A_142 = arith.constant 0 : i32
          %dma_start3A_143 = arith.constant 0 : i32
          %dma_start3A_144 = tpu.memref_slice %arg5[%add3A_136, %dma_start3A_142, %dma_start3A_143] : memref<512x5x128xi32, #tpu.memory_space<hbm>> -> memref<1x5x128xi32, #tpu.memory_space<hbm>>
          %dma_start3A_145 = tpu.memref_squeeze %dma_start3A_144 : memref<1x5x128xi32, #tpu.memory_space<hbm>> -> memref<5x128xi32, #tpu.memory_space<hbm>>
          %dma_start3A_146 = arith.constant 0 : i32
          %dma_start3A_147 = arith.constant 0 : i32
          %dma_start3A_148 = tpu.memref_slice %arg11[%dma_start3A_137, %dma_start3A_146, %dma_start3A_147] : memref<2x5x128xi32, #tpu.memory_space<vmem>> -> memref<1x5x128xi32, #tpu.memory_space<vmem>>
          %dma_start3A_149 = tpu.memref_squeeze %dma_start3A_148 : memref<1x5x128xi32, #tpu.memory_space<vmem>> -> memref<5x128xi32, #tpu.memory_space<vmem>>
          %dma_start3A_150 = arith.constant 0 : i32
          %dma_start3A_151 = arith.constant 0 : i32
          %dma_start3A_152 = tpu.memref_slice %arg5[%add3A_136, %dma_start3A_150, %dma_start3A_151] : memref<512x5x128xi32, #tpu.memory_space<hbm>> -> memref<1x5x128xi32, #tpu.memory_space<hbm>>
          %dma_start3A_153 = tpu.memref_squeeze %dma_start3A_152 : memref<1x5x128xi32, #tpu.memory_space<hbm>> -> memref<5x128xi32, #tpu.memory_space<hbm>>
          tpu.enqueue_dma source(%dma_start3A_153 : memref<5x128xi32, #tpu.memory_space<hbm>>) target(%dma_start3A_149 : memref<5x128xi32, #tpu.memory_space<vmem>>) target_semaphore(%arg17 : memref<!tpu.dma_semaphore, #tpu.memory_space<semaphore_mem>>)
        } else {
        }
      }
      %scan3A_46 = arith.constant 16 : i32
    } else {
    }
    %eq3A_2 = arith.constant 1 : i32
    %eq3A_3 = arith.cmpi eq, %arg0, %eq3A_2 : i32
    %convert_element_type3A_4 = arith.extui %eq3A_3 : i1 to i32
    %cond3A_5 = arith.constant 0 : i32
    %cond3A_6 = arith.cmpi ne, %convert_element_type3A_4, %cond3A_5 : i32
    scf.if %cond3A_6 {
      %mul3A_10 = arith.constant 20480 : i32
      %mul3A_11 = arith.muli %arg1, %mul3A_10 : i32
      %mul3A_12 = arith.constant 32 : i32
      %mul3A_13 = arith.muli %arg1, %mul3A_12 : i32
      "tpu.region"() ({
        %run_scoped3A_47 = tpu.sem_alloc : memref<!tpu.dma_semaphore, #tpu.memory_space<semaphore_mem>>
        %dma_start3A_48 = tpu.memref_slice %arg4[%mul3A_11] : memref<327680xi32, #tpu.memory_space<hbm>> -> memref<640xi32, #tpu.memory_space<hbm>>
        %dma_start3A_49 = tpu.memref_slice %arg4[%mul3A_11] : memref<327680xi32, #tpu.memory_space<hbm>> -> memref<640xi32, #tpu.memory_space<hbm>>
        tpu.enqueue_dma source(%dma_start3A_49 : memref<640xi32, #tpu.memory_space<hbm>>) target(%arg9 : memref<640xi32, #tpu.memory_space<vmem>>) target_semaphore(%run_scoped3A_47 : memref<!tpu.dma_semaphore, #tpu.memory_space<semaphore_mem>>)
        %dma_wait3A = tpu.memref_slice %arg4[%mul3A_11] : memref<327680xi32, #tpu.memory_space<hbm>> -> memref<640xi32, #tpu.memory_space<hbm>>
        %dma_wait3A_50 = tpu.memref_slice %arg4[%mul3A_11] : memref<327680xi32, #tpu.memory_space<hbm>> -> memref<640xi32, #tpu.memory_space<hbm>>
        tpu.wait_dma2 semaphore(%run_scoped3A_47 : memref<!tpu.dma_semaphore, #tpu.memory_space<semaphore_mem>>) src(%dma_wait3A_50 : memref<640xi32, #tpu.memory_space<hbm>>) dst(%arg9 : memref<640xi32, #tpu.memory_space<vmem>>)
        tpu.yield
      }) : () -> ()
      %run_scoped3A = arith.constant 0 : i32
      "tpu.region"() ({
        %run_scoped3A_47 = tpu.sem_alloc : memref<!tpu.dma_semaphore, #tpu.memory_space<semaphore_mem>>
        %dma_start3A_48 = arith.constant 0 : i32
        %dma_start3A_49 = arith.constant 0 : i32
        %dma_start3A_50 = tpu.memref_slice %arg11[%run_scoped3A, %dma_start3A_48, %dma_start3A_49] : memref<2x5x128xi32, #tpu.memory_space<vmem>> -> memref<1x5x128xi32, #tpu.memory_space<vmem>>
        %dma_start3A_51 = tpu.memref_squeeze %dma_start3A_50 : memref<1x5x128xi32, #tpu.memory_space<vmem>> -> memref<5x128xi32, #tpu.memory_space<vmem>>
        %dma_start3A_52 = arith.constant 0 : i32
        %dma_start3A_53 = arith.constant 0 : i32
        %dma_start3A_54 = tpu.memref_slice %arg5[%mul3A_13, %dma_start3A_52, %dma_start3A_53] : memref<512x5x128xi32, #tpu.memory_space<hbm>> -> memref<1x5x128xi32, #tpu.memory_space<hbm>>
        %dma_start3A_55 = tpu.memref_squeeze %dma_start3A_54 : memref<1x5x128xi32, #tpu.memory_space<hbm>> -> memref<5x128xi32, #tpu.memory_space<hbm>>
        %dma_start3A_56 = arith.constant 0 : i32
        %dma_start3A_57 = arith.constant 0 : i32
        %dma_start3A_58 = tpu.memref_slice %arg11[%run_scoped3A, %dma_start3A_56, %dma_start3A_57] : memref<2x5x128xi32, #tpu.memory_space<vmem>> -> memref<1x5x128xi32, #tpu.memory_space<vmem>>
        %dma_start3A_59 = tpu.memref_squeeze %dma_start3A_58 : memref<1x5x128xi32, #tpu.memory_space<vmem>> -> memref<5x128xi32, #tpu.memory_space<vmem>>
        %dma_start3A_60 = arith.constant 0 : i32
        %dma_start3A_61 = arith.constant 0 : i32
        %dma_start3A_62 = tpu.memref_slice %arg5[%mul3A_13, %dma_start3A_60, %dma_start3A_61] : memref<512x5x128xi32, #tpu.memory_space<hbm>> -> memref<1x5x128xi32, #tpu.memory_space<hbm>>
        %dma_start3A_63 = tpu.memref_squeeze %dma_start3A_62 : memref<1x5x128xi32, #tpu.memory_space<hbm>> -> memref<5x128xi32, #tpu.memory_space<hbm>>
        tpu.enqueue_dma source(%dma_start3A_63 : memref<5x128xi32, #tpu.memory_space<hbm>>) target(%dma_start3A_59 : memref<5x128xi32, #tpu.memory_space<vmem>>) target_semaphore(%run_scoped3A_47 : memref<!tpu.dma_semaphore, #tpu.memory_space<semaphore_mem>>)
        %dma_wait3A = arith.constant 0 : i32
        %dma_wait3A_64 = arith.constant 0 : i32
        %dma_wait3A_65 = tpu.memref_slice %arg11[%run_scoped3A, %dma_wait3A, %dma_wait3A_64] : memref<2x5x128xi32, #tpu.memory_space<vmem>> -> memref<1x5x128xi32, #tpu.memory_space<vmem>>
        %dma_wait3A_66 = tpu.memref_squeeze %dma_wait3A_65 : memref<1x5x128xi32, #tpu.memory_space<vmem>> -> memref<5x128xi32, #tpu.memory_space<vmem>>
        %dma_wait3A_67 = arith.constant 0 : i32
        %dma_wait3A_68 = arith.constant 0 : i32
        %dma_wait3A_69 = tpu.memref_slice %arg5[%mul3A_13, %dma_wait3A_67, %dma_wait3A_68] : memref<512x5x128xi32, #tpu.memory_space<hbm>> -> memref<1x5x128xi32, #tpu.memory_space<hbm>>
        %dma_wait3A_70 = tpu.memref_squeeze %dma_wait3A_69 : memref<1x5x128xi32, #tpu.memory_space<hbm>> -> memref<5x128xi32, #tpu.memory_space<hbm>>
        %dma_wait3A_71 = arith.constant 0 : i32
        %dma_wait3A_72 = arith.constant 0 : i32
        %dma_wait3A_73 = tpu.memref_slice %arg11[%run_scoped3A, %dma_wait3A_71, %dma_wait3A_72] : memref<2x5x128xi32, #tpu.memory_space<vmem>> -> memref<1x5x128xi32, #tpu.memory_space<vmem>>
        %dma_wait3A_74 = tpu.memref_squeeze %dma_wait3A_73 : memref<1x5x128xi32, #tpu.memory_space<vmem>> -> memref<5x128xi32, #tpu.memory_space<vmem>>
        %dma_wait3A_75 = arith.constant 0 : i32
        %dma_wait3A_76 = arith.constant 0 : i32
        %dma_wait3A_77 = tpu.memref_slice %arg5[%mul3A_13, %dma_wait3A_75, %dma_wait3A_76] : memref<512x5x128xi32, #tpu.memory_space<hbm>> -> memref<1x5x128xi32, #tpu.memory_space<hbm>>
        %dma_wait3A_78 = tpu.memref_squeeze %dma_wait3A_77 : memref<1x5x128xi32, #tpu.memory_space<hbm>> -> memref<5x128xi32, #tpu.memory_space<hbm>>
        tpu.wait_dma2 semaphore(%run_scoped3A_47 : memref<!tpu.dma_semaphore, #tpu.memory_space<semaphore_mem>>) src(%dma_wait3A_78 : memref<5x128xi32, #tpu.memory_space<hbm>>) dst(%dma_wait3A_74 : memref<5x128xi32, #tpu.memory_space<vmem>>)
        tpu.yield
      }) : () -> ()
      %add3A = arith.constant 640 : i32
      %add3A_14 = arith.addi %mul3A_11, %add3A : i32
      %dma_start3A = tpu.memref_slice %arg4[%add3A_14] : memref<327680xi32, #tpu.memory_space<hbm>> -> memref<640xi32, #tpu.memory_space<hbm>>
      %dma_start3A_15 = tpu.memref_slice %arg4[%add3A_14] : memref<327680xi32, #tpu.memory_space<hbm>> -> memref<640xi32, #tpu.memory_space<hbm>>
      tpu.enqueue_dma source(%dma_start3A_15 : memref<640xi32, #tpu.memory_space<hbm>>) target(%arg10 : memref<640xi32, #tpu.memory_space<vmem>>) target_semaphore(%arg17 : memref<!tpu.dma_semaphore, #tpu.memory_space<semaphore_mem>>)
      %add3A_16 = arith.constant 1 : i32
      %add3A_17 = arith.addi %mul3A_13, %add3A_16 : i32
      %dma_start3A_18 = arith.constant 1 : i32
      %dma_start3A_19 = arith.constant 0 : i32
      %dma_start3A_20 = arith.constant 0 : i32
      %dma_start3A_21 = tpu.memref_slice %arg11[%dma_start3A_18, %dma_start3A_19, %dma_start3A_20] : memref<2x5x128xi32, #tpu.memory_space<vmem>> -> memref<1x5x128xi32, #tpu.memory_space<vmem>>
      %dma_start3A_22 = tpu.memref_squeeze %dma_start3A_21 : memref<1x5x128xi32, #tpu.memory_space<vmem>> -> memref<5x128xi32, #tpu.memory_space<vmem>>
      %dma_start3A_23 = arith.constant 0 : i32
      %dma_start3A_24 = arith.constant 0 : i32
      %dma_start3A_25 = tpu.memref_slice %arg5[%add3A_17, %dma_start3A_23, %dma_start3A_24] : memref<512x5x128xi32, #tpu.memory_space<hbm>> -> memref<1x5x128xi32, #tpu.memory_space<hbm>>
      %dma_start3A_26 = tpu.memref_squeeze %dma_start3A_25 : memref<1x5x128xi32, #tpu.memory_space<hbm>> -> memref<5x128xi32, #tpu.memory_space<hbm>>
      %dma_start3A_27 = arith.constant 0 : i32
      %dma_start3A_28 = arith.constant 0 : i32
      %dma_start3A_29 = tpu.memref_slice %arg11[%dma_start3A_18, %dma_start3A_27, %dma_start3A_28] : memref<2x5x128xi32, #tpu.memory_space<vmem>> -> memref<1x5x128xi32, #tpu.memory_space<vmem>>
      %dma_start3A_30 = tpu.memref_squeeze %dma_start3A_29 : memref<1x5x128xi32, #tpu.memory_space<vmem>> -> memref<5x128xi32, #tpu.memory_space<vmem>>
      %dma_start3A_31 = arith.constant 0 : i32
      %dma_start3A_32 = arith.constant 0 : i32
      %dma_start3A_33 = tpu.memref_slice %arg5[%add3A_17, %dma_start3A_31, %dma_start3A_32] : memref<512x5x128xi32, #tpu.memory_space<hbm>> -> memref<1x5x128xi32, #tpu.memory_space<hbm>>
      %dma_start3A_34 = tpu.memref_squeeze %dma_start3A_33 : memref<1x5x128xi32, #tpu.memory_space<hbm>> -> memref<5x128xi32, #tpu.memory_space<hbm>>
      tpu.enqueue_dma source(%dma_start3A_34 : memref<5x128xi32, #tpu.memory_space<hbm>>) target(%dma_start3A_30 : memref<5x128xi32, #tpu.memory_space<vmem>>) target_semaphore(%arg17 : memref<!tpu.dma_semaphore, #tpu.memory_space<semaphore_mem>>)
      %dma_start3A_35 = arith.constant 0 : i32
      %dma_start3A_36 = arith.constant 0 : i32
      %dma_start3A_37 = tpu.memref_slice %arg3[%dma_start3A_35, %dma_start3A_36] : memref<10000x64xf32, #tpu.memory_space<hbm>> -> memref<10000x64xf32, #tpu.memory_space<hbm>>
      tpu.enqueue_indirect_dma source(%dma_start3A_37 : memref<10000x64xf32, #tpu.memory_space<hbm>>) target(%arg12 : memref<640x64xf32, #tpu.memory_space<vmem>>) offsets(%arg9 : memref<640xi32, #tpu.memory_space<vmem>>) semaphore(%arg14 : memref<!tpu.dma_semaphore, #tpu.memory_space<semaphore_mem>>)
      %mul3A_38 = arith.constant 640 : i32
      %mul3A_39 = arith.muli %arg1, %mul3A_38 : i32
      %mul3A_40 = arith.constant 640 : i32
      %mul3A_41 = arith.muli %arg1, %mul3A_40 : i32
      "tpu.region"() ({
        %run_scoped3A_47 = tpu.sem_alloc : memref<!tpu.dma_semaphore, #tpu.memory_space<semaphore_mem>>
        %dma_start3A_48 = arith.constant 0 : i32
        %dma_start3A_49 = tpu.memref_slice %arg8[%mul3A_41, %dma_start3A_48] : memref<10240x64xf32, #tpu.memory_space<vmem_shared>> -> memref<640x64xf32, #tpu.memory_space<vmem_shared>>
        %dma_start3A_50 = arith.constant 0 : i32
        %dma_start3A_51 = tpu.memref_slice %arg6[%mul3A_39, %dma_start3A_50] : memref<10240x64xf32, #tpu.memory_space<hbm>> -> memref<640x64xf32, #tpu.memory_space<hbm>>
        tpu.enqueue_dma source(%dma_start3A_51 : memref<640x64xf32, #tpu.memory_space<hbm>>) target(%dma_start3A_49 : memref<640x64xf32, #tpu.memory_space<vmem_shared>>) target_semaphore(%run_scoped3A_47 : memref<!tpu.dma_semaphore, #tpu.memory_space<semaphore_mem>>)
        %dma_wait3A = arith.constant 0 : i32
        %dma_wait3A_52 = tpu.memref_slice %arg8[%mul3A_41, %dma_wait3A] : memref<10240x64xf32, #tpu.memory_space<vmem_shared>> -> memref<640x64xf32, #tpu.memory_space<vmem_shared>>
        %dma_wait3A_53 = arith.constant 0 : i32
        %dma_wait3A_54 = tpu.memref_slice %arg6[%mul3A_39, %dma_wait3A_53] : memref<10240x64xf32, #tpu.memory_space<hbm>> -> memref<640x64xf32, #tpu.memory_space<hbm>>
        tpu.wait_dma2 semaphore(%run_scoped3A_47 : memref<!tpu.dma_semaphore, #tpu.memory_space<semaphore_mem>>) src(%dma_wait3A_54 : memref<640x64xf32, #tpu.memory_space<hbm>>) dst(%dma_wait3A_52 : memref<640x64xf32, #tpu.memory_space<vmem_shared>>)
        tpu.yield
      }) : () -> ()
      %barrier3A_42 = arith.constant 0 : index
      tpu.barrier barrier_id(%barrier3A_42)
      %scan3A = arith.constant 0 : i32
      %scan3A_43 = arith.constant 16 : i32
      %scan3A_44 = arith.addi %scan3A, %scan3A_43 : i32
      %scan3A_45 = arith.constant 1 : i32
      scf.for %scan3A_47 = %scan3A to %scan3A_44 step %scan3A_45  : i32 {
        %mul3A_48 = arith.constant 2 : i32
        %mul3A_49 = arith.muli %scan3A_47, %mul3A_48 : i32
        %add3A_50 = arith.constant 0 : i32
        %add3A_51 = arith.addi %add3A_50, %mul3A_49 : i32
        %add3A_52 = arith.constant 1 : i32
        %add3A_53 = arith.addi %add3A_51, %add3A_52 : i32
        %mul3A_54 = arith.constant 640 : i32
        %mul3A_55 = arith.muli %add3A_53, %mul3A_54 : i32
        %add3A_56 = arith.addi %mul3A_11, %mul3A_55 : i32
        %dma_wait3A = tpu.memref_slice %arg4[%add3A_56] : memref<327680xi32, #tpu.memory_space<hbm>> -> memref<640xi32, #tpu.memory_space<hbm>>
        %dma_wait3A_57 = tpu.memref_slice %arg4[%add3A_56] : memref<327680xi32, #tpu.memory_space<hbm>> -> memref<640xi32, #tpu.memory_space<hbm>>
        tpu.wait_dma2 semaphore(%arg17 : memref<!tpu.dma_semaphore, #tpu.memory_space<semaphore_mem>>) src(%dma_wait3A_57 : memref<640xi32, #tpu.memory_space<hbm>>) dst(%arg10 : memref<640xi32, #tpu.memory_space<vmem>>)
        %add3A_58 = arith.addi %mul3A_13, %add3A_51 : i32
        %add3A_59 = arith.constant 1 : i32
        %add3A_60 = arith.addi %add3A_58, %add3A_59 : i32
        %dma_wait3A_61 = arith.constant 1 : i32
        %dma_wait3A_62 = arith.constant 0 : i32
        %dma_wait3A_63 = arith.constant 0 : i32
        %dma_wait3A_64 = tpu.memref_slice %arg11[%dma_wait3A_61, %dma_wait3A_62, %dma_wait3A_63] : memref<2x5x128xi32, #tpu.memory_space<vmem>> -> memref<1x5x128xi32, #tpu.memory_space<vmem>>
        %dma_wait3A_65 = tpu.memref_squeeze %dma_wait3A_64 : memref<1x5x128xi32, #tpu.memory_space<vmem>> -> memref<5x128xi32, #tpu.memory_space<vmem>>
        %dma_wait3A_66 = arith.constant 0 : i32
        %dma_wait3A_67 = arith.constant 0 : i32
        %dma_wait3A_68 = tpu.memref_slice %arg5[%add3A_60, %dma_wait3A_66, %dma_wait3A_67] : memref<512x5x128xi32, #tpu.memory_space<hbm>> -> memref<1x5x128xi32, #tpu.memory_space<hbm>>
        %dma_wait3A_69 = tpu.memref_squeeze %dma_wait3A_68 : memref<1x5x128xi32, #tpu.memory_space<hbm>> -> memref<5x128xi32, #tpu.memory_space<hbm>>
        %dma_wait3A_70 = arith.constant 0 : i32
        %dma_wait3A_71 = arith.constant 0 : i32
        %dma_wait3A_72 = tpu.memref_slice %arg11[%dma_wait3A_61, %dma_wait3A_70, %dma_wait3A_71] : memref<2x5x128xi32, #tpu.memory_space<vmem>> -> memref<1x5x128xi32, #tpu.memory_space<vmem>>
        %dma_wait3A_73 = tpu.memref_squeeze %dma_wait3A_72 : memref<1x5x128xi32, #tpu.memory_space<vmem>> -> memref<5x128xi32, #tpu.memory_space<vmem>>
        %dma_wait3A_74 = arith.constant 0 : i32
        %dma_wait3A_75 = arith.constant 0 : i32
        %dma_wait3A_76 = tpu.memref_slice %arg5[%add3A_60, %dma_wait3A_74, %dma_wait3A_75] : memref<512x5x128xi32, #tpu.memory_space<hbm>> -> memref<1x5x128xi32, #tpu.memory_space<hbm>>
        %dma_wait3A_77 = tpu.memref_squeeze %dma_wait3A_76 : memref<1x5x128xi32, #tpu.memory_space<hbm>> -> memref<5x128xi32, #tpu.memory_space<hbm>>
        tpu.wait_dma2 semaphore(%arg17 : memref<!tpu.dma_semaphore, #tpu.memory_space<semaphore_mem>>) src(%dma_wait3A_77 : memref<5x128xi32, #tpu.memory_space<hbm>>) dst(%dma_wait3A_73 : memref<5x128xi32, #tpu.memory_space<vmem>>)
        %dma_start3A_78 = arith.constant 0 : i32
        %dma_start3A_79 = arith.constant 0 : i32
        %dma_start3A_80 = tpu.memref_slice %arg3[%dma_start3A_78, %dma_start3A_79] : memref<10000x64xf32, #tpu.memory_space<hbm>> -> memref<10000x64xf32, #tpu.memory_space<hbm>>
        tpu.enqueue_indirect_dma source(%dma_start3A_80 : memref<10000x64xf32, #tpu.memory_space<hbm>>) target(%arg13 : memref<640x64xf32, #tpu.memory_space<vmem>>) offsets(%arg10 : memref<640xi32, #tpu.memory_space<vmem>>) semaphore(%arg15 : memref<!tpu.dma_semaphore, #tpu.memory_space<semaphore_mem>>)
        %dma_wait3A_81 = arith.constant 0 : i32
        %dma_wait3A_82 = arith.constant 0 : i32
        %dma_wait3A_83 = tpu.memref_slice %arg3[%dma_wait3A_81, %dma_wait3A_82] : memref<10000x64xf32, #tpu.memory_space<hbm>> -> memref<10000x64xf32, #tpu.memory_space<hbm>>
        tpu.wait_indirect_dma semaphore(%arg14 : memref<!tpu.dma_semaphore, #tpu.memory_space<semaphore_mem>>) src(%dma_wait3A_83 : memref<10000x64xf32, #tpu.memory_space<hbm>>) dst(%arg12 : memref<640x64xf32, #tpu.memory_space<vmem>>)
        %add3A_84 = arith.constant 2 : i32
        %add3A_85 = arith.addi %add3A_51, %add3A_84 : i32
        %lt3A = arith.constant 32 : i32
        %lt3A_86 = arith.cmpi slt, %add3A_85, %lt3A : i32
        %convert_element_type3A_87 = arith.extui %lt3A_86 : i1 to i32
        %cond3A_88 = arith.constant 0 : i32
        %cond3A_89 = arith.cmpi ne, %convert_element_type3A_87, %cond3A_88 : i32
        scf.if %cond3A_89 {
          %add3A_127 = arith.constant 2 : i32
          %add3A_128 = arith.addi %add3A_51, %add3A_127 : i32
          %mul3A_129 = arith.constant 640 : i32
          %mul3A_130 = arith.muli %add3A_128, %mul3A_129 : i32
          %add3A_131 = arith.addi %mul3A_11, %mul3A_130 : i32
          %dma_start3A_132 = tpu.memref_slice %arg4[%add3A_131] : memref<327680xi32, #tpu.memory_space<hbm>> -> memref<640xi32, #tpu.memory_space<hbm>>
          %dma_start3A_133 = tpu.memref_slice %arg4[%add3A_131] : memref<327680xi32, #tpu.memory_space<hbm>> -> memref<640xi32, #tpu.memory_space<hbm>>
          tpu.enqueue_dma source(%dma_start3A_133 : memref<640xi32, #tpu.memory_space<hbm>>) target(%arg9 : memref<640xi32, #tpu.memory_space<vmem>>) target_semaphore(%arg16 : memref<!tpu.dma_semaphore, #tpu.memory_space<semaphore_mem>>)
        } else {
        }
        %run_scoped3A_90 = arith.constant 0 : i32
        %run_scoped3A_91 = arith.constant 0 : i32
        "tpu.region"() ({
          %run_scoped3A_127 = tpu.sem_alloc : memref<!tpu.dma_semaphore, #tpu.memory_space<semaphore_mem>>
          %dma_start3A_128 = arith.constant 0 : i32
          %dma_start3A_129 = arith.constant 0 : i32
          %dma_start3A_130 = tpu.memref_slice %arg12[%dma_start3A_128, %dma_start3A_129] : memref<640x64xf32, #tpu.memory_space<vmem>> -> memref<128x64xf32, #tpu.memory_space<vmem>>
          %dma_start3A_131 = arith.constant 0 : i32
          %dma_start3A_132 = tpu.memref_slice %arg11[%run_scoped3A_90, %run_scoped3A_91, %dma_start3A_131] : memref<2x5x128xi32, #tpu.memory_space<vmem>> -> memref<1x1x128xi32, #tpu.memory_space<vmem>>
          %dma_start3A_133 = tpu.memref_squeeze %dma_start3A_132 : memref<1x1x128xi32, #tpu.memory_space<vmem>> -> memref<128xi32, #tpu.memory_space<vmem>>
          %dma_start3A_134 = arith.constant 0 : i32
          %dma_start3A_135 = arith.constant 0 : i32
          %dma_start3A_136 = tpu.memref_slice %arg8[%dma_start3A_134, %dma_start3A_135] : memref<10240x64xf32, #tpu.memory_space<vmem_shared>> -> memref<10240x64xf32, #tpu.memory_space<vmem_shared>>
          tpu.enqueue_indirect_dma source(%dma_start3A_130 : memref<128x64xf32, #tpu.memory_space<vmem>>) target(%dma_start3A_136 : memref<10240x64xf32, #tpu.memory_space<vmem_shared>>) offsets(%dma_start3A_133 : memref<128xi32, #tpu.memory_space<vmem>>) semaphore(%run_scoped3A_127 : memref<!tpu.dma_semaphore, #tpu.memory_space<semaphore_mem>>) {add = true}
          %dma_wait3A_137 = arith.constant 0 : i32
          %dma_wait3A_138 = arith.constant 0 : i32
          %dma_wait3A_139 = tpu.memref_slice %arg12[%dma_wait3A_137, %dma_wait3A_138] : memref<640x64xf32, #tpu.memory_space<vmem>> -> memref<128x64xf32, #tpu.memory_space<vmem>>
          %dma_wait3A_140 = arith.constant 0 : i32
          %dma_wait3A_141 = tpu.memref_slice %arg11[%run_scoped3A_90, %run_scoped3A_91, %dma_wait3A_140] : memref<2x5x128xi32, #tpu.memory_space<vmem>> -> memref<1x1x128xi32, #tpu.memory_space<vmem>>
          %dma_wait3A_142 = tpu.memref_squeeze %dma_wait3A_141 : memref<1x1x128xi32, #tpu.memory_space<vmem>> -> memref<128xi32, #tpu.memory_space<vmem>>
          %dma_wait3A_143 = arith.constant 0 : i32
          %dma_wait3A_144 = arith.constant 0 : i32
          %dma_wait3A_145 = tpu.memref_slice %arg8[%dma_wait3A_143, %dma_wait3A_144] : memref<10240x64xf32, #tpu.memory_space<vmem_shared>> -> memref<10240x64xf32, #tpu.memory_space<vmem_shared>>
          tpu.wait_indirect_dma semaphore(%run_scoped3A_127 : memref<!tpu.dma_semaphore, #tpu.memory_space<semaphore_mem>>) src(%dma_wait3A_139 : memref<128x64xf32, #tpu.memory_space<vmem>>) dst(%dma_wait3A_145 : memref<10240x64xf32, #tpu.memory_space<vmem_shared>>)
          tpu.yield
        }) : () -> ()
        %run_scoped3A_92 = arith.constant 0 : i32
        %run_scoped3A_93 = arith.constant 1 : i32
        "tpu.region"() ({
          %run_scoped3A_127 = tpu.sem_alloc : memref<!tpu.dma_semaphore, #tpu.memory_space<semaphore_mem>>
          %dma_start3A_128 = arith.constant 128 : i32
          %dma_start3A_129 = arith.constant 0 : i32
          %dma_start3A_130 = tpu.memref_slice %arg12[%dma_start3A_128, %dma_start3A_129] : memref<640x64xf32, #tpu.memory_space<vmem>> -> memref<128x64xf32, #tpu.memory_space<vmem>>
          %dma_start3A_131 = arith.constant 0 : i32
          %dma_start3A_132 = tpu.memref_slice %arg11[%run_scoped3A_92, %run_scoped3A_93, %dma_start3A_131] : memref<2x5x128xi32, #tpu.memory_space<vmem>> -> memref<1x1x128xi32, #tpu.memory_space<vmem>>
          %dma_start3A_133 = tpu.memref_squeeze %dma_start3A_132 : memref<1x1x128xi32, #tpu.memory_space<vmem>> -> memref<128xi32, #tpu.memory_space<vmem>>
          %dma_start3A_134 = arith.constant 0 : i32
          %dma_start3A_135 = arith.constant 0 : i32
          %dma_start3A_136 = tpu.memref_slice %arg8[%dma_start3A_134, %dma_start3A_135] : memref<10240x64xf32, #tpu.memory_space<vmem_shared>> -> memref<10240x64xf32, #tpu.memory_space<vmem_shared>>
          tpu.enqueue_indirect_dma source(%dma_start3A_130 : memref<128x64xf32, #tpu.memory_space<vmem>>) target(%dma_start3A_136 : memref<10240x64xf32, #tpu.memory_space<vmem_shared>>) offsets(%dma_start3A_133 : memref<128xi32, #tpu.memory_space<vmem>>) semaphore(%run_scoped3A_127 : memref<!tpu.dma_semaphore, #tpu.memory_space<semaphore_mem>>) {add = true}
          %dma_wait3A_137 = arith.constant 128 : i32
          %dma_wait3A_138 = arith.constant 0 : i32
          %dma_wait3A_139 = tpu.memref_slice %arg12[%dma_wait3A_137, %dma_wait3A_138] : memref<640x64xf32, #tpu.memory_space<vmem>> -> memref<128x64xf32, #tpu.memory_space<vmem>>
          %dma_wait3A_140 = arith.constant 0 : i32
          %dma_wait3A_141 = tpu.memref_slice %arg11[%run_scoped3A_92, %run_scoped3A_93, %dma_wait3A_140] : memref<2x5x128xi32, #tpu.memory_space<vmem>> -> memref<1x1x128xi32, #tpu.memory_space<vmem>>
          %dma_wait3A_142 = tpu.memref_squeeze %dma_wait3A_141 : memref<1x1x128xi32, #tpu.memory_space<vmem>> -> memref<128xi32, #tpu.memory_space<vmem>>
          %dma_wait3A_143 = arith.constant 0 : i32
          %dma_wait3A_144 = arith.constant 0 : i32
          %dma_wait3A_145 = tpu.memref_slice %arg8[%dma_wait3A_143, %dma_wait3A_144] : memref<10240x64xf32, #tpu.memory_space<vmem_shared>> -> memref<10240x64xf32, #tpu.memory_space<vmem_shared>>
          tpu.wait_indirect_dma semaphore(%run_scoped3A_127 : memref<!tpu.dma_semaphore, #tpu.memory_space<semaphore_mem>>) src(%dma_wait3A_139 : memref<128x64xf32, #tpu.memory_space<vmem>>) dst(%dma_wait3A_145 : memref<10240x64xf32, #tpu.memory_space<vmem_shared>>)
          tpu.yield
        }) : () -> ()
        %run_scoped3A_94 = arith.constant 0 : i32
        %run_scoped3A_95 = arith.constant 2 : i32
        "tpu.region"() ({
          %run_scoped3A_127 = tpu.sem_alloc : memref<!tpu.dma_semaphore, #tpu.memory_space<semaphore_mem>>
          %dma_start3A_128 = arith.constant 256 : i32
          %dma_start3A_129 = arith.constant 0 : i32
          %dma_start3A_130 = tpu.memref_slice %arg12[%dma_start3A_128, %dma_start3A_129] : memref<640x64xf32, #tpu.memory_space<vmem>> -> memref<128x64xf32, #tpu.memory_space<vmem>>
          %dma_start3A_131 = arith.constant 0 : i32
          %dma_start3A_132 = tpu.memref_slice %arg11[%run_scoped3A_94, %run_scoped3A_95, %dma_start3A_131] : memref<2x5x128xi32, #tpu.memory_space<vmem>> -> memref<1x1x128xi32, #tpu.memory_space<vmem>>
          %dma_start3A_133 = tpu.memref_squeeze %dma_start3A_132 : memref<1x1x128xi32, #tpu.memory_space<vmem>> -> memref<128xi32, #tpu.memory_space<vmem>>
          %dma_start3A_134 = arith.constant 0 : i32
          %dma_start3A_135 = arith.constant 0 : i32
          %dma_start3A_136 = tpu.memref_slice %arg8[%dma_start3A_134, %dma_start3A_135] : memref<10240x64xf32, #tpu.memory_space<vmem_shared>> -> memref<10240x64xf32, #tpu.memory_space<vmem_shared>>
          tpu.enqueue_indirect_dma source(%dma_start3A_130 : memref<128x64xf32, #tpu.memory_space<vmem>>) target(%dma_start3A_136 : memref<10240x64xf32, #tpu.memory_space<vmem_shared>>) offsets(%dma_start3A_133 : memref<128xi32, #tpu.memory_space<vmem>>) semaphore(%run_scoped3A_127 : memref<!tpu.dma_semaphore, #tpu.memory_space<semaphore_mem>>) {add = true}
          %dma_wait3A_137 = arith.constant 256 : i32
          %dma_wait3A_138 = arith.constant 0 : i32
          %dma_wait3A_139 = tpu.memref_slice %arg12[%dma_wait3A_137, %dma_wait3A_138] : memref<640x64xf32, #tpu.memory_space<vmem>> -> memref<128x64xf32, #tpu.memory_space<vmem>>
          %dma_wait3A_140 = arith.constant 0 : i32
          %dma_wait3A_141 = tpu.memref_slice %arg11[%run_scoped3A_94, %run_scoped3A_95, %dma_wait3A_140] : memref<2x5x128xi32, #tpu.memory_space<vmem>> -> memref<1x1x128xi32, #tpu.memory_space<vmem>>
          %dma_wait3A_142 = tpu.memref_squeeze %dma_wait3A_141 : memref<1x1x128xi32, #tpu.memory_space<vmem>> -> memref<128xi32, #tpu.memory_space<vmem>>
          %dma_wait3A_143 = arith.constant 0 : i32
          %dma_wait3A_144 = arith.constant 0 : i32
          %dma_wait3A_145 = tpu.memref_slice %arg8[%dma_wait3A_143, %dma_wait3A_144] : memref<10240x64xf32, #tpu.memory_space<vmem_shared>> -> memref<10240x64xf32, #tpu.memory_space<vmem_shared>>
          tpu.wait_indirect_dma semaphore(%run_scoped3A_127 : memref<!tpu.dma_semaphore, #tpu.memory_space<semaphore_mem>>) src(%dma_wait3A_139 : memref<128x64xf32, #tpu.memory_space<vmem>>) dst(%dma_wait3A_145 : memref<10240x64xf32, #tpu.memory_space<vmem_shared>>)
          tpu.yield
        }) : () -> ()
        %run_scoped3A_96 = arith.constant 0 : i32
        %run_scoped3A_97 = arith.constant 3 : i32
        "tpu.region"() ({
          %run_scoped3A_127 = tpu.sem_alloc : memref<!tpu.dma_semaphore, #tpu.memory_space<semaphore_mem>>
          %dma_start3A_128 = arith.constant 384 : i32
          %dma_start3A_129 = arith.constant 0 : i32
          %dma_start3A_130 = tpu.memref_slice %arg12[%dma_start3A_128, %dma_start3A_129] : memref<640x64xf32, #tpu.memory_space<vmem>> -> memref<128x64xf32, #tpu.memory_space<vmem>>
          %dma_start3A_131 = arith.constant 0 : i32
          %dma_start3A_132 = tpu.memref_slice %arg11[%run_scoped3A_96, %run_scoped3A_97, %dma_start3A_131] : memref<2x5x128xi32, #tpu.memory_space<vmem>> -> memref<1x1x128xi32, #tpu.memory_space<vmem>>
          %dma_start3A_133 = tpu.memref_squeeze %dma_start3A_132 : memref<1x1x128xi32, #tpu.memory_space<vmem>> -> memref<128xi32, #tpu.memory_space<vmem>>
          %dma_start3A_134 = arith.constant 0 : i32
          %dma_start3A_135 = arith.constant 0 : i32
          %dma_start3A_136 = tpu.memref_slice %arg8[%dma_start3A_134, %dma_start3A_135] : memref<10240x64xf32, #tpu.memory_space<vmem_shared>> -> memref<10240x64xf32, #tpu.memory_space<vmem_shared>>
          tpu.enqueue_indirect_dma source(%dma_start3A_130 : memref<128x64xf32, #tpu.memory_space<vmem>>) target(%dma_start3A_136 : memref<10240x64xf32, #tpu.memory_space<vmem_shared>>) offsets(%dma_start3A_133 : memref<128xi32, #tpu.memory_space<vmem>>) semaphore(%run_scoped3A_127 : memref<!tpu.dma_semaphore, #tpu.memory_space<semaphore_mem>>) {add = true}
          %dma_wait3A_137 = arith.constant 384 : i32
          %dma_wait3A_138 = arith.constant 0 : i32
          %dma_wait3A_139 = tpu.memref_slice %arg12[%dma_wait3A_137, %dma_wait3A_138] : memref<640x64xf32, #tpu.memory_space<vmem>> -> memref<128x64xf32, #tpu.memory_space<vmem>>
          %dma_wait3A_140 = arith.constant 0 : i32
          %dma_wait3A_141 = tpu.memref_slice %arg11[%run_scoped3A_96, %run_scoped3A_97, %dma_wait3A_140] : memref<2x5x128xi32, #tpu.memory_space<vmem>> -> memref<1x1x128xi32, #tpu.memory_space<vmem>>
          %dma_wait3A_142 = tpu.memref_squeeze %dma_wait3A_141 : memref<1x1x128xi32, #tpu.memory_space<vmem>> -> memref<128xi32, #tpu.memory_space<vmem>>
          %dma_wait3A_143 = arith.constant 0 : i32
          %dma_wait3A_144 = arith.constant 0 : i32
          %dma_wait3A_145 = tpu.memref_slice %arg8[%dma_wait3A_143, %dma_wait3A_144] : memref<10240x64xf32, #tpu.memory_space<vmem_shared>> -> memref<10240x64xf32, #tpu.memory_space<vmem_shared>>
          tpu.wait_indirect_dma semaphore(%run_scoped3A_127 : memref<!tpu.dma_semaphore, #tpu.memory_space<semaphore_mem>>) src(%dma_wait3A_139 : memref<128x64xf32, #tpu.memory_space<vmem>>) dst(%dma_wait3A_145 : memref<10240x64xf32, #tpu.memory_space<vmem_shared>>)
          tpu.yield
        }) : () -> ()
        %run_scoped3A_98 = arith.constant 0 : i32
        %run_scoped3A_99 = arith.constant 4 : i32
        "tpu.region"() ({
          %run_scoped3A_127 = tpu.sem_alloc : memref<!tpu.dma_semaphore, #tpu.memory_space<semaphore_mem>>
          %dma_start3A_128 = arith.constant 512 : i32
          %dma_start3A_129 = arith.constant 0 : i32
          %dma_start3A_130 = tpu.memref_slice %arg12[%dma_start3A_128, %dma_start3A_129] : memref<640x64xf32, #tpu.memory_space<vmem>> -> memref<128x64xf32, #tpu.memory_space<vmem>>
          %dma_start3A_131 = arith.constant 0 : i32
          %dma_start3A_132 = tpu.memref_slice %arg11[%run_scoped3A_98, %run_scoped3A_99, %dma_start3A_131] : memref<2x5x128xi32, #tpu.memory_space<vmem>> -> memref<1x1x128xi32, #tpu.memory_space<vmem>>
          %dma_start3A_133 = tpu.memref_squeeze %dma_start3A_132 : memref<1x1x128xi32, #tpu.memory_space<vmem>> -> memref<128xi32, #tpu.memory_space<vmem>>
          %dma_start3A_134 = arith.constant 0 : i32
          %dma_start3A_135 = arith.constant 0 : i32
          %dma_start3A_136 = tpu.memref_slice %arg8[%dma_start3A_134, %dma_start3A_135] : memref<10240x64xf32, #tpu.memory_space<vmem_shared>> -> memref<10240x64xf32, #tpu.memory_space<vmem_shared>>
          tpu.enqueue_indirect_dma source(%dma_start3A_130 : memref<128x64xf32, #tpu.memory_space<vmem>>) target(%dma_start3A_136 : memref<10240x64xf32, #tpu.memory_space<vmem_shared>>) offsets(%dma_start3A_133 : memref<128xi32, #tpu.memory_space<vmem>>) semaphore(%run_scoped3A_127 : memref<!tpu.dma_semaphore, #tpu.memory_space<semaphore_mem>>) {add = true}
          %dma_wait3A_137 = arith.constant 512 : i32
          %dma_wait3A_138 = arith.constant 0 : i32
          %dma_wait3A_139 = tpu.memref_slice %arg12[%dma_wait3A_137, %dma_wait3A_138] : memref<640x64xf32, #tpu.memory_space<vmem>> -> memref<128x64xf32, #tpu.memory_space<vmem>>
          %dma_wait3A_140 = arith.constant 0 : i32
          %dma_wait3A_141 = tpu.memref_slice %arg11[%run_scoped3A_98, %run_scoped3A_99, %dma_wait3A_140] : memref<2x5x128xi32, #tpu.memory_space<vmem>> -> memref<1x1x128xi32, #tpu.memory_space<vmem>>
          %dma_wait3A_142 = tpu.memref_squeeze %dma_wait3A_141 : memref<1x1x128xi32, #tpu.memory_space<vmem>> -> memref<128xi32, #tpu.memory_space<vmem>>
          %dma_wait3A_143 = arith.constant 0 : i32
          %dma_wait3A_144 = arith.constant 0 : i32
          %dma_wait3A_145 = tpu.memref_slice %arg8[%dma_wait3A_143, %dma_wait3A_144] : memref<10240x64xf32, #tpu.memory_space<vmem_shared>> -> memref<10240x64xf32, #tpu.memory_space<vmem_shared>>
          tpu.wait_indirect_dma semaphore(%run_scoped3A_127 : memref<!tpu.dma_semaphore, #tpu.memory_space<semaphore_mem>>) src(%dma_wait3A_139 : memref<128x64xf32, #tpu.memory_space<vmem>>) dst(%dma_wait3A_145 : memref<10240x64xf32, #tpu.memory_space<vmem_shared>>)
          tpu.yield
        }) : () -> ()
        %add3A_100 = arith.constant 2 : i32
        %add3A_101 = arith.addi %add3A_51, %add3A_100 : i32
        %lt3A_102 = arith.constant 32 : i32
        %lt3A_103 = arith.cmpi slt, %add3A_101, %lt3A_102 : i32
        %convert_element_type3A_104 = arith.extui %lt3A_103 : i1 to i32
        %cond3A_105 = arith.constant 0 : i32
        %cond3A_106 = arith.cmpi ne, %convert_element_type3A_104, %cond3A_105 : i32
        scf.if %cond3A_106 {
          %add3A_127 = arith.addi %mul3A_13, %add3A_51 : i32
          %add3A_128 = arith.constant 2 : i32
          %add3A_129 = arith.addi %add3A_127, %add3A_128 : i32
          %dma_start3A_130 = arith.constant 0 : i32
          %dma_start3A_131 = arith.constant 0 : i32
          %dma_start3A_132 = arith.constant 0 : i32
          %dma_start3A_133 = tpu.memref_slice %arg11[%dma_start3A_130, %dma_start3A_131, %dma_start3A_132] : memref<2x5x128xi32, #tpu.memory_space<vmem>> -> memref<1x5x128xi32, #tpu.memory_space<vmem>>
          %dma_start3A_134 = tpu.memref_squeeze %dma_start3A_133 : memref<1x5x128xi32, #tpu.memory_space<vmem>> -> memref<5x128xi32, #tpu.memory_space<vmem>>
          %dma_start3A_135 = arith.constant 0 : i32
          %dma_start3A_136 = arith.constant 0 : i32
          %dma_start3A_137 = tpu.memref_slice %arg5[%add3A_129, %dma_start3A_135, %dma_start3A_136] : memref<512x5x128xi32, #tpu.memory_space<hbm>> -> memref<1x5x128xi32, #tpu.memory_space<hbm>>
          %dma_start3A_138 = tpu.memref_squeeze %dma_start3A_137 : memref<1x5x128xi32, #tpu.memory_space<hbm>> -> memref<5x128xi32, #tpu.memory_space<hbm>>
          %dma_start3A_139 = arith.constant 0 : i32
          %dma_start3A_140 = arith.constant 0 : i32
          %dma_start3A_141 = tpu.memref_slice %arg11[%dma_start3A_130, %dma_start3A_139, %dma_start3A_140] : memref<2x5x128xi32, #tpu.memory_space<vmem>> -> memref<1x5x128xi32, #tpu.memory_space<vmem>>
          %dma_start3A_142 = tpu.memref_squeeze %dma_start3A_141 : memref<1x5x128xi32, #tpu.memory_space<vmem>> -> memref<5x128xi32, #tpu.memory_space<vmem>>
          %dma_start3A_143 = arith.constant 0 : i32
          %dma_start3A_144 = arith.constant 0 : i32
          %dma_start3A_145 = tpu.memref_slice %arg5[%add3A_129, %dma_start3A_143, %dma_start3A_144] : memref<512x5x128xi32, #tpu.memory_space<hbm>> -> memref<1x5x128xi32, #tpu.memory_space<hbm>>
          %dma_start3A_146 = tpu.memref_squeeze %dma_start3A_145 : memref<1x5x128xi32, #tpu.memory_space<hbm>> -> memref<5x128xi32, #tpu.memory_space<hbm>>
          tpu.enqueue_dma source(%dma_start3A_146 : memref<5x128xi32, #tpu.memory_space<hbm>>) target(%dma_start3A_142 : memref<5x128xi32, #tpu.memory_space<vmem>>) target_semaphore(%arg16 : memref<!tpu.dma_semaphore, #tpu.memory_space<semaphore_mem>>)
          %add3A_147 = arith.constant 2 : i32
          %add3A_148 = arith.addi %add3A_51, %add3A_147 : i32
          %mul3A_149 = arith.constant 640 : i32
          %mul3A_150 = arith.muli %add3A_148, %mul3A_149 : i32
          %add3A_151 = arith.addi %mul3A_11, %mul3A_150 : i32
          %dma_wait3A_152 = tpu.memref_slice %arg4[%add3A_151] : memref<327680xi32, #tpu.memory_space<hbm>> -> memref<640xi32, #tpu.memory_space<hbm>>
          %dma_wait3A_153 = tpu.memref_slice %arg4[%add3A_151] : memref<327680xi32, #tpu.memory_space<hbm>> -> memref<640xi32, #tpu.memory_space<hbm>>
          tpu.wait_dma2 semaphore(%arg16 : memref<!tpu.dma_semaphore, #tpu.memory_space<semaphore_mem>>) src(%dma_wait3A_153 : memref<640xi32, #tpu.memory_space<hbm>>) dst(%arg9 : memref<640xi32, #tpu.memory_space<vmem>>)
          %add3A_154 = arith.addi %mul3A_13, %add3A_51 : i32
          %add3A_155 = arith.constant 2 : i32
          %add3A_156 = arith.addi %add3A_154, %add3A_155 : i32
          %dma_wait3A_157 = arith.constant 0 : i32
          %dma_wait3A_158 = arith.constant 0 : i32
          %dma_wait3A_159 = arith.constant 0 : i32
          %dma_wait3A_160 = tpu.memref_slice %arg11[%dma_wait3A_157, %dma_wait3A_158, %dma_wait3A_159] : memref<2x5x128xi32, #tpu.memory_space<vmem>> -> memref<1x5x128xi32, #tpu.memory_space<vmem>>
          %dma_wait3A_161 = tpu.memref_squeeze %dma_wait3A_160 : memref<1x5x128xi32, #tpu.memory_space<vmem>> -> memref<5x128xi32, #tpu.memory_space<vmem>>
          %dma_wait3A_162 = arith.constant 0 : i32
          %dma_wait3A_163 = arith.constant 0 : i32
          %dma_wait3A_164 = tpu.memref_slice %arg5[%add3A_156, %dma_wait3A_162, %dma_wait3A_163] : memref<512x5x128xi32, #tpu.memory_space<hbm>> -> memref<1x5x128xi32, #tpu.memory_space<hbm>>
          %dma_wait3A_165 = tpu.memref_squeeze %dma_wait3A_164 : memref<1x5x128xi32, #tpu.memory_space<hbm>> -> memref<5x128xi32, #tpu.memory_space<hbm>>
          %dma_wait3A_166 = arith.constant 0 : i32
          %dma_wait3A_167 = arith.constant 0 : i32
          %dma_wait3A_168 = tpu.memref_slice %arg11[%dma_wait3A_157, %dma_wait3A_166, %dma_wait3A_167] : memref<2x5x128xi32, #tpu.memory_space<vmem>> -> memref<1x5x128xi32, #tpu.memory_space<vmem>>
          %dma_wait3A_169 = tpu.memref_squeeze %dma_wait3A_168 : memref<1x5x128xi32, #tpu.memory_space<vmem>> -> memref<5x128xi32, #tpu.memory_space<vmem>>
          %dma_wait3A_170 = arith.constant 0 : i32
          %dma_wait3A_171 = arith.constant 0 : i32
          %dma_wait3A_172 = tpu.memref_slice %arg5[%add3A_156, %dma_wait3A_170, %dma_wait3A_171] : memref<512x5x128xi32, #tpu.memory_space<hbm>> -> memref<1x5x128xi32, #tpu.memory_space<hbm>>
          %dma_wait3A_173 = tpu.memref_squeeze %dma_wait3A_172 : memref<1x5x128xi32, #tpu.memory_space<hbm>> -> memref<5x128xi32, #tpu.memory_space<hbm>>
          tpu.wait_dma2 semaphore(%arg16 : memref<!tpu.dma_semaphore, #tpu.memory_space<semaphore_mem>>) src(%dma_wait3A_173 : memref<5x128xi32, #tpu.memory_space<hbm>>) dst(%dma_wait3A_169 : memref<5x128xi32, #tpu.memory_space<vmem>>)
          %dma_start3A_174 = arith.constant 0 : i32
          %dma_start3A_175 = arith.constant 0 : i32
          %dma_start3A_176 = tpu.memref_slice %arg3[%dma_start3A_174, %dma_start3A_175] : memref<10000x64xf32, #tpu.memory_space<hbm>> -> memref<10000x64xf32, #tpu.memory_space<hbm>>
          tpu.enqueue_indirect_dma source(%dma_start3A_176 : memref<10000x64xf32, #tpu.memory_space<hbm>>) target(%arg12 : memref<640x64xf32, #tpu.memory_space<vmem>>) offsets(%arg9 : memref<640xi32, #tpu.memory_space<vmem>>) semaphore(%arg14 : memref<!tpu.dma_semaphore, #tpu.memory_space<semaphore_mem>>)
        } else {
        }
        %dma_wait3A_107 = arith.constant 0 : i32
        %dma_wait3A_108 = arith.constant 0 : i32
        %dma_wait3A_109 = tpu.memref_slice %arg3[%dma_wait3A_107, %dma_wait3A_108] : memref<10000x64xf32, #tpu.memory_space<hbm>> -> memref<10000x64xf32, #tpu.memory_space<hbm>>
        tpu.wait_indirect_dma semaphore(%arg15 : memref<!tpu.dma_semaphore, #tpu.memory_space<semaphore_mem>>) src(%dma_wait3A_109 : memref<10000x64xf32, #tpu.memory_space<hbm>>) dst(%arg13 : memref<640x64xf32, #tpu.memory_space<vmem>>)
        %run_scoped3A_110 = arith.constant 1 : i32
        %run_scoped3A_111 = arith.constant 0 : i32
        "tpu.region"() ({
          %run_scoped3A_127 = tpu.sem_alloc : memref<!tpu.dma_semaphore, #tpu.memory_space<semaphore_mem>>
          %dma_start3A_128 = arith.constant 0 : i32
          %dma_start3A_129 = arith.constant 0 : i32
          %dma_start3A_130 = tpu.memref_slice %arg13[%dma_start3A_128, %dma_start3A_129] : memref<640x64xf32, #tpu.memory_space<vmem>> -> memref<128x64xf32, #tpu.memory_space<vmem>>
          %dma_start3A_131 = arith.constant 0 : i32
          %dma_start3A_132 = tpu.memref_slice %arg11[%run_scoped3A_110, %run_scoped3A_111, %dma_start3A_131] : memref<2x5x128xi32, #tpu.memory_space<vmem>> -> memref<1x1x128xi32, #tpu.memory_space<vmem>>
          %dma_start3A_133 = tpu.memref_squeeze %dma_start3A_132 : memref<1x1x128xi32, #tpu.memory_space<vmem>> -> memref<128xi32, #tpu.memory_space<vmem>>
          %dma_start3A_134 = arith.constant 0 : i32
          %dma_start3A_135 = arith.constant 0 : i32
          %dma_start3A_136 = tpu.memref_slice %arg8[%dma_start3A_134, %dma_start3A_135] : memref<10240x64xf32, #tpu.memory_space<vmem_shared>> -> memref<10240x64xf32, #tpu.memory_space<vmem_shared>>
          tpu.enqueue_indirect_dma source(%dma_start3A_130 : memref<128x64xf32, #tpu.memory_space<vmem>>) target(%dma_start3A_136 : memref<10240x64xf32, #tpu.memory_space<vmem_shared>>) offsets(%dma_start3A_133 : memref<128xi32, #tpu.memory_space<vmem>>) semaphore(%run_scoped3A_127 : memref<!tpu.dma_semaphore, #tpu.memory_space<semaphore_mem>>) {add = true}
          %dma_wait3A_137 = arith.constant 0 : i32
          %dma_wait3A_138 = arith.constant 0 : i32
          %dma_wait3A_139 = tpu.memref_slice %arg13[%dma_wait3A_137, %dma_wait3A_138] : memref<640x64xf32, #tpu.memory_space<vmem>> -> memref<128x64xf32, #tpu.memory_space<vmem>>
          %dma_wait3A_140 = arith.constant 0 : i32
          %dma_wait3A_141 = tpu.memref_slice %arg11[%run_scoped3A_110, %run_scoped3A_111, %dma_wait3A_140] : memref<2x5x128xi32, #tpu.memory_space<vmem>> -> memref<1x1x128xi32, #tpu.memory_space<vmem>>
          %dma_wait3A_142 = tpu.memref_squeeze %dma_wait3A_141 : memref<1x1x128xi32, #tpu.memory_space<vmem>> -> memref<128xi32, #tpu.memory_space<vmem>>
          %dma_wait3A_143 = arith.constant 0 : i32
          %dma_wait3A_144 = arith.constant 0 : i32
          %dma_wait3A_145 = tpu.memref_slice %arg8[%dma_wait3A_143, %dma_wait3A_144] : memref<10240x64xf32, #tpu.memory_space<vmem_shared>> -> memref<10240x64xf32, #tpu.memory_space<vmem_shared>>
          tpu.wait_indirect_dma semaphore(%run_scoped3A_127 : memref<!tpu.dma_semaphore, #tpu.memory_space<semaphore_mem>>) src(%dma_wait3A_139 : memref<128x64xf32, #tpu.memory_space<vmem>>) dst(%dma_wait3A_145 : memref<10240x64xf32, #tpu.memory_space<vmem_shared>>)
          tpu.yield
        }) : () -> ()
        %run_scoped3A_112 = arith.constant 1 : i32
        %run_scoped3A_113 = arith.constant 1 : i32
        "tpu.region"() ({
          %run_scoped3A_127 = tpu.sem_alloc : memref<!tpu.dma_semaphore, #tpu.memory_space<semaphore_mem>>
          %dma_start3A_128 = arith.constant 128 : i32
          %dma_start3A_129 = arith.constant 0 : i32
          %dma_start3A_130 = tpu.memref_slice %arg13[%dma_start3A_128, %dma_start3A_129] : memref<640x64xf32, #tpu.memory_space<vmem>> -> memref<128x64xf32, #tpu.memory_space<vmem>>
          %dma_start3A_131 = arith.constant 0 : i32
          %dma_start3A_132 = tpu.memref_slice %arg11[%run_scoped3A_112, %run_scoped3A_113, %dma_start3A_131] : memref<2x5x128xi32, #tpu.memory_space<vmem>> -> memref<1x1x128xi32, #tpu.memory_space<vmem>>
          %dma_start3A_133 = tpu.memref_squeeze %dma_start3A_132 : memref<1x1x128xi32, #tpu.memory_space<vmem>> -> memref<128xi32, #tpu.memory_space<vmem>>
          %dma_start3A_134 = arith.constant 0 : i32
          %dma_start3A_135 = arith.constant 0 : i32
          %dma_start3A_136 = tpu.memref_slice %arg8[%dma_start3A_134, %dma_start3A_135] : memref<10240x64xf32, #tpu.memory_space<vmem_shared>> -> memref<10240x64xf32, #tpu.memory_space<vmem_shared>>
          tpu.enqueue_indirect_dma source(%dma_start3A_130 : memref<128x64xf32, #tpu.memory_space<vmem>>) target(%dma_start3A_136 : memref<10240x64xf32, #tpu.memory_space<vmem_shared>>) offsets(%dma_start3A_133 : memref<128xi32, #tpu.memory_space<vmem>>) semaphore(%run_scoped3A_127 : memref<!tpu.dma_semaphore, #tpu.memory_space<semaphore_mem>>) {add = true}
          %dma_wait3A_137 = arith.constant 128 : i32
          %dma_wait3A_138 = arith.constant 0 : i32
          %dma_wait3A_139 = tpu.memref_slice %arg13[%dma_wait3A_137, %dma_wait3A_138] : memref<640x64xf32, #tpu.memory_space<vmem>> -> memref<128x64xf32, #tpu.memory_space<vmem>>
          %dma_wait3A_140 = arith.constant 0 : i32
          %dma_wait3A_141 = tpu.memref_slice %arg11[%run_scoped3A_112, %run_scoped3A_113, %dma_wait3A_140] : memref<2x5x128xi32, #tpu.memory_space<vmem>> -> memref<1x1x128xi32, #tpu.memory_space<vmem>>
          %dma_wait3A_142 = tpu.memref_squeeze %dma_wait3A_141 : memref<1x1x128xi32, #tpu.memory_space<vmem>> -> memref<128xi32, #tpu.memory_space<vmem>>
          %dma_wait3A_143 = arith.constant 0 : i32
          %dma_wait3A_144 = arith.constant 0 : i32
          %dma_wait3A_145 = tpu.memref_slice %arg8[%dma_wait3A_143, %dma_wait3A_144] : memref<10240x64xf32, #tpu.memory_space<vmem_shared>> -> memref<10240x64xf32, #tpu.memory_space<vmem_shared>>
          tpu.wait_indirect_dma semaphore(%run_scoped3A_127 : memref<!tpu.dma_semaphore, #tpu.memory_space<semaphore_mem>>) src(%dma_wait3A_139 : memref<128x64xf32, #tpu.memory_space<vmem>>) dst(%dma_wait3A_145 : memref<10240x64xf32, #tpu.memory_space<vmem_shared>>)
          tpu.yield
        }) : () -> ()
        %run_scoped3A_114 = arith.constant 1 : i32
        %run_scoped3A_115 = arith.constant 2 : i32
        "tpu.region"() ({
          %run_scoped3A_127 = tpu.sem_alloc : memref<!tpu.dma_semaphore, #tpu.memory_space<semaphore_mem>>
          %dma_start3A_128 = arith.constant 256 : i32
          %dma_start3A_129 = arith.constant 0 : i32
          %dma_start3A_130 = tpu.memref_slice %arg13[%dma_start3A_128, %dma_start3A_129] : memref<640x64xf32, #tpu.memory_space<vmem>> -> memref<128x64xf32, #tpu.memory_space<vmem>>
          %dma_start3A_131 = arith.constant 0 : i32
          %dma_start3A_132 = tpu.memref_slice %arg11[%run_scoped3A_114, %run_scoped3A_115, %dma_start3A_131] : memref<2x5x128xi32, #tpu.memory_space<vmem>> -> memref<1x1x128xi32, #tpu.memory_space<vmem>>
          %dma_start3A_133 = tpu.memref_squeeze %dma_start3A_132 : memref<1x1x128xi32, #tpu.memory_space<vmem>> -> memref<128xi32, #tpu.memory_space<vmem>>
          %dma_start3A_134 = arith.constant 0 : i32
          %dma_start3A_135 = arith.constant 0 : i32
          %dma_start3A_136 = tpu.memref_slice %arg8[%dma_start3A_134, %dma_start3A_135] : memref<10240x64xf32, #tpu.memory_space<vmem_shared>> -> memref<10240x64xf32, #tpu.memory_space<vmem_shared>>
          tpu.enqueue_indirect_dma source(%dma_start3A_130 : memref<128x64xf32, #tpu.memory_space<vmem>>) target(%dma_start3A_136 : memref<10240x64xf32, #tpu.memory_space<vmem_shared>>) offsets(%dma_start3A_133 : memref<128xi32, #tpu.memory_space<vmem>>) semaphore(%run_scoped3A_127 : memref<!tpu.dma_semaphore, #tpu.memory_space<semaphore_mem>>) {add = true}
          %dma_wait3A_137 = arith.constant 256 : i32
          %dma_wait3A_138 = arith.constant 0 : i32
          %dma_wait3A_139 = tpu.memref_slice %arg13[%dma_wait3A_137, %dma_wait3A_138] : memref<640x64xf32, #tpu.memory_space<vmem>> -> memref<128x64xf32, #tpu.memory_space<vmem>>
          %dma_wait3A_140 = arith.constant 0 : i32
          %dma_wait3A_141 = tpu.memref_slice %arg11[%run_scoped3A_114, %run_scoped3A_115, %dma_wait3A_140] : memref<2x5x128xi32, #tpu.memory_space<vmem>> -> memref<1x1x128xi32, #tpu.memory_space<vmem>>
          %dma_wait3A_142 = tpu.memref_squeeze %dma_wait3A_141 : memref<1x1x128xi32, #tpu.memory_space<vmem>> -> memref<128xi32, #tpu.memory_space<vmem>>
          %dma_wait3A_143 = arith.constant 0 : i32
          %dma_wait3A_144 = arith.constant 0 : i32
          %dma_wait3A_145 = tpu.memref_slice %arg8[%dma_wait3A_143, %dma_wait3A_144] : memref<10240x64xf32, #tpu.memory_space<vmem_shared>> -> memref<10240x64xf32, #tpu.memory_space<vmem_shared>>
          tpu.wait_indirect_dma semaphore(%run_scoped3A_127 : memref<!tpu.dma_semaphore, #tpu.memory_space<semaphore_mem>>) src(%dma_wait3A_139 : memref<128x64xf32, #tpu.memory_space<vmem>>) dst(%dma_wait3A_145 : memref<10240x64xf32, #tpu.memory_space<vmem_shared>>)
          tpu.yield
        }) : () -> ()
        %run_scoped3A_116 = arith.constant 1 : i32
        %run_scoped3A_117 = arith.constant 3 : i32
        "tpu.region"() ({
          %run_scoped3A_127 = tpu.sem_alloc : memref<!tpu.dma_semaphore, #tpu.memory_space<semaphore_mem>>
          %dma_start3A_128 = arith.constant 384 : i32
          %dma_start3A_129 = arith.constant 0 : i32
          %dma_start3A_130 = tpu.memref_slice %arg13[%dma_start3A_128, %dma_start3A_129] : memref<640x64xf32, #tpu.memory_space<vmem>> -> memref<128x64xf32, #tpu.memory_space<vmem>>
          %dma_start3A_131 = arith.constant 0 : i32
          %dma_start3A_132 = tpu.memref_slice %arg11[%run_scoped3A_116, %run_scoped3A_117, %dma_start3A_131] : memref<2x5x128xi32, #tpu.memory_space<vmem>> -> memref<1x1x128xi32, #tpu.memory_space<vmem>>
          %dma_start3A_133 = tpu.memref_squeeze %dma_start3A_132 : memref<1x1x128xi32, #tpu.memory_space<vmem>> -> memref<128xi32, #tpu.memory_space<vmem>>
          %dma_start3A_134 = arith.constant 0 : i32
          %dma_start3A_135 = arith.constant 0 : i32
          %dma_start3A_136 = tpu.memref_slice %arg8[%dma_start3A_134, %dma_start3A_135] : memref<10240x64xf32, #tpu.memory_space<vmem_shared>> -> memref<10240x64xf32, #tpu.memory_space<vmem_shared>>
          tpu.enqueue_indirect_dma source(%dma_start3A_130 : memref<128x64xf32, #tpu.memory_space<vmem>>) target(%dma_start3A_136 : memref<10240x64xf32, #tpu.memory_space<vmem_shared>>) offsets(%dma_start3A_133 : memref<128xi32, #tpu.memory_space<vmem>>) semaphore(%run_scoped3A_127 : memref<!tpu.dma_semaphore, #tpu.memory_space<semaphore_mem>>) {add = true}
          %dma_wait3A_137 = arith.constant 384 : i32
          %dma_wait3A_138 = arith.constant 0 : i32
          %dma_wait3A_139 = tpu.memref_slice %arg13[%dma_wait3A_137, %dma_wait3A_138] : memref<640x64xf32, #tpu.memory_space<vmem>> -> memref<128x64xf32, #tpu.memory_space<vmem>>
          %dma_wait3A_140 = arith.constant 0 : i32
          %dma_wait3A_141 = tpu.memref_slice %arg11[%run_scoped3A_116, %run_scoped3A_117, %dma_wait3A_140] : memref<2x5x128xi32, #tpu.memory_space<vmem>> -> memref<1x1x128xi32, #tpu.memory_space<vmem>>
          %dma_wait3A_142 = tpu.memref_squeeze %dma_wait3A_141 : memref<1x1x128xi32, #tpu.memory_space<vmem>> -> memref<128xi32, #tpu.memory_space<vmem>>
          %dma_wait3A_143 = arith.constant 0 : i32
          %dma_wait3A_144 = arith.constant 0 : i32
          %dma_wait3A_145 = tpu.memref_slice %arg8[%dma_wait3A_143, %dma_wait3A_144] : memref<10240x64xf32, #tpu.memory_space<vmem_shared>> -> memref<10240x64xf32, #tpu.memory_space<vmem_shared>>
          tpu.wait_indirect_dma semaphore(%run_scoped3A_127 : memref<!tpu.dma_semaphore, #tpu.memory_space<semaphore_mem>>) src(%dma_wait3A_139 : memref<128x64xf32, #tpu.memory_space<vmem>>) dst(%dma_wait3A_145 : memref<10240x64xf32, #tpu.memory_space<vmem_shared>>)
          tpu.yield
        }) : () -> ()
        %run_scoped3A_118 = arith.constant 1 : i32
        %run_scoped3A_119 = arith.constant 4 : i32
        "tpu.region"() ({
          %run_scoped3A_127 = tpu.sem_alloc : memref<!tpu.dma_semaphore, #tpu.memory_space<semaphore_mem>>
          %dma_start3A_128 = arith.constant 512 : i32
          %dma_start3A_129 = arith.constant 0 : i32
          %dma_start3A_130 = tpu.memref_slice %arg13[%dma_start3A_128, %dma_start3A_129] : memref<640x64xf32, #tpu.memory_space<vmem>> -> memref<128x64xf32, #tpu.memory_space<vmem>>
          %dma_start3A_131 = arith.constant 0 : i32
          %dma_start3A_132 = tpu.memref_slice %arg11[%run_scoped3A_118, %run_scoped3A_119, %dma_start3A_131] : memref<2x5x128xi32, #tpu.memory_space<vmem>> -> memref<1x1x128xi32, #tpu.memory_space<vmem>>
          %dma_start3A_133 = tpu.memref_squeeze %dma_start3A_132 : memref<1x1x128xi32, #tpu.memory_space<vmem>> -> memref<128xi32, #tpu.memory_space<vmem>>
          %dma_start3A_134 = arith.constant 0 : i32
          %dma_start3A_135 = arith.constant 0 : i32
          %dma_start3A_136 = tpu.memref_slice %arg8[%dma_start3A_134, %dma_start3A_135] : memref<10240x64xf32, #tpu.memory_space<vmem_shared>> -> memref<10240x64xf32, #tpu.memory_space<vmem_shared>>
          tpu.enqueue_indirect_dma source(%dma_start3A_130 : memref<128x64xf32, #tpu.memory_space<vmem>>) target(%dma_start3A_136 : memref<10240x64xf32, #tpu.memory_space<vmem_shared>>) offsets(%dma_start3A_133 : memref<128xi32, #tpu.memory_space<vmem>>) semaphore(%run_scoped3A_127 : memref<!tpu.dma_semaphore, #tpu.memory_space<semaphore_mem>>) {add = true}
          %dma_wait3A_137 = arith.constant 512 : i32
          %dma_wait3A_138 = arith.constant 0 : i32
          %dma_wait3A_139 = tpu.memref_slice %arg13[%dma_wait3A_137, %dma_wait3A_138] : memref<640x64xf32, #tpu.memory_space<vmem>> -> memref<128x64xf32, #tpu.memory_space<vmem>>
          %dma_wait3A_140 = arith.constant 0 : i32
          %dma_wait3A_141 = tpu.memref_slice %arg11[%run_scoped3A_118, %run_scoped3A_119, %dma_wait3A_140] : memref<2x5x128xi32, #tpu.memory_space<vmem>> -> memref<1x1x128xi32, #tpu.memory_space<vmem>>
          %dma_wait3A_142 = tpu.memref_squeeze %dma_wait3A_141 : memref<1x1x128xi32, #tpu.memory_space<vmem>> -> memref<128xi32, #tpu.memory_space<vmem>>
          %dma_wait3A_143 = arith.constant 0 : i32
          %dma_wait3A_144 = arith.constant 0 : i32
          %dma_wait3A_145 = tpu.memref_slice %arg8[%dma_wait3A_143, %dma_wait3A_144] : memref<10240x64xf32, #tpu.memory_space<vmem_shared>> -> memref<10240x64xf32, #tpu.memory_space<vmem_shared>>
          tpu.wait_indirect_dma semaphore(%run_scoped3A_127 : memref<!tpu.dma_semaphore, #tpu.memory_space<semaphore_mem>>) src(%dma_wait3A_139 : memref<128x64xf32, #tpu.memory_space<vmem>>) dst(%dma_wait3A_145 : memref<10240x64xf32, #tpu.memory_space<vmem_shared>>)
          tpu.yield
        }) : () -> ()
        %add3A_120 = arith.constant 3 : i32
        %add3A_121 = arith.addi %add3A_51, %add3A_120 : i32
        %lt3A_122 = arith.constant 32 : i32
        %lt3A_123 = arith.cmpi slt, %add3A_121, %lt3A_122 : i32
        %convert_element_type3A_124 = arith.extui %lt3A_123 : i1 to i32
        %cond3A_125 = arith.constant 0 : i32
        %cond3A_126 = arith.cmpi ne, %convert_element_type3A_124, %cond3A_125 : i32
        scf.if %cond3A_126 {
          %add3A_127 = arith.constant 3 : i32
          %add3A_128 = arith.addi %add3A_51, %add3A_127 : i32
          %mul3A_129 = arith.constant 640 : i32
          %mul3A_130 = arith.muli %add3A_128, %mul3A_129 : i32
          %add3A_131 = arith.addi %mul3A_11, %mul3A_130 : i32
          %dma_start3A_132 = tpu.memref_slice %arg4[%add3A_131] : memref<327680xi32, #tpu.memory_space<hbm>> -> memref<640xi32, #tpu.memory_space<hbm>>
          %dma_start3A_133 = tpu.memref_slice %arg4[%add3A_131] : memref<327680xi32, #tpu.memory_space<hbm>> -> memref<640xi32, #tpu.memory_space<hbm>>
          tpu.enqueue_dma source(%dma_start3A_133 : memref<640xi32, #tpu.memory_space<hbm>>) target(%arg10 : memref<640xi32, #tpu.memory_space<vmem>>) target_semaphore(%arg17 : memref<!tpu.dma_semaphore, #tpu.memory_space<semaphore_mem>>)
          %add3A_134 = arith.addi %mul3A_13, %add3A_51 : i32
          %add3A_135 = arith.constant 3 : i32
          %add3A_136 = arith.addi %add3A_134, %add3A_135 : i32
          %dma_start3A_137 = arith.constant 1 : i32
          %dma_start3A_138 = arith.constant 0 : i32
          %dma_start3A_139 = arith.constant 0 : i32
          %dma_start3A_140 = tpu.memref_slice %arg11[%dma_start3A_137, %dma_start3A_138, %dma_start3A_139] : memref<2x5x128xi32, #tpu.memory_space<vmem>> -> memref<1x5x128xi32, #tpu.memory_space<vmem>>
          %dma_start3A_141 = tpu.memref_squeeze %dma_start3A_140 : memref<1x5x128xi32, #tpu.memory_space<vmem>> -> memref<5x128xi32, #tpu.memory_space<vmem>>
          %dma_start3A_142 = arith.constant 0 : i32
          %dma_start3A_143 = arith.constant 0 : i32
          %dma_start3A_144 = tpu.memref_slice %arg5[%add3A_136, %dma_start3A_142, %dma_start3A_143] : memref<512x5x128xi32, #tpu.memory_space<hbm>> -> memref<1x5x128xi32, #tpu.memory_space<hbm>>
          %dma_start3A_145 = tpu.memref_squeeze %dma_start3A_144 : memref<1x5x128xi32, #tpu.memory_space<hbm>> -> memref<5x128xi32, #tpu.memory_space<hbm>>
          %dma_start3A_146 = arith.constant 0 : i32
          %dma_start3A_147 = arith.constant 0 : i32
          %dma_start3A_148 = tpu.memref_slice %arg11[%dma_start3A_137, %dma_start3A_146, %dma_start3A_147] : memref<2x5x128xi32, #tpu.memory_space<vmem>> -> memref<1x5x128xi32, #tpu.memory_space<vmem>>
          %dma_start3A_149 = tpu.memref_squeeze %dma_start3A_148 : memref<1x5x128xi32, #tpu.memory_space<vmem>> -> memref<5x128xi32, #tpu.memory_space<vmem>>
          %dma_start3A_150 = arith.constant 0 : i32
          %dma_start3A_151 = arith.constant 0 : i32
          %dma_start3A_152 = tpu.memref_slice %arg5[%add3A_136, %dma_start3A_150, %dma_start3A_151] : memref<512x5x128xi32, #tpu.memory_space<hbm>> -> memref<1x5x128xi32, #tpu.memory_space<hbm>>
          %dma_start3A_153 = tpu.memref_squeeze %dma_start3A_152 : memref<1x5x128xi32, #tpu.memory_space<hbm>> -> memref<5x128xi32, #tpu.memory_space<hbm>>
          tpu.enqueue_dma source(%dma_start3A_153 : memref<5x128xi32, #tpu.memory_space<hbm>>) target(%dma_start3A_149 : memref<5x128xi32, #tpu.memory_space<vmem>>) target_semaphore(%arg17 : memref<!tpu.dma_semaphore, #tpu.memory_space<semaphore_mem>>)
        } else {
        }
      }
      %scan3A_46 = arith.constant 16 : i32
    } else {
    }
    %barrier3A = arith.constant 0 : index
    tpu.barrier barrier_id(%barrier3A)
    %mul3A = arith.constant 640 : i32
    %mul3A_7 = arith.muli %arg1, %mul3A : i32
    %mul3A_8 = arith.constant 640 : i32
    %mul3A_9 = arith.muli %arg1, %mul3A_8 : i32
    "tpu.region"() ({
      %run_scoped3A = tpu.sem_alloc : memref<!tpu.dma_semaphore, #tpu.memory_space<semaphore_mem>>
      %dma_start3A = arith.constant 0 : i32
      %dma_start3A_10 = tpu.memref_slice %arg7[%arg0, %mul3A_9, %dma_start3A] : memref<2x10240x64xf32, #tpu.memory_space<hbm>> -> memref<1x640x64xf32, #tpu.memory_space<hbm>>
      %dma_start3A_11 = tpu.memref_squeeze %dma_start3A_10 : memref<1x640x64xf32, #tpu.memory_space<hbm>> -> memref<640x64xf32, #tpu.memory_space<hbm>>
      %dma_start3A_12 = arith.constant 0 : i32
      %dma_start3A_13 = tpu.memref_slice %arg8[%mul3A_7, %dma_start3A_12] : memref<10240x64xf32, #tpu.memory_space<vmem_shared>> -> memref<640x64xf32, #tpu.memory_space<vmem_shared>>
      tpu.enqueue_dma source(%dma_start3A_13 : memref<640x64xf32, #tpu.memory_space<vmem_shared>>) target(%dma_start3A_11 : memref<640x64xf32, #tpu.memory_space<hbm>>) target_semaphore(%run_scoped3A : memref<!tpu.dma_semaphore, #tpu.memory_space<semaphore_mem>>)
      %dma_wait3A = arith.constant 0 : i32
      %dma_wait3A_14 = tpu.memref_slice %arg7[%arg0, %mul3A_9, %dma_wait3A] : memref<2x10240x64xf32, #tpu.memory_space<hbm>> -> memref<1x640x64xf32, #tpu.memory_space<hbm>>
      %dma_wait3A_15 = tpu.memref_squeeze %dma_wait3A_14 : memref<1x640x64xf32, #tpu.memory_space<hbm>> -> memref<640x64xf32, #tpu.memory_space<hbm>>
      %dma_wait3A_16 = arith.constant 0 : i32
      %dma_wait3A_17 = tpu.memref_slice %arg8[%mul3A_7, %dma_wait3A_16] : memref<10240x64xf32, #tpu.memory_space<vmem_shared>> -> memref<640x64xf32, #tpu.memory_space<vmem_shared>>
      tpu.wait_dma2 semaphore(%run_scoped3A : memref<!tpu.dma_semaphore, #tpu.memory_space<semaphore_mem>>) src(%dma_wait3A_17 : memref<640x64xf32, #tpu.memory_space<vmem_shared>>) dst(%dma_wait3A_15 : memref<640x64xf32, #tpu.memory_space<hbm>>)
      tpu.yield
    }) : () -> ()
    return
  }
}

module attributes {stable_mosaic.version = 14 : i64} {
  func.func @_tc1_body(%arg0: i32, %arg1: memref<2000x2xf32, #tpu.memory_space<vmem>>, %arg2: memref<2000x128xf32, #tpu.memory_space<vmem>>, %arg3: memref<128x128xf32, #tpu.memory_space<vmem>>, %arg4: memref<2000x64xf32, #tpu.memory_space<vmem>>, %arg5: memref<2000x64xf32, #tpu.memory_space<vmem>>) attributes {dimension_semantics = [#tpu.dimension_semantics<arbitrary>], iteration_bounds = array<i64: 5>, scalar_prefetch = 0 : i64, scratch_operands = 0 : i64, tpu.core_type = #tpu.core_type<tc>, window_params = [{transform_indices = @transform_0, window_bounds = array<i64: 2000, 2>}, {transform_indices = @transform_1, window_bounds = array<i64: 2000, 128>}, {pipeline_mode = #tpu.pipeline_mode<synchronous>, transform_indices = @transform_2, window_bounds = array<i64: 128, 128>}, {transform_indices = @transform_3, window_bounds = array<i64: 2000, 64>}, {transform_indices = @transform_4, window_bounds = array<i64: 2000, 64>}]} {
    %get3A = arith.constant 0 : index
    %get3A_0 = arith.constant 0 : index
    %get3A_1 = vector.load %arg2[%get3A, %get3A_0] : memref<2000x128xf32, #tpu.memory_space<vmem>>, vector<2000x128xf32>
    %get3A_2 = arith.constant 0 : index
    %get3A_3 = arith.constant 0 : index
    %get3A_4 = vector.load %arg3[%get3A_2, %get3A_3] : memref<128x128xf32, #tpu.memory_space<vmem>>, vector<128x128xf32>
    %dot_general3A = arith.constant dense<0.000000e+00> : vector<2000x128xf32>
    %dot_general3A_5 = tpu.matmul %get3A_1, %get3A_4, %dot_general3A {dimension_numbers = #tpu.dot_dimension_numbers<[1], [0], [0], [1], [0, 0, 1, 1], [], []>, transpose_lhs_hint = false} : vector<2000x128xf32>, vector<128x128xf32>, vector<2000x128xf32> -> vector<2000x128xf32>
    %get3A_6 = arith.constant 0 : index
    %get3A_7 = arith.constant 0 : index
    %get3A_8 = vector.load %arg1[%get3A_6, %get3A_7] : memref<2000x2xf32, #tpu.memory_space<vmem>>, vector<2000x1xf32>
    %get3A_9 = vector.shape_cast %get3A_8 : vector<2000x1xf32> to vector<2000xf32>
    %get3A_10 = arith.constant 0 : index
    %get3A_11 = arith.constant 1 : index
    %get3A_12 = vector.load %arg1[%get3A_10, %get3A_11] : memref<2000x2xf32, #tpu.memory_space<vmem>>, vector<2000x1xf32>
    %get3A_13 = vector.shape_cast %get3A_12 : vector<2000x1xf32> to vector<2000xf32>
    %add3A = arith.addf %get3A_9, %get3A_13 : vector<2000xf32>
    %add3A_14 = arith.constant 1.000000e+00 : f32
    %add3A_15 = vector.broadcast %add3A_14 : f32 to vector<2000xf32>
    %add3A_16 = arith.addf %add3A, %add3A_15 : vector<2000xf32>
    %rsqrt3A = math.rsqrt %add3A_16 : vector<2000xf32>
    %broadcast_in_dim3A = vector.shape_cast %rsqrt3A : vector<2000xf32> to vector<2000x1xf32>
    %mul3A = vector.broadcast %broadcast_in_dim3A : vector<2000x1xf32> to vector<2000x128xf32>
    %mul3A_17 = arith.mulf %dot_general3A_5, %mul3A : vector<2000x128xf32>
    %slice3A = vector.extract_strided_slice %mul3A_17 {offsets = [0, 0], sizes = [2000, 64], strides = [1, 1]} : vector<2000x128xf32> to vector<2000x64xf32>
    %swap3A = arith.constant 0 : index
    %swap3A_18 = arith.constant 0 : index
    %swap3A_19 = vector.load %arg4[%swap3A, %swap3A_18] : memref<2000x64xf32, #tpu.memory_space<vmem>>, vector<2000x64xf32>
    tpu.vector_store %arg4[%swap3A, %swap3A_18], %slice3A {strides = array<i32>} : memref<2000x64xf32, #tpu.memory_space<vmem>>, vector<2000x64xf32>,
    %slice3A_20 = vector.extract_strided_slice %mul3A_17 {offsets = [0, 64], sizes = [2000, 64], strides = [1, 1]} : vector<2000x128xf32> to vector<2000x64xf32>
    %swap3A_21 = arith.constant 0 : index
    %swap3A_22 = arith.constant 0 : index
    %swap3A_23 = vector.load %arg5[%swap3A_21, %swap3A_22] : memref<2000x64xf32, #tpu.memory_space<vmem>>, vector<2000x64xf32>
    tpu.vector_store %arg5[%swap3A_21, %swap3A_22], %slice3A_20 {strides = array<i32>} : memref<2000x64xf32, #tpu.memory_space<vmem>>, vector<2000x64xf32>,
    return
  }
  func.func @transform_0(%arg0: i32) -> (i32, i32) {
    %c0_i32 = arith.constant 0 : i32
    %c0_i32_0 = arith.constant 0 : i32
    return %arg0, %c0_i32 : i32, i32
  }
  func.func @transform_1(%arg0: i32) -> (i32, i32) {
    %c0_i32 = arith.constant 0 : i32
    %c0_i32_0 = arith.constant 0 : i32
    return %arg0, %c0_i32 : i32, i32
  }
  func.func @transform_2(%arg0: i32) -> (i32, i32) {
    %c0_i32 = arith.constant 0 : i32
    %c0_i32_0 = arith.constant 0 : i32
    %c0_i32_1 = arith.constant 0 : i32
    return %c0_i32, %c0_i32_0 : i32, i32
  }
  func.func @transform_3(%arg0: i32) -> (i32, i32) {
    %c0_i32 = arith.constant 0 : i32
    %c0_i32_0 = arith.constant 0 : i32
    return %arg0, %c0_i32 : i32, i32
  }
  func.func @transform_4(%arg0: i32) -> (i32, i32) {
    %c0_i32 = arith.constant 0 : i32
    %c0_i32_0 = arith.constant 0 : i32
    return %arg0, %c0_i32 : i32, i32
  }
}

module attributes {stable_mosaic.version = 14 : i64} {
  func.func @_tc2_body(%arg0: i32, %arg1: memref<2000x2xf32, #tpu.memory_space<vmem>>, %arg2: memref<2x2000x64xf32, #tpu.memory_space<vmem>>, %arg3: memref<2000x64xf32, #tpu.memory_space<vmem>>, %arg4: memref<2000x64xf32, #tpu.memory_space<vmem>>, %arg5: memref<1x128xf32, #tpu.memory_space<vmem>>, %arg6: memref<128x128xf32, #tpu.memory_space<vmem>>, %arg7: memref<2000x128xf32, #tpu.memory_space<vmem>>, %arg8: memref<2000x64xf32, #tpu.memory_space<vmem>>, %arg9: memref<2000x64xf32, #tpu.memory_space<vmem>>) attributes {dimension_semantics = [#tpu.dimension_semantics<arbitrary>], iteration_bounds = array<i64: 5>, scalar_prefetch = 0 : i64, scratch_operands = 0 : i64, tpu.core_type = #tpu.core_type<tc>, window_params = [{transform_indices = @transform_0, window_bounds = array<i64: 2000, 2>}, {transform_indices = @transform_1, window_bounds = array<i64: 2, 2000, 64>}, {transform_indices = @transform_2, window_bounds = array<i64: 2000, 64>}, {transform_indices = @transform_3, window_bounds = array<i64: 2000, 64>}, {pipeline_mode = #tpu.pipeline_mode<synchronous>, transform_indices = @transform_4, window_bounds = array<i64: 1, 128>}, {pipeline_mode = #tpu.pipeline_mode<synchronous>, transform_indices = @transform_5, window_bounds = array<i64: 128, 128>}, {transform_indices = @transform_6, window_bounds = array<i64: 2000, 128>}, {transform_indices = @transform_7, window_bounds = array<i64: 2000, 64>}, {transform_indices = @transform_8, window_bounds = array<i64: 2000, 64>}]} {
    %get3A = arith.constant 0 : index
    %get3A_0 = arith.constant 0 : index
    %get3A_1 = vector.load %arg1[%get3A, %get3A_0] : memref<2000x2xf32, #tpu.memory_space<vmem>>, vector<2000x1xf32>
    %get3A_2 = vector.shape_cast %get3A_1 : vector<2000x1xf32> to vector<2000xf32>
    %get3A_3 = arith.constant 0 : index
    %get3A_4 = arith.constant 1 : index
    %get3A_5 = vector.load %arg1[%get3A_3, %get3A_4] : memref<2000x2xf32, #tpu.memory_space<vmem>>, vector<2000x1xf32>
    %get3A_6 = vector.shape_cast %get3A_5 : vector<2000x1xf32> to vector<2000xf32>
    %add3A = arith.addf %get3A_2, %get3A_6 : vector<2000xf32>
    %add3A_7 = arith.constant 1.000000e+00 : f32
    %add3A_8 = vector.broadcast %add3A_7 : f32 to vector<2000xf32>
    %add3A_9 = arith.addf %add3A, %add3A_8 : vector<2000xf32>
    %rsqrt3A = math.rsqrt %add3A_9 : vector<2000xf32>
    %broadcast_in_dim3A = vector.shape_cast %rsqrt3A : vector<2000xf32> to vector<2000x1xf32>
    %get3A_10 = arith.constant 0 : index
    %get3A_11 = arith.constant 0 : index
    %get3A_12 = arith.constant 0 : index
    %get3A_13 = vector.load %arg2[%get3A_10, %get3A_11, %get3A_12] : memref<2x2000x64xf32, #tpu.memory_space<vmem>>, vector<1x2000x64xf32>
    %get3A_14 = vector.shape_cast %get3A_13 : vector<1x2000x64xf32> to vector<2000x64xf32>
    %get3A_15 = arith.constant 0 : index
    %get3A_16 = arith.constant 0 : index
    %get3A_17 = vector.load %arg3[%get3A_15, %get3A_16] : memref<2000x64xf32, #tpu.memory_space<vmem>>, vector<2000x64xf32>
    %add3A_18 = arith.addf %get3A_14, %get3A_17 : vector<2000x64xf32>
    %get3A_19 = arith.constant 1 : index
    %get3A_20 = arith.constant 0 : index
    %get3A_21 = arith.constant 0 : index
    %get3A_22 = vector.load %arg2[%get3A_19, %get3A_20, %get3A_21] : memref<2x2000x64xf32, #tpu.memory_space<vmem>>, vector<1x2000x64xf32>
    %get3A_23 = vector.shape_cast %get3A_22 : vector<1x2000x64xf32> to vector<2000x64xf32>
    %get3A_24 = arith.constant 0 : index
    %get3A_25 = arith.constant 0 : index
    %get3A_26 = vector.load %arg4[%get3A_24, %get3A_25] : memref<2000x64xf32, #tpu.memory_space<vmem>>, vector<2000x64xf32>
    %add3A_27 = arith.addf %get3A_23, %get3A_26 : vector<2000x64xf32>
    %concatenate3A = tpu.concatenate %add3A_18, %add3A_27 in 1 : vector<2000x64xf32>, vector<2000x64xf32> -> vector<2000x128xf32>
    %mul3A = vector.broadcast %broadcast_in_dim3A : vector<2000x1xf32> to vector<2000x128xf32>
    %mul3A_28 = arith.mulf %mul3A, %concatenate3A : vector<2000x128xf32>
    %get3A_29 = arith.constant 0 : index
    %get3A_30 = arith.constant 0 : index
    %get3A_31 = vector.load %arg5[%get3A_29, %get3A_30] : memref<1x128xf32, #tpu.memory_space<vmem>>, vector<1x128xf32>
    %add3A_32 = vector.broadcast %get3A_31 : vector<1x128xf32> to vector<2000x128xf32>
    %add3A_33 = arith.addf %mul3A_28, %add3A_32 : vector<2000x128xf32>
    %ge3A = arith.constant 0.000000e+00 : f32
    %ge3A_34 = vector.broadcast %ge3A : f32 to vector<2000x128xf32>
    %ge3A_35 = arith.cmpf oge, %add3A_33, %ge3A_34 : vector<2000x128xf32>
    %mul3A_36 = arith.constant 0.00999999977 : f32
    %mul3A_37 = vector.broadcast %mul3A_36 : f32 to vector<2000x128xf32>
    %mul3A_38 = arith.mulf %mul3A_37, %add3A_33 : vector<2000x128xf32>
    %select_n3A = arith.select %ge3A_35, %add3A_33, %mul3A_38 : vector<2000x128xi1>, vector<2000x128xf32>
    %swap3A = arith.constant 0 : index
    %swap3A_39 = arith.constant 0 : index
    %swap3A_40 = vector.load %arg7[%swap3A, %swap3A_39] : memref<2000x128xf32, #tpu.memory_space<vmem>>, vector<2000x128xf32>
    tpu.vector_store %arg7[%swap3A, %swap3A_39], %select_n3A {strides = array<i32>} : memref<2000x128xf32, #tpu.memory_space<vmem>>, vector<2000x128xf32>,
    %get3A_41 = arith.constant 0 : index
    %get3A_42 = arith.constant 0 : index
    %get3A_43 = vector.load %arg6[%get3A_41, %get3A_42] : memref<128x128xf32, #tpu.memory_space<vmem>>, vector<128x128xf32>
    %dot_general3A = arith.constant dense<0.000000e+00> : vector<2000x128xf32>
    %dot_general3A_44 = tpu.matmul %select_n3A, %get3A_43, %dot_general3A {dimension_numbers = #tpu.dot_dimension_numbers<[1], [0], [0], [1], [0, 0, 1, 1], [], []>, transpose_lhs_hint = false} : vector<2000x128xf32>, vector<128x128xf32>, vector<2000x128xf32> -> vector<2000x128xf32>
    %mul3A_45 = vector.broadcast %broadcast_in_dim3A : vector<2000x1xf32> to vector<2000x128xf32>
    %mul3A_46 = arith.mulf %dot_general3A_44, %mul3A_45 : vector<2000x128xf32>
    %slice3A = vector.extract_strided_slice %mul3A_46 {offsets = [0, 0], sizes = [2000, 64], strides = [1, 1]} : vector<2000x128xf32> to vector<2000x64xf32>
    %swap3A_47 = arith.constant 0 : index
    %swap3A_48 = arith.constant 0 : index
    %swap3A_49 = vector.load %arg8[%swap3A_47, %swap3A_48] : memref<2000x64xf32, #tpu.memory_space<vmem>>, vector<2000x64xf32>
    tpu.vector_store %arg8[%swap3A_47, %swap3A_48], %slice3A {strides = array<i32>} : memref<2000x64xf32, #tpu.memory_space<vmem>>, vector<2000x64xf32>,
    %slice3A_50 = vector.extract_strided_slice %mul3A_46 {offsets = [0, 64], sizes = [2000, 64], strides = [1, 1]} : vector<2000x128xf32> to vector<2000x64xf32>
    %swap3A_51 = arith.constant 0 : index
    %swap3A_52 = arith.constant 0 : index
    %swap3A_53 = vector.load %arg9[%swap3A_51, %swap3A_52] : memref<2000x64xf32, #tpu.memory_space<vmem>>, vector<2000x64xf32>
    tpu.vector_store %arg9[%swap3A_51, %swap3A_52], %slice3A_50 {strides = array<i32>} : memref<2000x64xf32, #tpu.memory_space<vmem>>, vector<2000x64xf32>,
    return
  }
  func.func @transform_0(%arg0: i32) -> (i32, i32) {
    %c0_i32 = arith.constant 0 : i32
    %c0_i32_0 = arith.constant 0 : i32
    return %arg0, %c0_i32 : i32, i32
  }
  func.func @transform_1(%arg0: i32) -> (i32, i32, i32) {
    %c0_i32 = arith.constant 0 : i32
    %c0_i32_0 = arith.constant 0 : i32
    %c0_i32_1 = arith.constant 0 : i32
    return %c0_i32, %arg0, %c0_i32_0 : i32, i32, i32
  }
  func.func @transform_2(%arg0: i32) -> (i32, i32) {
    %c0_i32 = arith.constant 0 : i32
    %c0_i32_0 = arith.constant 0 : i32
    return %arg0, %c0_i32 : i32, i32
  }
  func.func @transform_3(%arg0: i32) -> (i32, i32) {
    %c0_i32 = arith.constant 0 : i32
    %c0_i32_0 = arith.constant 0 : i32
    return %arg0, %c0_i32 : i32, i32
  }
  func.func @transform_4(%arg0: i32) -> (i32, i32) {
    %c0_i32 = arith.constant 0 : i32
    %c0_i32_0 = arith.constant 0 : i32
    %c0_i32_1 = arith.constant 0 : i32
    return %c0_i32, %c0_i32_0 : i32, i32
  }
  func.func @transform_5(%arg0: i32) -> (i32, i32) {
    %c0_i32 = arith.constant 0 : i32
    %c0_i32_0 = arith.constant 0 : i32
    %c0_i32_1 = arith.constant 0 : i32
    return %c0_i32, %c0_i32_0 : i32, i32
  }
  func.func @transform_6(%arg0: i32) -> (i32, i32) {
    %c0_i32 = arith.constant 0 : i32
    %c0_i32_0 = arith.constant 0 : i32
    return %arg0, %c0_i32 : i32, i32
  }
  func.func @transform_7(%arg0: i32) -> (i32, i32) {
    %c0_i32 = arith.constant 0 : i32
    %c0_i32_0 = arith.constant 0 : i32
    return %arg0, %c0_i32 : i32, i32
  }
  func.func @transform_8(%arg0: i32) -> (i32, i32) {
    %c0_i32 = arith.constant 0 : i32
    %c0_i32_0 = arith.constant 0 : i32
    return %arg0, %c0_i32 : i32, i32
  }
}

module attributes {stable_mosaic.version = 14 : i64} {
  func.func @_tc3_body(%arg0: i32, %arg1: memref<2000x2xf32, #tpu.memory_space<vmem>>, %arg2: memref<2x2000x64xf32, #tpu.memory_space<vmem>>, %arg3: memref<2000x64xf32, #tpu.memory_space<vmem>>, %arg4: memref<2000x64xf32, #tpu.memory_space<vmem>>, %arg5: memref<2000x128xf32, #tpu.memory_space<vmem>>, %arg6: memref<1x128xf32, #tpu.memory_space<vmem>>, %arg7: memref<128x128xf32, #tpu.memory_space<vmem>>, %arg8: memref<1x128xf32, #tpu.memory_space<vmem>>, %arg9: memref<128x128xf32, #tpu.memory_space<vmem>>, %arg10: memref<1x128xf32, #tpu.memory_space<vmem>>, %arg11: memref<128x128xf32, #tpu.memory_space<vmem>>, %arg12: memref<1x128xf32, #tpu.memory_space<vmem>>, %arg13: memref<128x128xf32, #tpu.memory_space<vmem>>, %arg14: memref<1x128xf32, #tpu.memory_space<vmem>>, %arg15: memref<2000x128xf32, #tpu.memory_space<vmem>>) attributes {dimension_semantics = [#tpu.dimension_semantics<arbitrary>], iteration_bounds = array<i64: 5>, scalar_prefetch = 0 : i64, scratch_operands = 0 : i64, tpu.core_type = #tpu.core_type<tc>, window_params = [{transform_indices = @transform_0, window_bounds = array<i64: 2000, 2>}, {transform_indices = @transform_1, window_bounds = array<i64: 2, 2000, 64>}, {transform_indices = @transform_2, window_bounds = array<i64: 2000, 64>}, {transform_indices = @transform_3, window_bounds = array<i64: 2000, 64>}, {transform_indices = @transform_4, window_bounds = array<i64: 2000, 128>}, {pipeline_mode = #tpu.pipeline_mode<synchronous>, transform_indices = @transform_5, window_bounds = array<i64: 1, 128>}, {pipeline_mode = #tpu.pipeline_mode<synchronous>, transform_indices = @transform_6, window_bounds = array<i64: 128, 128>}, {pipeline_mode = #tpu.pipeline_mode<synchronous>, transform_indices = @transform_7, window_bounds = array<i64: 1, 128>}, {pipeline_mode = #tpu.pipeline_mode<synchronous>, transform_indices = @transform_8, window_bounds = array<i64: 128, 128>}, {pipeline_mode = #tpu.pipeline_mode<synchronous>, transform_indices = @transform_9, window_bounds = array<i64: 1, 128>}, {pipeline_mode = #tpu.pipeline_mode<synchronous>, transform_indices = @transform_10, window_bounds = array<i64: 128, 128>}, {pipeline_mode = #tpu.pipeline_mode<synchronous>, transform_indices = @transform_11, window_bounds = array<i64: 1, 128>}, {pipeline_mode = #tpu.pipeline_mode<synchronous>, transform_indices = @transform_12, window_bounds = array<i64: 128, 128>}, {pipeline_mode = #tpu.pipeline_mode<synchronous>, transform_indices = @transform_13, window_bounds = array<i64: 1, 128>}, {transform_indices = @transform_14, window_bounds = array<i64: 2000, 128>}]} {
    %get3A = arith.constant 0 : index
    %get3A_0 = arith.constant 0 : index
    %get3A_1 = vector.load %arg1[%get3A, %get3A_0] : memref<2000x2xf32, #tpu.memory_space<vmem>>, vector<2000x1xf32>
    %get3A_2 = vector.shape_cast %get3A_1 : vector<2000x1xf32> to vector<2000xf32>
    %get3A_3 = arith.constant 0 : index
    %get3A_4 = arith.constant 1 : index
    %get3A_5 = vector.load %arg1[%get3A_3, %get3A_4] : memref<2000x2xf32, #tpu.memory_space<vmem>>, vector<2000x1xf32>
    %get3A_6 = vector.shape_cast %get3A_5 : vector<2000x1xf32> to vector<2000xf32>
    %add3A = arith.addf %get3A_2, %get3A_6 : vector<2000xf32>
    %add3A_7 = arith.constant 1.000000e+00 : f32
    %add3A_8 = vector.broadcast %add3A_7 : f32 to vector<2000xf32>
    %add3A_9 = arith.addf %add3A, %add3A_8 : vector<2000xf32>
    %rsqrt3A = math.rsqrt %add3A_9 : vector<2000xf32>
    %broadcast_in_dim3A = vector.shape_cast %rsqrt3A : vector<2000xf32> to vector<2000x1xf32>
    %get3A_10 = arith.constant 0 : index
    %get3A_11 = arith.constant 0 : index
    %get3A_12 = arith.constant 0 : index
    %get3A_13 = vector.load %arg2[%get3A_10, %get3A_11, %get3A_12] : memref<2x2000x64xf32, #tpu.memory_space<vmem>>, vector<1x2000x64xf32>
    %get3A_14 = vector.shape_cast %get3A_13 : vector<1x2000x64xf32> to vector<2000x64xf32>
    %get3A_15 = arith.constant 0 : index
    %get3A_16 = arith.constant 0 : index
    %get3A_17 = vector.load %arg3[%get3A_15, %get3A_16] : memref<2000x64xf32, #tpu.memory_space<vmem>>, vector<2000x64xf32>
    %add3A_18 = arith.addf %get3A_14, %get3A_17 : vector<2000x64xf32>
    %get3A_19 = arith.constant 1 : index
    %get3A_20 = arith.constant 0 : index
    %get3A_21 = arith.constant 0 : index
    %get3A_22 = vector.load %arg2[%get3A_19, %get3A_20, %get3A_21] : memref<2x2000x64xf32, #tpu.memory_space<vmem>>, vector<1x2000x64xf32>
    %get3A_23 = vector.shape_cast %get3A_22 : vector<1x2000x64xf32> to vector<2000x64xf32>
    %get3A_24 = arith.constant 0 : index
    %get3A_25 = arith.constant 0 : index
    %get3A_26 = vector.load %arg4[%get3A_24, %get3A_25] : memref<2000x64xf32, #tpu.memory_space<vmem>>, vector<2000x64xf32>
    %add3A_27 = arith.addf %get3A_23, %get3A_26 : vector<2000x64xf32>
    %concatenate3A = tpu.concatenate %add3A_18, %add3A_27 in 1 : vector<2000x64xf32>, vector<2000x64xf32> -> vector<2000x128xf32>
    %mul3A = vector.broadcast %broadcast_in_dim3A : vector<2000x1xf32> to vector<2000x128xf32>
    %mul3A_28 = arith.mulf %mul3A, %concatenate3A : vector<2000x128xf32>
    %get3A_29 = arith.constant 0 : index
    %get3A_30 = arith.constant 0 : index
    %get3A_31 = vector.load %arg6[%get3A_29, %get3A_30] : memref<1x128xf32, #tpu.memory_space<vmem>>, vector<1x128xf32>
    %add3A_32 = vector.broadcast %get3A_31 : vector<1x128xf32> to vector<2000x128xf32>
    %add3A_33 = arith.addf %mul3A_28, %add3A_32 : vector<2000x128xf32>
    %get3A_34 = arith.constant 0 : index
    %get3A_35 = arith.constant 0 : index
    %get3A_36 = vector.load %arg5[%get3A_34, %get3A_35] : memref<2000x128xf32, #tpu.memory_space<vmem>>, vector<2000x128xf32>
    %add3A_37 = arith.addf %add3A_33, %get3A_36 : vector<2000x128xf32>
    %ge3A = arith.constant 0.000000e+00 : f32
    %ge3A_38 = vector.broadcast %ge3A : f32 to vector<2000x128xf32>
    %ge3A_39 = arith.cmpf oge, %add3A_37, %ge3A_38 : vector<2000x128xf32>
    %mul3A_40 = arith.constant 0.00999999977 : f32
    %mul3A_41 = vector.broadcast %mul3A_40 : f32 to vector<2000x128xf32>
    %mul3A_42 = arith.mulf %mul3A_41, %add3A_37 : vector<2000x128xf32>
    %select_n3A = arith.select %ge3A_39, %add3A_37, %mul3A_42 : vector<2000x128xi1>, vector<2000x128xf32>
    %get3A_43 = arith.constant 0 : index
    %get3A_44 = arith.constant 0 : index
    %get3A_45 = vector.load %arg7[%get3A_43, %get3A_44] : memref<128x128xf32, #tpu.memory_space<vmem>>, vector<128x128xf32>
    %dot_general3A = arith.constant dense<0.000000e+00> : vector<2000x128xf32>
    %dot_general3A_46 = tpu.matmul %select_n3A, %get3A_45, %dot_general3A {dimension_numbers = #tpu.dot_dimension_numbers<[1], [0], [0], [1], [0, 0, 1, 1], [], []>, transpose_lhs_hint = false} : vector<2000x128xf32>, vector<128x128xf32>, vector<2000x128xf32> -> vector<2000x128xf32>
    %get3A_47 = arith.constant 0 : index
    %get3A_48 = arith.constant 0 : index
    %get3A_49 = vector.load %arg8[%get3A_47, %get3A_48] : memref<1x128xf32, #tpu.memory_space<vmem>>, vector<1x128xf32>
    %add3A_50 = vector.broadcast %get3A_49 : vector<1x128xf32> to vector<2000x128xf32>
    %add3A_51 = arith.addf %dot_general3A_46, %add3A_50 : vector<2000x128xf32>
    %ge3A_52 = arith.constant 0.000000e+00 : f32
    %ge3A_53 = vector.broadcast %ge3A_52 : f32 to vector<2000x128xf32>
    %ge3A_54 = arith.cmpf oge, %add3A_51, %ge3A_53 : vector<2000x128xf32>
    %mul3A_55 = arith.constant 0.00999999977 : f32
    %mul3A_56 = vector.broadcast %mul3A_55 : f32 to vector<2000x128xf32>
    %mul3A_57 = arith.mulf %mul3A_56, %add3A_51 : vector<2000x128xf32>
    %select_n3A_58 = arith.select %ge3A_54, %add3A_51, %mul3A_57 : vector<2000x128xi1>, vector<2000x128xf32>
    %get3A_59 = arith.constant 0 : index
    %get3A_60 = arith.constant 0 : index
    %get3A_61 = vector.load %arg9[%get3A_59, %get3A_60] : memref<128x128xf32, #tpu.memory_space<vmem>>, vector<128x128xf32>
    %dot_general3A_62 = arith.constant dense<0.000000e+00> : vector<2000x128xf32>
    %dot_general3A_63 = tpu.matmul %select_n3A_58, %get3A_61, %dot_general3A_62 {dimension_numbers = #tpu.dot_dimension_numbers<[1], [0], [0], [1], [0, 0, 1, 1], [], []>, transpose_lhs_hint = false} : vector<2000x128xf32>, vector<128x128xf32>, vector<2000x128xf32> -> vector<2000x128xf32>
    %get3A_64 = arith.constant 0 : index
    %get3A_65 = arith.constant 0 : index
    %get3A_66 = vector.load %arg10[%get3A_64, %get3A_65] : memref<1x128xf32, #tpu.memory_space<vmem>>, vector<1x128xf32>
    %add3A_67 = vector.broadcast %get3A_66 : vector<1x128xf32> to vector<2000x128xf32>
    %add3A_68 = arith.addf %dot_general3A_63, %add3A_67 : vector<2000x128xf32>
    %add3A_69 = arith.addf %add3A_68, %select_n3A : vector<2000x128xf32>
    %ge3A_70 = arith.constant 0.000000e+00 : f32
    %ge3A_71 = vector.broadcast %ge3A_70 : f32 to vector<2000x128xf32>
    %ge3A_72 = arith.cmpf oge, %add3A_69, %ge3A_71 : vector<2000x128xf32>
    %mul3A_73 = arith.constant 0.00999999977 : f32
    %mul3A_74 = vector.broadcast %mul3A_73 : f32 to vector<2000x128xf32>
    %mul3A_75 = arith.mulf %mul3A_74, %add3A_69 : vector<2000x128xf32>
    %select_n3A_76 = arith.select %ge3A_72, %add3A_69, %mul3A_75 : vector<2000x128xi1>, vector<2000x128xf32>
    %get3A_77 = arith.constant 0 : index
    %get3A_78 = arith.constant 0 : index
    %get3A_79 = vector.load %arg11[%get3A_77, %get3A_78] : memref<128x128xf32, #tpu.memory_space<vmem>>, vector<128x128xf32>
    %dot_general3A_80 = arith.constant dense<0.000000e+00> : vector<2000x128xf32>
    %dot_general3A_81 = tpu.matmul %select_n3A_76, %get3A_79, %dot_general3A_80 {dimension_numbers = #tpu.dot_dimension_numbers<[1], [0], [0], [1], [0, 0, 1, 1], [], []>, transpose_lhs_hint = false} : vector<2000x128xf32>, vector<128x128xf32>, vector<2000x128xf32> -> vector<2000x128xf32>
    %get3A_82 = arith.constant 0 : index
    %get3A_83 = arith.constant 0 : index
    %get3A_84 = vector.load %arg12[%get3A_82, %get3A_83] : memref<1x128xf32, #tpu.memory_space<vmem>>, vector<1x128xf32>
    %add3A_85 = vector.broadcast %get3A_84 : vector<1x128xf32> to vector<2000x128xf32>
    %add3A_86 = arith.addf %dot_general3A_81, %add3A_85 : vector<2000x128xf32>
    %ge3A_87 = arith.constant 0.000000e+00 : f32
    %ge3A_88 = vector.broadcast %ge3A_87 : f32 to vector<2000x128xf32>
    %ge3A_89 = arith.cmpf oge, %add3A_86, %ge3A_88 : vector<2000x128xf32>
    %mul3A_90 = arith.constant 0.00999999977 : f32
    %mul3A_91 = vector.broadcast %mul3A_90 : f32 to vector<2000x128xf32>
    %mul3A_92 = arith.mulf %mul3A_91, %add3A_86 : vector<2000x128xf32>
    %select_n3A_93 = arith.select %ge3A_89, %add3A_86, %mul3A_92 : vector<2000x128xi1>, vector<2000x128xf32>
    %get3A_94 = arith.constant 0 : index
    %get3A_95 = arith.constant 0 : index
    %get3A_96 = vector.load %arg13[%get3A_94, %get3A_95] : memref<128x128xf32, #tpu.memory_space<vmem>>, vector<128x128xf32>
    %dot_general3A_97 = arith.constant dense<0.000000e+00> : vector<2000x128xf32>
    %dot_general3A_98 = tpu.matmul %select_n3A_93, %get3A_96, %dot_general3A_97 {dimension_numbers = #tpu.dot_dimension_numbers<[1], [0], [0], [1], [0, 0, 1, 1], [], []>, transpose_lhs_hint = false} : vector<2000x128xf32>, vector<128x128xf32>, vector<2000x128xf32> -> vector<2000x128xf32>
    %get3A_99 = arith.constant 0 : index
    %get3A_100 = arith.constant 0 : index
    %get3A_101 = vector.load %arg14[%get3A_99, %get3A_100] : memref<1x128xf32, #tpu.memory_space<vmem>>, vector<1x128xf32>
    %add3A_102 = vector.broadcast %get3A_101 : vector<1x128xf32> to vector<2000x128xf32>
    %add3A_103 = arith.addf %dot_general3A_98, %add3A_102 : vector<2000x128xf32>
    %ge3A_104 = arith.constant 0.000000e+00 : f32
    %ge3A_105 = vector.broadcast %ge3A_104 : f32 to vector<2000x128xf32>
    %ge3A_106 = arith.cmpf oge, %add3A_103, %ge3A_105 : vector<2000x128xf32>
    %mul3A_107 = arith.constant 0.00999999977 : f32
    %mul3A_108 = vector.broadcast %mul3A_107 : f32 to vector<2000x128xf32>
    %mul3A_109 = arith.mulf %mul3A_108, %add3A_103 : vector<2000x128xf32>
    %select_n3A_110 = arith.select %ge3A_106, %add3A_103, %mul3A_109 : vector<2000x128xi1>, vector<2000x128xf32>
    %swap3A = arith.constant 0 : index
    %swap3A_111 = arith.constant 0 : index
    %swap3A_112 = vector.load %arg15[%swap3A, %swap3A_111] : memref<2000x128xf32, #tpu.memory_space<vmem>>, vector<2000x128xf32>
    tpu.vector_store %arg15[%swap3A, %swap3A_111], %select_n3A_110 {strides = array<i32>} : memref<2000x128xf32, #tpu.memory_space<vmem>>, vector<2000x128xf32>,
    return
  }
  func.func @transform_0(%arg0: i32) -> (i32, i32) {
    %c0_i32 = arith.constant 0 : i32
    %c0_i32_0 = arith.constant 0 : i32
    return %arg0, %c0_i32 : i32, i32
  }
  func.func @transform_1(%arg0: i32) -> (i32, i32, i32) {
    %c0_i32 = arith.constant 0 : i32
    %c0_i32_0 = arith.constant 0 : i32
    %c0_i32_1 = arith.constant 0 : i32
    return %c0_i32, %arg0, %c0_i32_0 : i32, i32, i32
  }
  func.func @transform_2(%arg0: i32) -> (i32, i32) {
    %c0_i32 = arith.constant 0 : i32
    %c0_i32_0 = arith.constant 0 : i32
    return %arg0, %c0_i32 : i32, i32
  }
  func.func @transform_3(%arg0: i32) -> (i32, i32) {
    %c0_i32 = arith.constant 0 : i32
    %c0_i32_0 = arith.constant 0 : i32
    return %arg0, %c0_i32 : i32, i32
  }
  func.func @transform_4(%arg0: i32) -> (i32, i32) {
    %c0_i32 = arith.constant 0 : i32
    %c0_i32_0 = arith.constant 0 : i32
    return %arg0, %c0_i32 : i32, i32
  }
  func.func @transform_5(%arg0: i32) -> (i32, i32) {
    %c0_i32 = arith.constant 0 : i32
    %c0_i32_0 = arith.constant 0 : i32
    %c0_i32_1 = arith.constant 0 : i32
    return %c0_i32, %c0_i32_0 : i32, i32
  }
  func.func @transform_6(%arg0: i32) -> (i32, i32) {
    %c0_i32 = arith.constant 0 : i32
    %c0_i32_0 = arith.constant 0 : i32
    %c0_i32_1 = arith.constant 0 : i32
    return %c0_i32, %c0_i32_0 : i32, i32
  }
  func.func @transform_7(%arg0: i32) -> (i32, i32) {
    %c0_i32 = arith.constant 0 : i32
    %c0_i32_0 = arith.constant 0 : i32
    %c0_i32_1 = arith.constant 0 : i32
    return %c0_i32, %c0_i32_0 : i32, i32
  }
  func.func @transform_8(%arg0: i32) -> (i32, i32) {
    %c0_i32 = arith.constant 0 : i32
    %c0_i32_0 = arith.constant 0 : i32
    %c0_i32_1 = arith.constant 0 : i32
    return %c0_i32, %c0_i32_0 : i32, i32
  }
  func.func @transform_9(%arg0: i32) -> (i32, i32) {
    %c0_i32 = arith.constant 0 : i32
    %c0_i32_0 = arith.constant 0 : i32
    %c0_i32_1 = arith.constant 0 : i32
    return %c0_i32, %c0_i32_0 : i32, i32
  }
  func.func @transform_10(%arg0: i32) -> (i32, i32) {
    %c0_i32 = arith.constant 0 : i32
    %c0_i32_0 = arith.constant 0 : i32
    %c0_i32_1 = arith.constant 0 : i32
    return %c0_i32, %c0_i32_0 : i32, i32
  }
  func.func @transform_11(%arg0: i32) -> (i32, i32) {
    %c0_i32 = arith.constant 0 : i32
    %c0_i32_0 = arith.constant 0 : i32
    %c0_i32_1 = arith.constant 0 : i32
    return %c0_i32, %c0_i32_0 : i32, i32
  }
  func.func @transform_12(%arg0: i32) -> (i32, i32) {
    %c0_i32 = arith.constant 0 : i32
    %c0_i32_0 = arith.constant 0 : i32
    %c0_i32_1 = arith.constant 0 : i32
    return %c0_i32, %c0_i32_0 : i32, i32
  }
  func.func @transform_13(%arg0: i32) -> (i32, i32) {
    %c0_i32 = arith.constant 0 : i32
    %c0_i32_0 = arith.constant 0 : i32
    %c0_i32_1 = arith.constant 0 : i32
    return %c0_i32, %c0_i32_0 : i32, i32
  }
  func.func @transform_14(%arg0: i32) -> (i32, i32) {
    %c0_i32 = arith.constant 0 : i32
    %c0_i32_0 = arith.constant 0 : i32
    return %arg0, %c0_i32 : i32, i32
  }
}

</mosaic_0001>

<sc_bundles>
// kernel: kernel.11.cloned.1.call-start
scs
__scs_entry_jumppad:
0x0: {  	(pc) =	sbr.rel $0x88, $3  }
0x1: {  	(tag) =	ssettag $0x0;
	lr =	simm.s32 $0x1  }
0x2: {  	[smem:$0x3F93] =	sst lr;
	_ =	strace $0xD0000000  }
0x3: {  	_ = 	snop  }
0x4: {  	_ = 	snop  }
0x5: {  	_ = 	snop  }
0x6: {  	_ = 	snop  }
0x7: {  	_ = 	snop  }
__scs_overlays_trampoline_lowered:
0x8: {  	[smem:$0x3FA2] =	sst s0  }
0x9: {  	[smem:$0x3FA3] =	sst s1  }
0xa: {  	[smem:$0x3FA4] =	sst s2  }
0xb: {  	[smem:$0x3FA5] =	sst s3  }
0xc: {  	[smem:$0x3FA6] =	sst s4  }
0xd: {  	[smem:$0x3FA7] =	sst s5  }
0xe: {  	[smem:$0x3FA8] =	sst s6  }
0xf: {  	[smem:$0x3FA9] =	sst s7  }
0x10: {  	[smem:$0x3FAA] =	sst s8  }
0x11: {  	[smem:$0x3FAB] =	sst s9;
	s0 =	simm.s32 @!p0 $0x0  }
0x12: {  	s1 =	sld [smem:$0x3F91];
	s0 =	simm.s32 @p0 $0x1  }
0x13: {  	[smem:$0x3FAC] =	sst s0;
	s0 =	simm.s32 @!p1 $0x0  }
0x14: {  	s2 =	sld [smem:$0x3F90];
	s0 =	simm.s32 @p1 $0x1  }
0x15: {  	[smem:$0x3FAD] =	sst s0;
	s0 =	simm.s32 @!p2 $0x0  }
0x16: {  	s3 =	sld [smem:$0x3FDB];
	s0 =	simm.s32 @p2 $0x1  }
0x17: {  	s4 =	simm.s32 $0x1BF5;
	[smem:$0x3FAF] =	sst s0  }
0x18: {  	s0 =	sld [smem:$0x3F92];
	_ =	swait.ge [sflag:s4], $0x0  }
0x19: {  	s7 =	sld [smem:$0x3F93]  }
0x1a: {  	s8 =	sadd.s32 $0xFFFFE003, lr  }
0x1b: {  	s9 =	sadd.s32 $0xFFFFFEF7, lr;
	s5 =	simm.s32 $0xFFFFFFFF;
	p2 =	slt.u32 s8, $0xFFFFF086  }
0x1c: {  	p1 =	slt.u32 s9, $0xF7A;
	s5 =	simm.s32 @!p2 $0x0  }
0x1d: {  	s5 =	simm.s32 @p1 $0x1;
	p0 =	seq.s32 s7, s2  }
0x1e: {  	s7 =	smul.u32 @!p0 $0xF7A, s2;
	p2 =	seq.s32 @!p0 s5, $0x0  }
0x1f: {  	s9 =	smul.u32 $0xF7A, s1;
	s8 =	simm.s32 @!p0 $0x1BF5;
	p2 =	por !p2, p0  }
0x20: {  	[sflag:s8] =	ssyncset.s32 @!p0 $0xFFFFF086;
	s6 =	sadd.s32 @!p0 s3, s7;
	s7 =	simm.s32 @!p0 $0x108  }
0x21: {  	s3 =	sadd.s32 s3, s9;
	s6 =	sadd.s32 @!p0 $0x88, s6;
	s7 =	simm.s32 @p2 $0x1082  }
0x22: {  	[simem:s7], [sflag:s8] =	dma.local @!p0 [hbm:s6], $0xF7A  }
0x23: {  	s9 =	sor.u32 $0xD0000000, s2;
	s6 =	simm.s32 $0x108;
	_ =	swait.ge @!p0 [sflag:s8], $0x0  }
0x24: {  	s3 =	sadd.s32 $0x88, s3;
	s6 =	simm.s32 @!p1 $0x1082;
	[sflag:s4] =	ssyncset.s32 $0xFFFFF086  }
0x25: {  	[simem:s6], [sflag:s4] =	dma.local [hbm:s3], $0xF7A  }
0x26: {  	[smem:$0x3F93] =	sst s1;
	(tag) =	ssettag s2;
	_ =	strace s9  }
0x27: {  	s1 =	sld [smem:$0x3FA3]  }
0x28: {  	s2 =	sld [smem:$0x3FA4]  }
0x29: {  	s4 =	sld [smem:$0x3FA6]  }
0x2a: {  	p0 =	seq.s32 s5, $0x0;
	s5 =	sld [smem:$0x3FA7]  }
0x2b: {  	s6 =	sld [smem:$0x3FA8]  }
0x2c: {  	s7 =	sld [smem:$0x3FA9]  }
0x2d: {  	s3 =	simm.s32 $0x108;
	s8 =	sld [smem:$0x3FAA]  }
0x2e: {  	s3 =	simm.s32 @!p0 $0x1082;
	s9 =	sld [smem:$0x3FAB]  }
0x2f: {  	lr =	sadd.s32 s0, s3;
	s0 =	sld [smem:$0x3FA2]  }
0x30: {  	s3 =	sld [smem:$0x3FA5]  }
0x31: {  	[smem:$0x3FAE] =	sst s10  }
0x32: {  	s10 =	sld [smem:$0x3FAC];
	_ =	sdelay $0x3  }
0x33: {  	p0 =	seq.s32 s10, $0x1;
	s10 =	sld [smem:$0x3FAE];
	_ =	sdelay $0x3  }
0x34: {  	[smem:$0x3FAE] =	sst s10  }
0x35: {  	s10 =	sld [smem:$0x3FAD];
	_ =	sdelay $0x3  }
0x36: {  	p1 =	seq.s32 s10, $0x1;
	s10 =	sld [smem:$0x3FAE];
	_ =	sdelay $0x3  }
0x37: {  	[smem:$0x3FAE] =	sst s10  }
0x38: {  	s10 =	sld [smem:$0x3FAF]  }
0x39: {  	_ = 	snop;
	(pc) =	sbr.ind lr, $3  }
0x3a: {  	_ = 	snop  }
0x3b: {  	_ = 	snop  }
0x3c: {  	p2 =	seq.s32 s10, $0x1;
	s10 =	sld [smem:$0x3FAE]  }
0x3d: {  	_ =	shalt  }
0x3e: {  	_ =	shalt  }
0x3f: {  	_ =	shalt  }
0x40: {  	_ =	shalt  }
0x41: {  	_ =	shalt  }
0x42: {  	_ =	shalt  }
0x43: {  	_ =	shalt  }
0x44: {  	_ =	shalt  }
0x45: {  	_ =	shalt  }
0x46: {  	_ =	shalt  }
0x47: {  	_ =	shalt  }
0x48: {  	_ =	shalt  }
0x49: {  	_ =	shalt  }
0x4a: {  	_ =	shalt  }
0x4b: {  	_ =	shalt  }
0x4c: {  	_ =	shalt  }
0x4d: {  	_ =	shalt  }
0x4e: {  	_ =	shalt  }
0x4f: {  	_ =	shalt  }
0x50: {  	_ =	shalt  }
0x51: {  	_ =	shalt  }
0x52: {  	_ =	shalt  }
0x53: {  	_ =	shalt  }
0x54: {  	_ =	shalt  }
0x55: {  	_ =	shalt  }
0x56: {  	_ =	shalt  }
0x57: {  	_ =	shalt  }
0x58: {  	_ =	shalt  }
0x59: {  	_ =	shalt  }
0x5a: {  	_ =	shalt  }
0x5b: {  	_ =	shalt  }
0x5c: {  	_ =	shalt  }
0x5d: {  	_ =	shalt  }
0x5e: {  	_ =	shalt  }
0x5f: {  	_ =	shalt  }
0x60: {  	_ =	shalt  }
0x61: {  	_ =	shalt  }
0x62: {  	_ =	shalt  }
0x63: {  	_ =	shalt  }
0x64: {  	_ =	shalt  }
0x65: {  	_ =	shalt  }
0x66: {  	_ =	shalt  }
0x67: {  	_ =	shalt  }
0x68: {  	_ =	shalt  }
0x69: {  	_ =	shalt  }
0x6a: {  	_ =	shalt  }
0x6b: {  	_ =	shalt  }
0x6c: {  	_ =	shalt  }
0x6d: {  	_ =	shalt  }
0x6e: {  	_ =	shalt  }
0x6f: {  	_ =	shalt  }
0x70: {  	_ =	shalt  }
0x71: {  	_ =	shalt  }
0x72: {  	_ =	shalt  }
0x73: {  	_ =	shalt  }
0x74: {  	_ =	shalt  }
0x75: {  	_ =	shalt  }
0x76: {  	_ =	shalt  }
0x77: {  	_ =	shalt  }
0x78: {  	_ =	shalt  }
0x79: {  	_ =	shalt  }
0x7a: {  	_ =	shalt  }
0x7b: {  	_ =	shalt  }
0x7c: {  	_ =	shalt  }
0x7d: {  	_ =	shalt  }
0x7e: {  	_ =	shalt  }
0x7f: {  	_ =	shalt  }
0x80: {  	_ =	shalt  }
0x81: {  	_ =	shalt  }
0x82: {  	_ =	shalt  }
0x83: {  	_ =	shalt  }
0x84: {  	_ =	shalt  }
0x85: {  	_ =	shalt  }
0x86: {  	_ =	shalt  }
0x87: {  	_ =	shalt  }
.Lfunc_end0:
.L_simem_size_0:
called_computation.1_lowered:
.L_overlay_start_0:
0x88: {  	s2 =	sld [smem:$0x3FD9]  }
0x89: {  	s3 =	sld [smem:$0x3FFE];
	_ =	sdelay $0x1  }
0x8a: {  	s1 =	srdreg.scid  }
0x8b: {  	s0 =	sand.u32 $0x1, s1  }
0x8c: {  	s16 =	sshll.u32 s0, $0xA;
	s2 =	sadd.s32 s3, s2  }
0x8d: {  	s2 =	sadd.s32 s2, s16  }
0x8e: {  	[smem:$0x3FBA] =	sst s2  }
0x8f: {  	_ = 	snop  }
0x90: {  	(tm) =	ssettm $0x1  }
0x91: {  	s17 =	sld [smem:$0x3FFB];
	_ =	sdelay $0x3  }
0x92: {  	_ =	strace s17  }
0x93: {  	s2 =	sld [smem:$0x3FFC];
	_ =	sdelay $0x3  }
0x94: {  	_ =	strace s2  }
0x95: {  	s2 =	sld [smem:$0x3FFD];
	_ =	sdelay $0x3  }
0x96: {  	_ =	strace s2  }
0x97: {  	_ =	strace $0x8FFFFFFF  }
0x98: {  	s18 =	sld [smem:$0x3FDB];
	_ =	sdelay $0x1  }
0x99: {  	s19 =	simm.s32 $_scs_section_size  }
0x9a: {  	s4 =	simm.s32 $_size__tile_overlayer_lowered;
	s5 =	simm.s32 $_tile_overlayer_lowered  }
0x9b: {  	s22 =	simm.s32 $0x1BFF;
	s21 =	sshll.u32 s5, $0x1;
	s2 =	sadd.s32 s19, s18  }
0x9c: {  	s6 =	simm.s32 $0x0;
	s20 =	sshll.u32 s4, $0x1;
	s4 =	sadd.s32 s21, s2  }
0x9d: {  	[timem:s6], [sflag:s22] =	dma.local [hbm:s4], s20  }
0x9e: {  	_ =	swait.ge [sflag:s22], s20  }
0x9f: {  	s3 =	ssub.s32 $0x0, s20;
	[sflag:s22] =	ssyncset.done $0x0  }
0xa0: {  	[sflag:s22] =	ssyncadd.s32 s3;
	_ =	sdelay $0x1  }
0xa1: {  	s23 =	simm.s32 $0x1B8B  }
0xa2: {  	_ =	swait.ge [sflag:s23], $0x1  }
0xa3: {  	[sflag:s23] =	ssyncset.done $0x0  }
0xa4: {  	s25 =	simm.s32 $0x1B8E;
	s24 =	sld [smem:$0x3FFE];
	[sflag:s23] =	ssyncadd.s32 $0xFFFFFFFF  }
0xa5: {  	s26 =	simm.s32 $execute0_lowered;
	[smem:$0x3FD2] =	sst s25  }
0xa6: {  	s4 =	sshll.u32 s26, $0x1;
	_ =	strace $0x80000049;
	[dreg:$0x1] =	wrdreg $0xFFFFFFFF  }
0xa7: {  	s28 =	simm.s32 $_size_execute0_lowered;
	s2 =	sadd.s32 s2, s4;
	[dreg:$0x0] =	wrdreg $0x0  }
0xa8: {  	s4 =	sshll.u32 s28, $0x1;
	[dreg:$0x2] =	wrdreg s2  }
0xa9: {  	[dreg:$0x3] =	wrdreg s4  }
0xaa: {  	[dreg:$0x4] =	wrdreg $0xC0  }
0xab: {  	_ =	task [dreg:s6], $0x5FFFF  }
0xac: {  	[dreg:$0x1] =	wrdreg $0xFFFFFFFF  }
0xad: {  	[dreg:$0x0] =	wrdreg $0x60  }
0xae: {  	[dreg:$0x2] =	wrdreg s24  }
0xaf: {  	[dreg:$0x3] =	wrdreg $0x0  }
0xb0: {  	[dreg:$0x4] =	wrdreg $0x9  }
0xb1: {  	_ =	task.clear_ibuf [dreg:s6], $0x5FFFF;
	_ =	strace $0x90000049  }
0xb2: {  	s29 =	simm.s32 $0x9;
	_ =	strace $0x8000004B  }
0xb3: {  	_ =	swait.ge [sflag:s29], $0x1  }
0xb4: {  	[sflag:s29] =	ssyncadd.s32 $0xFFFFFFFF  }
0xb5: {  	_ =	strace $0x9000004B  }
0xb6: {  	_ =	sfence  }
0xb7: {  	s30 =	sld [smem:$0x0];
	_ =	sdelay $0x2  }
0xb8: {  	s31 =	sshll.u32 s1, $0xD;
	s1 =	sshrl.u32 s1, $0x2  }
0xb9: {  	s3 =	sand.u32 $0x4000, s31;
	s1 =	sadd.s32 s1, s30  }
0xba: {  	s0 =	sor.u32 s3, s0;
	s1 =	sshll.u32 s1, $0x11  }
0xbb: {  	s0 =	sor.u32 s1, s0  }
0xbc: {  	s0 =	sadd.s32 $0x8F2B, s0  }
0xbd: {  	[sflag:s0] =	ssyncadd.remote.s32 $0x1  }
0xbe: {  	_ =	sfence.sel $0xFFFF  }
0xbf: {  	[dreg:$0x0] =	wrdreg $0xFFFFFFFF;
	(pc) =	sbr.abs _section_cstart, $3  }
0xc0: {  	[dreg:$0x1] =	wrdreg $0xFFFFFFFF  }
0xc1: {  	_ =	task.clear_ibuf [dreg:s6], $0x2FFFF;
	_ =	strace $0x9FFFFFFF  }
0xc2: {  	(tm) =	ssettm $0x7FFFFFFF  }
0xc3: {  	_ =	shalt  }
tec
execute0_lowered:
.L_overlay_start_1:
0x0: {  	(tag) =	ssettag $0x1  }
0x1: {  	s0 =	rddreg [dreg:$0x0]  }
0x2: {  	s2 =	rddreg [dreg:$0x1]  }
0x3: {  	s15 =	stileid.u32;
	s3 =	simm.s32 $0x0;
	s4 =	srdreg.scid  }
0x4: {  	s28 =	simm.s32 $0xA000;
	s16 =	simm.s32 $0x5;
	s18 =	simm.s32 $0xA280  }
0x5: {  	s19 =	simm.s32 $0xA780;
	s23 =	simm.s32 $0x4;
	s22 =	simm.s32 $0x1AA00  }
0x6: {  	s17 =	simm.s32 $0xA980;
	s20 =	simm.s32 $0x1CA00;
	s1 =	smul.u32 $0xA00, s15  }
0x7: {  	s29 =	simm.s32 $0x0;
	[smem:$0x7FF] =	sst s3;
	s6 =	smul.u32 $0xA000, s15  }
0x8: {  	s7 =	sand.u32 $0x1, s4;
	s4 =	sadd.s32 $0x3FA00, s0;
	s5 =	sadd.s32 $0x53400, s0  }
0x9: {  	s9 =	sadd.s32 $0xDA00, s0;
	s12 =	smul.u32 $0x5000, s15;
	s31 =	sshll.u32 s15, $0x6  }
0xa: {  	s15 =	simm.s32 $0xA800;
	_ =	strace $0x8000004A;
	s8 =	smul.u32 $0xA0000, s7  }
0xb: {  	s13 =	ssub.s32 $0x2, s7;
	p0 =	seq.s32 s7, $0x1;
	s30 =	sor.u32 $0x1C05, s31  }
0xc: {  	s10 =	sadd.s32 s1, s0;
	s11 =	sshrl.u32 s6, $0x3;
	s24 =	sshrl.u32 s13, $0x1  }
0xd: {  	s12 =	sshrl.u32 s12, $0x3;
	s14 =	sadd.s32 s1, s9;
	s1 =	simm.s32 $0x10A00  }
0xe: {  	[dreg:$0xa] =	wrdreg s30;
	s8 =	sadd.s32 s6, s8;
	s11 =	sadd.s32 s11, s0  }
0xf: {  	s12 =	sadd.s32 s9, s12;
	s7 =	sadd.s32 $0x3A00, s10;
	s10 =	sadd.s32 $0x3A50, s10  }
0x10: {  	s6 =	sadd.s32 s6, s2;
	s9 =	simm.s32 $0x12A00;
	[dreg:$0x3] =	wrdreg s12  }
0x11: {  	s8 =	sshrl.u32 s8, $0x3;
	s12 =	sadd.s32 $0x50, s12;
	[dreg:$0x5] =	wrdreg s10  }
0x12: {  	[dreg:$0x6] =	wrdreg s6;
	s25 =	sadd.s32 $0x66E00, s11;
	s10 =	simm.s32 $0x2  }
0x13: {  	s11 =	simm.s32 $0x16A00;
	s6 =	simm.s32 $0xA900;
	s0 =	sadd.s32 s8, s0  }
.Ltmp0:
0x14: {  	s8 =	ssub.s32 s13, s24;
	[dreg:$0x4] =	wrdreg s12;
	(pc) =	sbr.rel .LBB2_1-.Ltmp0, $4  }
0x15: {  	[dreg:$0x7] =	wrdreg s25;
	s24 =	simm.s32 $0x14A00;
	s25 =	simm.s32 $0x1  }
0x16: {  	s12 =	simm.s32 $0xA880;
	s13 =	simm.s32 $0x18A00;
	s0 =	sadd.s32 $0x7AE00, s0  }
0x17: {  	s26 =	smax.u32 s8, $0x1;
	s8 =	simm.s32 $0xA700;
	[dreg:$0x8] =	wrdreg s0  }
0x18: {  	[dreg:$0x9] =	wrdreg s26;
	s26 =	simm.s32 $0x80;
	s0 =	simm.s32 $0xA680  }
.LBB2_8:
0x19: {  	[bflag:$0x0] =	sbarrier.arrive $0xFFFF  }
0x1a: {  	s21 =	rddreg [dreg:$0x8]  }
0x1b: {  	s30 =	rddreg [dreg:$0xa]  }
0x1c: {  	s28 =	rddreg [dreg:$0xc]  }
0x1d: {  	[hbm:s21], [sflag:s30] =	dma.local [spmem:s28], $0x1400  }
0x1e: {  	_ =	swait.ge [sflag:s16], $0x1400  }
0x1f: {  	s29 =	rddreg [dreg:$0xb]  }
0x20: {  	s31 =	rddreg [dreg:$0x9];
	s29 =	sadd.s32 $0x1, s29  }
0x21: {  	p1 =	sne.s32 s29, s31  }
.Ltmp1:
0x22: {  	_ = 	snop;
	(pc) =	sbr.rel @!p1 .LBB2_9-.Ltmp1, $3  }
0x23: {  	_ =	sdelay $0x1  }
0x24: {  	[sflag:s16] =	ssyncset.done $0x0  }
0x25: {  	s28 =	simm.s32 $0xA000;
	[sflag:s16] =	ssyncadd.s32 $0xFFFFEC00  }
.LBB2_1:
0x26: {  	[dreg:$0xb] =	wrdreg s29  }
0x27: {  	s21 =	rddreg [dreg:$0x3]  }
0x28: {  	[tilespmem:s28], [sflag:$0x5] =	stream.linear.gather [hbm4b:s21+s3], $0x280, $0x38;
	[tilespmem:$0x1EA00] =	vst v63  }
0x29: {  	_ =	swait.ge [sflag:s16], $0x280  }
0x2a: {  	[sflag:s16] =	ssyncset.done $0x0  }
0x2b: {  	s21 =	simm.s32 $0xA500;
	[sflag:s16] =	ssyncadd.s32 $0xFFFFFD80  }
0x2c: {  	[tilespmem:s21], [sflag:$0x5] =	stream.linear.gather [hbm4b:s7+s3], $0x280, $0x38;
	[tilespmem:$0x1EA00] =	vst v63  }
0x2d: {  	_ =	swait.ge [sflag:s16], $0x280  }
0x2e: {  	[sflag:s16] =	ssyncset.done $0x0  }
0x2f: {  	s21 =	rddreg [dreg:$0x4];
	[sflag:s16] =	ssyncadd.s32 $0xFFFFFD80  }
0x30: {  	[tilespmem:s18], [sflag:$0x4] =	stream.linear.gather [hbm4b:s21+s3], $0x280, $0x38;
	[tilespmem:$0x1EA00] =	vst v63  }
.Ltmp2:
0x31: {  	s21 =	rddreg [dreg:$0x5];
	(pc) =	sbr.rel @!p0 .LBB2_2-.Ltmp2, $4  }
0x32: {  	[tilespmem:s19], [sflag:$0x4] =	stream.linear.gather [hbm4b:s21+s3], $0x280, $0x38;
	[tilespmem:$0x1EA00] =	vst v63  }
0x33: {  	s21 =	rddreg [dreg:$0x6]  }
0x34: {  	s31 =	sshrl.u32 s21, $0x3  }
0x35: {  	s29 =	simm.s32 $0xAA00;
	s21 =	simm.s32 $0x280;
	[dreg:$0xc] =	wrdreg s31  }
0x36: {  	[tilespmem:s29], [sflag:$0x1] =	stream.indirect.gather [hbm4b:s5+s21], $0x40, s28, s21, $0xb8;
	[tilespmem:$0x1EA00] =	vst v63  }
0x37: {  	s29 =	rddreg [dreg:$0x7]  }
0x38: {  	[spmem:s31], [sflag:s30] =	dma.local [hbm:s29], $0x1400  }
0x39: {  	_ =	swait.ge [sflag:s16], $0x1400  }
0x3a: {  	[sflag:s16] =	ssyncset.done $0x0  }
0x3b: {  	[sflag:s16] =	ssyncadd.s32 $0xFFFFEC00  }
0x3c: {  	s28 =	simm.s32 $0xFFFFF6A0;
	[bflag:$0x0] =	sbarrier.arrive $0xFFFF  }
.LBB2_6:
0x3d: {  	_ =	swait.ge [sflag:s23], $0x280  }
0x3e: {  	[sflag:s23] =	ssyncset.done $0x0  }
0x3f: {  	[sflag:s23] =	ssyncadd.s32 $0xFFFFFD80  }
0x40: {  	_ =	swait.ge [sflag:s23], $0x280  }
0x41: {  	[sflag:s23] =	ssyncset.done $0x0  }
0x42: {  	s21 =	simm.s32 $0x280;
	[sflag:s23] =	ssyncadd.s32 $0xFFFFFD80  }
0x43: {  	[tilespmem:s24], [sflag:$0x2] =	stream.indirect.gather [hbm4b:s5+s21], $0x40, s18, s21, $0xb8;
	[tilespmem:$0x1EA00] =	vst v63  }
0x44: {  	p1 =	seq.s32 s28, $0x0;
	_ =	swait.ge [sflag:s25], $0xA000  }
0x45: {  	s29 =	simm.s32 @!p1 $0x0;
	s21 =	sadd.s32 @!p1 s28, s14;
	[sflag:s25] =	ssyncset.done $0x0  }
0x46: {  	s30 =	simm.s32 @!p1 $0xA000;
	s21 =	sadd.s32 @!p1 $0xA00, s21;
	[sflag:s25] =	ssyncadd.s32 $0xFFFF6000  }
0x47: {  	[tilespmem:s30], [sflag:$0x3] =	stream.linear.gather @!p1 [hbm4b:s21+s29], $0x280, $0x38;
	[tilespmem:$0x1EA00] =	vst v63  }
0x48: {  	s31 =	simm.s32 $0xAA00;
	s21 =	simm.s32 $0xA500  }
0x49: {  	[spmem:s2] =	stream.indirect.scatter.add.f32 [tilespmem:s31], [sflag:$0x5], $0x40, s21, s26, $0xb8;
	[tilespmem:$0x1EA00] =	vst v63  }
0x4a: {  	_ =	swait.ge [sflag:s16], $0x2000  }
0x4b: {  	[sflag:s16] =	ssyncset.done $0x0  }
0x4c: {  	s21 =	simm.s32 $0xA580;
	s31 =	simm.s32 $0xCA00;
	[sflag:s16] =	ssyncadd.s32 $0xFFFFE000  }
0x4d: {  	[spmem:s2] =	stream.indirect.scatter.add.f32 [tilespmem:s31], [sflag:$0x5], $0x40, s21, s26, $0xb8;
	[tilespmem:$0x1EA00] =	vst v63  }
0x4e: {  	_ =	swait.ge [sflag:s16], $0x2000  }
0x4f: {  	[sflag:s16] =	ssyncset.done $0x0  }
0x50: {  	s21 =	simm.s32 $0xA600;
	s31 =	simm.s32 $0xEA00;
	[sflag:s16] =	ssyncadd.s32 $0xFFFFE000  }
0x51: {  	[spmem:s2] =	stream.indirect.scatter.add.f32 [tilespmem:s31], [sflag:$0x5], $0x40, s21, s26, $0xb8;
	[tilespmem:$0x1EA00] =	vst v63  }
0x52: {  	_ =	swait.ge [sflag:s16], $0x2000  }
0x53: {  	[sflag:s16] =	ssyncset.done $0x0  }
0x54: {  	[sflag:s16] =	ssyncadd.s32 $0xFFFFE000  }
0x55: {  	[spmem:s2] =	stream.indirect.scatter.add.f32 [tilespmem:s1], [sflag:$0x5], $0x40, s0, s26, $0xb8;
	[tilespmem:$0x1EA00] =	vst v63  }
0x56: {  	_ =	swait.ge [sflag:s16], $0x2000  }
0x57: {  	[sflag:s16] =	ssyncset.done $0x0  }
0x58: {  	[sflag:s16] =	ssyncadd.s32 $0xFFFFE000  }
0x59: {  	[spmem:s2] =	stream.indirect.scatter.add.f32 [tilespmem:s9], [sflag:$0x5], $0x40, s8, s26, $0xb8;
	[tilespmem:$0x1EA00] =	vst v63  }
0x5a: {  	_ =	swait.ge [sflag:s16], $0x2000  }
0x5b: {  	s21 =	sadd.s32 @!p1 s28, s7;
	[sflag:s16] =	ssyncset.done $0x0  }
0x5c: {  	s31 =	simm.s32 @!p1 $0xA500;
	s21 =	sadd.s32 @!p1 $0xA00, s21;
	[sflag:s16] =	ssyncadd.s32 $0xFFFFE000  }
0x5d: {  	[tilespmem:s31], [sflag:$0x3] =	stream.linear.gather @!p1 [hbm4b:s21+s29], $0x280, $0x38;
	[tilespmem:$0x1EA00] =	vst v63  }
0x5e: {  	s21 =	simm.s32 @!p1 $0x3  }
0x5f: {  	_ =	swait.ge @!p1 [sflag:s21], $0x280  }
0x60: {  	[sflag:s21] =	ssyncset.done @!p1 $0x0  }
0x61: {  	[sflag:s21] =	ssyncadd.s32 @!p1 $0xFFFFFD80  }
0x62: {  	_ =	swait.ge @!p1 [sflag:s21], $0x280  }
0x63: {  	[sflag:s21] =	ssyncset.done @!p1 $0x0  }
0x64: {  	s29 =	simm.s32 @!p1 $0xAA00;
	[sflag:s21] =	ssyncadd.s32 @!p1 $0xFFFFFD80;
	s21 =	simm.s32 @!p1 $0x280  }
0x65: {  	[tilespmem:s29], [sflag:$0x1] =	stream.indirect.gather @!p1 [hbm4b:s5+s21], $0x40, s30, s21, $0xb8;
	[tilespmem:$0x1EA00] =	vst v63  }
0x66: {  	_ =	swait.ge [sflag:s10], $0xA000  }
0x67: {  	[sflag:s10] =	ssyncset.done $0x0  }
0x68: {  	[sflag:s10] =	ssyncadd.s32 $0xFFFF6000  }
0x69: {  	[spmem:s2] =	stream.indirect.scatter.add.f32 [tilespmem:s24], [sflag:$0x5], $0x40, s19, s26, $0xb8;
	[tilespmem:$0x1EA00] =	vst v63  }
0x6a: {  	_ =	swait.ge [sflag:s16], $0x2000  }
0x6b: {  	[sflag:s16] =	ssyncset.done $0x0  }
0x6c: {  	[sflag:s16] =	ssyncadd.s32 $0xFFFFE000  }
0x6d: {  	[spmem:s2] =	stream.indirect.scatter.add.f32 [tilespmem:s11], [sflag:$0x5], $0x40, s15, s26, $0xb8;
	[tilespmem:$0x1EA00] =	vst v63  }
0x6e: {  	_ =	swait.ge [sflag:s16], $0x2000  }
0x6f: {  	[sflag:s16] =	ssyncset.done $0x0  }
0x70: {  	[sflag:s16] =	ssyncadd.s32 $0xFFFFE000  }
0x71: {  	[spmem:s2] =	stream.indirect.scatter.add.f32 [tilespmem:s13], [sflag:$0x5], $0x40, s12, s26, $0xb8;
	[tilespmem:$0x1EA00] =	vst v63  }
0x72: {  	_ =	swait.ge [sflag:s16], $0x2000  }
0x73: {  	[sflag:s16] =	ssyncset.done $0x0  }
0x74: {  	[sflag:s16] =	ssyncadd.s32 $0xFFFFE000  }
0x75: {  	[spmem:s2] =	stream.indirect.scatter.add.f32 [tilespmem:s22], [sflag:$0x5], $0x40, s6, s26, $0xb8;
	[tilespmem:$0x1EA00] =	vst v63  }
0x76: {  	_ =	swait.ge [sflag:s16], $0x2000  }
0x77: {  	[sflag:s16] =	ssyncset.done $0x0  }
.Ltmp3:
0x78: {  	[sflag:s16] =	ssyncadd.s32 $0xFFFFE000;
	(pc) =	sbr.rel @p1 .LBB2_8-.Ltmp3, $4  }
0x79: {  	[spmem:s2] =	stream.indirect.scatter.add.f32 [tilespmem:s20], [sflag:$0x5], $0x40, s17, s26, $0xb8;
	[tilespmem:$0x1EA00] =	vst v63  }
0x7a: {  	_ =	swait.ge [sflag:s16], $0x2000  }
0x7b: {  	[sflag:s16] =	ssyncset.done $0x0  }
0x7c: {  	[sflag:s16] =	ssyncadd.s32 $0xFFFFE000  }
.Ltmp4:
0x7d: {  	s21 =	sadd.s32 s28, s14;
	(pc) =	sbr.rel .LBB2_6-.Ltmp4, $4  }
0x7e: {  	s31 =	sadd.s32 s28, s7;
	s21 =	sadd.s32 $0xA50, s21  }
0x7f: {  	[tilespmem:s18], [sflag:$0x4] =	stream.linear.gather [hbm4b:s21+s3], $0x280, $0x38;
	[tilespmem:$0x1EA00] =	vst v63  }
0x80: {  	s28 =	sadd.s32 $0xA0, s28;
	s21 =	sadd.s32 $0xA50, s31  }
0x81: {  	[tilespmem:s19], [sflag:$0x4] =	stream.linear.gather [hbm4b:s21+s3], $0x280, $0x38;
	[tilespmem:$0x1EA00] =	vst v63  }
.LBB2_2:
0x82: {  	[tilespmem:s29], [sflag:$0x1] =	stream.indirect.gather [hbm4b:s4+s21], $0x40, s28, s21, $0xb8;
	[tilespmem:$0x1EA00] =	vst v63  }
0x83: {  	s29 =	rddreg [dreg:$0x7]  }
0x84: {  	[spmem:s31], [sflag:s30] =	dma.local [hbm:s29], $0x1400  }
0x85: {  	_ =	swait.ge [sflag:s16], $0x1400  }
0x86: {  	[sflag:s16] =	ssyncset.done $0x0  }
0x87: {  	[sflag:s16] =	ssyncadd.s32 $0xFFFFEC00  }
0x88: {  	s28 =	simm.s32 $0xFFFFF6A0;
	[bflag:$0x0] =	sbarrier.arrive $0xFFFF  }
.LBB2_3:
0x89: {  	_ =	swait.ge [sflag:s23], $0x280  }
0x8a: {  	[sflag:s23] =	ssyncset.done $0x0  }
0x8b: {  	[sflag:s23] =	ssyncadd.s32 $0xFFFFFD80  }
0x8c: {  	_ =	swait.ge [sflag:s23], $0x280  }
0x8d: {  	[sflag:s23] =	ssyncset.done $0x0  }
0x8e: {  	s21 =	simm.s32 $0x280;
	[sflag:s23] =	ssyncadd.s32 $0xFFFFFD80  }
0x8f: {  	[tilespmem:s24], [sflag:$0x2] =	stream.indirect.gather [hbm4b:s4+s21], $0x40, s18, s21, $0xb8;
	[tilespmem:$0x1EA00] =	vst v63  }
0x90: {  	p1 =	seq.s32 s28, $0x0;
	_ =	swait.ge [sflag:s25], $0xA000  }
0x91: {  	s29 =	sadd.s32 @!p1 s28, s14;
	s30 =	simm.s32 @!p1 $0xA000;
	[sflag:s25] =	ssyncset.done $0x0  }
0x92: {  	s29 =	sadd.s32 @!p1 $0xA00, s29;
	s21 =	simm.s32 @!p1 $0x0;
	[sflag:s25] =	ssyncadd.s32 $0xFFFF6000  }
0x93: {  	[tilespmem:s30], [sflag:$0x3] =	stream.linear.gather @!p1 [hbm4b:s29+s21], $0x280, $0x38;
	[tilespmem:$0x1EA00] =	vst v63  }
0x94: {  	s31 =	simm.s32 $0xAA00;
	s29 =	simm.s32 $0xA500  }
0x95: {  	[spmem:s2] =	stream.indirect.scatter.add.f32 [tilespmem:s31], [sflag:$0x5], $0x40, s29, s26, $0xb8;
	[tilespmem:$0x1EA00] =	vst v63  }
0x96: {  	_ =	swait.ge [sflag:s16], $0x2000  }
0x97: {  	[sflag:s16] =	ssyncset.done $0x0  }
0x98: {  	s29 =	simm.s32 $0xA580;
	s31 =	simm.s32 $0xCA00;
	[sflag:s16] =	ssyncadd.s32 $0xFFFFE000  }
0x99: {  	[spmem:s2] =	stream.indirect.scatter.add.f32 [tilespmem:s31], [sflag:$0x5], $0x40, s29, s26, $0xb8;
	[tilespmem:$0x1EA00] =	vst v63  }
0x9a: {  	_ =	swait.ge [sflag:s16], $0x2000  }
0x9b: {  	[sflag:s16] =	ssyncset.done $0x0  }
0x9c: {  	s29 =	simm.s32 $0xA600;
	s31 =	simm.s32 $0xEA00;
	[sflag:s16] =	ssyncadd.s32 $0xFFFFE000  }
0x9d: {  	[spmem:s2] =	stream.indirect.scatter.add.f32 [tilespmem:s31], [sflag:$0x5], $0x40, s29, s26, $0xb8;
	[tilespmem:$0x1EA00] =	vst v63  }
0x9e: {  	_ =	swait.ge [sflag:s16], $0x2000  }
0x9f: {  	[sflag:s16] =	ssyncset.done $0x0  }
0xa0: {  	[sflag:s16] =	ssyncadd.s32 $0xFFFFE000  }
0xa1: {  	[spmem:s2] =	stream.indirect.scatter.add.f32 [tilespmem:s1], [sflag:$0x5], $0x40, s0, s26, $0xb8;
	[tilespmem:$0x1EA00] =	vst v63  }
0xa2: {  	_ =	swait.ge [sflag:s16], $0x2000  }
0xa3: {  	[sflag:s16] =	ssyncset.done $0x0  }
0xa4: {  	[sflag:s16] =	ssyncadd.s32 $0xFFFFE000  }
0xa5: {  	[spmem:s2] =	stream.indirect.scatter.add.f32 [tilespmem:s9], [sflag:$0x5], $0x40, s8, s26, $0xb8;
	[tilespmem:$0x1EA00] =	vst v63  }
0xa6: {  	_ =	swait.ge [sflag:s16], $0x2000  }
0xa7: {  	s29 =	sadd.s32 @!p1 s28, s7;
	[sflag:s16] =	ssyncset.done $0x0  }
0xa8: {  	s31 =	simm.s32 @!p1 $0xA500;
	s29 =	sadd.s32 @!p1 $0xA00, s29;
	[sflag:s16] =	ssyncadd.s32 $0xFFFFE000  }
0xa9: {  	[tilespmem:s31], [sflag:$0x3] =	stream.linear.gather @!p1 [hbm4b:s29+s21], $0x280, $0x38;
	[tilespmem:$0x1EA00] =	vst v63  }
0xaa: {  	s21 =	simm.s32 @!p1 $0x3  }
0xab: {  	_ =	swait.ge @!p1 [sflag:s21], $0x280  }
0xac: {  	[sflag:s21] =	ssyncset.done @!p1 $0x0  }
0xad: {  	[sflag:s21] =	ssyncadd.s32 @!p1 $0xFFFFFD80  }
0xae: {  	_ =	swait.ge @!p1 [sflag:s21], $0x280  }
0xaf: {  	[sflag:s21] =	ssyncset.done @!p1 $0x0  }
0xb0: {  	s29 =	simm.s32 @!p1 $0xAA00;
	[sflag:s21] =	ssyncadd.s32 @!p1 $0xFFFFFD80;
	s21 =	simm.s32 @!p1 $0x280  }
0xb1: {  	[tilespmem:s29], [sflag:$0x1] =	stream.indirect.gather @!p1 [hbm4b:s4+s21], $0x40, s30, s21, $0xb8;
	[tilespmem:$0x1EA00] =	vst v63  }
0xb2: {  	_ =	swait.ge [sflag:s10], $0xA000  }
0xb3: {  	[sflag:s10] =	ssyncset.done $0x0  }
0xb4: {  	[sflag:s10] =	ssyncadd.s32 $0xFFFF6000  }
0xb5: {  	[spmem:s2] =	stream.indirect.scatter.add.f32 [tilespmem:s24], [sflag:$0x5], $0x40, s19, s26, $0xb8;
	[tilespmem:$0x1EA00] =	vst v63  }
0xb6: {  	_ =	swait.ge [sflag:s16], $0x2000  }
0xb7: {  	[sflag:s16] =	ssyncset.done $0x0  }
0xb8: {  	[sflag:s16] =	ssyncadd.s32 $0xFFFFE000  }
0xb9: {  	[spmem:s2] =	stream.indirect.scatter.add.f32 [tilespmem:s11], [sflag:$0x5], $0x40, s15, s26, $0xb8;
	[tilespmem:$0x1EA00] =	vst v63  }
0xba: {  	_ =	swait.ge [sflag:s16], $0x2000  }
0xbb: {  	[sflag:s16] =	ssyncset.done $0x0  }
0xbc: {  	[sflag:s16] =	ssyncadd.s32 $0xFFFFE000  }
0xbd: {  	[spmem:s2] =	stream.indirect.scatter.add.f32 [tilespmem:s13], [sflag:$0x5], $0x40, s12, s26, $0xb8;
	[tilespmem:$0x1EA00] =	vst v63  }
0xbe: {  	_ =	swait.ge [sflag:s16], $0x2000  }
0xbf: {  	[sflag:s16] =	ssyncset.done $0x0  }
0xc0: {  	[sflag:s16] =	ssyncadd.s32 $0xFFFFE000  }
0xc1: {  	[spmem:s2] =	stream.indirect.scatter.add.f32 [tilespmem:s22], [sflag:$0x5], $0x40, s6, s26, $0xb8;
	[tilespmem:$0x1EA00] =	vst v63  }
0xc2: {  	_ =	swait.ge [sflag:s16], $0x2000  }
0xc3: {  	[sflag:s16] =	ssyncset.done $0x0  }
.Ltmp5:
0xc4: {  	[sflag:s16] =	ssyncadd.s32 $0xFFFFE000;
	(pc) =	sbr.rel @p1 .LBB2_8-.Ltmp5, $4  }
0xc5: {  	[spmem:s2] =	stream.indirect.scatter.add.f32 [tilespmem:s20], [sflag:$0x5], $0x40, s17, s26, $0xb8;
	[tilespmem:$0x1EA00] =	vst v63  }
0xc6: {  	_ =	swait.ge [sflag:s16], $0x2000  }
0xc7: {  	[sflag:s16] =	ssyncset.done $0x0  }
0xc8: {  	[sflag:s16] =	ssyncadd.s32 $0xFFFFE000  }
.Ltmp6:
0xc9: {  	s21 =	sadd.s32 s28, s14;
	(pc) =	sbr.rel .LBB2_3-.Ltmp6, $4  }
0xca: {  	s31 =	sadd.s32 s28, s7;
	s21 =	sadd.s32 $0xA50, s21  }
0xcb: {  	[tilespmem:s18], [sflag:$0x4] =	stream.linear.gather [hbm4b:s21+s3], $0x280, $0x38;
	[tilespmem:$0x1EA00] =	vst v63  }
0xcc: {  	s28 =	sadd.s32 $0xA0, s28;
	s21 =	sadd.s32 $0xA50, s31  }
0xcd: {  	[tilespmem:s19], [sflag:$0x4] =	stream.linear.gather [hbm4b:s21+s3], $0x280, $0x38;
	[tilespmem:$0x1EA00] =	vst v63  }
.LBB2_9:
0xce: {  	_ =	sfence.sel $0x180000  }
0xcf: {  	[bflag:$0x0] =	sbarrier.arrive $0xFFFF  }
0xd0: {  	_ =	strace $0x9000004A  }
0xd1: {  	s0 =	stileid.u32;
	[bflag:$0x2] =	sbarrier.arrive $0xFFFF  }
0xd2: {  	p0 =	sne.s32 s0, $0x0;
	s0 =	rddreg [dreg:$0x2]  }
0xd3: {  	s0 =	sadd.s32 @!p0 $0x100000, s0  }
0xd4: {  	[sflag:s0] =	ssyncadd.tile.s32 @!p0 $0x1;
	_ =	shalt  }
.Lfunc_end2:
_tile_overlayer_lowered:
.L_overlay_start_2:
0xd5: {  	(tag) =	ssettag $0x2  }
0xd6: {  	s0 =	rddreg [dreg:$0x0];
	s2 =	stileid.u32  }
0xd7: {  	s1 =	rddreg [dreg:$0x1];
	p0 =	sne.s32 s2, $0x0  }
0xd8: {  	s3 =	rddreg [dreg:$0x2];
	[bflag:$0x3] =	sbarrier.arrive $0xFFFF;
	s2 =	simm.s32 @!p0 $0x1C05  }
0xd9: {  	[timem:s3], [sflag:s2] =	dma.local @!p0 [hbm:s0], s1  }
0xda: {  	s0 =	simm.s32 @!p0 $0x5  }
0xdb: {  	_ =	swait.ge @!p0 [sflag:s0], s1  }
0xdc: {  	s1 =	ssub.s32 @!p0 $0x0, s1;
	[sflag:s0] =	ssyncset.done @!p0 $0x0  }
0xdd: {  	[sflag:s0] =	ssyncadd.s32 @!p0 s1  }
0xde: {  	[bflag:$0x3] =	sbarrier.arrive $0xFFFF  }
0xdf: {  	_ =	shalt  }

// kernel: kernel.14.cloned.1.call-start
scs
__scs_entry_jumppad:
0x0: {  	(pc) =	sbr.rel $0x88, $3  }
0x1: {  	(tag) =	ssettag $0x0;
	lr =	simm.s32 $0x1  }
0x2: {  	[smem:$0x3F93] =	sst lr;
	_ =	strace $0xD0000000  }
0x3: {  	_ = 	snop  }
0x4: {  	_ = 	snop  }
0x5: {  	_ = 	snop  }
0x6: {  	_ = 	snop  }
0x7: {  	_ = 	snop  }
__scs_overlays_trampoline_lowered:
0x8: {  	[smem:$0x3FA2] =	sst s0  }
0x9: {  	[smem:$0x3FA3] =	sst s1  }
0xa: {  	[smem:$0x3FA4] =	sst s2  }
0xb: {  	[smem:$0x3FA5] =	sst s3  }
0xc: {  	[smem:$0x3FA6] =	sst s4  }
0xd: {  	[smem:$0x3FA7] =	sst s5  }
0xe: {  	[smem:$0x3FA8] =	sst s6  }
0xf: {  	[smem:$0x3FA9] =	sst s7  }
0x10: {  	[smem:$0x3FAA] =	sst s8  }
0x11: {  	[smem:$0x3FAB] =	sst s9;
	s0 =	simm.s32 @!p0 $0x0  }
0x12: {  	s1 =	sld [smem:$0x3F91];
	s0 =	simm.s32 @p0 $0x1  }
0x13: {  	[smem:$0x3FAC] =	sst s0;
	s0 =	simm.s32 @!p1 $0x0  }
0x14: {  	s2 =	sld [smem:$0x3F90];
	s0 =	simm.s32 @p1 $0x1  }
0x15: {  	[smem:$0x3FAD] =	sst s0;
	s0 =	simm.s32 @!p2 $0x0  }
0x16: {  	s3 =	sld [smem:$0x3FDB];
	s0 =	simm.s32 @p2 $0x1  }
0x17: {  	s4 =	simm.s32 $0x1BF5;
	[smem:$0x3FAF] =	sst s0  }
0x18: {  	s0 =	sld [smem:$0x3F92];
	_ =	swait.ge [sflag:s4], $0x0  }
0x19: {  	s7 =	sld [smem:$0x3F93]  }
0x1a: {  	s8 =	sadd.s32 $0xFFFFE003, lr  }
0x1b: {  	s9 =	sadd.s32 $0xFFFFFEF7, lr;
	s5 =	simm.s32 $0xFFFFFFFF;
	p2 =	slt.u32 s8, $0xFFFFF086  }
0x1c: {  	p1 =	slt.u32 s9, $0xF7A;
	s5 =	simm.s32 @!p2 $0x0  }
0x1d: {  	s5 =	simm.s32 @p1 $0x1;
	p0 =	seq.s32 s7, s2  }
0x1e: {  	s7 =	smul.u32 @!p0 $0xF7A, s2;
	p2 =	seq.s32 @!p0 s5, $0x0  }
0x1f: {  	s9 =	smul.u32 $0xF7A, s1;
	s8 =	simm.s32 @!p0 $0x1BF5;
	p2 =	por !p2, p0  }
0x20: {  	[sflag:s8] =	ssyncset.s32 @!p0 $0xFFFFF086;
	s6 =	sadd.s32 @!p0 s3, s7;
	s7 =	simm.s32 @!p0 $0x108  }
0x21: {  	s3 =	sadd.s32 s3, s9;
	s6 =	sadd.s32 @!p0 $0x88, s6;
	s7 =	simm.s32 @p2 $0x1082  }
0x22: {  	[simem:s7], [sflag:s8] =	dma.local @!p0 [hbm:s6], $0xF7A  }
0x23: {  	s9 =	sor.u32 $0xD0000000, s2;
	s6 =	simm.s32 $0x108;
	_ =	swait.ge @!p0 [sflag:s8], $0x0  }
0x24: {  	s3 =	sadd.s32 $0x88, s3;
	s6 =	simm.s32 @!p1 $0x1082;
	[sflag:s4] =	ssyncset.s32 $0xFFFFF086  }
0x25: {  	[simem:s6], [sflag:s4] =	dma.local [hbm:s3], $0xF7A  }
0x26: {  	[smem:$0x3F93] =	sst s1;
	(tag) =	ssettag s2;
	_ =	strace s9  }
0x27: {  	s1 =	sld [smem:$0x3FA3]  }
0x28: {  	s2 =	sld [smem:$0x3FA4]  }
0x29: {  	s4 =	sld [smem:$0x3FA6]  }
0x2a: {  	p0 =	seq.s32 s5, $0x0;
	s5 =	sld [smem:$0x3FA7]  }
0x2b: {  	s6 =	sld [smem:$0x3FA8]  }
0x2c: {  	s7 =	sld [smem:$0x3FA9]  }
0x2d: {  	s3 =	simm.s32 $0x108;
	s8 =	sld [smem:$0x3FAA]  }
0x2e: {  	s3 =	simm.s32 @!p0 $0x1082;
	s9 =	sld [smem:$0x3FAB]  }
0x2f: {  	lr =	sadd.s32 s0, s3;
	s0 =	sld [smem:$0x3FA2]  }
0x30: {  	s3 =	sld [smem:$0x3FA5]  }
0x31: {  	[smem:$0x3FAE] =	sst s10  }
0x32: {  	s10 =	sld [smem:$0x3FAC];
	_ =	sdelay $0x3  }
0x33: {  	p0 =	seq.s32 s10, $0x1;
	s10 =	sld [smem:$0x3FAE];
	_ =	sdelay $0x3  }
0x34: {  	[smem:$0x3FAE] =	sst s10  }
0x35: {  	s10 =	sld [smem:$0x3FAD];
	_ =	sdelay $0x3  }
0x36: {  	p1 =	seq.s32 s10, $0x1;
	s10 =	sld [smem:$0x3FAE];
	_ =	sdelay $0x3  }
0x37: {  	[smem:$0x3FAE] =	sst s10  }
0x38: {  	s10 =	sld [smem:$0x3FAF]  }
0x39: {  	_ = 	snop;
	(pc) =	sbr.ind lr, $3  }
0x3a: {  	_ = 	snop  }
0x3b: {  	_ = 	snop  }
0x3c: {  	p2 =	seq.s32 s10, $0x1;
	s10 =	sld [smem:$0x3FAE]  }
0x3d: {  	_ =	shalt  }
0x3e: {  	_ =	shalt  }
0x3f: {  	_ =	shalt  }
0x40: {  	_ =	shalt  }
0x41: {  	_ =	shalt  }
0x42: {  	_ =	shalt  }
0x43: {  	_ =	shalt  }
0x44: {  	_ =	shalt  }
0x45: {  	_ =	shalt  }
0x46: {  	_ =	shalt  }
0x47: {  	_ =	shalt  }
0x48: {  	_ =	shalt  }
0x49: {  	_ =	shalt  }
0x4a: {  	_ =	shalt  }
0x4b: {  	_ =	shalt  }
0x4c: {  	_ =	shalt  }
0x4d: {  	_ =	shalt  }
0x4e: {  	_ =	shalt  }
0x4f: {  	_ =	shalt  }
0x50: {  	_ =	shalt  }
0x51: {  	_ =	shalt  }
0x52: {  	_ =	shalt  }
0x53: {  	_ =	shalt  }
0x54: {  	_ =	shalt  }
0x55: {  	_ =	shalt  }
0x56: {  	_ =	shalt  }
0x57: {  	_ =	shalt  }
0x58: {  	_ =	shalt  }
0x59: {  	_ =	shalt  }
0x5a: {  	_ =	shalt  }
0x5b: {  	_ =	shalt  }
0x5c: {  	_ =	shalt  }
0x5d: {  	_ =	shalt  }
0x5e: {  	_ =	shalt  }
0x5f: {  	_ =	shalt  }
0x60: {  	_ =	shalt  }
0x61: {  	_ =	shalt  }
0x62: {  	_ =	shalt  }
0x63: {  	_ =	shalt  }
0x64: {  	_ =	shalt  }
0x65: {  	_ =	shalt  }
0x66: {  	_ =	shalt  }
0x67: {  	_ =	shalt  }
0x68: {  	_ =	shalt  }
0x69: {  	_ =	shalt  }
0x6a: {  	_ =	shalt  }
0x6b: {  	_ =	shalt  }
0x6c: {  	_ =	shalt  }
0x6d: {  	_ =	shalt  }
0x6e: {  	_ =	shalt  }
0x6f: {  	_ =	shalt  }
0x70: {  	_ =	shalt  }
0x71: {  	_ =	shalt  }
0x72: {  	_ =	shalt  }
0x73: {  	_ =	shalt  }
0x74: {  	_ =	shalt  }
0x75: {  	_ =	shalt  }
0x76: {  	_ =	shalt  }
0x77: {  	_ =	shalt  }
0x78: {  	_ =	shalt  }
0x79: {  	_ =	shalt  }
0x7a: {  	_ =	shalt  }
0x7b: {  	_ =	shalt  }
0x7c: {  	_ =	shalt  }
0x7d: {  	_ =	shalt  }
0x7e: {  	_ =	shalt  }
0x7f: {  	_ =	shalt  }
0x80: {  	_ =	shalt  }
0x81: {  	_ =	shalt  }
0x82: {  	_ =	shalt  }
0x83: {  	_ =	shalt  }
0x84: {  	_ =	shalt  }
0x85: {  	_ =	shalt  }
0x86: {  	_ =	shalt  }
0x87: {  	_ =	shalt  }
.Lfunc_end0:
.L_simem_size_0:
called_computation.2_lowered:
.L_overlay_start_0:
0x88: {  	s2 =	sld [smem:$0x3FD9]  }
0x89: {  	s3 =	sld [smem:$0x3FFE];
	_ =	sdelay $0x1  }
0x8a: {  	s1 =	srdreg.scid  }
0x8b: {  	s0 =	sand.u32 $0x1, s1  }
0x8c: {  	s17 =	sshll.u32 s0, $0xA;
	s2 =	sadd.s32 s3, s2  }
0x8d: {  	s2 =	sadd.s32 s2, s17  }
0x8e: {  	[smem:$0x3FBA] =	sst s2  }
0x8f: {  	_ = 	snop  }
0x90: {  	s2 =	sld [smem:$0x3FD0];
	(tm) =	ssettm $0x1  }
0x91: {  	s18 =	sld [smem:$0x3FFB];
	_ =	sdelay $0x3  }
0x92: {  	_ =	strace s18  }
0x93: {  	s3 =	sld [smem:$0x3FFC];
	_ =	sdelay $0x3  }
0x94: {  	_ =	strace s3  }
0x95: {  	s3 =	sld [smem:$0x3FFD];
	_ =	sdelay $0x3  }
0x96: {  	_ =	strace s3  }
0x97: {  	_ =	strace $0x8FFFFFFF  }
0x98: {  	s19 =	sld [smem:$0x3FDB];
	_ =	sdelay $0x1  }
0x99: {  	s4 =	simm.s32 $_scs_section_size  }
0x9a: {  	s5 =	simm.s32 $_size__tile_overlayer_lowered;
	s6 =	simm.s32 $_tile_overlayer_lowered  }
0x9b: {  	s22 =	simm.s32 $0x1BFF;
	s21 =	sshll.u32 s6, $0x1;
	s3 =	sadd.s32 s4, s19  }
0x9c: {  	s7 =	simm.s32 $0x0;
	s20 =	sshll.u32 s5, $0x1;
	s5 =	sadd.s32 s21, s3  }
0x9d: {  	[timem:s7], [sflag:s22] =	dma.local [hbm:s5], s20  }
0x9e: {  	_ =	swait.ge [sflag:s22], s20  }
0x9f: {  	s4 =	ssub.s32 $0x0, s20;
	[sflag:s22] =	ssyncset.done $0x0  }
0xa0: {  	[sflag:s22] =	ssyncadd.s32 s4;
	_ =	sdelay $0x1  }
0xa1: {  	s23 =	simm.s32 $0x1B8B  }
0xa2: {  	_ =	swait.ge [sflag:s23], $0x1  }
0xa3: {  	[sflag:s23] =	ssyncset.done $0x0  }
0xa4: {  	s25 =	simm.s32 $0x1B8E;
	s24 =	sld [smem:$0x3FFE];
	[sflag:s23] =	ssyncadd.s32 $0xFFFFFFFF  }
0xa5: {  	s26 =	simm.s32 $execute0_lowered;
	[smem:$0x3FD2] =	sst s25  }
0xa6: {  	s5 =	sshll.u32 s26, $0x1;
	_ =	strace $0x8000004C;
	[dreg:$0x1] =	wrdreg $0xFFFFFFFF  }
0xa7: {  	s28 =	simm.s32 $_size_execute0_lowered;
	s3 =	sadd.s32 s3, s5;
	[dreg:$0x0] =	wrdreg $0x0  }
0xa8: {  	s5 =	sshll.u32 s28, $0x1;
	[dreg:$0x2] =	wrdreg s3  }
0xa9: {  	[dreg:$0x3] =	wrdreg s5  }
0xaa: {  	[dreg:$0x4] =	wrdreg $0xC0  }
0xab: {  	_ =	task [dreg:s7], $0x5FFFF  }
0xac: {  	[dreg:$0x1] =	wrdreg $0xFFFFFFFF  }
0xad: {  	[dreg:$0x0] =	wrdreg $0x60  }
0xae: {  	[dreg:$0x2] =	wrdreg s2  }
0xaf: {  	[dreg:$0x3] =	wrdreg s24  }
0xb0: {  	[dreg:$0x4] =	wrdreg $0x0  }
0xb1: {  	[dreg:$0x5] =	wrdreg $0x9  }
0xb2: {  	_ =	task.clear_ibuf [dreg:s7], $0x6FFFF;
	_ =	strace $0x9000004C  }
0xb3: {  	s29 =	simm.s32 $0x9;
	_ =	strace $0x8000004E  }
0xb4: {  	_ =	swait.ge [sflag:s29], $0x1  }
0xb5: {  	[sflag:s29] =	ssyncadd.s32 $0xFFFFFFFF  }
0xb6: {  	_ =	strace $0x9000004E  }
0xb7: {  	_ =	sfence  }
0xb8: {  	s30 =	sld [smem:$0x0];
	_ =	sdelay $0x2  }
0xb9: {  	s31 =	sshll.u32 s1, $0xD;
	s1 =	sshrl.u32 s1, $0x2  }
0xba: {  	s3 =	sand.u32 $0x4000, s31;
	s1 =	sadd.s32 s1, s30  }
0xbb: {  	s0 =	sor.u32 s3, s0;
	s1 =	sshll.u32 s1, $0x11  }
0xbc: {  	s0 =	sor.u32 s1, s0  }
0xbd: {  	s0 =	sadd.s32 $0x8F2B, s0  }
0xbe: {  	[sflag:s0] =	ssyncadd.remote.s32 $0x1  }
0xbf: {  	_ =	sfence.sel $0xFFFF  }
0xc0: {  	[dreg:$0x0] =	wrdreg $0xFFFFFFFF;
	(pc) =	sbr.abs _section_cstart, $3  }
0xc1: {  	[dreg:$0x1] =	wrdreg $0xFFFFFFFF  }
0xc2: {  	_ =	task.clear_ibuf [dreg:s7], $0x2FFFF;
	_ =	strace $0x9FFFFFFF  }
0xc3: {  	(tm) =	ssettm $0x7FFFFFFF  }
tec
execute0_lowered:
.L_overlay_start_1:
0x0: {  	(tag) =	ssettag $0x1  }
0x1: {  	s0 =	rddreg [dreg:$0x1]  }
0x2: {  	s3 =	rddreg [dreg:$0x2];
	s13 =	stileid.u32;
	s4 =	simm.s32 $0x0  }
0x3: {  	s2 =	srdreg.scid;
	s21 =	simm.s32 $0xA000;
	s16 =	simm.s32 $0x5  }
0x4: {  	s18 =	simm.s32 $0xA280;
	s19 =	simm.s32 $0xA780;
	s15 =	simm.s32 $0xA800  }
0x5: {  	s17 =	simm.s32 $0x1CA00;
	s28 =	simm.s32 $0x0;
	s1 =	smul.u32 $0xA00, s13  }
0x6: {  	[smem:$0x7FF] =	sst s4;
	s6 =	smul.u32 $0xA000, s13;
	s2 =	sand.u32 $0x1, s2  }
0x7: {  	s5 =	sadd.s32 $0x3FA00, s0;
	s8 =	sadd.s32 $0xDA00, s0;
	s11 =	smul.u32 $0x5000, s13  }
0x8: {  	s31 =	sshll.u32 s13, $0x6;
	s13 =	simm.s32 $0x18A00;
	_ =	strace $0x8000004D  }
0x9: {  	s7 =	smul.u32 $0xA0000, s2;
	s12 =	ssub.s32 $0x2, s2;
	p0 =	seq.s32 s2, $0x1  }
0xa: {  	s30 =	sor.u32 $0x1C05, s31;
	s9 =	sadd.s32 s1, s0;
	s10 =	sshrl.u32 s6, $0x3  }
0xb: {  	s22 =	sshrl.u32 s12, $0x1;
	s11 =	sshrl.u32 s11, $0x3;
	s25 =	sadd.s32 s6, s3  }
0xc: {  	s14 =	sadd.s32 s1, s8;
	s1 =	simm.s32 $0x10A00;
	[dreg:$0xb] =	wrdreg s30  }
0xd: {  	s7 =	sadd.s32 s6, s7;
	s10 =	sadd.s32 s10, s0;
	s12 =	ssub.s32 s12, s22  }
0xe: {  	s23 =	sadd.s32 s8, s11;
	s24 =	sadd.s32 $0x3A50, s9;
	[dreg:$0x7] =	wrdreg s25  }
0xf: {  	s25 =	simm.s32 $0x1;
	s8 =	simm.s32 $0xA700;
	s11 =	simm.s32 $0x16A00  }
0x10: {  	s6 =	simm.s32 $0xA900;
	s22 =	simm.s32 $0x1AA00;
	[dreg:$0x4] =	wrdreg s23  }
0x11: {  	s7 =	sshrl.u32 s7, $0x3;
	s2 =	sadd.s32 $0x50, s23;
	[dreg:$0x6] =	wrdreg s24  }
0x12: {  	s26 =	sadd.s32 $0x66E00, s10;
	s29 =	smax.u32 s12, $0x1;
	s23 =	simm.s32 $0x4  }
.Ltmp0:
0x13: {  	s24 =	simm.s32 $0x14A00;
	[dreg:$0x5] =	wrdreg s2;
	(pc) =	sbr.rel .LBB2_1-.Ltmp0, $4  }
0x14: {  	s10 =	simm.s32 $0x2;
	s12 =	simm.s32 $0xA880;
	[dreg:$0x8] =	wrdreg s26  }
0x15: {  	s0 =	sadd.s32 s7, s0;
	s7 =	sadd.s32 $0x3A00, s9;
	[dreg:$0xa] =	wrdreg s29  }
0x16: {  	s26 =	simm.s32 $0x80;
	s9 =	simm.s32 $0x12A00;
	s0 =	sadd.s32 $0x7AE00, s0  }
0x17: {  	s2 =	simm.s32 $0xA980;
	[dreg:$0x9] =	wrdreg s0;
	s0 =	simm.s32 $0xA680  }
.LBB2_8:
0x18: {  	[bflag:$0x0] =	sbarrier.arrive $0xFFFF  }
0x19: {  	s20 =	rddreg [dreg:$0x9]  }
0x1a: {  	s30 =	rddreg [dreg:$0xb]  }
0x1b: {  	s21 =	rddreg [dreg:$0xd]  }
0x1c: {  	[hbm:s20], [sflag:s30] =	dma.local [spmem:s21], $0x1400  }
0x1d: {  	_ =	swait.ge [sflag:s16], $0x1400  }
0x1e: {  	s28 =	rddreg [dreg:$0xc]  }
0x1f: {  	s31 =	rddreg [dreg:$0xa];
	s28 =	sadd.s32 $0x1, s28  }
0x20: {  	p1 =	sne.s32 s28, s31  }
.Ltmp1:
0x21: {  	_ = 	snop;
	(pc) =	sbr.rel @!p1 .LBB2_9-.Ltmp1, $3  }
0x22: {  	_ =	sdelay $0x1  }
0x23: {  	[sflag:s16] =	ssyncset.done $0x0  }
0x24: {  	s21 =	simm.s32 $0xA000;
	[sflag:s16] =	ssyncadd.s32 $0xFFFFEC00  }
.LBB2_1:
0x25: {  	[dreg:$0xc] =	wrdreg s28  }
0x26: {  	s20 =	rddreg [dreg:$0x4]  }
0x27: {  	[tilespmem:s21], [sflag:$0x5] =	stream.linear.gather [hbm4b:s20+s4], $0x280, $0x38;
	[tilespmem:$0x1EA00] =	vst v63  }
0x28: {  	_ =	swait.ge [sflag:s16], $0x280  }
0x29: {  	[sflag:s16] =	ssyncset.done $0x0  }
0x2a: {  	s28 =	simm.s32 $0xA500;
	[sflag:s16] =	ssyncadd.s32 $0xFFFFFD80  }
0x2b: {  	[tilespmem:s28], [sflag:$0x5] =	stream.linear.gather [hbm4b:s7+s4], $0x280, $0x38;
	[tilespmem:$0x1EA00] =	vst v63  }
0x2c: {  	_ =	swait.ge [sflag:s16], $0x280  }
0x2d: {  	[sflag:s16] =	ssyncset.done $0x0  }
0x2e: {  	s31 =	rddreg [dreg:$0x5];
	[sflag:s16] =	ssyncadd.s32 $0xFFFFFD80  }
0x2f: {  	[tilespmem:s18], [sflag:$0x4] =	stream.linear.gather [hbm4b:s31+s4], $0x280, $0x38;
	[tilespmem:$0x1EA00] =	vst v63  }
.Ltmp2:
0x30: {  	_ = 	snop;
	(pc) =	sbr.rel @!p0 .LBB2_2-.Ltmp2, $4  }
0x31: {  	s31 =	rddreg [dreg:$0x7]  }
0x32: {  	s28 =	rddreg [dreg:$0x6];
	s29 =	sshrl.u32 s31, $0x3  }
0x33: {  	[tilespmem:s19], [sflag:$0x4] =	stream.linear.gather [hbm4b:s28+s4], $0x280, $0x38;
	[tilespmem:$0x1EA00] =	vst v63  }
0x34: {  	[dreg:$0xd] =	wrdreg s29  }
0x35: {  	s20 =	simm.s32 $0x280;
	s28 =	simm.s32 $0xAA00;
	s31 =	rddreg [dreg:$0x8]  }
0x36: {  	[tilespmem:s28], [sflag:$0x1] =	stream.indirect.gather [hbm4b:s5+s20], $0x40, s21, s20, $0xb8;
	[tilespmem:$0x1EA00] =	vst v63  }
0x37: {  	[spmem:s29], [sflag:s30] =	dma.local [hbm:s31], $0x1400  }
0x38: {  	_ =	swait.ge [sflag:s16], $0x1400  }
0x39: {  	[sflag:s16] =	ssyncset.done $0x0  }
0x3a: {  	[sflag:s16] =	ssyncadd.s32 $0xFFFFEC00  }
0x3b: {  	s20 =	simm.s32 $0xFFFFF6A0;
	[bflag:$0x0] =	sbarrier.arrive $0xFFFF  }
.LBB2_6:
0x3c: {  	_ =	swait.ge [sflag:s23], $0x280  }
0x3d: {  	[sflag:s23] =	ssyncset.done $0x0  }
0x3e: {  	[sflag:s23] =	ssyncadd.s32 $0xFFFFFD80  }
0x3f: {  	_ =	swait.ge [sflag:s23], $0x280  }
0x40: {  	[sflag:s23] =	ssyncset.done $0x0  }
0x41: {  	s21 =	simm.s32 $0x280;
	[sflag:s23] =	ssyncadd.s32 $0xFFFFFD80  }
0x42: {  	[tilespmem:s24], [sflag:$0x2] =	stream.indirect.gather [hbm4b:s5+s21], $0x40, s18, s21, $0xb8;
	[tilespmem:$0x1EA00] =	vst v63  }
0x43: {  	p1 =	seq.s32 s20, $0x0;
	_ =	swait.ge [sflag:s25], $0xA000  }
0x44: {  	s28 =	simm.s32 @!p1 $0x0;
	s21 =	sadd.s32 @!p1 s20, s14;
	[sflag:s25] =	ssyncset.done $0x0  }
0x45: {  	s29 =	simm.s32 @!p1 $0xA000;
	s21 =	sadd.s32 @!p1 $0xA00, s21;
	[sflag:s25] =	ssyncadd.s32 $0xFFFF6000  }
0x46: {  	[tilespmem:s29], [sflag:$0x3] =	stream.linear.gather @!p1 [hbm4b:s21+s28], $0x280, $0x38;
	[tilespmem:$0x1EA00] =	vst v63  }
0x47: {  	s31 =	simm.s32 $0xA500;
	s30 =	simm.s32 $0xAA00  }
0x48: {  	[spmem:s3] =	stream.indirect.scatter.add.f32 [tilespmem:s30], [sflag:$0x5], $0x40, s31, s26, $0xb8;
	[tilespmem:$0x1EA00] =	vst v63  }
0x49: {  	_ =	swait.ge [sflag:s16], $0x2000  }
0x4a: {  	[sflag:s16] =	ssyncset.done $0x0  }
0x4b: {  	s21 =	simm.s32 $0xA580;
	s31 =	simm.s32 $0xCA00;
	[sflag:s16] =	ssyncadd.s32 $0xFFFFE000  }
0x4c: {  	[spmem:s3] =	stream.indirect.scatter.add.f32 [tilespmem:s31], [sflag:$0x5], $0x40, s21, s26, $0xb8;
	[tilespmem:$0x1EA00] =	vst v63  }
0x4d: {  	_ =	swait.ge [sflag:s16], $0x2000  }
0x4e: {  	[sflag:s16] =	ssyncset.done $0x0  }
0x4f: {  	s21 =	simm.s32 $0xA600;
	s31 =	simm.s32 $0xEA00;
	[sflag:s16] =	ssyncadd.s32 $0xFFFFE000  }
0x50: {  	[spmem:s3] =	stream.indirect.scatter.add.f32 [tilespmem:s31], [sflag:$0x5], $0x40, s21, s26, $0xb8;
	[tilespmem:$0x1EA00] =	vst v63  }
0x51: {  	_ =	swait.ge [sflag:s16], $0x2000  }
0x52: {  	[sflag:s16] =	ssyncset.done $0x0  }
0x53: {  	[sflag:s16] =	ssyncadd.s32 $0xFFFFE000  }
0x54: {  	[spmem:s3] =	stream.indirect.scatter.add.f32 [tilespmem:s1], [sflag:$0x5], $0x40, s0, s26, $0xb8;
	[tilespmem:$0x1EA00] =	vst v63  }
0x55: {  	_ =	swait.ge [sflag:s16], $0x2000  }
0x56: {  	[sflag:s16] =	ssyncset.done $0x0  }
0x57: {  	[sflag:s16] =	ssyncadd.s32 $0xFFFFE000  }
0x58: {  	[spmem:s3] =	stream.indirect.scatter.add.f32 [tilespmem:s9], [sflag:$0x5], $0x40, s8, s26, $0xb8;
	[tilespmem:$0x1EA00] =	vst v63  }
0x59: {  	_ =	swait.ge [sflag:s16], $0x2000  }
0x5a: {  	s21 =	sadd.s32 @!p1 s20, s7;
	[sflag:s16] =	ssyncset.done $0x0  }
0x5b: {  	s30 =	simm.s32 @!p1 $0xA500;
	s21 =	sadd.s32 @!p1 $0xA00, s21;
	[sflag:s16] =	ssyncadd.s32 $0xFFFFE000  }
0x5c: {  	[tilespmem:s30], [sflag:$0x3] =	stream.linear.gather @!p1 [hbm4b:s21+s28], $0x280, $0x38;
	[tilespmem:$0x1EA00] =	vst v63  }
0x5d: {  	s21 =	simm.s32 @!p1 $0x3  }
0x5e: {  	_ =	swait.ge @!p1 [sflag:s21], $0x280  }
0x5f: {  	[sflag:s21] =	ssyncset.done @!p1 $0x0  }
0x60: {  	[sflag:s21] =	ssyncadd.s32 @!p1 $0xFFFFFD80  }
0x61: {  	_ =	swait.ge @!p1 [sflag:s21], $0x280  }
0x62: {  	[sflag:s21] =	ssyncset.done @!p1 $0x0  }
0x63: {  	s28 =	simm.s32 @!p1 $0xAA00;
	[sflag:s21] =	ssyncadd.s32 @!p1 $0xFFFFFD80;
	s21 =	simm.s32 @!p1 $0x280  }
0x64: {  	[tilespmem:s28], [sflag:$0x1] =	stream.indirect.gather @!p1 [hbm4b:s5+s21], $0x40, s29, s21, $0xb8;
	[tilespmem:$0x1EA00] =	vst v63  }
0x65: {  	_ =	swait.ge [sflag:s10], $0xA000  }
0x66: {  	[sflag:s10] =	ssyncset.done $0x0  }
0x67: {  	[sflag:s10] =	ssyncadd.s32 $0xFFFF6000  }
0x68: {  	[spmem:s3] =	stream.indirect.scatter.add.f32 [tilespmem:s24], [sflag:$0x5], $0x40, s19, s26, $0xb8;
	[tilespmem:$0x1EA00] =	vst v63  }
0x69: {  	_ =	swait.ge [sflag:s16], $0x2000  }
0x6a: {  	[sflag:s16] =	ssyncset.done $0x0  }
0x6b: {  	[sflag:s16] =	ssyncadd.s32 $0xFFFFE000  }
0x6c: {  	[spmem:s3] =	stream.indirect.scatter.add.f32 [tilespmem:s11], [sflag:$0x5], $0x40, s15, s26, $0xb8;
	[tilespmem:$0x1EA00] =	vst v63  }
0x6d: {  	_ =	swait.ge [sflag:s16], $0x2000  }
0x6e: {  	[sflag:s16] =	ssyncset.done $0x0  }
0x6f: {  	[sflag:s16] =	ssyncadd.s32 $0xFFFFE000  }
0x70: {  	[spmem:s3] =	stream.indirect.scatter.add.f32 [tilespmem:s13], [sflag:$0x5], $0x40, s12, s26, $0xb8;
	[tilespmem:$0x1EA00] =	vst v63  }
0x71: {  	_ =	swait.ge [sflag:s16], $0x2000  }
0x72: {  	[sflag:s16] =	ssyncset.done $0x0  }
0x73: {  	[sflag:s16] =	ssyncadd.s32 $0xFFFFE000  }
0x74: {  	[spmem:s3] =	stream.indirect.scatter.add.f32 [tilespmem:s22], [sflag:$0x5], $0x40, s6, s26, $0xb8;
	[tilespmem:$0x1EA00] =	vst v63  }
0x75: {  	_ =	swait.ge [sflag:s16], $0x2000  }
0x76: {  	[sflag:s16] =	ssyncset.done $0x0  }
.Ltmp3:
0x77: {  	[sflag:s16] =	ssyncadd.s32 $0xFFFFE000;
	(pc) =	sbr.rel @p1 .LBB2_8-.Ltmp3, $4  }
0x78: {  	[spmem:s3] =	stream.indirect.scatter.add.f32 [tilespmem:s17], [sflag:$0x5], $0x40, s2, s26, $0xb8;
	[tilespmem:$0x1EA00] =	vst v63  }
0x79: {  	_ =	swait.ge [sflag:s16], $0x2000  }
0x7a: {  	[sflag:s16] =	ssyncset.done $0x0  }
0x7b: {  	[sflag:s16] =	ssyncadd.s32 $0xFFFFE000  }
.Ltmp4:
0x7c: {  	s21 =	sadd.s32 s20, s14;
	(pc) =	sbr.rel .LBB2_6-.Ltmp4, $4  }
0x7d: {  	s31 =	sadd.s32 s20, s7;
	s21 =	sadd.s32 $0xA50, s21  }
0x7e: {  	[tilespmem:s18], [sflag:$0x4] =	stream.linear.gather [hbm4b:s21+s4], $0x280, $0x38;
	[tilespmem:$0x1EA00] =	vst v63  }
0x7f: {  	s20 =	sadd.s32 $0xA0, s20;
	s21 =	sadd.s32 $0xA50, s31  }
0x80: {  	[tilespmem:s19], [sflag:$0x4] =	stream.linear.gather [hbm4b:s21+s4], $0x280, $0x38;
	[tilespmem:$0x1EA00] =	vst v63  }
.LBB2_2:
0x81: {  	s20 =	rddreg [dreg:$0x0]  }
0x82: {  	s28 =	simm.s32 $0x280;
	s31 =	smov.u32 s29;
	s29 =	simm.s32 $0xAA00  }
0x83: {  	[tilespmem:s29], [sflag:$0x1] =	stream.indirect.gather [hbm4b:s20+s28], $0x40, s21, s28, $0xb8;
	[tilespmem:$0x1EA00] =	vst v63  }
0x84: {  	s29 =	rddreg [dreg:$0x8]  }
0x85: {  	[spmem:s31], [sflag:s30] =	dma.local [hbm:s29], $0x1400  }
0x86: {  	_ =	swait.ge [sflag:s16], $0x1400  }
0x87: {  	[sflag:s16] =	ssyncset.done $0x0  }
0x88: {  	[sflag:s16] =	ssyncadd.s32 $0xFFFFEC00  }
0x89: {  	s20 =	simm.s32 $0xFFFFF6A0;
	[bflag:$0x0] =	sbarrier.arrive $0xFFFF  }
.LBB2_3:
0x8a: {  	_ =	swait.ge [sflag:s23], $0x280  }
0x8b: {  	[sflag:s23] =	ssyncset.done $0x0  }
0x8c: {  	[sflag:s23] =	ssyncadd.s32 $0xFFFFFD80  }
0x8d: {  	_ =	swait.ge [sflag:s23], $0x280  }
0x8e: {  	[sflag:s23] =	ssyncset.done $0x0  }
0x8f: {  	[sflag:s23] =	ssyncadd.s32 $0xFFFFFD80  }
0x90: {  	s21 =	simm.s32 $0x280;
	s31 =	rddreg [dreg:$0x0]  }
0x91: {  	[tilespmem:s24], [sflag:$0x2] =	stream.indirect.gather [hbm4b:s31+s21], $0x40, s18, s21, $0xb8;
	[tilespmem:$0x1EA00] =	vst v63  }
0x92: {  	p1 =	seq.s32 s20, $0x0;
	_ =	swait.ge [sflag:s25], $0xA000  }
0x93: {  	s28 =	sadd.s32 @!p1 s20, s14;
	s29 =	simm.s32 @!p1 $0x0;
	[sflag:s25] =	ssyncset.done $0x0  }
0x94: {  	s28 =	sadd.s32 @!p1 $0xA00, s28;
	s21 =	simm.s32 @!p1 $0xA000;
	[sflag:s25] =	ssyncadd.s32 $0xFFFF6000  }
0x95: {  	[tilespmem:s21], [sflag:$0x3] =	stream.linear.gather @!p1 [hbm4b:s28+s29], $0x280, $0x38;
	[tilespmem:$0x1EA00] =	vst v63  }
0x96: {  	s30 =	simm.s32 $0xAA00;
	s28 =	simm.s32 $0xA500  }
0x97: {  	[spmem:s3] =	stream.indirect.scatter.add.f32 [tilespmem:s30], [sflag:$0x5], $0x40, s28, s26, $0xb8;
	[tilespmem:$0x1EA00] =	vst v63  }
0x98: {  	_ =	swait.ge [sflag:s16], $0x2000  }
0x99: {  	[sflag:s16] =	ssyncset.done $0x0  }
0x9a: {  	s28 =	simm.s32 $0xA580;
	s30 =	simm.s32 $0xCA00;
	[sflag:s16] =	ssyncadd.s32 $0xFFFFE000  }
0x9b: {  	[spmem:s3] =	stream.indirect.scatter.add.f32 [tilespmem:s30], [sflag:$0x5], $0x40, s28, s26, $0xb8;
	[tilespmem:$0x1EA00] =	vst v63  }
0x9c: {  	_ =	swait.ge [sflag:s16], $0x2000  }
0x9d: {  	[sflag:s16] =	ssyncset.done $0x0  }
0x9e: {  	s28 =	simm.s32 $0xA600;
	s30 =	simm.s32 $0xEA00;
	[sflag:s16] =	ssyncadd.s32 $0xFFFFE000  }
0x9f: {  	[spmem:s3] =	stream.indirect.scatter.add.f32 [tilespmem:s30], [sflag:$0x5], $0x40, s28, s26, $0xb8;
	[tilespmem:$0x1EA00] =	vst v63  }
0xa0: {  	_ =	swait.ge [sflag:s16], $0x2000  }
0xa1: {  	[sflag:s16] =	ssyncset.done $0x0  }
0xa2: {  	[sflag:s16] =	ssyncadd.s32 $0xFFFFE000  }
0xa3: {  	[spmem:s3] =	stream.indirect.scatter.add.f32 [tilespmem:s1], [sflag:$0x5], $0x40, s0, s26, $0xb8;
	[tilespmem:$0x1EA00] =	vst v63  }
0xa4: {  	_ =	swait.ge [sflag:s16], $0x2000  }
0xa5: {  	[sflag:s16] =	ssyncset.done $0x0  }
0xa6: {  	[sflag:s16] =	ssyncadd.s32 $0xFFFFE000  }
0xa7: {  	[spmem:s3] =	stream.indirect.scatter.add.f32 [tilespmem:s9], [sflag:$0x5], $0x40, s8, s26, $0xb8;
	[tilespmem:$0x1EA00] =	vst v63  }
0xa8: {  	_ =	swait.ge [sflag:s16], $0x2000  }
0xa9: {  	s28 =	sadd.s32 @!p1 s20, s7;
	[sflag:s16] =	ssyncset.done $0x0  }
0xaa: {  	s30 =	simm.s32 @!p1 $0xA500;
	s28 =	sadd.s32 @!p1 $0xA00, s28;
	[sflag:s16] =	ssyncadd.s32 $0xFFFFE000  }
0xab: {  	[tilespmem:s30], [sflag:$0x3] =	stream.linear.gather @!p1 [hbm4b:s28+s29], $0x280, $0x38;
	[tilespmem:$0x1EA00] =	vst v63  }
0xac: {  	s28 =	simm.s32 @!p1 $0x3  }
0xad: {  	_ =	swait.ge @!p1 [sflag:s28], $0x280  }
0xae: {  	[sflag:s28] =	ssyncset.done @!p1 $0x0  }
0xaf: {  	[sflag:s28] =	ssyncadd.s32 @!p1 $0xFFFFFD80  }
0xb0: {  	_ =	swait.ge @!p1 [sflag:s28], $0x280  }
0xb1: {  	[sflag:s28] =	ssyncset.done @!p1 $0x0  }
0xb2: {  	s29 =	simm.s32 @!p1 $0xAA00;
	[sflag:s28] =	ssyncadd.s32 @!p1 $0xFFFFFD80;
	s28 =	simm.s32 @!p1 $0x280  }
0xb3: {  	[tilespmem:s29], [sflag:$0x1] =	stream.indirect.gather @!p1 [hbm4b:s31+s28], $0x40, s21, s28, $0xb8;
	[tilespmem:$0x1EA00] =	vst v63  }
0xb4: {  	_ =	swait.ge [sflag:s10], $0xA000  }
0xb5: {  	[sflag:s10] =	ssyncset.done $0x0  }
0xb6: {  	[sflag:s10] =	ssyncadd.s32 $0xFFFF6000  }
0xb7: {  	[spmem:s3] =	stream.indirect.scatter.add.f32 [tilespmem:s24], [sflag:$0x5], $0x40, s19, s26, $0xb8;
	[tilespmem:$0x1EA00] =	vst v63  }
0xb8: {  	_ =	swait.ge [sflag:s16], $0x2000  }
0xb9: {  	[sflag:s16] =	ssyncset.done $0x0  }
0xba: {  	[sflag:s16] =	ssyncadd.s32 $0xFFFFE000  }
0xbb: {  	[spmem:s3] =	stream.indirect.scatter.add.f32 [tilespmem:s11], [sflag:$0x5], $0x40, s15, s26, $0xb8;
	[tilespmem:$0x1EA00] =	vst v63  }
0xbc: {  	_ =	swait.ge [sflag:s16], $0x2000  }
0xbd: {  	[sflag:s16] =	ssyncset.done $0x0  }
0xbe: {  	[sflag:s16] =	ssyncadd.s32 $0xFFFFE000  }
0xbf: {  	[spmem:s3] =	stream.indirect.scatter.add.f32 [tilespmem:s13], [sflag:$0x5], $0x40, s12, s26, $0xb8;
	[tilespmem:$0x1EA00] =	vst v63  }
0xc0: {  	_ =	swait.ge [sflag:s16], $0x2000  }
0xc1: {  	[sflag:s16] =	ssyncset.done $0x0  }
0xc2: {  	[sflag:s16] =	ssyncadd.s32 $0xFFFFE000  }
0xc3: {  	[spmem:s3] =	stream.indirect.scatter.add.f32 [tilespmem:s22], [sflag:$0x5], $0x40, s6, s26, $0xb8;
	[tilespmem:$0x1EA00] =	vst v63  }
0xc4: {  	_ =	swait.ge [sflag:s16], $0x2000  }
0xc5: {  	[sflag:s16] =	ssyncset.done $0x0  }
.Ltmp5:
0xc6: {  	[sflag:s16] =	ssyncadd.s32 $0xFFFFE000;
	(pc) =	sbr.rel @p1 .LBB2_8-.Ltmp5, $4  }
0xc7: {  	[spmem:s3] =	stream.indirect.scatter.add.f32 [tilespmem:s17], [sflag:$0x5], $0x40, s2, s26, $0xb8;
	[tilespmem:$0x1EA00] =	vst v63  }
0xc8: {  	_ =	swait.ge [sflag:s16], $0x2000  }
0xc9: {  	[sflag:s16] =	ssyncset.done $0x0  }
0xca: {  	[sflag:s16] =	ssyncadd.s32 $0xFFFFE000  }
.Ltmp6:
0xcb: {  	s21 =	sadd.s32 s20, s14;
	(pc) =	sbr.rel .LBB2_3-.Ltmp6, $4  }
0xcc: {  	s31 =	sadd.s32 s20, s7;
	s21 =	sadd.s32 $0xA50, s21  }
0xcd: {  	[tilespmem:s18], [sflag:$0x4] =	stream.linear.gather [hbm4b:s21+s4], $0x280, $0x38;
	[tilespmem:$0x1EA00] =	vst v63  }
0xce: {  	s20 =	sadd.s32 $0xA0, s20;
	s21 =	sadd.s32 $0xA50, s31  }
0xcf: {  	[tilespmem:s19], [sflag:$0x4] =	stream.linear.gather [hbm4b:s21+s4], $0x280, $0x38;
	[tilespmem:$0x1EA00] =	vst v63  }
.LBB2_9:
0xd0: {  	_ =	sfence.sel $0x180000  }
0xd1: {  	[bflag:$0x0] =	sbarrier.arrive $0xFFFF  }
0xd2: {  	_ =	strace $0x9000004D  }
0xd3: {  	s0 =	stileid.u32;
	[bflag:$0x2] =	sbarrier.arrive $0xFFFF  }
0xd4: {  	p0 =	sne.s32 s0, $0x0;
	s0 =	rddreg [dreg:$0x3]  }
0xd5: {  	s0 =	sadd.s32 @!p0 $0x100000, s0  }
0xd6: {  	[sflag:s0] =	ssyncadd.tile.s32 @!p0 $0x1;
	_ =	shalt  }
.Lfunc_end2:
_tile_overlayer_lowered:
.L_overlay_start_2:
0xd7: {  	(tag) =	ssettag $0x2  }
0xd8: {  	s0 =	rddreg [dreg:$0x0];
	s2 =	stileid.u32  }
0xd9: {  	s1 =	rddreg [dreg:$0x1];
	p0 =	sne.s32 s2, $0x0  }
0xda: {  	s3 =	rddreg [dreg:$0x2];
	[bflag:$0x3] =	sbarrier.arrive $0xFFFF;
	s2 =	simm.s32 @!p0 $0x1C05  }
0xdb: {  	[timem:s3], [sflag:s2] =	dma.local @!p0 [hbm:s0], s1  }
0xdc: {  	s0 =	simm.s32 @!p0 $0x5  }
0xdd: {  	_ =	swait.ge @!p0 [sflag:s0], s1  }
0xde: {  	s1 =	ssub.s32 @!p0 $0x0, s1;
	[sflag:s0] =	ssyncset.done @!p0 $0x0  }
0xdf: {  	[sflag:s0] =	ssyncadd.s32 @!p0 s1  }
0xe0: {  	[bflag:$0x3] =	sbarrier.arrive $0xFFFF  }
0xe1: {  	_ =	shalt  }

// kernel: kernel.8.cloned.1.call-start
scs
__scs_entry_jumppad:
0x0: {  	(pc) =	sbr.rel $0x88, $3  }
0x1: {  	(tag) =	ssettag $0x0;
	lr =	simm.s32 $0x1  }
0x2: {  	[smem:$0x3F93] =	sst lr;
	_ =	strace $0xD0000000  }
0x3: {  	_ = 	snop  }
0x4: {  	_ = 	snop  }
0x5: {  	_ = 	snop  }
0x6: {  	_ = 	snop  }
0x7: {  	_ = 	snop  }
__scs_overlays_trampoline_lowered:
0x8: {  	[smem:$0x3FA2] =	sst s0  }
0x9: {  	[smem:$0x3FA3] =	sst s1  }
0xa: {  	[smem:$0x3FA4] =	sst s2  }
0xb: {  	[smem:$0x3FA5] =	sst s3  }
0xc: {  	[smem:$0x3FA6] =	sst s4  }
0xd: {  	[smem:$0x3FA7] =	sst s5  }
0xe: {  	[smem:$0x3FA8] =	sst s6  }
0xf: {  	[smem:$0x3FA9] =	sst s7  }
0x10: {  	[smem:$0x3FAA] =	sst s8  }
0x11: {  	[smem:$0x3FAB] =	sst s9;
	s0 =	simm.s32 @!p0 $0x0  }
0x12: {  	s1 =	sld [smem:$0x3F91];
	s0 =	simm.s32 @p0 $0x1  }
0x13: {  	[smem:$0x3FAC] =	sst s0;
	s0 =	simm.s32 @!p1 $0x0  }
0x14: {  	s2 =	sld [smem:$0x3F90];
	s0 =	simm.s32 @p1 $0x1  }
0x15: {  	[smem:$0x3FAD] =	sst s0;
	s0 =	simm.s32 @!p2 $0x0  }
0x16: {  	s3 =	sld [smem:$0x3FDB];
	s0 =	simm.s32 @p2 $0x1  }
0x17: {  	s4 =	simm.s32 $0x1BF5;
	[smem:$0x3FAF] =	sst s0  }
0x18: {  	s0 =	sld [smem:$0x3F92];
	_ =	swait.ge [sflag:s4], $0x0  }
0x19: {  	s7 =	sld [smem:$0x3F93]  }
0x1a: {  	s8 =	sadd.s32 $0xFFFFE003, lr  }
0x1b: {  	s9 =	sadd.s32 $0xFFFFFEF7, lr;
	s5 =	simm.s32 $0xFFFFFFFF;
	p2 =	slt.u32 s8, $0xFFFFF086  }
0x1c: {  	p1 =	slt.u32 s9, $0xF7A;
	s5 =	simm.s32 @!p2 $0x0  }
0x1d: {  	s5 =	simm.s32 @p1 $0x1;
	p0 =	seq.s32 s7, s2  }
0x1e: {  	s7 =	smul.u32 @!p0 $0xF7A, s2;
	p2 =	seq.s32 @!p0 s5, $0x0  }
0x1f: {  	s9 =	smul.u32 $0xF7A, s1;
	s8 =	simm.s32 @!p0 $0x1BF5;
	p2 =	por !p2, p0  }
0x20: {  	[sflag:s8] =	ssyncset.s32 @!p0 $0xFFFFF086;
	s6 =	sadd.s32 @!p0 s3, s7;
	s7 =	simm.s32 @!p0 $0x108  }
0x21: {  	s3 =	sadd.s32 s3, s9;
	s6 =	sadd.s32 @!p0 $0x88, s6;
	s7 =	simm.s32 @p2 $0x1082  }
0x22: {  	[simem:s7], [sflag:s8] =	dma.local @!p0 [hbm:s6], $0xF7A  }
0x23: {  	s9 =	sor.u32 $0xD0000000, s2;
	s6 =	simm.s32 $0x108;
	_ =	swait.ge @!p0 [sflag:s8], $0x0  }
0x24: {  	s3 =	sadd.s32 $0x88, s3;
	s6 =	simm.s32 @!p1 $0x1082;
	[sflag:s4] =	ssyncset.s32 $0xFFFFF086  }
0x25: {  	[simem:s6], [sflag:s4] =	dma.local [hbm:s3], $0xF7A  }
0x26: {  	[smem:$0x3F93] =	sst s1;
	(tag) =	ssettag s2;
	_ =	strace s9  }
0x27: {  	s1 =	sld [smem:$0x3FA3]  }
0x28: {  	s2 =	sld [smem:$0x3FA4]  }
0x29: {  	s4 =	sld [smem:$0x3FA6]  }
0x2a: {  	p0 =	seq.s32 s5, $0x0;
	s5 =	sld [smem:$0x3FA7]  }
0x2b: {  	s6 =	sld [smem:$0x3FA8]  }
0x2c: {  	s7 =	sld [smem:$0x3FA9]  }
0x2d: {  	s3 =	simm.s32 $0x108;
	s8 =	sld [smem:$0x3FAA]  }
0x2e: {  	s3 =	simm.s32 @!p0 $0x1082;
	s9 =	sld [smem:$0x3FAB]  }
0x2f: {  	lr =	sadd.s32 s0, s3;
	s0 =	sld [smem:$0x3FA2]  }
0x30: {  	s3 =	sld [smem:$0x3FA5]  }
0x31: {  	[smem:$0x3FAE] =	sst s10  }
0x32: {  	s10 =	sld [smem:$0x3FAC];
	_ =	sdelay $0x3  }
0x33: {  	p0 =	seq.s32 s10, $0x1;
	s10 =	sld [smem:$0x3FAE];
	_ =	sdelay $0x3  }
0x34: {  	[smem:$0x3FAE] =	sst s10  }
0x35: {  	s10 =	sld [smem:$0x3FAD];
	_ =	sdelay $0x3  }
0x36: {  	p1 =	seq.s32 s10, $0x1;
	s10 =	sld [smem:$0x3FAE];
	_ =	sdelay $0x3  }
0x37: {  	[smem:$0x3FAE] =	sst s10  }
0x38: {  	s10 =	sld [smem:$0x3FAF]  }
0x39: {  	_ = 	snop;
	(pc) =	sbr.ind lr, $3  }
0x3a: {  	_ = 	snop  }
0x3b: {  	_ = 	snop  }
0x3c: {  	p2 =	seq.s32 s10, $0x1;
	s10 =	sld [smem:$0x3FAE]  }
0x3d: {  	_ =	shalt  }
0x3e: {  	_ =	shalt  }
0x3f: {  	_ =	shalt  }
0x40: {  	_ =	shalt  }
0x41: {  	_ =	shalt  }
0x42: {  	_ =	shalt  }
0x43: {  	_ =	shalt  }
0x44: {  	_ =	shalt  }
0x45: {  	_ =	shalt  }
0x46: {  	_ =	shalt  }
0x47: {  	_ =	shalt  }
0x48: {  	_ =	shalt  }
0x49: {  	_ =	shalt  }
0x4a: {  	_ =	shalt  }
0x4b: {  	_ =	shalt  }
0x4c: {  	_ =	shalt  }
0x4d: {  	_ =	shalt  }
0x4e: {  	_ =	shalt  }
0x4f: {  	_ =	shalt  }
0x50: {  	_ =	shalt  }
0x51: {  	_ =	shalt  }
0x52: {  	_ =	shalt  }
0x53: {  	_ =	shalt  }
0x54: {  	_ =	shalt  }
0x55: {  	_ =	shalt  }
0x56: {  	_ =	shalt  }
0x57: {  	_ =	shalt  }
0x58: {  	_ =	shalt  }
0x59: {  	_ =	shalt  }
0x5a: {  	_ =	shalt  }
0x5b: {  	_ =	shalt  }
0x5c: {  	_ =	shalt  }
0x5d: {  	_ =	shalt  }
0x5e: {  	_ =	shalt  }
0x5f: {  	_ =	shalt  }
0x60: {  	_ =	shalt  }
0x61: {  	_ =	shalt  }
0x62: {  	_ =	shalt  }
0x63: {  	_ =	shalt  }
0x64: {  	_ =	shalt  }
0x65: {  	_ =	shalt  }
0x66: {  	_ =	shalt  }
0x67: {  	_ =	shalt  }
0x68: {  	_ =	shalt  }
0x69: {  	_ =	shalt  }
0x6a: {  	_ =	shalt  }
0x6b: {  	_ =	shalt  }
0x6c: {  	_ =	shalt  }
0x6d: {  	_ =	shalt  }
0x6e: {  	_ =	shalt  }
0x6f: {  	_ =	shalt  }
0x70: {  	_ =	shalt  }
0x71: {  	_ =	shalt  }
0x72: {  	_ =	shalt  }
0x73: {  	_ =	shalt  }
0x74: {  	_ =	shalt  }
0x75: {  	_ =	shalt  }
0x76: {  	_ =	shalt  }
0x77: {  	_ =	shalt  }
0x78: {  	_ =	shalt  }
0x79: {  	_ =	shalt  }
0x7a: {  	_ =	shalt  }
0x7b: {  	_ =	shalt  }
0x7c: {  	_ =	shalt  }
0x7d: {  	_ =	shalt  }
0x7e: {  	_ =	shalt  }
0x7f: {  	_ =	shalt  }
0x80: {  	_ =	shalt  }
0x81: {  	_ =	shalt  }
0x82: {  	_ =	shalt  }
0x83: {  	_ =	shalt  }
0x84: {  	_ =	shalt  }
0x85: {  	_ =	shalt  }
0x86: {  	_ =	shalt  }
0x87: {  	_ =	shalt  }
.Lfunc_end0:
.L_simem_size_0:
called_computation_lowered:
.L_overlay_start_0:
0x88: {  	s2 =	sld [smem:$0x3FD9]  }
0x89: {  	s3 =	sld [smem:$0x3FFE];
	_ =	sdelay $0x1  }
0x8a: {  	s1 =	srdreg.scid  }
0x8b: {  	s0 =	sand.u32 $0x1, s1  }
0x8c: {  	s17 =	sshll.u32 s0, $0xA;
	s2 =	sadd.s32 s3, s2  }
0x8d: {  	s2 =	sadd.s32 s2, s17  }
0x8e: {  	[smem:$0x3FBA] =	sst s2  }
0x8f: {  	_ = 	snop  }
0x90: {  	s2 =	sld [smem:$0x3FD0];
	(tm) =	ssettm $0x1  }
0x91: {  	s18 =	sld [smem:$0x3FFB];
	_ =	sdelay $0x3  }
0x92: {  	_ =	strace s18  }
0x93: {  	s3 =	sld [smem:$0x3FFC];
	_ =	sdelay $0x3  }
0x94: {  	_ =	strace s3  }
0x95: {  	s3 =	sld [smem:$0x3FFD];
	_ =	sdelay $0x3  }
0x96: {  	_ =	strace s3  }
0x97: {  	_ =	strace $0x8FFFFFFF  }
0x98: {  	s19 =	sld [smem:$0x3FDB];
	_ =	sdelay $0x1  }
0x99: {  	s4 =	simm.s32 $_scs_section_size  }
0x9a: {  	s5 =	simm.s32 $_size__tile_overlayer_lowered;
	s6 =	simm.s32 $_tile_overlayer_lowered  }
0x9b: {  	s22 =	simm.s32 $0x1BFF;
	s21 =	sshll.u32 s6, $0x1;
	s3 =	sadd.s32 s4, s19  }
0x9c: {  	s7 =	simm.s32 $0x0;
	s20 =	sshll.u32 s5, $0x1;
	s5 =	sadd.s32 s21, s3  }
0x9d: {  	[timem:s7], [sflag:s22] =	dma.local [hbm:s5], s20  }
0x9e: {  	_ =	swait.ge [sflag:s22], s20  }
0x9f: {  	s4 =	ssub.s32 $0x0, s20;
	[sflag:s22] =	ssyncset.done $0x0  }
0xa0: {  	[sflag:s22] =	ssyncadd.s32 s4;
	_ =	sdelay $0x1  }
0xa1: {  	s23 =	simm.s32 $0x1B8B  }
0xa2: {  	_ =	swait.ge [sflag:s23], $0x1  }
0xa3: {  	[sflag:s23] =	ssyncset.done $0x0  }
0xa4: {  	s25 =	simm.s32 $0x1B8E;
	s24 =	sld [smem:$0x3FFE];
	[sflag:s23] =	ssyncadd.s32 $0xFFFFFFFF  }
0xa5: {  	s26 =	simm.s32 $execute0_lowered;
	[smem:$0x3FD2] =	sst s25  }
0xa6: {  	s5 =	sshll.u32 s26, $0x1;
	_ =	strace $0x80000046;
	[dreg:$0x1] =	wrdreg $0xFFFFFFFF  }
0xa7: {  	s28 =	simm.s32 $_size_execute0_lowered;
	s3 =	sadd.s32 s3, s5;
	[dreg:$0x0] =	wrdreg $0x0  }
0xa8: {  	s5 =	sshll.u32 s28, $0x1;
	[dreg:$0x2] =	wrdreg s3  }
0xa9: {  	[dreg:$0x3] =	wrdreg s5  }
0xaa: {  	[dreg:$0x4] =	wrdreg $0xC0  }
0xab: {  	_ =	task [dreg:s7], $0x5FFFF  }
0xac: {  	[dreg:$0x1] =	wrdreg $0xFFFFFFFF  }
0xad: {  	[dreg:$0x0] =	wrdreg $0x60  }
0xae: {  	[dreg:$0x2] =	wrdreg s24  }
0xaf: {  	[dreg:$0x3] =	wrdreg s2  }
0xb0: {  	[dreg:$0x4] =	wrdreg $0x0  }
0xb1: {  	[dreg:$0x5] =	wrdreg $0x9  }
0xb2: {  	_ =	task.clear_ibuf [dreg:s7], $0x6FFFF;
	_ =	strace $0x90000046  }
0xb3: {  	s29 =	simm.s32 $0x9;
	_ =	strace $0x80000048  }
0xb4: {  	_ =	swait.ge [sflag:s29], $0x1  }
0xb5: {  	[sflag:s29] =	ssyncadd.s32 $0xFFFFFFFF  }
0xb6: {  	_ =	strace $0x90000048  }
0xb7: {  	_ =	sfence  }
0xb8: {  	s30 =	sld [smem:$0x0];
	_ =	sdelay $0x2  }
0xb9: {  	s31 =	sshll.u32 s1, $0xD;
	s1 =	sshrl.u32 s1, $0x2  }
0xba: {  	s3 =	sand.u32 $0x4000, s31;
	s1 =	sadd.s32 s1, s30  }
0xbb: {  	s0 =	sor.u32 s3, s0;
	s1 =	sshll.u32 s1, $0x11  }
0xbc: {  	s0 =	sor.u32 s1, s0  }
0xbd: {  	s0 =	sadd.s32 $0x8F2B, s0  }
0xbe: {  	[sflag:s0] =	ssyncadd.remote.s32 $0x1  }
0xbf: {  	_ =	sfence.sel $0xFFFF  }
0xc0: {  	[dreg:$0x0] =	wrdreg $0xFFFFFFFF;
	(pc) =	sbr.abs _section_cstart, $3  }
0xc1: {  	[dreg:$0x1] =	wrdreg $0xFFFFFFFF  }
0xc2: {  	_ =	task.clear_ibuf [dreg:s7], $0x2FFFF;
	_ =	strace $0x9FFFFFFF  }
0xc3: {  	(tm) =	ssettm $0x7FFFFFFF  }
tec
execute0_lowered:
.L_overlay_start_1:
0x0: {  	(tag) =	ssettag $0x1  }
0x1: {  	s1 =	srdreg.scid  }
0x2: {  	s0 =	stileid.u32;
	s5 =	rddreg [dreg:$0x0]  }
0x3: {  	s6 =	rddreg [dreg:$0x1];
	s3 =	simm.s32 $0x0;
	s11 =	simm.s32 $0x80  }
0x4: {  	s12 =	simm.s32 $0x2A80;
	s13 =	simm.s32 $0x1;
	s16 =	simm.s32 $0x0  }
0x5: {  	s4 =	sand.u32 $0x1, s1;
	s2 =	sshll.u32 s0, $0x4;
	s8 =	smul.u32 $0x280, s0  }
0x6: {  	[smem:$0x7FF] =	sst s3;
	s14 =	sshll.u32 s0, $0x6;
	s1 =	sshll.u32 s4, $0x8  }
0x7: {  	s9 =	ssub.s32 $0x2, s4;
	s4 =	smul.u32 $0x2800, s4;
	s14 =	sor.u32 $0x1C02, s14  }
0x8: {  	s1 =	sor.u32 s2, s1;
	s2 =	rddreg [dreg:$0x2];
	s10 =	sshrl.u32 s9, $0x1  }
0x9: {  	s7 =	smul.u32 $0x50, s1;
	s1 =	rddreg [dreg:$0x3];
	_ =	strace $0x80000047  }
0xa: {  	s29 =	ssub.s32 s9, s10;
	s30 =	sadd.s32 s8, s4;
	s4 =	sadd.s32 s8, s2  }
0xb: {  	s8 =	simm.s32 $0x2B00;
	s9 =	simm.s32 $0x2;
	s10 =	simm.s32 $0x280  }
0xc: {  	s31 =	sshrl.u32 s30, $0x3;
	s15 =	sshrl.u32 s4, $0x3;
	s5 =	sadd.s32 s7, s5  }
0xd: {  	v0 =	vimm.f32 $1.000000000e+00;
	v1 =	vimm.f32 $0.0e+00;
	s6 =	sadd.s32 s6, s31;
	s7 =	smax.u32 s29, $0x1;
	s5 =	sadd.s32 $0x3A00, s5  }
.LBB2_1:
0xe: {  	[tilespmem:$0x2A80] =	vst v0  }
0xf: {  	[tilespmem:$0x2A90] =	vst v0  }
0x10: {  	[tilespmem:$0x2AA0] =	vst v0  }
0x11: {  	[tilespmem:$0x2AB0] =	vst v0  }
0x12: {  	[tilespmem:$0x2AC0] =	vst v0  }
0x13: {  	[tilespmem:$0x2AD0] =	vst v0  }
0x14: {  	[tilespmem:$0x2AE0] =	vst v0  }
0x15: {  	[tilespmem:$0x2AF0] =	vst v0  }
0x16: {  	[tilespmem:$0x2B00] =	vst v1  }
0x17: {  	[tilespmem:$0x2B10] =	vst v1  }
0x18: {  	[tilespmem:$0x2B20] =	vst v1  }
0x19: {  	[tilespmem:$0x2B30] =	vst v1  }
0x1a: {  	[tilespmem:$0x2B40] =	vst v1  }
0x1b: {  	[tilespmem:$0x2B50] =	vst v1  }
0x1c: {  	[tilespmem:$0x2B60] =	vst v1  }
0x1d: {  	[tilespmem:$0x2B70] =	vst v1  }
0x1e: {  	[tilespmem:$0x2B80] =	vst v1  }
0x1f: {  	[tilespmem:$0x2B90] =	vst v1  }
0x20: {  	[tilespmem:$0x2BA0] =	vst v1  }
0x21: {  	[tilespmem:$0x2BB0] =	vst v1  }
0x22: {  	[tilespmem:$0x2BC0] =	vst v1  }
0x23: {  	[tilespmem:$0x2BD0] =	vst v1  }
0x24: {  	[tilespmem:$0x2BE0] =	vst v1  }
0x25: {  	[tilespmem:$0x2BF0] =	vst v1  }
0x26: {  	[tilespmem:$0x2C00] =	vst v1  }
0x27: {  	[tilespmem:$0x2C10] =	vst v1  }
0x28: {  	[tilespmem:$0x2C20] =	vst v1  }
0x29: {  	[tilespmem:$0x2C30] =	vst v1  }
0x2a: {  	[tilespmem:$0x2C40] =	vst v1  }
0x2b: {  	[tilespmem:$0x2C50] =	vst v1  }
0x2c: {  	[tilespmem:$0x2C60] =	vst v1  }
0x2d: {  	[tilespmem:$0x2C70] =	vst v1  }
0x2e: {  	[tilespmem:$0x2C80] =	vst v1  }
0x2f: {  	[tilespmem:$0x2C90] =	vst v1  }
0x30: {  	[tilespmem:$0x2CA0] =	vst v1  }
0x31: {  	[tilespmem:$0x2CB0] =	vst v1  }
0x32: {  	[tilespmem:$0x2CC0] =	vst v1  }
0x33: {  	[tilespmem:$0x2CD0] =	vst v1  }
0x34: {  	[tilespmem:$0x2CE0] =	vst v1  }
0x35: {  	[tilespmem:$0x2CF0] =	vst v1  }
0x36: {  	[tilespmem:$0x2D00] =	vst v1  }
0x37: {  	[tilespmem:$0x2D10] =	vst v1  }
0x38: {  	[tilespmem:$0x2D20] =	vst v1  }
0x39: {  	[tilespmem:$0x2D30] =	vst v1  }
0x3a: {  	[tilespmem:$0x2D40] =	vst v1  }
0x3b: {  	[tilespmem:$0x2D50] =	vst v1  }
0x3c: {  	[tilespmem:$0x2D60] =	vst v1  }
0x3d: {  	[tilespmem:$0x2D70] =	vst v1  }
0x3e: {  	[spmem:s4] =	stream.linear.scatter [tilespmem:s8], [sflag:$0x2], $0x280, $0x38;
	[tilespmem:$0x2D80] =	vst v63  }
0x3f: {  	_ =	swait.ge [sflag:s9], $0x280  }
0x40: {  	[sflag:s9] =	ssyncset.done $0x0  }
0x41: {  	[sflag:s9] =	ssyncadd.s32 $0xFFFFFD80  }
0x42: {  	[tilespmem:s10], [sflag:$0x2] =	stream.linear.gather [hbm4b:s5+s3], $0x2800, $0x38;
	[tilespmem:$0x2D80] =	vst v63  }
0x43: {  	_ =	swait.ge [sflag:s9], $0x2800  }
0x44: {  	[sflag:s9] =	ssyncset.done $0x0  }
0x45: {  	[sflag:s9] =	ssyncadd.s32 $0xFFFFD800  }
0x46: {  	s17 =	simm.s32 $0x280;
	[bflag:$0x0] =	sbarrier.arrive $0xFFFF  }
0x47: {  	[spmem:s2] =	stream.indirect.scatter.add.f32 [tilespmem:s12], [sflag:$0x1], $0x1, s17, s11, $0xb8;
	[tilespmem:$0x2D80] =	vst v63  }
0x48: {  	s28 =	simm.s32 $0x300  }
0x49: {  	[spmem:s2] =	stream.indirect.scatter.add.f32 [tilespmem:s12], [sflag:$0x1], $0x1, s28, s11, $0xb8;
	[tilespmem:$0x2D80] =	vst v63  }
0x4a: {  	s29 =	simm.s32 $0x380  }
0x4b: {  	[spmem:s2] =	stream.indirect.scatter.add.f32 [tilespmem:s12], [sflag:$0x1], $0x1, s29, s11, $0xb8;
	[tilespmem:$0x2D80] =	vst v63  }
0x4c: {  	s30 =	simm.s32 $0x400  }
0x4d: {  	[spmem:s2] =	stream.indirect.scatter.add.f32 [tilespmem:s12], [sflag:$0x1], $0x1, s30, s11, $0xb8;
	[tilespmem:$0x2D80] =	vst v63  }
0x4e: {  	s31 =	simm.s32 $0x480  }
0x4f: {  	[spmem:s2] =	stream.indirect.scatter.add.f32 [tilespmem:s12], [sflag:$0x1], $0x1, s31, s11, $0xb8;
	[tilespmem:$0x2D80] =	vst v63  }
0x50: {  	_ =	swait.ge [sflag:s13], $0x80  }
0x51: {  	[sflag:s13] =	ssyncset.done $0x0  }
0x52: {  	[sflag:s13] =	ssyncadd.s32 $0xFFFFFF80  }
0x53: {  	_ =	swait.ge [sflag:s13], $0x80  }
0x54: {  	[sflag:s13] =	ssyncset.done $0x0  }
0x55: {  	[sflag:s13] =	ssyncadd.s32 $0xFFFFFF80  }
0x56: {  	_ =	swait.ge [sflag:s13], $0x80  }
0x57: {  	[sflag:s13] =	ssyncset.done $0x0  }
0x58: {  	[sflag:s13] =	ssyncadd.s32 $0xFFFFFF80  }
0x59: {  	_ =	swait.ge [sflag:s13], $0x80  }
0x5a: {  	[sflag:s13] =	ssyncset.done $0x0  }
0x5b: {  	[sflag:s13] =	ssyncadd.s32 $0xFFFFFF80  }
0x5c: {  	_ =	swait.ge [sflag:s13], $0x80  }
0x5d: {  	s18 =	simm.s32 $0x1400;
	s17 =	simm.s32 $0x280;
	[sflag:s13] =	ssyncset.done $0x0  }
.LBB2_2:
0x5e: {  	s19 =	sadd.s32 $0x280, s17  }
0x5f: {  	[sflag:s13] =	ssyncadd.s32 $0xFFFFFF80;
	s20 =	smov.u32 s18;
	s21 =	sadd.s32 $0xA00, s18  }
0x60: {  	[spmem:s2] =	stream.indirect.scatter.add.f32 [tilespmem:s12], [sflag:$0x1], $0x1, s19, s11, $0xb8;
	[tilespmem:$0x2D80] =	vst v63  }
0x61: {  	p0 =	sne.s32 s18, $0x9600;
	s18 =	sadd.s32 $0x300, s17  }
0x62: {  	[spmem:s2] =	stream.indirect.scatter.add.f32 [tilespmem:s12], [sflag:$0x1], $0x1, s18, s11, $0xb8;
	[tilespmem:$0x2D80] =	vst v63  }
0x63: {  	s18 =	sadd.s32 $0x380, s17  }
0x64: {  	[spmem:s2] =	stream.indirect.scatter.add.f32 [tilespmem:s12], [sflag:$0x1], $0x1, s18, s11, $0xb8;
	[tilespmem:$0x2D80] =	vst v63  }
0x65: {  	s18 =	sadd.s32 $0x400, s17  }
0x66: {  	[spmem:s2] =	stream.indirect.scatter.add.f32 [tilespmem:s12], [sflag:$0x1], $0x1, s18, s11, $0xb8;
	[tilespmem:$0x2D80] =	vst v63  }
0x67: {  	s17 =	sadd.s32 $0x480, s17  }
0x68: {  	[spmem:s2] =	stream.indirect.scatter.add.f32 [tilespmem:s12], [sflag:$0x1], $0x1, s17, s11, $0xb8;
	[tilespmem:$0x2D80] =	vst v63  }
0x69: {  	_ =	swait.ge [sflag:s13], $0x80  }
0x6a: {  	[sflag:s13] =	ssyncset.done $0x0  }
0x6b: {  	[sflag:s13] =	ssyncadd.s32 $0xFFFFFF80  }
0x6c: {  	_ =	swait.ge [sflag:s13], $0x80  }
0x6d: {  	[sflag:s13] =	ssyncset.done $0x0  }
0x6e: {  	[sflag:s13] =	ssyncadd.s32 $0xFFFFFF80  }
0x6f: {  	_ =	swait.ge [sflag:s13], $0x80  }
0x70: {  	[sflag:s13] =	ssyncset.done $0x0  }
0x71: {  	[sflag:s13] =	ssyncadd.s32 $0xFFFFFF80  }
.Ltmp0:
0x72: {  	_ =	swait.ge [sflag:s13], $0x80;
	(pc) =	sbr.rel @p0 .LBB2_2-.Ltmp0, $4  }
0x73: {  	[sflag:s13] =	ssyncset.done $0x0  }
0x74: {  	[sflag:s13] =	ssyncadd.s32 $0xFFFFFF80  }
0x75: {  	_ =	swait.ge [sflag:s13], $0x80  }
0x76: {  	s18 =	smov.u32 s21;
	s17 =	sshra.s32 s20, $0x2;
	[sflag:s13] =	ssyncset.done $0x0  }
0x77: {  	s18 =	sadd.s32 $0x280, s17;
	[sflag:s13] =	ssyncadd.s32 $0xFFFFFF80  }
0x78: {  	[spmem:s2] =	stream.indirect.scatter.add.f32 [tilespmem:s12], [sflag:$0x1], $0x1, s18, s11, $0xb8;
	[tilespmem:$0x2D80] =	vst v63  }
0x79: {  	s28 =	sadd.s32 $0x300, s17  }
0x7a: {  	[spmem:s2] =	stream.indirect.scatter.add.f32 [tilespmem:s12], [sflag:$0x1], $0x1, s28, s11, $0xb8;
	[tilespmem:$0x2D80] =	vst v63  }
0x7b: {  	s29 =	sadd.s32 $0x380, s17  }
0x7c: {  	[spmem:s2] =	stream.indirect.scatter.add.f32 [tilespmem:s12], [sflag:$0x1], $0x1, s29, s11, $0xb8;
	[tilespmem:$0x2D80] =	vst v63  }
0x7d: {  	s30 =	sadd.s32 $0x400, s17  }
0x7e: {  	[spmem:s2] =	stream.indirect.scatter.add.f32 [tilespmem:s12], [sflag:$0x1], $0x1, s30, s11, $0xb8;
	[tilespmem:$0x2D80] =	vst v63  }
0x7f: {  	s31 =	sadd.s32 $0x480, s17  }
0x80: {  	[spmem:s2] =	stream.indirect.scatter.add.f32 [tilespmem:s12], [sflag:$0x1], $0x1, s31, s11, $0xb8;
	[tilespmem:$0x2D80] =	vst v63  }
0x81: {  	_ =	swait.ge [sflag:s13], $0x80  }
0x82: {  	[sflag:s13] =	ssyncset.done $0x0  }
0x83: {  	[sflag:s13] =	ssyncadd.s32 $0xFFFFFF80  }
0x84: {  	_ =	swait.ge [sflag:s13], $0x80  }
0x85: {  	[sflag:s13] =	ssyncset.done $0x0  }
0x86: {  	[sflag:s13] =	ssyncadd.s32 $0xFFFFFF80  }
0x87: {  	_ =	swait.ge [sflag:s13], $0x80  }
0x88: {  	[sflag:s13] =	ssyncset.done $0x0  }
0x89: {  	[sflag:s13] =	ssyncadd.s32 $0xFFFFFF80  }
0x8a: {  	_ =	swait.ge [sflag:s13], $0x80  }
0x8b: {  	[sflag:s13] =	ssyncset.done $0x0  }
0x8c: {  	[sflag:s13] =	ssyncadd.s32 $0xFFFFFF80  }
0x8d: {  	_ =	swait.ge [sflag:s13], $0x80  }
0x8e: {  	s16 =	sadd.s32 $0x1, s16;
	[sflag:s13] =	ssyncset.done $0x0  }
0x8f: {  	p0 =	sne.s32 s16, s7;
	[sflag:s13] =	ssyncadd.s32 $0xFFFFFF80  }
.Ltmp1:
0x90: {  	[bflag:$0x0] =	sbarrier.arrive $0xFFFF;
	(pc) =	sbr.rel @p0 .LBB2_1-.Ltmp1, $4  }
0x91: {  	[hbm:s6], [sflag:s14] =	dma.local [spmem:s15], $0x50  }
0x92: {  	_ =	swait.ge [sflag:s9], $0x50  }
0x93: {  	[sflag:s9] =	ssyncset.done $0x0  }
0x94: {  	[sflag:s9] =	ssyncadd.s32 $0xFFFFFFB0  }
0x95: {  	_ =	sfence.sel $0x180000  }
0x96: {  	[bflag:$0x0] =	sbarrier.arrive $0xFFFF  }
0x97: {  	p0 =	sne.s32 s0, $0x0;
	_ =	strace $0x90000047  }
0x98: {  	s0 =	sadd.s32 @!p0 $0x100000, s1;
	[bflag:$0x2] =	sbarrier.arrive $0xFFFF  }
0x99: {  	[sflag:s0] =	ssyncadd.tile.s32 @!p0 $0x1;
	_ =	shalt  }
.Lfunc_end2:
_tile_overlayer_lowered:
.L_overlay_start_2:
0x9a: {  	(tag) =	ssettag $0x2  }
0x9b: {  	s0 =	rddreg [dreg:$0x0];
	s2 =	stileid.u32  }
0x9c: {  	s1 =	rddreg [dreg:$0x1];
	p0 =	sne.s32 s2, $0x0  }
0x9d: {  	s3 =	rddreg [dreg:$0x2];
	[bflag:$0x3] =	sbarrier.arrive $0xFFFF;
	s2 =	simm.s32 @!p0 $0x1C02  }
0x9e: {  	[timem:s3], [sflag:s2] =	dma.local @!p0 [hbm:s0], s1  }
0x9f: {  	s0 =	simm.s32 @!p0 $0x2  }
0xa0: {  	_ =	swait.ge @!p0 [sflag:s0], s1  }
0xa1: {  	s1 =	ssub.s32 @!p0 $0x0, s1;
	[sflag:s0] =	ssyncset.done @!p0 $0x0  }
0xa2: {  	[sflag:s0] =	ssyncadd.s32 @!p0 s1  }
0xa3: {  	[bflag:$0x3] =	sbarrier.arrive $0xFFFF  }
0xa4: {  	_ =	shalt  }

</sc_bundles>
